<compile_context>
chip_gen: v7x
topology: tpu7x:2x2x1
jax: 0.10.2.dev20260603
libtpu: 0.0.44.dev20260713+nightly
codegen_flags: <defaults>
</compile_context>

<pallas_src>
import functools

import jax
import jax.numpy as jnp
from jax import lax
from jax.experimental import pallas as pl
from jax.experimental.pallas import tpu as pltpu
from jax.experimental.pallas import tpu_sc as plsc

NC = 2
NS = 16
CHUNK = 128
NBUF = 2
IDXSTRIP = 40
ROW_BLOCK = 2000


def _sc_mesh():
  return plsc.VectorSubcoreMesh(
      core_axis_name="c", subcore_axis_name="s", num_cores=NC,
      num_subcores=NS)


def _zero_fill(ref, width):
  zeros = jnp.zeros((16,), jnp.float32)

  def body(i, _):
    for w in range(width // 16):
      ref[i, pl.ds(w * 16, 16)] = zeros
    return 0

  lax.fori_loop(0, CHUNK, body, 0)


def _ones_fill(ref):
  ones = jnp.ones((16,), jnp.float32)

  def body(i, _):
    ref[i] = ones
    return 0

  lax.fori_loop(0, CHUNK, body, 0)


def _zero_slab(zero_v, acc_s, row0, rows):
  full, rem = divmod(rows, CHUNK)
  for i in range(full):
    pltpu.sync_copy(zero_v, acc_s.at[pl.ds(row0 + i * CHUNK, CHUNK)])
  if rem:
    pltpu.sync_copy(zero_v.at[pl.ds(0, rem)],
                    acc_s.at[pl.ds(row0 + full * CHUNK, rem)])


def _make_sc_deg(nrows, chunks_per_tile):

  @functools.partial(
      pl.kernel,
      out_type=(jax.ShapeDtypeStruct((nrows, 16), jnp.float32),
                jax.ShapeDtypeStruct((nrows, 16), jnp.float32)),
      mesh=_sc_mesh(),
      scratch_types=[
          pltpu.VMEM((chunks_per_tile, CHUNK), jnp.int32),
          pltpu.VMEM((CHUNK, 16), jnp.float32),
          pltpu.VMEM((CHUNK, 16), jnp.float32),
          pltpu.VMEM_SHARED((nrows, 16), jnp.float32),
      ],
  )
  def deg_kernel(dst_hbm, out0, out1, dst_v, ones_v, zero_v, acc_s):
    cid = lax.axis_index("c")
    sid = lax.axis_index("s")
    wid = cid * NS + sid
    slab = nrows // NS

    pltpu.sync_copy(dst_hbm.at[pl.ds(wid * chunks_per_tile, chunks_per_tile)],
                    dst_v)
    _ones_fill(ones_v)
    _zero_fill(zero_v, 16)
    _zero_slab(zero_v, acc_s, sid * slab, slab)
    plsc.subcore_barrier()

    def body(j, _):
      pltpu.sync_copy(ones_v, acc_s.at[dst_v.at[j]], add=True)
      return 0

    lax.fori_loop(0, chunks_per_tile, body, 0)
    plsc.subcore_barrier()

    @pl.when(cid == 0)
    def _():
      pltpu.sync_copy(acc_s.at[pl.ds(sid * slab, slab)],
                      out0.at[pl.ds(sid * slab, slab)])

    @pl.when(cid == 1)
    def _():
      pltpu.sync_copy(acc_s.at[pl.ds(sid * slab, slab)],
                      out1.at[pl.ds(sid * slab, slab)])

  return deg_kernel


def _ring_agg(g_hbm, src_hbm, dst_hbm, c0, cpt, src_v, dst_v, bufs, sems,
              acc_s):
  for p in range(cpt // IDXSTRIP):
    base = c0 + p * IDXSTRIP
    pltpu.sync_copy(src_hbm.at[pl.ds(base, IDXSTRIP)], src_v)
    pltpu.sync_copy(dst_hbm.at[pl.ds(base, IDXSTRIP)], dst_v)

    def outer(i, _):
      j0 = i * NBUF
      cps = [pltpu.async_copy(g_hbm.at[src_v.at[j0 + b]], bufs[b], sems[b])
             for b in range(NBUF)]
      for b in range(NBUF):
        cps[b].wait()
        pltpu.sync_copy(bufs[b], acc_s.at[dst_v.at[j0 + b]], add=True)
      return 0

    lax.fori_loop(0, IDXSTRIP // NBUF, outer, 0)


def _make_sc_agg_split(nrows, chunks_per_tile, width):

  @functools.partial(
      pl.kernel,
      out_type=(jax.ShapeDtypeStruct((nrows, width), jnp.float32),
                jax.ShapeDtypeStruct((nrows, width), jnp.float32)),
      mesh=_sc_mesh(),
      scratch_types=[
          pltpu.VMEM((chunks_per_tile, CHUNK), jnp.int32),
          pltpu.VMEM((chunks_per_tile, CHUNK), jnp.int32),
          pltpu.VMEM((CHUNK, width), jnp.float32),
          pltpu.VMEM((CHUNK, width), jnp.float32),
          pltpu.VMEM_SHARED((nrows, width), jnp.float32),
          pltpu.SemaphoreType.DMA,
          pltpu.SemaphoreType.DMA,
      ],
  )
  def agg_kernel(src_hbm, dst_hbm, g_hbm, out0, out1,
                 src_v, dst_v, r0, r1, acc_s, s0, s1):
    cid = lax.axis_index("c")
    sid = lax.axis_index("s")
    wid = cid * NS + sid
    slab = nrows // NS

    pltpu.sync_copy(src_hbm.at[pl.ds(wid * chunks_per_tile, chunks_per_tile)],
                    src_v)
    pltpu.sync_copy(dst_hbm.at[pl.ds(wid * chunks_per_tile, chunks_per_tile)],
                    dst_v)
    _zero_fill(r0, width)
    _zero_slab(r0, acc_s, sid * slab, slab)
    plsc.subcore_barrier()

    def body(i, _):
      j0 = i * 2
      cp0 = pltpu.async_copy(g_hbm.at[src_v.at[j0]], r0, s0)
      cp1 = pltpu.async_copy(g_hbm.at[src_v.at[j0 + 1]], r1, s1)
      cp0.wait()
      pltpu.sync_copy(r0, acc_s.at[dst_v.at[j0]], add=True)
      cp1.wait()
      pltpu.sync_copy(r1, acc_s.at[dst_v.at[j0 + 1]], add=True)
      return 0

    lax.fori_loop(0, chunks_per_tile // 2, body, 0)
    plsc.subcore_barrier()

    @pl.when(cid == 0)
    def _():
      pltpu.sync_copy(acc_s.at[pl.ds(sid * slab, slab)],
                      out0.at[pl.ds(sid * slab, slab)])

    @pl.when(cid == 1)
    def _():
      pltpu.sync_copy(acc_s.at[pl.ds(sid * slab, slab)],
                      out1.at[pl.ds(sid * slab, slab)])

  return agg_kernel


def _dinv_of(d0_ref, d1_ref):
  deg = d0_ref[:, 0:1] + d1_ref[:, 0:1]
  return lax.rsqrt(deg)


def _make_tc_first(n, k, m):
  grid = n // ROW_BLOCK
  mh = m // 2

  def body(x_ref, w_ref, d0_ref, d1_ref, glo_ref, ghi_ref):
    dinv = _dinv_of(d0_ref, d1_ref)
    h = jnp.dot(x_ref[...], w_ref[...], preferred_element_type=jnp.float32)
    g = h * dinv
    glo_ref[...] = g[:, :mh]
    ghi_ref[...] = g[:, mh:]

  return pl.pallas_call(
      body,
      grid=(grid,),
      in_specs=[
          pl.BlockSpec((ROW_BLOCK, k), lambda i: (i, 0)),
          pl.BlockSpec((k, m), lambda i: (0, 0)),
          pl.BlockSpec((ROW_BLOCK, 16), lambda i: (i, 0)),
          pl.BlockSpec((ROW_BLOCK, 16), lambda i: (i, 0)),
      ],
      out_specs=[
          pl.BlockSpec((ROW_BLOCK, mh), lambda i: (i, 0)),
          pl.BlockSpec((ROW_BLOCK, mh), lambda i: (i, 0)),
      ],
      out_shape=[
          jax.ShapeDtypeStruct((n, mh), jnp.float32),
          jax.ShapeDtypeStruct((n, mh), jnp.float32),
      ],
  )


def _make_tc_mid_pad(n, k, m, mpad):
  grid = n // ROW_BLOCK
  kh = k // 2

  def body(al0_ref, al1_ref, ah0_ref, ah1_ref, glo_ref, ghi_ref,
           d0_ref, d1_ref, b_ref, w_ref, o_ref):
    dinv = _dinv_of(d0_ref, d1_ref)
    t_lo = al0_ref[...] + al1_ref[...] + glo_ref[...]
    t_hi = ah0_ref[...] + ah1_ref[...] + ghi_ref[...]
    t = jnp.concatenate([t_lo, t_hi], axis=1) * dinv + b_ref[...]
    t = jnp.maximum(t, 0.0)
    h = jnp.dot(t, w_ref[...], preferred_element_type=jnp.float32)
    g = h * dinv
    o_ref[...] = jnp.pad(g, ((0, 0), (0, mpad - m)))

  return pl.pallas_call(
      body,
      grid=(grid,),
      in_specs=[
          pl.BlockSpec((ROW_BLOCK, kh), lambda i: (i, 0)),
          pl.BlockSpec((ROW_BLOCK, kh), lambda i: (i, 0)),
          pl.BlockSpec((ROW_BLOCK, kh), lambda i: (i, 0)),
          pl.BlockSpec((ROW_BLOCK, kh), lambda i: (i, 0)),
          pl.BlockSpec((ROW_BLOCK, kh), lambda i: (i, 0)),
          pl.BlockSpec((ROW_BLOCK, kh), lambda i: (i, 0)),
          pl.BlockSpec((ROW_BLOCK, 16), lambda i: (i, 0)),
          pl.BlockSpec((ROW_BLOCK, 16), lambda i: (i, 0)),
          pl.BlockSpec((1, k), lambda i: (0, 0)),
          pl.BlockSpec((k, m), lambda i: (0, 0)),
      ],
      out_specs=pl.BlockSpec((ROW_BLOCK, mpad), lambda i: (i, 0)),
      out_shape=jax.ShapeDtypeStruct((n, mpad), jnp.float32),
  )


def _make_tc_mid_unpad(n, k, kpad, m):
  grid = n // ROW_BLOCK
  mh = m // 2

  def body(a0_ref, a1_ref, gp_ref, d0_ref, d1_ref, b_ref, w_ref,
           olo_ref, ohi_ref):
    dinv = _dinv_of(d0_ref, d1_ref)
    t = (a0_ref[...] + a1_ref[...] + gp_ref[...])[:, :k] * dinv + b_ref[...]
    h = jnp.dot(t, w_ref[...], preferred_element_type=jnp.float32)
    g = h * dinv
    olo_ref[...] = g[:, :mh]
    ohi_ref[...] = g[:, mh:]

  return pl.pallas_call(
      body,
      grid=(grid,),
      in_specs=[
          pl.BlockSpec((ROW_BLOCK, kpad), lambda i: (i, 0)),
          pl.BlockSpec((ROW_BLOCK, kpad), lambda i: (i, 0)),
          pl.BlockSpec((ROW_BLOCK, kpad), lambda i: (i, 0)),
          pl.BlockSpec((ROW_BLOCK, 16), lambda i: (i, 0)),
          pl.BlockSpec((ROW_BLOCK, 16), lambda i: (i, 0)),
          pl.BlockSpec((1, k), lambda i: (0, 0)),
          pl.BlockSpec((k, m), lambda i: (0, 0)),
      ],
      out_specs=[
          pl.BlockSpec((ROW_BLOCK, mh), lambda i: (i, 0)),
          pl.BlockSpec((ROW_BLOCK, mh), lambda i: (i, 0)),
      ],
      out_shape=[
          jax.ShapeDtypeStruct((n, mh), jnp.float32),
          jax.ShapeDtypeStruct((n, mh), jnp.float32),
      ],
  )


def _make_tc_mid(n, nrows, k, m, relu):
  grid = n // ROW_BLOCK
  kh = k // 2
  mh = m // 2

  def body(al0_ref, al1_ref, ah0_ref, ah1_ref, glo_ref, ghi_ref,
           d0_ref, d1_ref, b_ref, w_ref, olo_ref, ohi_ref):
    dinv = _dinv_of(d0_ref, d1_ref)
    t_lo = al0_ref[...] + al1_ref[...] + glo_ref[...]
    t_hi = ah0_ref[...] + ah1_ref[...] + ghi_ref[...]
    t = jnp.concatenate([t_lo, t_hi], axis=1) * dinv + b_ref[...]
    if relu:
      t = jnp.maximum(t, 0.0)
    h = jnp.dot(t, w_ref[...], preferred_element_type=jnp.float32)
    g = h * dinv
    olo_ref[...] = g[:, :mh]
    ohi_ref[...] = g[:, mh:]

  return pl.pallas_call(
      body,
      grid=(grid,),
      in_specs=[
          pl.BlockSpec((ROW_BLOCK, kh), lambda i: (i, 0)),
          pl.BlockSpec((ROW_BLOCK, kh), lambda i: (i, 0)),
          pl.BlockSpec((ROW_BLOCK, kh), lambda i: (i, 0)),
          pl.BlockSpec((ROW_BLOCK, kh), lambda i: (i, 0)),
          pl.BlockSpec((ROW_BLOCK, kh), lambda i: (i, 0)),
          pl.BlockSpec((ROW_BLOCK, kh), lambda i: (i, 0)),
          pl.BlockSpec((ROW_BLOCK, 16), lambda i: (i, 0)),
          pl.BlockSpec((ROW_BLOCK, 16), lambda i: (i, 0)),
          pl.BlockSpec((1, k), lambda i: (0, 0)),
          pl.BlockSpec((k, m), lambda i: (0, 0)),
      ],
      out_specs=[
          pl.BlockSpec((ROW_BLOCK, mh), lambda i: (i, 0)),
          pl.BlockSpec((ROW_BLOCK, mh), lambda i: (i, 0)),
      ],
      out_shape=[
          jax.ShapeDtypeStruct((n, mh), jnp.float32),
          jax.ShapeDtypeStruct((n, mh), jnp.float32),
      ],
  )


def _make_tc_final(n, nrows, k):
  grid = n // ROW_BLOCK
  kh = k // 2

  def body(al0_ref, al1_ref, ah0_ref, ah1_ref, glo_ref, ghi_ref,
           d0_ref, d1_ref, b_ref, out_ref):
    dinv = _dinv_of(d0_ref, d1_ref)
    t_lo = al0_ref[...] + al1_ref[...] + glo_ref[...]
    t_hi = ah0_ref[...] + ah1_ref[...] + ghi_ref[...]
    t = jnp.concatenate([t_lo, t_hi], axis=1) * dinv + b_ref[...]
    out_ref[...] = t

  return pl.pallas_call(
      body,
      grid=(grid,),
      in_specs=[
          pl.BlockSpec((ROW_BLOCK, kh), lambda i: (i, 0)),
          pl.BlockSpec((ROW_BLOCK, kh), lambda i: (i, 0)),
          pl.BlockSpec((ROW_BLOCK, kh), lambda i: (i, 0)),
          pl.BlockSpec((ROW_BLOCK, kh), lambda i: (i, 0)),
          pl.BlockSpec((ROW_BLOCK, kh), lambda i: (i, 0)),
          pl.BlockSpec((ROW_BLOCK, kh), lambda i: (i, 0)),
          pl.BlockSpec((ROW_BLOCK, 16), lambda i: (i, 0)),
          pl.BlockSpec((ROW_BLOCK, 16), lambda i: (i, 0)),
          pl.BlockSpec((1, k), lambda i: (0, 0)),
      ],
      out_specs=pl.BlockSpec((ROW_BLOCK, k), lambda i: (i, 0)),
      out_shape=jax.ShapeDtypeStruct((n, k), jnp.float32),
  )


@jax.jit
def kernel(x, edge_index, W1, b1, W2, b2, W3, b3, W4, b4):
  n, in_dim = x.shape
  hid = W1.shape[1]
  emb = W2.shape[1]
  e = edge_index.shape[1]

  nrows = ((n + 1 + NS * 8 - 1) // (NS * 8)) * (NS * 8)
  cdiv = 2 * NS * IDXSTRIP
  chunks = ((e + CHUNK - 1) // CHUNK + cdiv - 1) // cdiv * cdiv
  e_pad = chunks * CHUNK
  cpt_deg = chunks // (2 * NS)
  cpt_agg = chunks // NS

  src = edge_index[0]
  dst = edge_index[1]
  pad = e_pad - e
  src_p = jnp.concatenate([src, jnp.zeros((pad,), jnp.int32)])
  dst_p = jnp.concatenate([dst, jnp.full((pad,), n, jnp.int32)])
  src_p = src_p.reshape(chunks, CHUNK)
  dst_p = dst_p.reshape(chunks, CHUNK)

  d0, d1 = _make_sc_deg(nrows, cpt_deg)(dst_p)
  d0 = d0 + 1.0

  aggs = _make_sc_agg_split(nrows, cpt_deg, 128)

  b1r = b1.reshape(1, -1)
  b2r = b2.reshape(1, -1)
  b3r = b3.reshape(1, -1)
  b4r = b4.reshape(1, -1)

  g1_lo, g1_hi = _make_tc_first(n, in_dim, hid)(x, W1, d0, d1)
  a1l0, a1l1 = aggs(src_p, dst_p, g1_lo)
  a1h0, a1h1 = aggs(src_p, dst_p, g1_hi)
  g2p = _make_tc_mid_pad(n, hid, emb, 128)(
      a1l0, a1l1, a1h0, a1h1, g1_lo, g1_hi, d0, d1, b1r, W2)
  a2_0, a2_1 = aggs(src_p, dst_p, g2p)
  g3_lo, g3_hi = _make_tc_mid_unpad(n, emb, 128, hid)(
      a2_0, a2_1, g2p, d0, d1, b2r, W3)
  a3l0, a3l1 = aggs(src_p, dst_p, g3_lo)
  a3h0, a3h1 = aggs(src_p, dst_p, g3_hi)
  g4_lo, g4_hi = _make_tc_mid(n, nrows, hid, in_dim, True)(
      a3l0, a3l1, a3h0, a3h1, g3_lo, g3_hi, d0, d1, b3r, W4)
  a4l0, a4l1 = aggs(src_p, dst_p, g4_lo)
  a4h0, a4h1 = aggs(src_p, dst_p, g4_hi)
  out = _make_tc_final(n, nrows, in_dim)(
      a4l0, a4l1, a4h0, a4h1, g4_lo, g4_hi, d0, d1, b4r)
  return out

# --- scband reference (transcript-rebuilt; emitter-appended) ---
"""Pipeline reference for scband-gnn-autoencoder-5832565588636 (READ-ONLY COPY).

The authoritative reference and input builder live on the scoring server;
editing this copy changes nothing except your own understanding.
"""

import jax, jax.numpy as jnp
import numpy as np

N = 10000
E = 160000
IN = 256
HID = 256
EMB = 64


def setup_inputs(seed: int = 0) -> dict:
    key = jax.random.key(seed)
    ks = jax.random.split(key, 12)
    x = jax.random.normal(ks[0], (N, IN), dtype=jnp.float32)
    edge_index = jax.random.randint(ks[1], (2, E), 0, N, dtype=jnp.int32)

    def glorot(k, fan_in, fan_out):
        s = float(np.sqrt(6.0 / (fan_in + fan_out)))
        return jax.random.uniform(k, (fan_in, fan_out), dtype=jnp.float32, minval=-s, maxval=s)

    W1 = glorot(ks[2], IN, HID)
    b1 = jnp.zeros((HID,), dtype=jnp.float32)
    W2 = glorot(ks[3], HID, EMB)
    b2 = jnp.zeros((EMB,), dtype=jnp.float32)
    W3 = glorot(ks[4], EMB, HID)
    b3 = jnp.zeros((HID,), dtype=jnp.float32)
    W4 = glorot(ks[5], HID, IN)
    b4 = jnp.zeros((IN,), dtype=jnp.float32)
    return {"x": x, "edge_index": edge_index, "W1": W1, "b1": b1,
            "W2": W2, "b2": b2, "W3": W3, "b3": b3, "W4": W4, "b4": b4}


def gcn_conv(x, edge_index, W, b):
    # Faithful PyG GCNConv: linear transform, add self-loops,
    # symmetric deg^{-1/2} normalization, scatter-add aggregation, bias.
    n = x.shape[0]
    src = edge_index[0]
    dst = edge_index[1]
    loop = jnp.arange(n, dtype=src.dtype)
    src_f = jnp.concatenate([src, loop])
    dst_f = jnp.concatenate([dst, loop])
    ew = jnp.ones(src_f.shape[0], dtype=x.dtype)
    deg = jnp.zeros((n,), dtype=x.dtype).at[dst_f].add(ew)
    dinv = jnp.where(deg > 0, jax.lax.rsqrt(jnp.maximum(deg, 1e-12)), 0.0)
    norm = dinv[src_f] * ew * dinv[dst_f]
    h = x @ W
    msg = h[src_f] * norm[:, None]
    out = jnp.zeros((n, h.shape[1]), dtype=x.dtype).at[dst_f].add(msg)
    return out + b


def reference(x, edge_index, W1, b1, W2, b2, W3, b3, W4, b4):
    # encode
    h = jax.nn.relu(gcn_conv(x, edge_index, W1, b1))
    z = gcn_conv(h, edge_index, W2, b2)
    # decode
    h2 = jax.nn.relu(gcn_conv(z, edge_index, W3, b3))
    out = gcn_conv(h2, edge_index, W4, b4)
    return out

if __name__ == "__main__":
    import jax
    _d = setup_inputs()
    print(jax.jit(kernel)(*tuple(_d.values())))

</pallas_src>

<mosaic_0001>
#map = affine_map<(d0, d1) -> (0, 0)>
module attributes {stable_mosaic.version = 14 : i64} {
  func.func @deg_kernel(%arg0: i32, %arg1: i32, %arg2: memref<1280x128xi32, #tpu.memory_space<hbm>>, %arg3: memref<10112x16xf32, #tpu.memory_space<hbm>>, %arg4: memref<10112x16xf32, #tpu.memory_space<hbm>>, %arg5: memref<40x128xi32, #tpu.memory_space<vmem>>, %arg6: memref<128x16xf32, #tpu.memory_space<vmem>>, %arg7: memref<128x16xf32, #tpu.memory_space<vmem>>, %arg8: memref<10112x16xf32, #tpu.memory_space<vmem_shared>>) attributes {dimension_semantics = [#tpu.dimension_semantics<core_parallel>, #tpu.dimension_semantics<subcore_parallel>], iteration_bounds = array<i64: 2, 16>, scalar_prefetch = 0 : i64, scratch_operands = 4 : i64, tpu.core_type = #tpu.core_type<sc_vector_subcore>, window_params = [{transform_indices = #map}, {transform_indices = #map}, {transform_indices = #map}]} {
    %mul3A = arith.constant 16 : i32
    %mul3A_0 = arith.muli %arg0, %mul3A : i32
    %add3A = arith.addi %mul3A_0, %arg1 : i32
    %mul3A_1 = arith.constant 40 : i32
    %mul3A_2 = arith.muli %add3A, %mul3A_1 : i32
    "tpu.region"() ({
      %run_scoped3A = tpu.sem_alloc : memref<!tpu.dma_semaphore, #tpu.memory_space<semaphore_mem>>
      %dma_start3A = arith.constant 0 : i32
      %dma_start3A_46 = tpu.memref_slice %arg2[%mul3A_2, %dma_start3A] : memref<1280x128xi32, #tpu.memory_space<hbm>> -> memref<40x128xi32, #tpu.memory_space<hbm>>
      %dma_start3A_47 = arith.constant 0 : i32
      %dma_start3A_48 = tpu.memref_slice %arg2[%mul3A_2, %dma_start3A_47] : memref<1280x128xi32, #tpu.memory_space<hbm>> -> memref<40x128xi32, #tpu.memory_space<hbm>>
      tpu.enqueue_dma source(%dma_start3A_48 : memref<40x128xi32, #tpu.memory_space<hbm>>) target(%arg5 : memref<40x128xi32, #tpu.memory_space<vmem>>) target_semaphore(%run_scoped3A : memref<!tpu.dma_semaphore, #tpu.memory_space<semaphore_mem>>)
      %dma_wait3A = arith.constant 0 : i32
      %dma_wait3A_49 = tpu.memref_slice %arg2[%mul3A_2, %dma_wait3A] : memref<1280x128xi32, #tpu.memory_space<hbm>> -> memref<40x128xi32, #tpu.memory_space<hbm>>
      %dma_wait3A_50 = arith.constant 0 : i32
      %dma_wait3A_51 = tpu.memref_slice %arg2[%mul3A_2, %dma_wait3A_50] : memref<1280x128xi32, #tpu.memory_space<hbm>> -> memref<40x128xi32, #tpu.memory_space<hbm>>
      tpu.wait_dma2 semaphore(%run_scoped3A : memref<!tpu.dma_semaphore, #tpu.memory_space<semaphore_mem>>) src(%dma_wait3A_51 : memref<40x128xi32, #tpu.memory_space<hbm>>) dst(%arg5 : memref<40x128xi32, #tpu.memory_space<vmem>>)
      tpu.yield
    }) : () -> ()
    %broadcast_in_dim3A = arith.constant 1.000000e+00 : f32
    %broadcast_in_dim3A_3 = vector.broadcast %broadcast_in_dim3A : f32 to vector<16xf32>
    %scan3A = arith.constant 0 : i32
    %scan3A_4 = arith.constant 0 : i32
    %scan3A_5 = arith.constant 128 : i32
    %scan3A_6 = arith.addi %scan3A_4, %scan3A_5 : i32
    %scan3A_7 = arith.constant 1 : i32
    %scan3A_8 = scf.for %scan3A_46 = %scan3A_4 to %scan3A_6 step %scan3A_7 iter_args(%scan3A_47 = %scan3A) -> (i32)  : i32 {
      %swap3A = arith.index_cast %scan3A_46 : i32 to index
      %swap3A_48 = arith.constant 0 : index
      %swap3A_49 = tpu.vector_load %arg6[%swap3A, %swap3A_48] {strides = array<i32>} : memref<128x16xf32, #tpu.memory_space<vmem>>, vector<1x16xf32>,
      %swap3A_50 = vector.shape_cast %swap3A_49 : vector<1x16xf32> to vector<16xf32>
      %swap3A_51 = vector.shape_cast %broadcast_in_dim3A_3 : vector<16xf32> to vector<1x16xf32>
      tpu.vector_store %arg6[%swap3A, %swap3A_48], %swap3A_51 {strides = array<i32>} : memref<128x16xf32, #tpu.memory_space<vmem>>, vector<1x16xf32>,
      %scan3A_52 = arith.constant 0 : i32
      scf.yield %scan3A_52 : i32
    }
    %scan3A_9 = arith.constant 128 : i32
    %broadcast_in_dim3A_10 = arith.constant 0.000000e+00 : f32
    %broadcast_in_dim3A_11 = vector.broadcast %broadcast_in_dim3A_10 : f32 to vector<16xf32>
    %scan3A_12 = arith.constant 0 : i32
    %scan3A_13 = arith.constant 0 : i32
    %scan3A_14 = arith.constant 128 : i32
    %scan3A_15 = arith.addi %scan3A_13, %scan3A_14 : i32
    %scan3A_16 = arith.constant 1 : i32
    %scan3A_17 = scf.for %scan3A_46 = %scan3A_13 to %scan3A_15 step %scan3A_16 iter_args(%scan3A_47 = %scan3A_12) -> (i32)  : i32 {
      %swap3A = arith.index_cast %scan3A_46 : i32 to index
      %swap3A_48 = arith.constant 0 : index
      %swap3A_49 = tpu.vector_load %arg7[%swap3A, %swap3A_48] {strides = array<i32>} : memref<128x16xf32, #tpu.memory_space<vmem>>, vector<1x16xf32>,
      %swap3A_50 = vector.shape_cast %swap3A_49 : vector<1x16xf32> to vector<16xf32>
      %swap3A_51 = vector.shape_cast %broadcast_in_dim3A_11 : vector<16xf32> to vector<1x16xf32>
      tpu.vector_store %arg7[%swap3A, %swap3A_48], %swap3A_51 {strides = array<i32>} : memref<128x16xf32, #tpu.memory_space<vmem>>, vector<1x16xf32>,
      %scan3A_52 = arith.constant 0 : i32
      scf.yield %scan3A_52 : i32
    }
    %scan3A_18 = arith.constant 128 : i32
    %mul3A_19 = arith.constant 632 : i32
    %mul3A_20 = arith.muli %arg1, %mul3A_19 : i32
    %add3A_21 = arith.constant 0 : i32
    %add3A_22 = arith.addi %mul3A_20, %add3A_21 : i32
    "tpu.region"() ({
      %run_scoped3A = tpu.sem_alloc : memref<!tpu.dma_semaphore, #tpu.memory_space<semaphore_mem>>
      %dma_start3A = arith.constant 0 : i32
      %dma_start3A_46 = tpu.memref_slice %arg8[%add3A_22, %dma_start3A] : memref<10112x16xf32, #tpu.memory_space<vmem_shared>> -> memref<128x16xf32, #tpu.memory_space<vmem_shared>>
      %dma_start3A_47 = arith.constant 0 : i32
      %dma_start3A_48 = tpu.memref_slice %arg8[%add3A_22, %dma_start3A_47] : memref<10112x16xf32, #tpu.memory_space<vmem_shared>> -> memref<128x16xf32, #tpu.memory_space<vmem_shared>>
      tpu.enqueue_dma source(%arg7 : memref<128x16xf32, #tpu.memory_space<vmem>>) target(%dma_start3A_48 : memref<128x16xf32, #tpu.memory_space<vmem_shared>>) target_semaphore(%run_scoped3A : memref<!tpu.dma_semaphore, #tpu.memory_space<semaphore_mem>>)
      %dma_wait3A = arith.constant 0 : i32
      %dma_wait3A_49 = tpu.memref_slice %arg8[%add3A_22, %dma_wait3A] : memref<10112x16xf32, #tpu.memory_space<vmem_shared>> -> memref<128x16xf32, #tpu.memory_space<vmem_shared>>
      %dma_wait3A_50 = arith.constant 0 : i32
      %dma_wait3A_51 = tpu.memref_slice %arg8[%add3A_22, %dma_wait3A_50] : memref<10112x16xf32, #tpu.memory_space<vmem_shared>> -> memref<128x16xf32, #tpu.memory_space<vmem_shared>>
      tpu.wait_dma2 semaphore(%run_scoped3A : memref<!tpu.dma_semaphore, #tpu.memory_space<semaphore_mem>>) src(%arg7 : memref<128x16xf32, #tpu.memory_space<vmem>>) dst(%dma_wait3A_51 : memref<128x16xf32, #tpu.memory_space<vmem_shared>>)
      tpu.yield
    }) : () -> ()
    %add3A_23 = arith.constant 128 : i32
    %add3A_24 = arith.addi %mul3A_20, %add3A_23 : i32
    "tpu.region"() ({
      %run_scoped3A = tpu.sem_alloc : memref<!tpu.dma_semaphore, #tpu.memory_space<semaphore_mem>>
      %dma_start3A = arith.constant 0 : i32
      %dma_start3A_46 = tpu.memref_slice %arg8[%add3A_24, %dma_start3A] : memref<10112x16xf32, #tpu.memory_space<vmem_shared>> -> memref<128x16xf32, #tpu.memory_space<vmem_shared>>
      %dma_start3A_47 = arith.constant 0 : i32
      %dma_start3A_48 = tpu.memref_slice %arg8[%add3A_24, %dma_start3A_47] : memref<10112x16xf32, #tpu.memory_space<vmem_shared>> -> memref<128x16xf32, #tpu.memory_space<vmem_shared>>
      tpu.enqueue_dma source(%arg7 : memref<128x16xf32, #tpu.memory_space<vmem>>) target(%dma_start3A_48 : memref<128x16xf32, #tpu.memory_space<vmem_shared>>) target_semaphore(%run_scoped3A : memref<!tpu.dma_semaphore, #tpu.memory_space<semaphore_mem>>)
      %dma_wait3A = arith.constant 0 : i32
      %dma_wait3A_49 = tpu.memref_slice %arg8[%add3A_24, %dma_wait3A] : memref<10112x16xf32, #tpu.memory_space<vmem_shared>> -> memref<128x16xf32, #tpu.memory_space<vmem_shared>>
      %dma_wait3A_50 = arith.constant 0 : i32
      %dma_wait3A_51 = tpu.memref_slice %arg8[%add3A_24, %dma_wait3A_50] : memref<10112x16xf32, #tpu.memory_space<vmem_shared>> -> memref<128x16xf32, #tpu.memory_space<vmem_shared>>
      tpu.wait_dma2 semaphore(%run_scoped3A : memref<!tpu.dma_semaphore, #tpu.memory_space<semaphore_mem>>) src(%arg7 : memref<128x16xf32, #tpu.memory_space<vmem>>) dst(%dma_wait3A_51 : memref<128x16xf32, #tpu.memory_space<vmem_shared>>)
      tpu.yield
    }) : () -> ()
    %add3A_25 = arith.constant 256 : i32
    %add3A_26 = arith.addi %mul3A_20, %add3A_25 : i32
    "tpu.region"() ({
      %run_scoped3A = tpu.sem_alloc : memref<!tpu.dma_semaphore, #tpu.memory_space<semaphore_mem>>
      %dma_start3A = arith.constant 0 : i32
      %dma_start3A_46 = tpu.memref_slice %arg8[%add3A_26, %dma_start3A] : memref<10112x16xf32, #tpu.memory_space<vmem_shared>> -> memref<128x16xf32, #tpu.memory_space<vmem_shared>>
      %dma_start3A_47 = arith.constant 0 : i32
      %dma_start3A_48 = tpu.memref_slice %arg8[%add3A_26, %dma_start3A_47] : memref<10112x16xf32, #tpu.memory_space<vmem_shared>> -> memref<128x16xf32, #tpu.memory_space<vmem_shared>>
      tpu.enqueue_dma source(%arg7 : memref<128x16xf32, #tpu.memory_space<vmem>>) target(%dma_start3A_48 : memref<128x16xf32, #tpu.memory_space<vmem_shared>>) target_semaphore(%run_scoped3A : memref<!tpu.dma_semaphore, #tpu.memory_space<semaphore_mem>>)
      %dma_wait3A = arith.constant 0 : i32
      %dma_wait3A_49 = tpu.memref_slice %arg8[%add3A_26, %dma_wait3A] : memref<10112x16xf32, #tpu.memory_space<vmem_shared>> -> memref<128x16xf32, #tpu.memory_space<vmem_shared>>
      %dma_wait3A_50 = arith.constant 0 : i32
      %dma_wait3A_51 = tpu.memref_slice %arg8[%add3A_26, %dma_wait3A_50] : memref<10112x16xf32, #tpu.memory_space<vmem_shared>> -> memref<128x16xf32, #tpu.memory_space<vmem_shared>>
      tpu.wait_dma2 semaphore(%run_scoped3A : memref<!tpu.dma_semaphore, #tpu.memory_space<semaphore_mem>>) src(%arg7 : memref<128x16xf32, #tpu.memory_space<vmem>>) dst(%dma_wait3A_51 : memref<128x16xf32, #tpu.memory_space<vmem_shared>>)
      tpu.yield
    }) : () -> ()
    %add3A_27 = arith.constant 384 : i32
    %add3A_28 = arith.addi %mul3A_20, %add3A_27 : i32
    "tpu.region"() ({
      %run_scoped3A = tpu.sem_alloc : memref<!tpu.dma_semaphore, #tpu.memory_space<semaphore_mem>>
      %dma_start3A = arith.constant 0 : i32
      %dma_start3A_46 = tpu.memref_slice %arg8[%add3A_28, %dma_start3A] : memref<10112x16xf32, #tpu.memory_space<vmem_shared>> -> memref<128x16xf32, #tpu.memory_space<vmem_shared>>
      %dma_start3A_47 = arith.constant 0 : i32
      %dma_start3A_48 = tpu.memref_slice %arg8[%add3A_28, %dma_start3A_47] : memref<10112x16xf32, #tpu.memory_space<vmem_shared>> -> memref<128x16xf32, #tpu.memory_space<vmem_shared>>
      tpu.enqueue_dma source(%arg7 : memref<128x16xf32, #tpu.memory_space<vmem>>) target(%dma_start3A_48 : memref<128x16xf32, #tpu.memory_space<vmem_shared>>) target_semaphore(%run_scoped3A : memref<!tpu.dma_semaphore, #tpu.memory_space<semaphore_mem>>)
      %dma_wait3A = arith.constant 0 : i32
      %dma_wait3A_49 = tpu.memref_slice %arg8[%add3A_28, %dma_wait3A] : memref<10112x16xf32, #tpu.memory_space<vmem_shared>> -> memref<128x16xf32, #tpu.memory_space<vmem_shared>>
      %dma_wait3A_50 = arith.constant 0 : i32
      %dma_wait3A_51 = tpu.memref_slice %arg8[%add3A_28, %dma_wait3A_50] : memref<10112x16xf32, #tpu.memory_space<vmem_shared>> -> memref<128x16xf32, #tpu.memory_space<vmem_shared>>
      tpu.wait_dma2 semaphore(%run_scoped3A : memref<!tpu.dma_semaphore, #tpu.memory_space<semaphore_mem>>) src(%arg7 : memref<128x16xf32, #tpu.memory_space<vmem>>) dst(%dma_wait3A_51 : memref<128x16xf32, #tpu.memory_space<vmem_shared>>)
      tpu.yield
    }) : () -> ()
    %add3A_29 = arith.constant 512 : i32
    %add3A_30 = arith.addi %mul3A_20, %add3A_29 : i32
    "tpu.region"() ({
      %run_scoped3A = tpu.sem_alloc : memref<!tpu.dma_semaphore, #tpu.memory_space<semaphore_mem>>
      %dma_start3A = arith.constant 0 : i32
      %dma_start3A_46 = arith.constant 0 : i32
      %dma_start3A_47 = tpu.memref_slice %arg7[%dma_start3A, %dma_start3A_46] : memref<128x16xf32, #tpu.memory_space<vmem>> -> memref<120x16xf32, #tpu.memory_space<vmem>>
      %dma_start3A_48 = arith.constant 0 : i32
      %dma_start3A_49 = tpu.memref_slice %arg8[%add3A_30, %dma_start3A_48] : memref<10112x16xf32, #tpu.memory_space<vmem_shared>> -> memref<120x16xf32, #tpu.memory_space<vmem_shared>>
      %dma_start3A_50 = arith.constant 0 : i32
      %dma_start3A_51 = tpu.memref_slice %arg8[%add3A_30, %dma_start3A_50] : memref<10112x16xf32, #tpu.memory_space<vmem_shared>> -> memref<120x16xf32, #tpu.memory_space<vmem_shared>>
      %dma_start3A_52 = arith.constant 0 : i32
      %dma_start3A_53 = arith.constant 0 : i32
      %dma_start3A_54 = tpu.memref_slice %arg7[%dma_start3A_52, %dma_start3A_53] : memref<128x16xf32, #tpu.memory_space<vmem>> -> memref<120x16xf32, #tpu.memory_space<vmem>>
      tpu.enqueue_dma source(%dma_start3A_54 : memref<120x16xf32, #tpu.memory_space<vmem>>) target(%dma_start3A_51 : memref<120x16xf32, #tpu.memory_space<vmem_shared>>) target_semaphore(%run_scoped3A : memref<!tpu.dma_semaphore, #tpu.memory_space<semaphore_mem>>)
      %dma_wait3A = arith.constant 0 : i32
      %dma_wait3A_55 = arith.constant 0 : i32
      %dma_wait3A_56 = tpu.memref_slice %arg7[%dma_wait3A, %dma_wait3A_55] : memref<128x16xf32, #tpu.memory_space<vmem>> -> memref<120x16xf32, #tpu.memory_space<vmem>>
      %dma_wait3A_57 = arith.constant 0 : i32
      %dma_wait3A_58 = tpu.memref_slice %arg8[%add3A_30, %dma_wait3A_57] : memref<10112x16xf32, #tpu.memory_space<vmem_shared>> -> memref<120x16xf32, #tpu.memory_space<vmem_shared>>
      %dma_wait3A_59 = arith.constant 0 : i32
      %dma_wait3A_60 = tpu.memref_slice %arg8[%add3A_30, %dma_wait3A_59] : memref<10112x16xf32, #tpu.memory_space<vmem_shared>> -> memref<120x16xf32, #tpu.memory_space<vmem_shared>>
      %dma_wait3A_61 = arith.constant 0 : i32
      %dma_wait3A_62 = arith.constant 0 : i32
      %dma_wait3A_63 = tpu.memref_slice %arg7[%dma_wait3A_61, %dma_wait3A_62] : memref<128x16xf32, #tpu.memory_space<vmem>> -> memref<120x16xf32, #tpu.memory_space<vmem>>
      tpu.wait_dma2 semaphore(%run_scoped3A : memref<!tpu.dma_semaphore, #tpu.memory_space<semaphore_mem>>) src(%dma_wait3A_63 : memref<120x16xf32, #tpu.memory_space<vmem>>) dst(%dma_wait3A_60 : memref<120x16xf32, #tpu.memory_space<vmem_shared>>)
      tpu.yield
    }) : () -> ()
    %barrier3A = arith.constant 0 : index
    tpu.barrier barrier_id(%barrier3A)
    %scan3A_31 = arith.constant 0 : i32
    %scan3A_32 = arith.constant 0 : i32
    %scan3A_33 = arith.constant 40 : i32
    %scan3A_34 = arith.addi %scan3A_32, %scan3A_33 : i32
    %scan3A_35 = arith.constant 1 : i32
    %scan3A_36 = scf.for %scan3A_46 = %scan3A_32 to %scan3A_34 step %scan3A_35 iter_args(%scan3A_47 = %scan3A_31) -> (i32)  : i32 {
      "tpu.region"() ({
        %run_scoped3A = tpu.sem_alloc : memref<!tpu.dma_semaphore, #tpu.memory_space<semaphore_mem>>
        %dma_start3A = arith.constant 0 : i32
        %dma_start3A_49 = tpu.memref_slice %arg5[%scan3A_46, %dma_start3A] : memref<40x128xi32, #tpu.memory_space<vmem>> -> memref<1x128xi32, #tpu.memory_space<vmem>>
        %dma_start3A_50 = tpu.memref_squeeze %dma_start3A_49 : memref<1x128xi32, #tpu.memory_space<vmem>> -> memref<128xi32, #tpu.memory_space<vmem>>
        %dma_start3A_51 = arith.constant 0 : i32
        %dma_start3A_52 = arith.constant 0 : i32
        %dma_start3A_53 = tpu.memref_slice %arg8[%dma_start3A_51, %dma_start3A_52] : memref<10112x16xf32, #tpu.memory_space<vmem_shared>> -> memref<10112x16xf32, #tpu.memory_space<vmem_shared>>
        tpu.enqueue_indirect_dma source(%arg6 : memref<128x16xf32, #tpu.memory_space<vmem>>) target(%dma_start3A_53 : memref<10112x16xf32, #tpu.memory_space<vmem_shared>>) offsets(%dma_start3A_50 : memref<128xi32, #tpu.memory_space<vmem>>) semaphore(%run_scoped3A : memref<!tpu.dma_semaphore, #tpu.memory_space<semaphore_mem>>) {add = true}
        %dma_wait3A = arith.constant 0 : i32
        %dma_wait3A_54 = tpu.memref_slice %arg5[%scan3A_46, %dma_wait3A] : memref<40x128xi32, #tpu.memory_space<vmem>> -> memref<1x128xi32, #tpu.memory_space<vmem>>
        %dma_wait3A_55 = tpu.memref_squeeze %dma_wait3A_54 : memref<1x128xi32, #tpu.memory_space<vmem>> -> memref<128xi32, #tpu.memory_space<vmem>>
        %dma_wait3A_56 = arith.constant 0 : i32
        %dma_wait3A_57 = arith.constant 0 : i32
        %dma_wait3A_58 = tpu.memref_slice %arg8[%dma_wait3A_56, %dma_wait3A_57] : memref<10112x16xf32, #tpu.memory_space<vmem_shared>> -> memref<10112x16xf32, #tpu.memory_space<vmem_shared>>
        tpu.wait_indirect_dma semaphore(%run_scoped3A : memref<!tpu.dma_semaphore, #tpu.memory_space<semaphore_mem>>) src(%arg6 : memref<128x16xf32, #tpu.memory_space<vmem>>) dst(%dma_wait3A_58 : memref<10112x16xf32, #tpu.memory_space<vmem_shared>>)
        tpu.yield
      }) : () -> ()
      %scan3A_48 = arith.constant 0 : i32
      scf.yield %scan3A_48 : i32
    }
    %scan3A_37 = arith.constant 40 : i32
    %barrier3A_38 = arith.constant 0 : index
    tpu.barrier barrier_id(%barrier3A_38)
    %eq3A = arith.constant 0 : i32
    %eq3A_39 = arith.cmpi eq, %arg0, %eq3A : i32
    %convert_element_type3A = arith.extui %eq3A_39 : i1 to i32
    %cond3A = arith.constant 0 : i32
    %cond3A_40 = arith.cmpi ne, %convert_element_type3A, %cond3A : i32
    scf.if %cond3A_40 {
      %mul3A_46 = arith.constant 632 : i32
      %mul3A_47 = arith.muli %arg1, %mul3A_46 : i32
      %mul3A_48 = arith.constant 632 : i32
      %mul3A_49 = arith.muli %arg1, %mul3A_48 : i32
      "tpu.region"() ({
        %run_scoped3A = tpu.sem_alloc : memref<!tpu.dma_semaphore, #tpu.memory_space<semaphore_mem>>
        %dma_start3A = arith.constant 0 : i32
        %dma_start3A_50 = tpu.memref_slice %arg3[%mul3A_49, %dma_start3A] : memref<10112x16xf32, #tpu.memory_space<hbm>> -> memref<632x16xf32, #tpu.memory_space<hbm>>
        %dma_start3A_51 = arith.constant 0 : i32
        %dma_start3A_52 = tpu.memref_slice %arg8[%mul3A_47, %dma_start3A_51] : memref<10112x16xf32, #tpu.memory_space<vmem_shared>> -> memref<632x16xf32, #tpu.memory_space<vmem_shared>>
        tpu.enqueue_dma source(%dma_start3A_52 : memref<632x16xf32, #tpu.memory_space<vmem_shared>>) target(%dma_start3A_50 : memref<632x16xf32, #tpu.memory_space<hbm>>) target_semaphore(%run_scoped3A : memref<!tpu.dma_semaphore, #tpu.memory_space<semaphore_mem>>)
        %dma_wait3A = arith.constant 0 : i32
        %dma_wait3A_53 = tpu.memref_slice %arg3[%mul3A_49, %dma_wait3A] : memref<10112x16xf32, #tpu.memory_space<hbm>> -> memref<632x16xf32, #tpu.memory_space<hbm>>
        %dma_wait3A_54 = arith.constant 0 : i32
        %dma_wait3A_55 = tpu.memref_slice %arg8[%mul3A_47, %dma_wait3A_54] : memref<10112x16xf32, #tpu.memory_space<vmem_shared>> -> memref<632x16xf32, #tpu.memory_space<vmem_shared>>
        tpu.wait_dma2 semaphore(%run_scoped3A : memref<!tpu.dma_semaphore, #tpu.memory_space<semaphore_mem>>) src(%dma_wait3A_55 : memref<632x16xf32, #tpu.memory_space<vmem_shared>>) dst(%dma_wait3A_53 : memref<632x16xf32, #tpu.memory_space<hbm>>)
        tpu.yield
      }) : () -> ()
    } else {
    }
    %eq3A_41 = arith.constant 1 : i32
    %eq3A_42 = arith.cmpi eq, %arg0, %eq3A_41 : i32
    %convert_element_type3A_43 = arith.extui %eq3A_42 : i1 to i32
    %cond3A_44 = arith.constant 0 : i32
    %cond3A_45 = arith.cmpi ne, %convert_element_type3A_43, %cond3A_44 : i32
    scf.if %cond3A_45 {
      %mul3A_46 = arith.constant 632 : i32
      %mul3A_47 = arith.muli %arg1, %mul3A_46 : i32
      %mul3A_48 = arith.constant 632 : i32
      %mul3A_49 = arith.muli %arg1, %mul3A_48 : i32
      "tpu.region"() ({
        %run_scoped3A = tpu.sem_alloc : memref<!tpu.dma_semaphore, #tpu.memory_space<semaphore_mem>>
        %dma_start3A = arith.constant 0 : i32
        %dma_start3A_50 = tpu.memref_slice %arg4[%mul3A_49, %dma_start3A] : memref<10112x16xf32, #tpu.memory_space<hbm>> -> memref<632x16xf32, #tpu.memory_space<hbm>>
        %dma_start3A_51 = arith.constant 0 : i32
        %dma_start3A_52 = tpu.memref_slice %arg8[%mul3A_47, %dma_start3A_51] : memref<10112x16xf32, #tpu.memory_space<vmem_shared>> -> memref<632x16xf32, #tpu.memory_space<vmem_shared>>
        tpu.enqueue_dma source(%dma_start3A_52 : memref<632x16xf32, #tpu.memory_space<vmem_shared>>) target(%dma_start3A_50 : memref<632x16xf32, #tpu.memory_space<hbm>>) target_semaphore(%run_scoped3A : memref<!tpu.dma_semaphore, #tpu.memory_space<semaphore_mem>>)
        %dma_wait3A = arith.constant 0 : i32
        %dma_wait3A_53 = tpu.memref_slice %arg4[%mul3A_49, %dma_wait3A] : memref<10112x16xf32, #tpu.memory_space<hbm>> -> memref<632x16xf32, #tpu.memory_space<hbm>>
        %dma_wait3A_54 = arith.constant 0 : i32
        %dma_wait3A_55 = tpu.memref_slice %arg8[%mul3A_47, %dma_wait3A_54] : memref<10112x16xf32, #tpu.memory_space<vmem_shared>> -> memref<632x16xf32, #tpu.memory_space<vmem_shared>>
        tpu.wait_dma2 semaphore(%run_scoped3A : memref<!tpu.dma_semaphore, #tpu.memory_space<semaphore_mem>>) src(%dma_wait3A_55 : memref<632x16xf32, #tpu.memory_space<vmem_shared>>) dst(%dma_wait3A_53 : memref<632x16xf32, #tpu.memory_space<hbm>>)
        tpu.yield
      }) : () -> ()
    } else {
    }
    return
  }
}

#map = affine_map<(d0, d1) -> (0, 0)>
module attributes {stable_mosaic.version = 14 : i64} {
  func.func @agg_kernel(%arg0: i32, %arg1: i32, %arg2: memref<1280x128xi32, #tpu.memory_space<hbm>>, %arg3: memref<1280x128xi32, #tpu.memory_space<hbm>>, %arg4: memref<10000x128xf32, #tpu.memory_space<hbm>>, %arg5: memref<10112x128xf32, #tpu.memory_space<hbm>>, %arg6: memref<10112x128xf32, #tpu.memory_space<hbm>>, %arg7: memref<40x128xi32, #tpu.memory_space<vmem>>, %arg8: memref<40x128xi32, #tpu.memory_space<vmem>>, %arg9: memref<128x128xf32, #tpu.memory_space<vmem>>, %arg10: memref<128x128xf32, #tpu.memory_space<vmem>>, %arg11: memref<10112x128xf32, #tpu.memory_space<vmem_shared>>, %arg12: memref<!tpu.dma_semaphore, #tpu.memory_space<semaphore_mem>>, %arg13: memref<!tpu.dma_semaphore, #tpu.memory_space<semaphore_mem>>) attributes {dimension_semantics = [#tpu.dimension_semantics<core_parallel>, #tpu.dimension_semantics<subcore_parallel>], iteration_bounds = array<i64: 2, 16>, scalar_prefetch = 0 : i64, scratch_operands = 7 : i64, tpu.core_type = #tpu.core_type<sc_vector_subcore>, window_params = [{transform_indices = #map}, {transform_indices = #map}, {transform_indices = #map}, {transform_indices = #map}, {transform_indices = #map}]} {
    %mul3A = arith.constant 16 : i32
    %mul3A_0 = arith.muli %arg0, %mul3A : i32
    %add3A = arith.addi %mul3A_0, %arg1 : i32
    %mul3A_1 = arith.constant 40 : i32
    %mul3A_2 = arith.muli %add3A, %mul3A_1 : i32
    "tpu.region"() ({
      %run_scoped3A = tpu.sem_alloc : memref<!tpu.dma_semaphore, #tpu.memory_space<semaphore_mem>>
      %dma_start3A = arith.constant 0 : i32
      %dma_start3A_39 = tpu.memref_slice %arg2[%mul3A_2, %dma_start3A] : memref<1280x128xi32, #tpu.memory_space<hbm>> -> memref<40x128xi32, #tpu.memory_space<hbm>>
      %dma_start3A_40 = arith.constant 0 : i32
      %dma_start3A_41 = tpu.memref_slice %arg2[%mul3A_2, %dma_start3A_40] : memref<1280x128xi32, #tpu.memory_space<hbm>> -> memref<40x128xi32, #tpu.memory_space<hbm>>
      tpu.enqueue_dma source(%dma_start3A_41 : memref<40x128xi32, #tpu.memory_space<hbm>>) target(%arg7 : memref<40x128xi32, #tpu.memory_space<vmem>>) target_semaphore(%run_scoped3A : memref<!tpu.dma_semaphore, #tpu.memory_space<semaphore_mem>>)
      %dma_wait3A = arith.constant 0 : i32
      %dma_wait3A_42 = tpu.memref_slice %arg2[%mul3A_2, %dma_wait3A] : memref<1280x128xi32, #tpu.memory_space<hbm>> -> memref<40x128xi32, #tpu.memory_space<hbm>>
      %dma_wait3A_43 = arith.constant 0 : i32
      %dma_wait3A_44 = tpu.memref_slice %arg2[%mul3A_2, %dma_wait3A_43] : memref<1280x128xi32, #tpu.memory_space<hbm>> -> memref<40x128xi32, #tpu.memory_space<hbm>>
      tpu.wait_dma2 semaphore(%run_scoped3A : memref<!tpu.dma_semaphore, #tpu.memory_space<semaphore_mem>>) src(%dma_wait3A_44 : memref<40x128xi32, #tpu.memory_space<hbm>>) dst(%arg7 : memref<40x128xi32, #tpu.memory_space<vmem>>)
      tpu.yield
    }) : () -> ()
    %mul3A_3 = arith.constant 40 : i32
    %mul3A_4 = arith.muli %add3A, %mul3A_3 : i32
    "tpu.region"() ({
      %run_scoped3A = tpu.sem_alloc : memref<!tpu.dma_semaphore, #tpu.memory_space<semaphore_mem>>
      %dma_start3A = arith.constant 0 : i32
      %dma_start3A_39 = tpu.memref_slice %arg3[%mul3A_4, %dma_start3A] : memref<1280x128xi32, #tpu.memory_space<hbm>> -> memref<40x128xi32, #tpu.memory_space<hbm>>
      %dma_start3A_40 = arith.constant 0 : i32
      %dma_start3A_41 = tpu.memref_slice %arg3[%mul3A_4, %dma_start3A_40] : memref<1280x128xi32, #tpu.memory_space<hbm>> -> memref<40x128xi32, #tpu.memory_space<hbm>>
      tpu.enqueue_dma source(%dma_start3A_41 : memref<40x128xi32, #tpu.memory_space<hbm>>) target(%arg8 : memref<40x128xi32, #tpu.memory_space<vmem>>) target_semaphore(%run_scoped3A : memref<!tpu.dma_semaphore, #tpu.memory_space<semaphore_mem>>)
      %dma_wait3A = arith.constant 0 : i32
      %dma_wait3A_42 = tpu.memref_slice %arg3[%mul3A_4, %dma_wait3A] : memref<1280x128xi32, #tpu.memory_space<hbm>> -> memref<40x128xi32, #tpu.memory_space<hbm>>
      %dma_wait3A_43 = arith.constant 0 : i32
      %dma_wait3A_44 = tpu.memref_slice %arg3[%mul3A_4, %dma_wait3A_43] : memref<1280x128xi32, #tpu.memory_space<hbm>> -> memref<40x128xi32, #tpu.memory_space<hbm>>
      tpu.wait_dma2 semaphore(%run_scoped3A : memref<!tpu.dma_semaphore, #tpu.memory_space<semaphore_mem>>) src(%dma_wait3A_44 : memref<40x128xi32, #tpu.memory_space<hbm>>) dst(%arg8 : memref<40x128xi32, #tpu.memory_space<vmem>>)
      tpu.yield
    }) : () -> ()
    %broadcast_in_dim3A = arith.constant 0.000000e+00 : f32
    %broadcast_in_dim3A_5 = vector.broadcast %broadcast_in_dim3A : f32 to vector<16xf32>
    %scan3A = arith.constant 0 : i32
    %scan3A_6 = arith.constant 0 : i32
    %scan3A_7 = arith.constant 128 : i32
    %scan3A_8 = arith.addi %scan3A_6, %scan3A_7 : i32
    %scan3A_9 = arith.constant 1 : i32
    %scan3A_10 = scf.for %scan3A_39 = %scan3A_6 to %scan3A_8 step %scan3A_9 iter_args(%scan3A_40 = %scan3A) -> (i32)  : i32 {
      %swap3A = arith.index_cast %scan3A_39 : i32 to index
      %swap3A_41 = arith.constant 0 : index
      %swap3A_42 = tpu.vector_load %arg9[%swap3A, %swap3A_41] {strides = array<i32>} : memref<128x128xf32, #tpu.memory_space<vmem>>, vector<1x16xf32>,
      %swap3A_43 = vector.shape_cast %swap3A_42 : vector<1x16xf32> to vector<16xf32>
      %swap3A_44 = vector.shape_cast %broadcast_in_dim3A_5 : vector<16xf32> to vector<1x16xf32>
      tpu.vector_store %arg9[%swap3A, %swap3A_41], %swap3A_44 {strides = array<i32>} : memref<128x128xf32, #tpu.memory_space<vmem>>, vector<1x16xf32>,
      %swap3A_45 = arith.index_cast %scan3A_39 : i32 to index
      %swap3A_46 = arith.constant 16 : index
      %swap3A_47 = tpu.vector_load %arg9[%swap3A_45, %swap3A_46] {strides = array<i32>} : memref<128x128xf32, #tpu.memory_space<vmem>>, vector<1x16xf32>,
      %swap3A_48 = vector.shape_cast %swap3A_47 : vector<1x16xf32> to vector<16xf32>
      %swap3A_49 = vector.shape_cast %broadcast_in_dim3A_5 : vector<16xf32> to vector<1x16xf32>
      tpu.vector_store %arg9[%swap3A_45, %swap3A_46], %swap3A_49 {strides = array<i32>} : memref<128x128xf32, #tpu.memory_space<vmem>>, vector<1x16xf32>,
      %swap3A_50 = arith.index_cast %scan3A_39 : i32 to index
      %swap3A_51 = arith.constant 32 : index
      %swap3A_52 = tpu.vector_load %arg9[%swap3A_50, %swap3A_51] {strides = array<i32>} : memref<128x128xf32, #tpu.memory_space<vmem>>, vector<1x16xf32>,
      %swap3A_53 = vector.shape_cast %swap3A_52 : vector<1x16xf32> to vector<16xf32>
      %swap3A_54 = vector.shape_cast %broadcast_in_dim3A_5 : vector<16xf32> to vector<1x16xf32>
      tpu.vector_store %arg9[%swap3A_50, %swap3A_51], %swap3A_54 {strides = array<i32>} : memref<128x128xf32, #tpu.memory_space<vmem>>, vector<1x16xf32>,
      %swap3A_55 = arith.index_cast %scan3A_39 : i32 to index
      %swap3A_56 = arith.constant 48 : index
      %swap3A_57 = tpu.vector_load %arg9[%swap3A_55, %swap3A_56] {strides = array<i32>} : memref<128x128xf32, #tpu.memory_space<vmem>>, vector<1x16xf32>,
      %swap3A_58 = vector.shape_cast %swap3A_57 : vector<1x16xf32> to vector<16xf32>
      %swap3A_59 = vector.shape_cast %broadcast_in_dim3A_5 : vector<16xf32> to vector<1x16xf32>
      tpu.vector_store %arg9[%swap3A_55, %swap3A_56], %swap3A_59 {strides = array<i32>} : memref<128x128xf32, #tpu.memory_space<vmem>>, vector<1x16xf32>,
      %swap3A_60 = arith.index_cast %scan3A_39 : i32 to index
      %swap3A_61 = arith.constant 64 : index
      %swap3A_62 = tpu.vector_load %arg9[%swap3A_60, %swap3A_61] {strides = array<i32>} : memref<128x128xf32, #tpu.memory_space<vmem>>, vector<1x16xf32>,
      %swap3A_63 = vector.shape_cast %swap3A_62 : vector<1x16xf32> to vector<16xf32>
      %swap3A_64 = vector.shape_cast %broadcast_in_dim3A_5 : vector<16xf32> to vector<1x16xf32>
      tpu.vector_store %arg9[%swap3A_60, %swap3A_61], %swap3A_64 {strides = array<i32>} : memref<128x128xf32, #tpu.memory_space<vmem>>, vector<1x16xf32>,
      %swap3A_65 = arith.index_cast %scan3A_39 : i32 to index
      %swap3A_66 = arith.constant 80 : index
      %swap3A_67 = tpu.vector_load %arg9[%swap3A_65, %swap3A_66] {strides = array<i32>} : memref<128x128xf32, #tpu.memory_space<vmem>>, vector<1x16xf32>,
      %swap3A_68 = vector.shape_cast %swap3A_67 : vector<1x16xf32> to vector<16xf32>
      %swap3A_69 = vector.shape_cast %broadcast_in_dim3A_5 : vector<16xf32> to vector<1x16xf32>
      tpu.vector_store %arg9[%swap3A_65, %swap3A_66], %swap3A_69 {strides = array<i32>} : memref<128x128xf32, #tpu.memory_space<vmem>>, vector<1x16xf32>,
      %swap3A_70 = arith.index_cast %scan3A_39 : i32 to index
      %swap3A_71 = arith.constant 96 : index
      %swap3A_72 = tpu.vector_load %arg9[%swap3A_70, %swap3A_71] {strides = array<i32>} : memref<128x128xf32, #tpu.memory_space<vmem>>, vector<1x16xf32>,
      %swap3A_73 = vector.shape_cast %swap3A_72 : vector<1x16xf32> to vector<16xf32>
      %swap3A_74 = vector.shape_cast %broadcast_in_dim3A_5 : vector<16xf32> to vector<1x16xf32>
      tpu.vector_store %arg9[%swap3A_70, %swap3A_71], %swap3A_74 {strides = array<i32>} : memref<128x128xf32, #tpu.memory_space<vmem>>, vector<1x16xf32>,
      %swap3A_75 = arith.index_cast %scan3A_39 : i32 to index
      %swap3A_76 = arith.constant 112 : index
      %swap3A_77 = tpu.vector_load %arg9[%swap3A_75, %swap3A_76] {strides = array<i32>} : memref<128x128xf32, #tpu.memory_space<vmem>>, vector<1x16xf32>,
      %swap3A_78 = vector.shape_cast %swap3A_77 : vector<1x16xf32> to vector<16xf32>
      %swap3A_79 = vector.shape_cast %broadcast_in_dim3A_5 : vector<16xf32> to vector<1x16xf32>
      tpu.vector_store %arg9[%swap3A_75, %swap3A_76], %swap3A_79 {strides = array<i32>} : memref<128x128xf32, #tpu.memory_space<vmem>>, vector<1x16xf32>,
      %scan3A_80 = arith.constant 0 : i32
      scf.yield %scan3A_80 : i32
    }
    %scan3A_11 = arith.constant 128 : i32
    %mul3A_12 = arith.constant 632 : i32
    %mul3A_13 = arith.muli %arg1, %mul3A_12 : i32
    %add3A_14 = arith.constant 0 : i32
    %add3A_15 = arith.addi %mul3A_13, %add3A_14 : i32
    "tpu.region"() ({
      %run_scoped3A = tpu.sem_alloc : memref<!tpu.dma_semaphore, #tpu.memory_space<semaphore_mem>>
      %dma_start3A = arith.constant 0 : i32
      %dma_start3A_39 = tpu.memref_slice %arg11[%add3A_15, %dma_start3A] : memref<10112x128xf32, #tpu.memory_space<vmem_shared>> -> memref<128x128xf32, #tpu.memory_space<vmem_shared>>
      %dma_start3A_40 = arith.constant 0 : i32
      %dma_start3A_41 = tpu.memref_slice %arg11[%add3A_15, %dma_start3A_40] : memref<10112x128xf32, #tpu.memory_space<vmem_shared>> -> memref<128x128xf32, #tpu.memory_space<vmem_shared>>
      tpu.enqueue_dma source(%arg9 : memref<128x128xf32, #tpu.memory_space<vmem>>) target(%dma_start3A_41 : memref<128x128xf32, #tpu.memory_space<vmem_shared>>) target_semaphore(%run_scoped3A : memref<!tpu.dma_semaphore, #tpu.memory_space<semaphore_mem>>)
      %dma_wait3A = arith.constant 0 : i32
      %dma_wait3A_42 = tpu.memref_slice %arg11[%add3A_15, %dma_wait3A] : memref<10112x128xf32, #tpu.memory_space<vmem_shared>> -> memref<128x128xf32, #tpu.memory_space<vmem_shared>>
      %dma_wait3A_43 = arith.constant 0 : i32
      %dma_wait3A_44 = tpu.memref_slice %arg11[%add3A_15, %dma_wait3A_43] : memref<10112x128xf32, #tpu.memory_space<vmem_shared>> -> memref<128x128xf32, #tpu.memory_space<vmem_shared>>
      tpu.wait_dma2 semaphore(%run_scoped3A : memref<!tpu.dma_semaphore, #tpu.memory_space<semaphore_mem>>) src(%arg9 : memref<128x128xf32, #tpu.memory_space<vmem>>) dst(%dma_wait3A_44 : memref<128x128xf32, #tpu.memory_space<vmem_shared>>)
      tpu.yield
    }) : () -> ()
    %add3A_16 = arith.constant 128 : i32
    %add3A_17 = arith.addi %mul3A_13, %add3A_16 : i32
    "tpu.region"() ({
      %run_scoped3A = tpu.sem_alloc : memref<!tpu.dma_semaphore, #tpu.memory_space<semaphore_mem>>
      %dma_start3A = arith.constant 0 : i32
      %dma_start3A_39 = tpu.memref_slice %arg11[%add3A_17, %dma_start3A] : memref<10112x128xf32, #tpu.memory_space<vmem_shared>> -> memref<128x128xf32, #tpu.memory_space<vmem_shared>>
      %dma_start3A_40 = arith.constant 0 : i32
      %dma_start3A_41 = tpu.memref_slice %arg11[%add3A_17, %dma_start3A_40] : memref<10112x128xf32, #tpu.memory_space<vmem_shared>> -> memref<128x128xf32, #tpu.memory_space<vmem_shared>>
      tpu.enqueue_dma source(%arg9 : memref<128x128xf32, #tpu.memory_space<vmem>>) target(%dma_start3A_41 : memref<128x128xf32, #tpu.memory_space<vmem_shared>>) target_semaphore(%run_scoped3A : memref<!tpu.dma_semaphore, #tpu.memory_space<semaphore_mem>>)
      %dma_wait3A = arith.constant 0 : i32
      %dma_wait3A_42 = tpu.memref_slice %arg11[%add3A_17, %dma_wait3A] : memref<10112x128xf32, #tpu.memory_space<vmem_shared>> -> memref<128x128xf32, #tpu.memory_space<vmem_shared>>
      %dma_wait3A_43 = arith.constant 0 : i32
      %dma_wait3A_44 = tpu.memref_slice %arg11[%add3A_17, %dma_wait3A_43] : memref<10112x128xf32, #tpu.memory_space<vmem_shared>> -> memref<128x128xf32, #tpu.memory_space<vmem_shared>>
      tpu.wait_dma2 semaphore(%run_scoped3A : memref<!tpu.dma_semaphore, #tpu.memory_space<semaphore_mem>>) src(%arg9 : memref<128x128xf32, #tpu.memory_space<vmem>>) dst(%dma_wait3A_44 : memref<128x128xf32, #tpu.memory_space<vmem_shared>>)
      tpu.yield
    }) : () -> ()
    %add3A_18 = arith.constant 256 : i32
    %add3A_19 = arith.addi %mul3A_13, %add3A_18 : i32
    "tpu.region"() ({
      %run_scoped3A = tpu.sem_alloc : memref<!tpu.dma_semaphore, #tpu.memory_space<semaphore_mem>>
      %dma_start3A = arith.constant 0 : i32
      %dma_start3A_39 = tpu.memref_slice %arg11[%add3A_19, %dma_start3A] : memref<10112x128xf32, #tpu.memory_space<vmem_shared>> -> memref<128x128xf32, #tpu.memory_space<vmem_shared>>
      %dma_start3A_40 = arith.constant 0 : i32
      %dma_start3A_41 = tpu.memref_slice %arg11[%add3A_19, %dma_start3A_40] : memref<10112x128xf32, #tpu.memory_space<vmem_shared>> -> memref<128x128xf32, #tpu.memory_space<vmem_shared>>
      tpu.enqueue_dma source(%arg9 : memref<128x128xf32, #tpu.memory_space<vmem>>) target(%dma_start3A_41 : memref<128x128xf32, #tpu.memory_space<vmem_shared>>) target_semaphore(%run_scoped3A : memref<!tpu.dma_semaphore, #tpu.memory_space<semaphore_mem>>)
      %dma_wait3A = arith.constant 0 : i32
      %dma_wait3A_42 = tpu.memref_slice %arg11[%add3A_19, %dma_wait3A] : memref<10112x128xf32, #tpu.memory_space<vmem_shared>> -> memref<128x128xf32, #tpu.memory_space<vmem_shared>>
      %dma_wait3A_43 = arith.constant 0 : i32
      %dma_wait3A_44 = tpu.memref_slice %arg11[%add3A_19, %dma_wait3A_43] : memref<10112x128xf32, #tpu.memory_space<vmem_shared>> -> memref<128x128xf32, #tpu.memory_space<vmem_shared>>
      tpu.wait_dma2 semaphore(%run_scoped3A : memref<!tpu.dma_semaphore, #tpu.memory_space<semaphore_mem>>) src(%arg9 : memref<128x128xf32, #tpu.memory_space<vmem>>) dst(%dma_wait3A_44 : memref<128x128xf32, #tpu.memory_space<vmem_shared>>)
      tpu.yield
    }) : () -> ()
    %add3A_20 = arith.constant 384 : i32
    %add3A_21 = arith.addi %mul3A_13, %add3A_20 : i32
    "tpu.region"() ({
      %run_scoped3A = tpu.sem_alloc : memref<!tpu.dma_semaphore, #tpu.memory_space<semaphore_mem>>
      %dma_start3A = arith.constant 0 : i32
      %dma_start3A_39 = tpu.memref_slice %arg11[%add3A_21, %dma_start3A] : memref<10112x128xf32, #tpu.memory_space<vmem_shared>> -> memref<128x128xf32, #tpu.memory_space<vmem_shared>>
      %dma_start3A_40 = arith.constant 0 : i32
      %dma_start3A_41 = tpu.memref_slice %arg11[%add3A_21, %dma_start3A_40] : memref<10112x128xf32, #tpu.memory_space<vmem_shared>> -> memref<128x128xf32, #tpu.memory_space<vmem_shared>>
      tpu.enqueue_dma source(%arg9 : memref<128x128xf32, #tpu.memory_space<vmem>>) target(%dma_start3A_41 : memref<128x128xf32, #tpu.memory_space<vmem_shared>>) target_semaphore(%run_scoped3A : memref<!tpu.dma_semaphore, #tpu.memory_space<semaphore_mem>>)
      %dma_wait3A = arith.constant 0 : i32
      %dma_wait3A_42 = tpu.memref_slice %arg11[%add3A_21, %dma_wait3A] : memref<10112x128xf32, #tpu.memory_space<vmem_shared>> -> memref<128x128xf32, #tpu.memory_space<vmem_shared>>
      %dma_wait3A_43 = arith.constant 0 : i32
      %dma_wait3A_44 = tpu.memref_slice %arg11[%add3A_21, %dma_wait3A_43] : memref<10112x128xf32, #tpu.memory_space<vmem_shared>> -> memref<128x128xf32, #tpu.memory_space<vmem_shared>>
      tpu.wait_dma2 semaphore(%run_scoped3A : memref<!tpu.dma_semaphore, #tpu.memory_space<semaphore_mem>>) src(%arg9 : memref<128x128xf32, #tpu.memory_space<vmem>>) dst(%dma_wait3A_44 : memref<128x128xf32, #tpu.memory_space<vmem_shared>>)
      tpu.yield
    }) : () -> ()
    %add3A_22 = arith.constant 512 : i32
    %add3A_23 = arith.addi %mul3A_13, %add3A_22 : i32
    "tpu.region"() ({
      %run_scoped3A = tpu.sem_alloc : memref<!tpu.dma_semaphore, #tpu.memory_space<semaphore_mem>>
      %dma_start3A = arith.constant 0 : i32
      %dma_start3A_39 = arith.constant 0 : i32
      %dma_start3A_40 = tpu.memref_slice %arg9[%dma_start3A, %dma_start3A_39] : memref<128x128xf32, #tpu.memory_space<vmem>> -> memref<120x128xf32, #tpu.memory_space<vmem>>
      %dma_start3A_41 = arith.constant 0 : i32
      %dma_start3A_42 = tpu.memref_slice %arg11[%add3A_23, %dma_start3A_41] : memref<10112x128xf32, #tpu.memory_space<vmem_shared>> -> memref<120x128xf32, #tpu.memory_space<vmem_shared>>
      %dma_start3A_43 = arith.constant 0 : i32
      %dma_start3A_44 = tpu.memref_slice %arg11[%add3A_23, %dma_start3A_43] : memref<10112x128xf32, #tpu.memory_space<vmem_shared>> -> memref<120x128xf32, #tpu.memory_space<vmem_shared>>
      %dma_start3A_45 = arith.constant 0 : i32
      %dma_start3A_46 = arith.constant 0 : i32
      %dma_start3A_47 = tpu.memref_slice %arg9[%dma_start3A_45, %dma_start3A_46] : memref<128x128xf32, #tpu.memory_space<vmem>> -> memref<120x128xf32, #tpu.memory_space<vmem>>
      tpu.enqueue_dma source(%dma_start3A_47 : memref<120x128xf32, #tpu.memory_space<vmem>>) target(%dma_start3A_44 : memref<120x128xf32, #tpu.memory_space<vmem_shared>>) target_semaphore(%run_scoped3A : memref<!tpu.dma_semaphore, #tpu.memory_space<semaphore_mem>>)
      %dma_wait3A = arith.constant 0 : i32
      %dma_wait3A_48 = arith.constant 0 : i32
      %dma_wait3A_49 = tpu.memref_slice %arg9[%dma_wait3A, %dma_wait3A_48] : memref<128x128xf32, #tpu.memory_space<vmem>> -> memref<120x128xf32, #tpu.memory_space<vmem>>
      %dma_wait3A_50 = arith.constant 0 : i32
      %dma_wait3A_51 = tpu.memref_slice %arg11[%add3A_23, %dma_wait3A_50] : memref<10112x128xf32, #tpu.memory_space<vmem_shared>> -> memref<120x128xf32, #tpu.memory_space<vmem_shared>>
      %dma_wait3A_52 = arith.constant 0 : i32
      %dma_wait3A_53 = tpu.memref_slice %arg11[%add3A_23, %dma_wait3A_52] : memref<10112x128xf32, #tpu.memory_space<vmem_shared>> -> memref<120x128xf32, #tpu.memory_space<vmem_shared>>
      %dma_wait3A_54 = arith.constant 0 : i32
      %dma_wait3A_55 = arith.constant 0 : i32
      %dma_wait3A_56 = tpu.memref_slice %arg9[%dma_wait3A_54, %dma_wait3A_55] : memref<128x128xf32, #tpu.memory_space<vmem>> -> memref<120x128xf32, #tpu.memory_space<vmem>>
      tpu.wait_dma2 semaphore(%run_scoped3A : memref<!tpu.dma_semaphore, #tpu.memory_space<semaphore_mem>>) src(%dma_wait3A_56 : memref<120x128xf32, #tpu.memory_space<vmem>>) dst(%dma_wait3A_53 : memref<120x128xf32, #tpu.memory_space<vmem_shared>>)
      tpu.yield
    }) : () -> ()
    %barrier3A = arith.constant 0 : index
    tpu.barrier barrier_id(%barrier3A)
    %scan3A_24 = arith.constant 0 : i32
    %scan3A_25 = arith.constant 0 : i32
    %scan3A_26 = arith.constant 20 : i32
    %scan3A_27 = arith.addi %scan3A_25, %scan3A_26 : i32
    %scan3A_28 = arith.constant 1 : i32
    %scan3A_29 = scf.for %scan3A_39 = %scan3A_25 to %scan3A_27 step %scan3A_28 iter_args(%scan3A_40 = %scan3A_24) -> (i32)  : i32 {
      %mul3A_41 = arith.constant 2 : i32
      %mul3A_42 = arith.muli %scan3A_39, %mul3A_41 : i32
      %dma_start3A = arith.constant 0 : i32
      %dma_start3A_43 = tpu.memref_slice %arg7[%mul3A_42, %dma_start3A] : memref<40x128xi32, #tpu.memory_space<vmem>> -> memref<1x128xi32, #tpu.memory_space<vmem>>
      %dma_start3A_44 = tpu.memref_squeeze %dma_start3A_43 : memref<1x128xi32, #tpu.memory_space<vmem>> -> memref<128xi32, #tpu.memory_space<vmem>>
      %dma_start3A_45 = arith.constant 0 : i32
      %dma_start3A_46 = arith.constant 0 : i32
      %dma_start3A_47 = tpu.memref_slice %arg4[%dma_start3A_45, %dma_start3A_46] : memref<10000x128xf32, #tpu.memory_space<hbm>> -> memref<10000x128xf32, #tpu.memory_space<hbm>>
      tpu.enqueue_indirect_dma source(%dma_start3A_47 : memref<10000x128xf32, #tpu.memory_space<hbm>>) target(%arg9 : memref<128x128xf32, #tpu.memory_space<vmem>>) offsets(%dma_start3A_44 : memref<128xi32, #tpu.memory_space<vmem>>) semaphore(%arg12 : memref<!tpu.dma_semaphore, #tpu.memory_space<semaphore_mem>>)
      %add3A_48 = arith.constant 1 : i32
      %add3A_49 = arith.addi %mul3A_42, %add3A_48 : i32
      %dma_start3A_50 = arith.constant 0 : i32
      %dma_start3A_51 = tpu.memref_slice %arg7[%add3A_49, %dma_start3A_50] : memref<40x128xi32, #tpu.memory_space<vmem>> -> memref<1x128xi32, #tpu.memory_space<vmem>>
      %dma_start3A_52 = tpu.memref_squeeze %dma_start3A_51 : memref<1x128xi32, #tpu.memory_space<vmem>> -> memref<128xi32, #tpu.memory_space<vmem>>
      %dma_start3A_53 = arith.constant 0 : i32
      %dma_start3A_54 = arith.constant 0 : i32
      %dma_start3A_55 = tpu.memref_slice %arg4[%dma_start3A_53, %dma_start3A_54] : memref<10000x128xf32, #tpu.memory_space<hbm>> -> memref<10000x128xf32, #tpu.memory_space<hbm>>
      tpu.enqueue_indirect_dma source(%dma_start3A_55 : memref<10000x128xf32, #tpu.memory_space<hbm>>) target(%arg10 : memref<128x128xf32, #tpu.memory_space<vmem>>) offsets(%dma_start3A_52 : memref<128xi32, #tpu.memory_space<vmem>>) semaphore(%arg13 : memref<!tpu.dma_semaphore, #tpu.memory_space<semaphore_mem>>)
      %dma_wait3A = arith.constant 0 : i32
      %dma_wait3A_56 = tpu.memref_slice %arg7[%mul3A_42, %dma_wait3A] : memref<40x128xi32, #tpu.memory_space<vmem>> -> memref<1x128xi32, #tpu.memory_space<vmem>>
      %dma_wait3A_57 = tpu.memref_squeeze %dma_wait3A_56 : memref<1x128xi32, #tpu.memory_space<vmem>> -> memref<128xi32, #tpu.memory_space<vmem>>
      %dma_wait3A_58 = arith.constant 0 : i32
      %dma_wait3A_59 = arith.constant 0 : i32
      %dma_wait3A_60 = tpu.memref_slice %arg4[%dma_wait3A_58, %dma_wait3A_59] : memref<10000x128xf32, #tpu.memory_space<hbm>> -> memref<10000x128xf32, #tpu.memory_space<hbm>>
      tpu.wait_indirect_dma semaphore(%arg12 : memref<!tpu.dma_semaphore, #tpu.memory_space<semaphore_mem>>) src(%dma_wait3A_60 : memref<10000x128xf32, #tpu.memory_space<hbm>>) dst(%arg9 : memref<128x128xf32, #tpu.memory_space<vmem>>)
      "tpu.region"() ({
        %run_scoped3A = tpu.sem_alloc : memref<!tpu.dma_semaphore, #tpu.memory_space<semaphore_mem>>
        %dma_start3A_70 = arith.constant 0 : i32
        %dma_start3A_71 = tpu.memref_slice %arg8[%mul3A_42, %dma_start3A_70] : memref<40x128xi32, #tpu.memory_space<vmem>> -> memref<1x128xi32, #tpu.memory_space<vmem>>
        %dma_start3A_72 = tpu.memref_squeeze %dma_start3A_71 : memref<1x128xi32, #tpu.memory_space<vmem>> -> memref<128xi32, #tpu.memory_space<vmem>>
        %dma_start3A_73 = arith.constant 0 : i32
        %dma_start3A_74 = arith.constant 0 : i32
        %dma_start3A_75 = tpu.memref_slice %arg11[%dma_start3A_73, %dma_start3A_74] : memref<10112x128xf32, #tpu.memory_space<vmem_shared>> -> memref<10112x128xf32, #tpu.memory_space<vmem_shared>>
        tpu.enqueue_indirect_dma source(%arg9 : memref<128x128xf32, #tpu.memory_space<vmem>>) target(%dma_start3A_75 : memref<10112x128xf32, #tpu.memory_space<vmem_shared>>) offsets(%dma_start3A_72 : memref<128xi32, #tpu.memory_space<vmem>>) semaphore(%run_scoped3A : memref<!tpu.dma_semaphore, #tpu.memory_space<semaphore_mem>>) {add = true}
        %dma_wait3A_76 = arith.constant 0 : i32
        %dma_wait3A_77 = tpu.memref_slice %arg8[%mul3A_42, %dma_wait3A_76] : memref<40x128xi32, #tpu.memory_space<vmem>> -> memref<1x128xi32, #tpu.memory_space<vmem>>
        %dma_wait3A_78 = tpu.memref_squeeze %dma_wait3A_77 : memref<1x128xi32, #tpu.memory_space<vmem>> -> memref<128xi32, #tpu.memory_space<vmem>>
        %dma_wait3A_79 = arith.constant 0 : i32
        %dma_wait3A_80 = arith.constant 0 : i32
        %dma_wait3A_81 = tpu.memref_slice %arg11[%dma_wait3A_79, %dma_wait3A_80] : memref<10112x128xf32, #tpu.memory_space<vmem_shared>> -> memref<10112x128xf32, #tpu.memory_space<vmem_shared>>
        tpu.wait_indirect_dma semaphore(%run_scoped3A : memref<!tpu.dma_semaphore, #tpu.memory_space<semaphore_mem>>) src(%arg9 : memref<128x128xf32, #tpu.memory_space<vmem>>) dst(%dma_wait3A_81 : memref<10112x128xf32, #tpu.memory_space<vmem_shared>>)
        tpu.yield
      }) : () -> ()
      %dma_wait3A_61 = arith.constant 0 : i32
      %dma_wait3A_62 = tpu.memref_slice %arg7[%add3A_49, %dma_wait3A_61] : memref<40x128xi32, #tpu.memory_space<vmem>> -> memref<1x128xi32, #tpu.memory_space<vmem>>
      %dma_wait3A_63 = tpu.memref_squeeze %dma_wait3A_62 : memref<1x128xi32, #tpu.memory_space<vmem>> -> memref<128xi32, #tpu.memory_space<vmem>>
      %dma_wait3A_64 = arith.constant 0 : i32
      %dma_wait3A_65 = arith.constant 0 : i32
      %dma_wait3A_66 = tpu.memref_slice %arg4[%dma_wait3A_64, %dma_wait3A_65] : memref<10000x128xf32, #tpu.memory_space<hbm>> -> memref<10000x128xf32, #tpu.memory_space<hbm>>
      tpu.wait_indirect_dma semaphore(%arg13 : memref<!tpu.dma_semaphore, #tpu.memory_space<semaphore_mem>>) src(%dma_wait3A_66 : memref<10000x128xf32, #tpu.memory_space<hbm>>) dst(%arg10 : memref<128x128xf32, #tpu.memory_space<vmem>>)
      %add3A_67 = arith.constant 1 : i32
      %add3A_68 = arith.addi %mul3A_42, %add3A_67 : i32
      "tpu.region"() ({
        %run_scoped3A = tpu.sem_alloc : memref<!tpu.dma_semaphore, #tpu.memory_space<semaphore_mem>>
        %dma_start3A_70 = arith.constant 0 : i32
        %dma_start3A_71 = tpu.memref_slice %arg8[%add3A_68, %dma_start3A_70] : memref<40x128xi32, #tpu.memory_space<vmem>> -> memref<1x128xi32, #tpu.memory_space<vmem>>
        %dma_start3A_72 = tpu.memref_squeeze %dma_start3A_71 : memref<1x128xi32, #tpu.memory_space<vmem>> -> memref<128xi32, #tpu.memory_space<vmem>>
        %dma_start3A_73 = arith.constant 0 : i32
        %dma_start3A_74 = arith.constant 0 : i32
        %dma_start3A_75 = tpu.memref_slice %arg11[%dma_start3A_73, %dma_start3A_74] : memref<10112x128xf32, #tpu.memory_space<vmem_shared>> -> memref<10112x128xf32, #tpu.memory_space<vmem_shared>>
        tpu.enqueue_indirect_dma source(%arg10 : memref<128x128xf32, #tpu.memory_space<vmem>>) target(%dma_start3A_75 : memref<10112x128xf32, #tpu.memory_space<vmem_shared>>) offsets(%dma_start3A_72 : memref<128xi32, #tpu.memory_space<vmem>>) semaphore(%run_scoped3A : memref<!tpu.dma_semaphore, #tpu.memory_space<semaphore_mem>>) {add = true}
        %dma_wait3A_76 = arith.constant 0 : i32
        %dma_wait3A_77 = tpu.memref_slice %arg8[%add3A_68, %dma_wait3A_76] : memref<40x128xi32, #tpu.memory_space<vmem>> -> memref<1x128xi32, #tpu.memory_space<vmem>>
        %dma_wait3A_78 = tpu.memref_squeeze %dma_wait3A_77 : memref<1x128xi32, #tpu.memory_space<vmem>> -> memref<128xi32, #tpu.memory_space<vmem>>
        %dma_wait3A_79 = arith.constant 0 : i32
        %dma_wait3A_80 = arith.constant 0 : i32
        %dma_wait3A_81 = tpu.memref_slice %arg11[%dma_wait3A_79, %dma_wait3A_80] : memref<10112x128xf32, #tpu.memory_space<vmem_shared>> -> memref<10112x128xf32, #tpu.memory_space<vmem_shared>>
        tpu.wait_indirect_dma semaphore(%run_scoped3A : memref<!tpu.dma_semaphore, #tpu.memory_space<semaphore_mem>>) src(%arg10 : memref<128x128xf32, #tpu.memory_space<vmem>>) dst(%dma_wait3A_81 : memref<10112x128xf32, #tpu.memory_space<vmem_shared>>)
        tpu.yield
      }) : () -> ()
      %scan3A_69 = arith.constant 0 : i32
      scf.yield %scan3A_69 : i32
    }
    %scan3A_30 = arith.constant 20 : i32
    %barrier3A_31 = arith.constant 0 : index
    tpu.barrier barrier_id(%barrier3A_31)
    %eq3A = arith.constant 0 : i32
    %eq3A_32 = arith.cmpi eq, %arg0, %eq3A : i32
    %convert_element_type3A = arith.extui %eq3A_32 : i1 to i32
    %cond3A = arith.constant 0 : i32
    %cond3A_33 = arith.cmpi ne, %convert_element_type3A, %cond3A : i32
    scf.if %cond3A_33 {
      %mul3A_39 = arith.constant 632 : i32
      %mul3A_40 = arith.muli %arg1, %mul3A_39 : i32
      %mul3A_41 = arith.constant 632 : i32
      %mul3A_42 = arith.muli %arg1, %mul3A_41 : i32
      "tpu.region"() ({
        %run_scoped3A = tpu.sem_alloc : memref<!tpu.dma_semaphore, #tpu.memory_space<semaphore_mem>>
        %dma_start3A = arith.constant 0 : i32
        %dma_start3A_43 = tpu.memref_slice %arg5[%mul3A_42, %dma_start3A] : memref<10112x128xf32, #tpu.memory_space<hbm>> -> memref<632x128xf32, #tpu.memory_space<hbm>>
        %dma_start3A_44 = arith.constant 0 : i32
        %dma_start3A_45 = tpu.memref_slice %arg11[%mul3A_40, %dma_start3A_44] : memref<10112x128xf32, #tpu.memory_space<vmem_shared>> -> memref<632x128xf32, #tpu.memory_space<vmem_shared>>
        tpu.enqueue_dma source(%dma_start3A_45 : memref<632x128xf32, #tpu.memory_space<vmem_shared>>) target(%dma_start3A_43 : memref<632x128xf32, #tpu.memory_space<hbm>>) target_semaphore(%run_scoped3A : memref<!tpu.dma_semaphore, #tpu.memory_space<semaphore_mem>>)
        %dma_wait3A = arith.constant 0 : i32
        %dma_wait3A_46 = tpu.memref_slice %arg5[%mul3A_42, %dma_wait3A] : memref<10112x128xf32, #tpu.memory_space<hbm>> -> memref<632x128xf32, #tpu.memory_space<hbm>>
        %dma_wait3A_47 = arith.constant 0 : i32
        %dma_wait3A_48 = tpu.memref_slice %arg11[%mul3A_40, %dma_wait3A_47] : memref<10112x128xf32, #tpu.memory_space<vmem_shared>> -> memref<632x128xf32, #tpu.memory_space<vmem_shared>>
        tpu.wait_dma2 semaphore(%run_scoped3A : memref<!tpu.dma_semaphore, #tpu.memory_space<semaphore_mem>>) src(%dma_wait3A_48 : memref<632x128xf32, #tpu.memory_space<vmem_shared>>) dst(%dma_wait3A_46 : memref<632x128xf32, #tpu.memory_space<hbm>>)
        tpu.yield
      }) : () -> ()
    } else {
    }
    %eq3A_34 = arith.constant 1 : i32
    %eq3A_35 = arith.cmpi eq, %arg0, %eq3A_34 : i32
    %convert_element_type3A_36 = arith.extui %eq3A_35 : i1 to i32
    %cond3A_37 = arith.constant 0 : i32
    %cond3A_38 = arith.cmpi ne, %convert_element_type3A_36, %cond3A_37 : i32
    scf.if %cond3A_38 {
      %mul3A_39 = arith.constant 632 : i32
      %mul3A_40 = arith.muli %arg1, %mul3A_39 : i32
      %mul3A_41 = arith.constant 632 : i32
      %mul3A_42 = arith.muli %arg1, %mul3A_41 : i32
      "tpu.region"() ({
        %run_scoped3A = tpu.sem_alloc : memref<!tpu.dma_semaphore, #tpu.memory_space<semaphore_mem>>
        %dma_start3A = arith.constant 0 : i32
        %dma_start3A_43 = tpu.memref_slice %arg6[%mul3A_42, %dma_start3A] : memref<10112x128xf32, #tpu.memory_space<hbm>> -> memref<632x128xf32, #tpu.memory_space<hbm>>
        %dma_start3A_44 = arith.constant 0 : i32
        %dma_start3A_45 = tpu.memref_slice %arg11[%mul3A_40, %dma_start3A_44] : memref<10112x128xf32, #tpu.memory_space<vmem_shared>> -> memref<632x128xf32, #tpu.memory_space<vmem_shared>>
        tpu.enqueue_dma source(%dma_start3A_45 : memref<632x128xf32, #tpu.memory_space<vmem_shared>>) target(%dma_start3A_43 : memref<632x128xf32, #tpu.memory_space<hbm>>) target_semaphore(%run_scoped3A : memref<!tpu.dma_semaphore, #tpu.memory_space<semaphore_mem>>)
        %dma_wait3A = arith.constant 0 : i32
        %dma_wait3A_46 = tpu.memref_slice %arg6[%mul3A_42, %dma_wait3A] : memref<10112x128xf32, #tpu.memory_space<hbm>> -> memref<632x128xf32, #tpu.memory_space<hbm>>
        %dma_wait3A_47 = arith.constant 0 : i32
        %dma_wait3A_48 = tpu.memref_slice %arg11[%mul3A_40, %dma_wait3A_47] : memref<10112x128xf32, #tpu.memory_space<vmem_shared>> -> memref<632x128xf32, #tpu.memory_space<vmem_shared>>
        tpu.wait_dma2 semaphore(%run_scoped3A : memref<!tpu.dma_semaphore, #tpu.memory_space<semaphore_mem>>) src(%dma_wait3A_48 : memref<632x128xf32, #tpu.memory_space<vmem_shared>>) dst(%dma_wait3A_46 : memref<632x128xf32, #tpu.memory_space<hbm>>)
        tpu.yield
      }) : () -> ()
    } else {
    }
    return
  }
}

#map = affine_map<(d0, d1) -> (0, 0)>
module attributes {stable_mosaic.version = 14 : i64} {
  func.func @agg_kernel(%arg0: i32, %arg1: i32, %arg2: memref<1280x128xi32, #tpu.memory_space<hbm>>, %arg3: memref<1280x128xi32, #tpu.memory_space<hbm>>, %arg4: memref<10000x128xf32, #tpu.memory_space<hbm>>, %arg5: memref<10112x128xf32, #tpu.memory_space<hbm>>, %arg6: memref<10112x128xf32, #tpu.memory_space<hbm>>, %arg7: memref<40x128xi32, #tpu.memory_space<vmem>>, %arg8: memref<40x128xi32, #tpu.memory_space<vmem>>, %arg9: memref<128x128xf32, #tpu.memory_space<vmem>>, %arg10: memref<128x128xf32, #tpu.memory_space<vmem>>, %arg11: memref<10112x128xf32, #tpu.memory_space<vmem_shared>>, %arg12: memref<!tpu.dma_semaphore, #tpu.memory_space<semaphore_mem>>, %arg13: memref<!tpu.dma_semaphore, #tpu.memory_space<semaphore_mem>>) attributes {dimension_semantics = [#tpu.dimension_semantics<core_parallel>, #tpu.dimension_semantics<subcore_parallel>], iteration_bounds = array<i64: 2, 16>, scalar_prefetch = 0 : i64, scratch_operands = 7 : i64, tpu.core_type = #tpu.core_type<sc_vector_subcore>, window_params = [{transform_indices = #map}, {transform_indices = #map}, {transform_indices = #map}, {transform_indices = #map}, {transform_indices = #map}]} {
    %mul3A = arith.constant 16 : i32
    %mul3A_0 = arith.muli %arg0, %mul3A : i32
    %add3A = arith.addi %mul3A_0, %arg1 : i32
    %mul3A_1 = arith.constant 40 : i32
    %mul3A_2 = arith.muli %add3A, %mul3A_1 : i32
    "tpu.region"() ({
      %run_scoped3A = tpu.sem_alloc : memref<!tpu.dma_semaphore, #tpu.memory_space<semaphore_mem>>
      %dma_start3A = arith.constant 0 : i32
      %dma_start3A_39 = tpu.memref_slice %arg2[%mul3A_2, %dma_start3A] : memref<1280x128xi32, #tpu.memory_space<hbm>> -> memref<40x128xi32, #tpu.memory_space<hbm>>
      %dma_start3A_40 = arith.constant 0 : i32
      %dma_start3A_41 = tpu.memref_slice %arg2[%mul3A_2, %dma_start3A_40] : memref<1280x128xi32, #tpu.memory_space<hbm>> -> memref<40x128xi32, #tpu.memory_space<hbm>>
      tpu.enqueue_dma source(%dma_start3A_41 : memref<40x128xi32, #tpu.memory_space<hbm>>) target(%arg7 : memref<40x128xi32, #tpu.memory_space<vmem>>) target_semaphore(%run_scoped3A : memref<!tpu.dma_semaphore, #tpu.memory_space<semaphore_mem>>)
      %dma_wait3A = arith.constant 0 : i32
      %dma_wait3A_42 = tpu.memref_slice %arg2[%mul3A_2, %dma_wait3A] : memref<1280x128xi32, #tpu.memory_space<hbm>> -> memref<40x128xi32, #tpu.memory_space<hbm>>
      %dma_wait3A_43 = arith.constant 0 : i32
      %dma_wait3A_44 = tpu.memref_slice %arg2[%mul3A_2, %dma_wait3A_43] : memref<1280x128xi32, #tpu.memory_space<hbm>> -> memref<40x128xi32, #tpu.memory_space<hbm>>
      tpu.wait_dma2 semaphore(%run_scoped3A : memref<!tpu.dma_semaphore, #tpu.memory_space<semaphore_mem>>) src(%dma_wait3A_44 : memref<40x128xi32, #tpu.memory_space<hbm>>) dst(%arg7 : memref<40x128xi32, #tpu.memory_space<vmem>>)
      tpu.yield
    }) : () -> ()
    %mul3A_3 = arith.constant 40 : i32
    %mul3A_4 = arith.muli %add3A, %mul3A_3 : i32
    "tpu.region"() ({
      %run_scoped3A = tpu.sem_alloc : memref<!tpu.dma_semaphore, #tpu.memory_space<semaphore_mem>>
      %dma_start3A = arith.constant 0 : i32
      %dma_start3A_39 = tpu.memref_slice %arg3[%mul3A_4, %dma_start3A] : memref<1280x128xi32, #tpu.memory_space<hbm>> -> memref<40x128xi32, #tpu.memory_space<hbm>>
      %dma_start3A_40 = arith.constant 0 : i32
      %dma_start3A_41 = tpu.memref_slice %arg3[%mul3A_4, %dma_start3A_40] : memref<1280x128xi32, #tpu.memory_space<hbm>> -> memref<40x128xi32, #tpu.memory_space<hbm>>
      tpu.enqueue_dma source(%dma_start3A_41 : memref<40x128xi32, #tpu.memory_space<hbm>>) target(%arg8 : memref<40x128xi32, #tpu.memory_space<vmem>>) target_semaphore(%run_scoped3A : memref<!tpu.dma_semaphore, #tpu.memory_space<semaphore_mem>>)
      %dma_wait3A = arith.constant 0 : i32
      %dma_wait3A_42 = tpu.memref_slice %arg3[%mul3A_4, %dma_wait3A] : memref<1280x128xi32, #tpu.memory_space<hbm>> -> memref<40x128xi32, #tpu.memory_space<hbm>>
      %dma_wait3A_43 = arith.constant 0 : i32
      %dma_wait3A_44 = tpu.memref_slice %arg3[%mul3A_4, %dma_wait3A_43] : memref<1280x128xi32, #tpu.memory_space<hbm>> -> memref<40x128xi32, #tpu.memory_space<hbm>>
      tpu.wait_dma2 semaphore(%run_scoped3A : memref<!tpu.dma_semaphore, #tpu.memory_space<semaphore_mem>>) src(%dma_wait3A_44 : memref<40x128xi32, #tpu.memory_space<hbm>>) dst(%arg8 : memref<40x128xi32, #tpu.memory_space<vmem>>)
      tpu.yield
    }) : () -> ()
    %broadcast_in_dim3A = arith.constant 0.000000e+00 : f32
    %broadcast_in_dim3A_5 = vector.broadcast %broadcast_in_dim3A : f32 to vector<16xf32>
    %scan3A = arith.constant 0 : i32
    %scan3A_6 = arith.constant 0 : i32
    %scan3A_7 = arith.constant 128 : i32
    %scan3A_8 = arith.addi %scan3A_6, %scan3A_7 : i32
    %scan3A_9 = arith.constant 1 : i32
    %scan3A_10 = scf.for %scan3A_39 = %scan3A_6 to %scan3A_8 step %scan3A_9 iter_args(%scan3A_40 = %scan3A) -> (i32)  : i32 {
      %swap3A = arith.index_cast %scan3A_39 : i32 to index
      %swap3A_41 = arith.constant 0 : index
      %swap3A_42 = tpu.vector_load %arg9[%swap3A, %swap3A_41] {strides = array<i32>} : memref<128x128xf32, #tpu.memory_space<vmem>>, vector<1x16xf32>,
      %swap3A_43 = vector.shape_cast %swap3A_42 : vector<1x16xf32> to vector<16xf32>
      %swap3A_44 = vector.shape_cast %broadcast_in_dim3A_5 : vector<16xf32> to vector<1x16xf32>
      tpu.vector_store %arg9[%swap3A, %swap3A_41], %swap3A_44 {strides = array<i32>} : memref<128x128xf32, #tpu.memory_space<vmem>>, vector<1x16xf32>,
      %swap3A_45 = arith.index_cast %scan3A_39 : i32 to index
      %swap3A_46 = arith.constant 16 : index
      %swap3A_47 = tpu.vector_load %arg9[%swap3A_45, %swap3A_46] {strides = array<i32>} : memref<128x128xf32, #tpu.memory_space<vmem>>, vector<1x16xf32>,
      %swap3A_48 = vector.shape_cast %swap3A_47 : vector<1x16xf32> to vector<16xf32>
      %swap3A_49 = vector.shape_cast %broadcast_in_dim3A_5 : vector<16xf32> to vector<1x16xf32>
      tpu.vector_store %arg9[%swap3A_45, %swap3A_46], %swap3A_49 {strides = array<i32>} : memref<128x128xf32, #tpu.memory_space<vmem>>, vector<1x16xf32>,
      %swap3A_50 = arith.index_cast %scan3A_39 : i32 to index
      %swap3A_51 = arith.constant 32 : index
      %swap3A_52 = tpu.vector_load %arg9[%swap3A_50, %swap3A_51] {strides = array<i32>} : memref<128x128xf32, #tpu.memory_space<vmem>>, vector<1x16xf32>,
      %swap3A_53 = vector.shape_cast %swap3A_52 : vector<1x16xf32> to vector<16xf32>
      %swap3A_54 = vector.shape_cast %broadcast_in_dim3A_5 : vector<16xf32> to vector<1x16xf32>
      tpu.vector_store %arg9[%swap3A_50, %swap3A_51], %swap3A_54 {strides = array<i32>} : memref<128x128xf32, #tpu.memory_space<vmem>>, vector<1x16xf32>,
      %swap3A_55 = arith.index_cast %scan3A_39 : i32 to index
      %swap3A_56 = arith.constant 48 : index
      %swap3A_57 = tpu.vector_load %arg9[%swap3A_55, %swap3A_56] {strides = array<i32>} : memref<128x128xf32, #tpu.memory_space<vmem>>, vector<1x16xf32>,
      %swap3A_58 = vector.shape_cast %swap3A_57 : vector<1x16xf32> to vector<16xf32>
      %swap3A_59 = vector.shape_cast %broadcast_in_dim3A_5 : vector<16xf32> to vector<1x16xf32>
      tpu.vector_store %arg9[%swap3A_55, %swap3A_56], %swap3A_59 {strides = array<i32>} : memref<128x128xf32, #tpu.memory_space<vmem>>, vector<1x16xf32>,
      %swap3A_60 = arith.index_cast %scan3A_39 : i32 to index
      %swap3A_61 = arith.constant 64 : index
      %swap3A_62 = tpu.vector_load %arg9[%swap3A_60, %swap3A_61] {strides = array<i32>} : memref<128x128xf32, #tpu.memory_space<vmem>>, vector<1x16xf32>,
      %swap3A_63 = vector.shape_cast %swap3A_62 : vector<1x16xf32> to vector<16xf32>
      %swap3A_64 = vector.shape_cast %broadcast_in_dim3A_5 : vector<16xf32> to vector<1x16xf32>
      tpu.vector_store %arg9[%swap3A_60, %swap3A_61], %swap3A_64 {strides = array<i32>} : memref<128x128xf32, #tpu.memory_space<vmem>>, vector<1x16xf32>,
      %swap3A_65 = arith.index_cast %scan3A_39 : i32 to index
      %swap3A_66 = arith.constant 80 : index
      %swap3A_67 = tpu.vector_load %arg9[%swap3A_65, %swap3A_66] {strides = array<i32>} : memref<128x128xf32, #tpu.memory_space<vmem>>, vector<1x16xf32>,
      %swap3A_68 = vector.shape_cast %swap3A_67 : vector<1x16xf32> to vector<16xf32>
      %swap3A_69 = vector.shape_cast %broadcast_in_dim3A_5 : vector<16xf32> to vector<1x16xf32>
      tpu.vector_store %arg9[%swap3A_65, %swap3A_66], %swap3A_69 {strides = array<i32>} : memref<128x128xf32, #tpu.memory_space<vmem>>, vector<1x16xf32>,
      %swap3A_70 = arith.index_cast %scan3A_39 : i32 to index
      %swap3A_71 = arith.constant 96 : index
      %swap3A_72 = tpu.vector_load %arg9[%swap3A_70, %swap3A_71] {strides = array<i32>} : memref<128x128xf32, #tpu.memory_space<vmem>>, vector<1x16xf32>,
      %swap3A_73 = vector.shape_cast %swap3A_72 : vector<1x16xf32> to vector<16xf32>
      %swap3A_74 = vector.shape_cast %broadcast_in_dim3A_5 : vector<16xf32> to vector<1x16xf32>
      tpu.vector_store %arg9[%swap3A_70, %swap3A_71], %swap3A_74 {strides = array<i32>} : memref<128x128xf32, #tpu.memory_space<vmem>>, vector<1x16xf32>,
      %swap3A_75 = arith.index_cast %scan3A_39 : i32 to index
      %swap3A_76 = arith.constant 112 : index
      %swap3A_77 = tpu.vector_load %arg9[%swap3A_75, %swap3A_76] {strides = array<i32>} : memref<128x128xf32, #tpu.memory_space<vmem>>, vector<1x16xf32>,
      %swap3A_78 = vector.shape_cast %swap3A_77 : vector<1x16xf32> to vector<16xf32>
      %swap3A_79 = vector.shape_cast %broadcast_in_dim3A_5 : vector<16xf32> to vector<1x16xf32>
      tpu.vector_store %arg9[%swap3A_75, %swap3A_76], %swap3A_79 {strides = array<i32>} : memref<128x128xf32, #tpu.memory_space<vmem>>, vector<1x16xf32>,
      %scan3A_80 = arith.constant 0 : i32
      scf.yield %scan3A_80 : i32
    }
    %scan3A_11 = arith.constant 128 : i32
    %mul3A_12 = arith.constant 632 : i32
    %mul3A_13 = arith.muli %arg1, %mul3A_12 : i32
    %add3A_14 = arith.constant 0 : i32
    %add3A_15 = arith.addi %mul3A_13, %add3A_14 : i32
    "tpu.region"() ({
      %run_scoped3A = tpu.sem_alloc : memref<!tpu.dma_semaphore, #tpu.memory_space<semaphore_mem>>
      %dma_start3A = arith.constant 0 : i32
      %dma_start3A_39 = tpu.memref_slice %arg11[%add3A_15, %dma_start3A] : memref<10112x128xf32, #tpu.memory_space<vmem_shared>> -> memref<128x128xf32, #tpu.memory_space<vmem_shared>>
      %dma_start3A_40 = arith.constant 0 : i32
      %dma_start3A_41 = tpu.memref_slice %arg11[%add3A_15, %dma_start3A_40] : memref<10112x128xf32, #tpu.memory_space<vmem_shared>> -> memref<128x128xf32, #tpu.memory_space<vmem_shared>>
      tpu.enqueue_dma source(%arg9 : memref<128x128xf32, #tpu.memory_space<vmem>>) target(%dma_start3A_41 : memref<128x128xf32, #tpu.memory_space<vmem_shared>>) target_semaphore(%run_scoped3A : memref<!tpu.dma_semaphore, #tpu.memory_space<semaphore_mem>>)
      %dma_wait3A = arith.constant 0 : i32
      %dma_wait3A_42 = tpu.memref_slice %arg11[%add3A_15, %dma_wait3A] : memref<10112x128xf32, #tpu.memory_space<vmem_shared>> -> memref<128x128xf32, #tpu.memory_space<vmem_shared>>
      %dma_wait3A_43 = arith.constant 0 : i32
      %dma_wait3A_44 = tpu.memref_slice %arg11[%add3A_15, %dma_wait3A_43] : memref<10112x128xf32, #tpu.memory_space<vmem_shared>> -> memref<128x128xf32, #tpu.memory_space<vmem_shared>>
      tpu.wait_dma2 semaphore(%run_scoped3A : memref<!tpu.dma_semaphore, #tpu.memory_space<semaphore_mem>>) src(%arg9 : memref<128x128xf32, #tpu.memory_space<vmem>>) dst(%dma_wait3A_44 : memref<128x128xf32, #tpu.memory_space<vmem_shared>>)
      tpu.yield
    }) : () -> ()
    %add3A_16 = arith.constant 128 : i32
    %add3A_17 = arith.addi %mul3A_13, %add3A_16 : i32
    "tpu.region"() ({
      %run_scoped3A = tpu.sem_alloc : memref<!tpu.dma_semaphore, #tpu.memory_space<semaphore_mem>>
      %dma_start3A = arith.constant 0 : i32
      %dma_start3A_39 = tpu.memref_slice %arg11[%add3A_17, %dma_start3A] : memref<10112x128xf32, #tpu.memory_space<vmem_shared>> -> memref<128x128xf32, #tpu.memory_space<vmem_shared>>
      %dma_start3A_40 = arith.constant 0 : i32
      %dma_start3A_41 = tpu.memref_slice %arg11[%add3A_17, %dma_start3A_40] : memref<10112x128xf32, #tpu.memory_space<vmem_shared>> -> memref<128x128xf32, #tpu.memory_space<vmem_shared>>
      tpu.enqueue_dma source(%arg9 : memref<128x128xf32, #tpu.memory_space<vmem>>) target(%dma_start3A_41 : memref<128x128xf32, #tpu.memory_space<vmem_shared>>) target_semaphore(%run_scoped3A : memref<!tpu.dma_semaphore, #tpu.memory_space<semaphore_mem>>)
      %dma_wait3A = arith.constant 0 : i32
      %dma_wait3A_42 = tpu.memref_slice %arg11[%add3A_17, %dma_wait3A] : memref<10112x128xf32, #tpu.memory_space<vmem_shared>> -> memref<128x128xf32, #tpu.memory_space<vmem_shared>>
      %dma_wait3A_43 = arith.constant 0 : i32
      %dma_wait3A_44 = tpu.memref_slice %arg11[%add3A_17, %dma_wait3A_43] : memref<10112x128xf32, #tpu.memory_space<vmem_shared>> -> memref<128x128xf32, #tpu.memory_space<vmem_shared>>
      tpu.wait_dma2 semaphore(%run_scoped3A : memref<!tpu.dma_semaphore, #tpu.memory_space<semaphore_mem>>) src(%arg9 : memref<128x128xf32, #tpu.memory_space<vmem>>) dst(%dma_wait3A_44 : memref<128x128xf32, #tpu.memory_space<vmem_shared>>)
      tpu.yield
    }) : () -> ()
    %add3A_18 = arith.constant 256 : i32
    %add3A_19 = arith.addi %mul3A_13, %add3A_18 : i32
    "tpu.region"() ({
      %run_scoped3A = tpu.sem_alloc : memref<!tpu.dma_semaphore, #tpu.memory_space<semaphore_mem>>
      %dma_start3A = arith.constant 0 : i32
      %dma_start3A_39 = tpu.memref_slice %arg11[%add3A_19, %dma_start3A] : memref<10112x128xf32, #tpu.memory_space<vmem_shared>> -> memref<128x128xf32, #tpu.memory_space<vmem_shared>>
      %dma_start3A_40 = arith.constant 0 : i32
      %dma_start3A_41 = tpu.memref_slice %arg11[%add3A_19, %dma_start3A_40] : memref<10112x128xf32, #tpu.memory_space<vmem_shared>> -> memref<128x128xf32, #tpu.memory_space<vmem_shared>>
      tpu.enqueue_dma source(%arg9 : memref<128x128xf32, #tpu.memory_space<vmem>>) target(%dma_start3A_41 : memref<128x128xf32, #tpu.memory_space<vmem_shared>>) target_semaphore(%run_scoped3A : memref<!tpu.dma_semaphore, #tpu.memory_space<semaphore_mem>>)
      %dma_wait3A = arith.constant 0 : i32
      %dma_wait3A_42 = tpu.memref_slice %arg11[%add3A_19, %dma_wait3A] : memref<10112x128xf32, #tpu.memory_space<vmem_shared>> -> memref<128x128xf32, #tpu.memory_space<vmem_shared>>
      %dma_wait3A_43 = arith.constant 0 : i32
      %dma_wait3A_44 = tpu.memref_slice %arg11[%add3A_19, %dma_wait3A_43] : memref<10112x128xf32, #tpu.memory_space<vmem_shared>> -> memref<128x128xf32, #tpu.memory_space<vmem_shared>>
      tpu.wait_dma2 semaphore(%run_scoped3A : memref<!tpu.dma_semaphore, #tpu.memory_space<semaphore_mem>>) src(%arg9 : memref<128x128xf32, #tpu.memory_space<vmem>>) dst(%dma_wait3A_44 : memref<128x128xf32, #tpu.memory_space<vmem_shared>>)
      tpu.yield
    }) : () -> ()
    %add3A_20 = arith.constant 384 : i32
    %add3A_21 = arith.addi %mul3A_13, %add3A_20 : i32
    "tpu.region"() ({
      %run_scoped3A = tpu.sem_alloc : memref<!tpu.dma_semaphore, #tpu.memory_space<semaphore_mem>>
      %dma_start3A = arith.constant 0 : i32
      %dma_start3A_39 = tpu.memref_slice %arg11[%add3A_21, %dma_start3A] : memref<10112x128xf32, #tpu.memory_space<vmem_shared>> -> memref<128x128xf32, #tpu.memory_space<vmem_shared>>
      %dma_start3A_40 = arith.constant 0 : i32
      %dma_start3A_41 = tpu.memref_slice %arg11[%add3A_21, %dma_start3A_40] : memref<10112x128xf32, #tpu.memory_space<vmem_shared>> -> memref<128x128xf32, #tpu.memory_space<vmem_shared>>
      tpu.enqueue_dma source(%arg9 : memref<128x128xf32, #tpu.memory_space<vmem>>) target(%dma_start3A_41 : memref<128x128xf32, #tpu.memory_space<vmem_shared>>) target_semaphore(%run_scoped3A : memref<!tpu.dma_semaphore, #tpu.memory_space<semaphore_mem>>)
      %dma_wait3A = arith.constant 0 : i32
      %dma_wait3A_42 = tpu.memref_slice %arg11[%add3A_21, %dma_wait3A] : memref<10112x128xf32, #tpu.memory_space<vmem_shared>> -> memref<128x128xf32, #tpu.memory_space<vmem_shared>>
      %dma_wait3A_43 = arith.constant 0 : i32
      %dma_wait3A_44 = tpu.memref_slice %arg11[%add3A_21, %dma_wait3A_43] : memref<10112x128xf32, #tpu.memory_space<vmem_shared>> -> memref<128x128xf32, #tpu.memory_space<vmem_shared>>
      tpu.wait_dma2 semaphore(%run_scoped3A : memref<!tpu.dma_semaphore, #tpu.memory_space<semaphore_mem>>) src(%arg9 : memref<128x128xf32, #tpu.memory_space<vmem>>) dst(%dma_wait3A_44 : memref<128x128xf32, #tpu.memory_space<vmem_shared>>)
      tpu.yield
    }) : () -> ()
    %add3A_22 = arith.constant 512 : i32
    %add3A_23 = arith.addi %mul3A_13, %add3A_22 : i32
    "tpu.region"() ({
      %run_scoped3A = tpu.sem_alloc : memref<!tpu.dma_semaphore, #tpu.memory_space<semaphore_mem>>
      %dma_start3A = arith.constant 0 : i32
      %dma_start3A_39 = arith.constant 0 : i32
      %dma_start3A_40 = tpu.memref_slice %arg9[%dma_start3A, %dma_start3A_39] : memref<128x128xf32, #tpu.memory_space<vmem>> -> memref<120x128xf32, #tpu.memory_space<vmem>>
      %dma_start3A_41 = arith.constant 0 : i32
      %dma_start3A_42 = tpu.memref_slice %arg11[%add3A_23, %dma_start3A_41] : memref<10112x128xf32, #tpu.memory_space<vmem_shared>> -> memref<120x128xf32, #tpu.memory_space<vmem_shared>>
      %dma_start3A_43 = arith.constant 0 : i32
      %dma_start3A_44 = tpu.memref_slice %arg11[%add3A_23, %dma_start3A_43] : memref<10112x128xf32, #tpu.memory_space<vmem_shared>> -> memref<120x128xf32, #tpu.memory_space<vmem_shared>>
      %dma_start3A_45 = arith.constant 0 : i32
      %dma_start3A_46 = arith.constant 0 : i32
      %dma_start3A_47 = tpu.memref_slice %arg9[%dma_start3A_45, %dma_start3A_46] : memref<128x128xf32, #tpu.memory_space<vmem>> -> memref<120x128xf32, #tpu.memory_space<vmem>>
      tpu.enqueue_dma source(%dma_start3A_47 : memref<120x128xf32, #tpu.memory_space<vmem>>) target(%dma_start3A_44 : memref<120x128xf32, #tpu.memory_space<vmem_shared>>) target_semaphore(%run_scoped3A : memref<!tpu.dma_semaphore, #tpu.memory_space<semaphore_mem>>)
      %dma_wait3A = arith.constant 0 : i32
      %dma_wait3A_48 = arith.constant 0 : i32
      %dma_wait3A_49 = tpu.memref_slice %arg9[%dma_wait3A, %dma_wait3A_48] : memref<128x128xf32, #tpu.memory_space<vmem>> -> memref<120x128xf32, #tpu.memory_space<vmem>>
      %dma_wait3A_50 = arith.constant 0 : i32
      %dma_wait3A_51 = tpu.memref_slice %arg11[%add3A_23, %dma_wait3A_50] : memref<10112x128xf32, #tpu.memory_space<vmem_shared>> -> memref<120x128xf32, #tpu.memory_space<vmem_shared>>
      %dma_wait3A_52 = arith.constant 0 : i32
      %dma_wait3A_53 = tpu.memref_slice %arg11[%add3A_23, %dma_wait3A_52] : memref<10112x128xf32, #tpu.memory_space<vmem_shared>> -> memref<120x128xf32, #tpu.memory_space<vmem_shared>>
      %dma_wait3A_54 = arith.constant 0 : i32
      %dma_wait3A_55 = arith.constant 0 : i32
      %dma_wait3A_56 = tpu.memref_slice %arg9[%dma_wait3A_54, %dma_wait3A_55] : memref<128x128xf32, #tpu.memory_space<vmem>> -> memref<120x128xf32, #tpu.memory_space<vmem>>
      tpu.wait_dma2 semaphore(%run_scoped3A : memref<!tpu.dma_semaphore, #tpu.memory_space<semaphore_mem>>) src(%dma_wait3A_56 : memref<120x128xf32, #tpu.memory_space<vmem>>) dst(%dma_wait3A_53 : memref<120x128xf32, #tpu.memory_space<vmem_shared>>)
      tpu.yield
    }) : () -> ()
    %barrier3A = arith.constant 0 : index
    tpu.barrier barrier_id(%barrier3A)
    %scan3A_24 = arith.constant 0 : i32
    %scan3A_25 = arith.constant 0 : i32
    %scan3A_26 = arith.constant 20 : i32
    %scan3A_27 = arith.addi %scan3A_25, %scan3A_26 : i32
    %scan3A_28 = arith.constant 1 : i32
    %scan3A_29 = scf.for %scan3A_39 = %scan3A_25 to %scan3A_27 step %scan3A_28 iter_args(%scan3A_40 = %scan3A_24) -> (i32)  : i32 {
      %mul3A_41 = arith.constant 2 : i32
      %mul3A_42 = arith.muli %scan3A_39, %mul3A_41 : i32
      %dma_start3A = arith.constant 0 : i32
      %dma_start3A_43 = tpu.memref_slice %arg7[%mul3A_42, %dma_start3A] : memref<40x128xi32, #tpu.memory_space<vmem>> -> memref<1x128xi32, #tpu.memory_space<vmem>>
      %dma_start3A_44 = tpu.memref_squeeze %dma_start3A_43 : memref<1x128xi32, #tpu.memory_space<vmem>> -> memref<128xi32, #tpu.memory_space<vmem>>
      %dma_start3A_45 = arith.constant 0 : i32
      %dma_start3A_46 = arith.constant 0 : i32
      %dma_start3A_47 = tpu.memref_slice %arg4[%dma_start3A_45, %dma_start3A_46] : memref<10000x128xf32, #tpu.memory_space<hbm>> -> memref<10000x128xf32, #tpu.memory_space<hbm>>
      tpu.enqueue_indirect_dma source(%dma_start3A_47 : memref<10000x128xf32, #tpu.memory_space<hbm>>) target(%arg9 : memref<128x128xf32, #tpu.memory_space<vmem>>) offsets(%dma_start3A_44 : memref<128xi32, #tpu.memory_space<vmem>>) semaphore(%arg12 : memref<!tpu.dma_semaphore, #tpu.memory_space<semaphore_mem>>)
      %add3A_48 = arith.constant 1 : i32
      %add3A_49 = arith.addi %mul3A_42, %add3A_48 : i32
      %dma_start3A_50 = arith.constant 0 : i32
      %dma_start3A_51 = tpu.memref_slice %arg7[%add3A_49, %dma_start3A_50] : memref<40x128xi32, #tpu.memory_space<vmem>> -> memref<1x128xi32, #tpu.memory_space<vmem>>
      %dma_start3A_52 = tpu.memref_squeeze %dma_start3A_51 : memref<1x128xi32, #tpu.memory_space<vmem>> -> memref<128xi32, #tpu.memory_space<vmem>>
      %dma_start3A_53 = arith.constant 0 : i32
      %dma_start3A_54 = arith.constant 0 : i32
      %dma_start3A_55 = tpu.memref_slice %arg4[%dma_start3A_53, %dma_start3A_54] : memref<10000x128xf32, #tpu.memory_space<hbm>> -> memref<10000x128xf32, #tpu.memory_space<hbm>>
      tpu.enqueue_indirect_dma source(%dma_start3A_55 : memref<10000x128xf32, #tpu.memory_space<hbm>>) target(%arg10 : memref<128x128xf32, #tpu.memory_space<vmem>>) offsets(%dma_start3A_52 : memref<128xi32, #tpu.memory_space<vmem>>) semaphore(%arg13 : memref<!tpu.dma_semaphore, #tpu.memory_space<semaphore_mem>>)
      %dma_wait3A = arith.constant 0 : i32
      %dma_wait3A_56 = tpu.memref_slice %arg7[%mul3A_42, %dma_wait3A] : memref<40x128xi32, #tpu.memory_space<vmem>> -> memref<1x128xi32, #tpu.memory_space<vmem>>
      %dma_wait3A_57 = tpu.memref_squeeze %dma_wait3A_56 : memref<1x128xi32, #tpu.memory_space<vmem>> -> memref<128xi32, #tpu.memory_space<vmem>>
      %dma_wait3A_58 = arith.constant 0 : i32
      %dma_wait3A_59 = arith.constant 0 : i32
      %dma_wait3A_60 = tpu.memref_slice %arg4[%dma_wait3A_58, %dma_wait3A_59] : memref<10000x128xf32, #tpu.memory_space<hbm>> -> memref<10000x128xf32, #tpu.memory_space<hbm>>
      tpu.wait_indirect_dma semaphore(%arg12 : memref<!tpu.dma_semaphore, #tpu.memory_space<semaphore_mem>>) src(%dma_wait3A_60 : memref<10000x128xf32, #tpu.memory_space<hbm>>) dst(%arg9 : memref<128x128xf32, #tpu.memory_space<vmem>>)
      "tpu.region"() ({
        %run_scoped3A = tpu.sem_alloc : memref<!tpu.dma_semaphore, #tpu.memory_space<semaphore_mem>>
        %dma_start3A_70 = arith.constant 0 : i32
        %dma_start3A_71 = tpu.memref_slice %arg8[%mul3A_42, %dma_start3A_70] : memref<40x128xi32, #tpu.memory_space<vmem>> -> memref<1x128xi32, #tpu.memory_space<vmem>>
        %dma_start3A_72 = tpu.memref_squeeze %dma_start3A_71 : memref<1x128xi32, #tpu.memory_space<vmem>> -> memref<128xi32, #tpu.memory_space<vmem>>
        %dma_start3A_73 = arith.constant 0 : i32
        %dma_start3A_74 = arith.constant 0 : i32
        %dma_start3A_75 = tpu.memref_slice %arg11[%dma_start3A_73, %dma_start3A_74] : memref<10112x128xf32, #tpu.memory_space<vmem_shared>> -> memref<10112x128xf32, #tpu.memory_space<vmem_shared>>
        tpu.enqueue_indirect_dma source(%arg9 : memref<128x128xf32, #tpu.memory_space<vmem>>) target(%dma_start3A_75 : memref<10112x128xf32, #tpu.memory_space<vmem_shared>>) offsets(%dma_start3A_72 : memref<128xi32, #tpu.memory_space<vmem>>) semaphore(%run_scoped3A : memref<!tpu.dma_semaphore, #tpu.memory_space<semaphore_mem>>) {add = true}
        %dma_wait3A_76 = arith.constant 0 : i32
        %dma_wait3A_77 = tpu.memref_slice %arg8[%mul3A_42, %dma_wait3A_76] : memref<40x128xi32, #tpu.memory_space<vmem>> -> memref<1x128xi32, #tpu.memory_space<vmem>>
        %dma_wait3A_78 = tpu.memref_squeeze %dma_wait3A_77 : memref<1x128xi32, #tpu.memory_space<vmem>> -> memref<128xi32, #tpu.memory_space<vmem>>
        %dma_wait3A_79 = arith.constant 0 : i32
        %dma_wait3A_80 = arith.constant 0 : i32
        %dma_wait3A_81 = tpu.memref_slice %arg11[%dma_wait3A_79, %dma_wait3A_80] : memref<10112x128xf32, #tpu.memory_space<vmem_shared>> -> memref<10112x128xf32, #tpu.memory_space<vmem_shared>>
        tpu.wait_indirect_dma semaphore(%run_scoped3A : memref<!tpu.dma_semaphore, #tpu.memory_space<semaphore_mem>>) src(%arg9 : memref<128x128xf32, #tpu.memory_space<vmem>>) dst(%dma_wait3A_81 : memref<10112x128xf32, #tpu.memory_space<vmem_shared>>)
        tpu.yield
      }) : () -> ()
      %dma_wait3A_61 = arith.constant 0 : i32
      %dma_wait3A_62 = tpu.memref_slice %arg7[%add3A_49, %dma_wait3A_61] : memref<40x128xi32, #tpu.memory_space<vmem>> -> memref<1x128xi32, #tpu.memory_space<vmem>>
      %dma_wait3A_63 = tpu.memref_squeeze %dma_wait3A_62 : memref<1x128xi32, #tpu.memory_space<vmem>> -> memref<128xi32, #tpu.memory_space<vmem>>
      %dma_wait3A_64 = arith.constant 0 : i32
      %dma_wait3A_65 = arith.constant 0 : i32
      %dma_wait3A_66 = tpu.memref_slice %arg4[%dma_wait3A_64, %dma_wait3A_65] : memref<10000x128xf32, #tpu.memory_space<hbm>> -> memref<10000x128xf32, #tpu.memory_space<hbm>>
      tpu.wait_indirect_dma semaphore(%arg13 : memref<!tpu.dma_semaphore, #tpu.memory_space<semaphore_mem>>) src(%dma_wait3A_66 : memref<10000x128xf32, #tpu.memory_space<hbm>>) dst(%arg10 : memref<128x128xf32, #tpu.memory_space<vmem>>)
      %add3A_67 = arith.constant 1 : i32
      %add3A_68 = arith.addi %mul3A_42, %add3A_67 : i32
      "tpu.region"() ({
        %run_scoped3A = tpu.sem_alloc : memref<!tpu.dma_semaphore, #tpu.memory_space<semaphore_mem>>
        %dma_start3A_70 = arith.constant 0 : i32
        %dma_start3A_71 = tpu.memref_slice %arg8[%add3A_68, %dma_start3A_70] : memref<40x128xi32, #tpu.memory_space<vmem>> -> memref<1x128xi32, #tpu.memory_space<vmem>>
        %dma_start3A_72 = tpu.memref_squeeze %dma_start3A_71 : memref<1x128xi32, #tpu.memory_space<vmem>> -> memref<128xi32, #tpu.memory_space<vmem>>
        %dma_start3A_73 = arith.constant 0 : i32
        %dma_start3A_74 = arith.constant 0 : i32
        %dma_start3A_75 = tpu.memref_slice %arg11[%dma_start3A_73, %dma_start3A_74] : memref<10112x128xf32, #tpu.memory_space<vmem_shared>> -> memref<10112x128xf32, #tpu.memory_space<vmem_shared>>
        tpu.enqueue_indirect_dma source(%arg10 : memref<128x128xf32, #tpu.memory_space<vmem>>) target(%dma_start3A_75 : memref<10112x128xf32, #tpu.memory_space<vmem_shared>>) offsets(%dma_start3A_72 : memref<128xi32, #tpu.memory_space<vmem>>) semaphore(%run_scoped3A : memref<!tpu.dma_semaphore, #tpu.memory_space<semaphore_mem>>) {add = true}
        %dma_wait3A_76 = arith.constant 0 : i32
        %dma_wait3A_77 = tpu.memref_slice %arg8[%add3A_68, %dma_wait3A_76] : memref<40x128xi32, #tpu.memory_space<vmem>> -> memref<1x128xi32, #tpu.memory_space<vmem>>
        %dma_wait3A_78 = tpu.memref_squeeze %dma_wait3A_77 : memref<1x128xi32, #tpu.memory_space<vmem>> -> memref<128xi32, #tpu.memory_space<vmem>>
        %dma_wait3A_79 = arith.constant 0 : i32
        %dma_wait3A_80 = arith.constant 0 : i32
        %dma_wait3A_81 = tpu.memref_slice %arg11[%dma_wait3A_79, %dma_wait3A_80] : memref<10112x128xf32, #tpu.memory_space<vmem_shared>> -> memref<10112x128xf32, #tpu.memory_space<vmem_shared>>
        tpu.wait_indirect_dma semaphore(%run_scoped3A : memref<!tpu.dma_semaphore, #tpu.memory_space<semaphore_mem>>) src(%arg10 : memref<128x128xf32, #tpu.memory_space<vmem>>) dst(%dma_wait3A_81 : memref<10112x128xf32, #tpu.memory_space<vmem_shared>>)
        tpu.yield
      }) : () -> ()
      %scan3A_69 = arith.constant 0 : i32
      scf.yield %scan3A_69 : i32
    }
    %scan3A_30 = arith.constant 20 : i32
    %barrier3A_31 = arith.constant 0 : index
    tpu.barrier barrier_id(%barrier3A_31)
    %eq3A = arith.constant 0 : i32
    %eq3A_32 = arith.cmpi eq, %arg0, %eq3A : i32
    %convert_element_type3A = arith.extui %eq3A_32 : i1 to i32
    %cond3A = arith.constant 0 : i32
    %cond3A_33 = arith.cmpi ne, %convert_element_type3A, %cond3A : i32
    scf.if %cond3A_33 {
      %mul3A_39 = arith.constant 632 : i32
      %mul3A_40 = arith.muli %arg1, %mul3A_39 : i32
      %mul3A_41 = arith.constant 632 : i32
      %mul3A_42 = arith.muli %arg1, %mul3A_41 : i32
      "tpu.region"() ({
        %run_scoped3A = tpu.sem_alloc : memref<!tpu.dma_semaphore, #tpu.memory_space<semaphore_mem>>
        %dma_start3A = arith.constant 0 : i32
        %dma_start3A_43 = tpu.memref_slice %arg5[%mul3A_42, %dma_start3A] : memref<10112x128xf32, #tpu.memory_space<hbm>> -> memref<632x128xf32, #tpu.memory_space<hbm>>
        %dma_start3A_44 = arith.constant 0 : i32
        %dma_start3A_45 = tpu.memref_slice %arg11[%mul3A_40, %dma_start3A_44] : memref<10112x128xf32, #tpu.memory_space<vmem_shared>> -> memref<632x128xf32, #tpu.memory_space<vmem_shared>>
        tpu.enqueue_dma source(%dma_start3A_45 : memref<632x128xf32, #tpu.memory_space<vmem_shared>>) target(%dma_start3A_43 : memref<632x128xf32, #tpu.memory_space<hbm>>) target_semaphore(%run_scoped3A : memref<!tpu.dma_semaphore, #tpu.memory_space<semaphore_mem>>)
        %dma_wait3A = arith.constant 0 : i32
        %dma_wait3A_46 = tpu.memref_slice %arg5[%mul3A_42, %dma_wait3A] : memref<10112x128xf32, #tpu.memory_space<hbm>> -> memref<632x128xf32, #tpu.memory_space<hbm>>
        %dma_wait3A_47 = arith.constant 0 : i32
        %dma_wait3A_48 = tpu.memref_slice %arg11[%mul3A_40, %dma_wait3A_47] : memref<10112x128xf32, #tpu.memory_space<vmem_shared>> -> memref<632x128xf32, #tpu.memory_space<vmem_shared>>
        tpu.wait_dma2 semaphore(%run_scoped3A : memref<!tpu.dma_semaphore, #tpu.memory_space<semaphore_mem>>) src(%dma_wait3A_48 : memref<632x128xf32, #tpu.memory_space<vmem_shared>>) dst(%dma_wait3A_46 : memref<632x128xf32, #tpu.memory_space<hbm>>)
        tpu.yield
      }) : () -> ()
    } else {
    }
    %eq3A_34 = arith.constant 1 : i32
    %eq3A_35 = arith.cmpi eq, %arg0, %eq3A_34 : i32
    %convert_element_type3A_36 = arith.extui %eq3A_35 : i1 to i32
    %cond3A_37 = arith.constant 0 : i32
    %cond3A_38 = arith.cmpi ne, %convert_element_type3A_36, %cond3A_37 : i32
    scf.if %cond3A_38 {
      %mul3A_39 = arith.constant 632 : i32
      %mul3A_40 = arith.muli %arg1, %mul3A_39 : i32
      %mul3A_41 = arith.constant 632 : i32
      %mul3A_42 = arith.muli %arg1, %mul3A_41 : i32
      "tpu.region"() ({
        %run_scoped3A = tpu.sem_alloc : memref<!tpu.dma_semaphore, #tpu.memory_space<semaphore_mem>>
        %dma_start3A = arith.constant 0 : i32
        %dma_start3A_43 = tpu.memref_slice %arg6[%mul3A_42, %dma_start3A] : memref<10112x128xf32, #tpu.memory_space<hbm>> -> memref<632x128xf32, #tpu.memory_space<hbm>>
        %dma_start3A_44 = arith.constant 0 : i32
        %dma_start3A_45 = tpu.memref_slice %arg11[%mul3A_40, %dma_start3A_44] : memref<10112x128xf32, #tpu.memory_space<vmem_shared>> -> memref<632x128xf32, #tpu.memory_space<vmem_shared>>
        tpu.enqueue_dma source(%dma_start3A_45 : memref<632x128xf32, #tpu.memory_space<vmem_shared>>) target(%dma_start3A_43 : memref<632x128xf32, #tpu.memory_space<hbm>>) target_semaphore(%run_scoped3A : memref<!tpu.dma_semaphore, #tpu.memory_space<semaphore_mem>>)
        %dma_wait3A = arith.constant 0 : i32
        %dma_wait3A_46 = tpu.memref_slice %arg6[%mul3A_42, %dma_wait3A] : memref<10112x128xf32, #tpu.memory_space<hbm>> -> memref<632x128xf32, #tpu.memory_space<hbm>>
        %dma_wait3A_47 = arith.constant 0 : i32
        %dma_wait3A_48 = tpu.memref_slice %arg11[%mul3A_40, %dma_wait3A_47] : memref<10112x128xf32, #tpu.memory_space<vmem_shared>> -> memref<632x128xf32, #tpu.memory_space<vmem_shared>>
        tpu.wait_dma2 semaphore(%run_scoped3A : memref<!tpu.dma_semaphore, #tpu.memory_space<semaphore_mem>>) src(%dma_wait3A_48 : memref<632x128xf32, #tpu.memory_space<vmem_shared>>) dst(%dma_wait3A_46 : memref<632x128xf32, #tpu.memory_space<hbm>>)
        tpu.yield
      }) : () -> ()
    } else {
    }
    return
  }
}

#map = affine_map<(d0, d1) -> (0, 0)>
module attributes {stable_mosaic.version = 14 : i64} {
  func.func @agg_kernel(%arg0: i32, %arg1: i32, %arg2: memref<1280x128xi32, #tpu.memory_space<hbm>>, %arg3: memref<1280x128xi32, #tpu.memory_space<hbm>>, %arg4: memref<10000x128xf32, #tpu.memory_space<hbm>>, %arg5: memref<10112x128xf32, #tpu.memory_space<hbm>>, %arg6: memref<10112x128xf32, #tpu.memory_space<hbm>>, %arg7: memref<40x128xi32, #tpu.memory_space<vmem>>, %arg8: memref<40x128xi32, #tpu.memory_space<vmem>>, %arg9: memref<128x128xf32, #tpu.memory_space<vmem>>, %arg10: memref<128x128xf32, #tpu.memory_space<vmem>>, %arg11: memref<10112x128xf32, #tpu.memory_space<vmem_shared>>, %arg12: memref<!tpu.dma_semaphore, #tpu.memory_space<semaphore_mem>>, %arg13: memref<!tpu.dma_semaphore, #tpu.memory_space<semaphore_mem>>) attributes {dimension_semantics = [#tpu.dimension_semantics<core_parallel>, #tpu.dimension_semantics<subcore_parallel>], iteration_bounds = array<i64: 2, 16>, scalar_prefetch = 0 : i64, scratch_operands = 7 : i64, tpu.core_type = #tpu.core_type<sc_vector_subcore>, window_params = [{transform_indices = #map}, {transform_indices = #map}, {transform_indices = #map}, {transform_indices = #map}, {transform_indices = #map}]} {
    %mul3A = arith.constant 16 : i32
    %mul3A_0 = arith.muli %arg0, %mul3A : i32
    %add3A = arith.addi %mul3A_0, %arg1 : i32
    %mul3A_1 = arith.constant 40 : i32
    %mul3A_2 = arith.muli %add3A, %mul3A_1 : i32
    "tpu.region"() ({
      %run_scoped3A = tpu.sem_alloc : memref<!tpu.dma_semaphore, #tpu.memory_space<semaphore_mem>>
      %dma_start3A = arith.constant 0 : i32
      %dma_start3A_39 = tpu.memref_slice %arg2[%mul3A_2, %dma_start3A] : memref<1280x128xi32, #tpu.memory_space<hbm>> -> memref<40x128xi32, #tpu.memory_space<hbm>>
      %dma_start3A_40 = arith.constant 0 : i32
      %dma_start3A_41 = tpu.memref_slice %arg2[%mul3A_2, %dma_start3A_40] : memref<1280x128xi32, #tpu.memory_space<hbm>> -> memref<40x128xi32, #tpu.memory_space<hbm>>
      tpu.enqueue_dma source(%dma_start3A_41 : memref<40x128xi32, #tpu.memory_space<hbm>>) target(%arg7 : memref<40x128xi32, #tpu.memory_space<vmem>>) target_semaphore(%run_scoped3A : memref<!tpu.dma_semaphore, #tpu.memory_space<semaphore_mem>>)
      %dma_wait3A = arith.constant 0 : i32
      %dma_wait3A_42 = tpu.memref_slice %arg2[%mul3A_2, %dma_wait3A] : memref<1280x128xi32, #tpu.memory_space<hbm>> -> memref<40x128xi32, #tpu.memory_space<hbm>>
      %dma_wait3A_43 = arith.constant 0 : i32
      %dma_wait3A_44 = tpu.memref_slice %arg2[%mul3A_2, %dma_wait3A_43] : memref<1280x128xi32, #tpu.memory_space<hbm>> -> memref<40x128xi32, #tpu.memory_space<hbm>>
      tpu.wait_dma2 semaphore(%run_scoped3A : memref<!tpu.dma_semaphore, #tpu.memory_space<semaphore_mem>>) src(%dma_wait3A_44 : memref<40x128xi32, #tpu.memory_space<hbm>>) dst(%arg7 : memref<40x128xi32, #tpu.memory_space<vmem>>)
      tpu.yield
    }) : () -> ()
    %mul3A_3 = arith.constant 40 : i32
    %mul3A_4 = arith.muli %add3A, %mul3A_3 : i32
    "tpu.region"() ({
      %run_scoped3A = tpu.sem_alloc : memref<!tpu.dma_semaphore, #tpu.memory_space<semaphore_mem>>
      %dma_start3A = arith.constant 0 : i32
      %dma_start3A_39 = tpu.memref_slice %arg3[%mul3A_4, %dma_start3A] : memref<1280x128xi32, #tpu.memory_space<hbm>> -> memref<40x128xi32, #tpu.memory_space<hbm>>
      %dma_start3A_40 = arith.constant 0 : i32
      %dma_start3A_41 = tpu.memref_slice %arg3[%mul3A_4, %dma_start3A_40] : memref<1280x128xi32, #tpu.memory_space<hbm>> -> memref<40x128xi32, #tpu.memory_space<hbm>>
      tpu.enqueue_dma source(%dma_start3A_41 : memref<40x128xi32, #tpu.memory_space<hbm>>) target(%arg8 : memref<40x128xi32, #tpu.memory_space<vmem>>) target_semaphore(%run_scoped3A : memref<!tpu.dma_semaphore, #tpu.memory_space<semaphore_mem>>)
      %dma_wait3A = arith.constant 0 : i32
      %dma_wait3A_42 = tpu.memref_slice %arg3[%mul3A_4, %dma_wait3A] : memref<1280x128xi32, #tpu.memory_space<hbm>> -> memref<40x128xi32, #tpu.memory_space<hbm>>
      %dma_wait3A_43 = arith.constant 0 : i32
      %dma_wait3A_44 = tpu.memref_slice %arg3[%mul3A_4, %dma_wait3A_43] : memref<1280x128xi32, #tpu.memory_space<hbm>> -> memref<40x128xi32, #tpu.memory_space<hbm>>
      tpu.wait_dma2 semaphore(%run_scoped3A : memref<!tpu.dma_semaphore, #tpu.memory_space<semaphore_mem>>) src(%dma_wait3A_44 : memref<40x128xi32, #tpu.memory_space<hbm>>) dst(%arg8 : memref<40x128xi32, #tpu.memory_space<vmem>>)
      tpu.yield
    }) : () -> ()
    %broadcast_in_dim3A = arith.constant 0.000000e+00 : f32
    %broadcast_in_dim3A_5 = vector.broadcast %broadcast_in_dim3A : f32 to vector<16xf32>
    %scan3A = arith.constant 0 : i32
    %scan3A_6 = arith.constant 0 : i32
    %scan3A_7 = arith.constant 128 : i32
    %scan3A_8 = arith.addi %scan3A_6, %scan3A_7 : i32
    %scan3A_9 = arith.constant 1 : i32
    %scan3A_10 = scf.for %scan3A_39 = %scan3A_6 to %scan3A_8 step %scan3A_9 iter_args(%scan3A_40 = %scan3A) -> (i32)  : i32 {
      %swap3A = arith.index_cast %scan3A_39 : i32 to index
      %swap3A_41 = arith.constant 0 : index
      %swap3A_42 = tpu.vector_load %arg9[%swap3A, %swap3A_41] {strides = array<i32>} : memref<128x128xf32, #tpu.memory_space<vmem>>, vector<1x16xf32>,
      %swap3A_43 = vector.shape_cast %swap3A_42 : vector<1x16xf32> to vector<16xf32>
      %swap3A_44 = vector.shape_cast %broadcast_in_dim3A_5 : vector<16xf32> to vector<1x16xf32>
      tpu.vector_store %arg9[%swap3A, %swap3A_41], %swap3A_44 {strides = array<i32>} : memref<128x128xf32, #tpu.memory_space<vmem>>, vector<1x16xf32>,
      %swap3A_45 = arith.index_cast %scan3A_39 : i32 to index
      %swap3A_46 = arith.constant 16 : index
      %swap3A_47 = tpu.vector_load %arg9[%swap3A_45, %swap3A_46] {strides = array<i32>} : memref<128x128xf32, #tpu.memory_space<vmem>>, vector<1x16xf32>,
      %swap3A_48 = vector.shape_cast %swap3A_47 : vector<1x16xf32> to vector<16xf32>
      %swap3A_49 = vector.shape_cast %broadcast_in_dim3A_5 : vector<16xf32> to vector<1x16xf32>
      tpu.vector_store %arg9[%swap3A_45, %swap3A_46], %swap3A_49 {strides = array<i32>} : memref<128x128xf32, #tpu.memory_space<vmem>>, vector<1x16xf32>,
      %swap3A_50 = arith.index_cast %scan3A_39 : i32 to index
      %swap3A_51 = arith.constant 32 : index
      %swap3A_52 = tpu.vector_load %arg9[%swap3A_50, %swap3A_51] {strides = array<i32>} : memref<128x128xf32, #tpu.memory_space<vmem>>, vector<1x16xf32>,
      %swap3A_53 = vector.shape_cast %swap3A_52 : vector<1x16xf32> to vector<16xf32>
      %swap3A_54 = vector.shape_cast %broadcast_in_dim3A_5 : vector<16xf32> to vector<1x16xf32>
      tpu.vector_store %arg9[%swap3A_50, %swap3A_51], %swap3A_54 {strides = array<i32>} : memref<128x128xf32, #tpu.memory_space<vmem>>, vector<1x16xf32>,
      %swap3A_55 = arith.index_cast %scan3A_39 : i32 to index
      %swap3A_56 = arith.constant 48 : index
      %swap3A_57 = tpu.vector_load %arg9[%swap3A_55, %swap3A_56] {strides = array<i32>} : memref<128x128xf32, #tpu.memory_space<vmem>>, vector<1x16xf32>,
      %swap3A_58 = vector.shape_cast %swap3A_57 : vector<1x16xf32> to vector<16xf32>
      %swap3A_59 = vector.shape_cast %broadcast_in_dim3A_5 : vector<16xf32> to vector<1x16xf32>
      tpu.vector_store %arg9[%swap3A_55, %swap3A_56], %swap3A_59 {strides = array<i32>} : memref<128x128xf32, #tpu.memory_space<vmem>>, vector<1x16xf32>,
      %swap3A_60 = arith.index_cast %scan3A_39 : i32 to index
      %swap3A_61 = arith.constant 64 : index
      %swap3A_62 = tpu.vector_load %arg9[%swap3A_60, %swap3A_61] {strides = array<i32>} : memref<128x128xf32, #tpu.memory_space<vmem>>, vector<1x16xf32>,
      %swap3A_63 = vector.shape_cast %swap3A_62 : vector<1x16xf32> to vector<16xf32>
      %swap3A_64 = vector.shape_cast %broadcast_in_dim3A_5 : vector<16xf32> to vector<1x16xf32>
      tpu.vector_store %arg9[%swap3A_60, %swap3A_61], %swap3A_64 {strides = array<i32>} : memref<128x128xf32, #tpu.memory_space<vmem>>, vector<1x16xf32>,
      %swap3A_65 = arith.index_cast %scan3A_39 : i32 to index
      %swap3A_66 = arith.constant 80 : index
      %swap3A_67 = tpu.vector_load %arg9[%swap3A_65, %swap3A_66] {strides = array<i32>} : memref<128x128xf32, #tpu.memory_space<vmem>>, vector<1x16xf32>,
      %swap3A_68 = vector.shape_cast %swap3A_67 : vector<1x16xf32> to vector<16xf32>
      %swap3A_69 = vector.shape_cast %broadcast_in_dim3A_5 : vector<16xf32> to vector<1x16xf32>
      tpu.vector_store %arg9[%swap3A_65, %swap3A_66], %swap3A_69 {strides = array<i32>} : memref<128x128xf32, #tpu.memory_space<vmem>>, vector<1x16xf32>,
      %swap3A_70 = arith.index_cast %scan3A_39 : i32 to index
      %swap3A_71 = arith.constant 96 : index
      %swap3A_72 = tpu.vector_load %arg9[%swap3A_70, %swap3A_71] {strides = array<i32>} : memref<128x128xf32, #tpu.memory_space<vmem>>, vector<1x16xf32>,
      %swap3A_73 = vector.shape_cast %swap3A_72 : vector<1x16xf32> to vector<16xf32>
      %swap3A_74 = vector.shape_cast %broadcast_in_dim3A_5 : vector<16xf32> to vector<1x16xf32>
      tpu.vector_store %arg9[%swap3A_70, %swap3A_71], %swap3A_74 {strides = array<i32>} : memref<128x128xf32, #tpu.memory_space<vmem>>, vector<1x16xf32>,
      %swap3A_75 = arith.index_cast %scan3A_39 : i32 to index
      %swap3A_76 = arith.constant 112 : index
      %swap3A_77 = tpu.vector_load %arg9[%swap3A_75, %swap3A_76] {strides = array<i32>} : memref<128x128xf32, #tpu.memory_space<vmem>>, vector<1x16xf32>,
      %swap3A_78 = vector.shape_cast %swap3A_77 : vector<1x16xf32> to vector<16xf32>
      %swap3A_79 = vector.shape_cast %broadcast_in_dim3A_5 : vector<16xf32> to vector<1x16xf32>
      tpu.vector_store %arg9[%swap3A_75, %swap3A_76], %swap3A_79 {strides = array<i32>} : memref<128x128xf32, #tpu.memory_space<vmem>>, vector<1x16xf32>,
      %scan3A_80 = arith.constant 0 : i32
      scf.yield %scan3A_80 : i32
    }
    %scan3A_11 = arith.constant 128 : i32
    %mul3A_12 = arith.constant 632 : i32
    %mul3A_13 = arith.muli %arg1, %mul3A_12 : i32
    %add3A_14 = arith.constant 0 : i32
    %add3A_15 = arith.addi %mul3A_13, %add3A_14 : i32
    "tpu.region"() ({
      %run_scoped3A = tpu.sem_alloc : memref<!tpu.dma_semaphore, #tpu.memory_space<semaphore_mem>>
      %dma_start3A = arith.constant 0 : i32
      %dma_start3A_39 = tpu.memref_slice %arg11[%add3A_15, %dma_start3A] : memref<10112x128xf32, #tpu.memory_space<vmem_shared>> -> memref<128x128xf32, #tpu.memory_space<vmem_shared>>
      %dma_start3A_40 = arith.constant 0 : i32
      %dma_start3A_41 = tpu.memref_slice %arg11[%add3A_15, %dma_start3A_40] : memref<10112x128xf32, #tpu.memory_space<vmem_shared>> -> memref<128x128xf32, #tpu.memory_space<vmem_shared>>
      tpu.enqueue_dma source(%arg9 : memref<128x128xf32, #tpu.memory_space<vmem>>) target(%dma_start3A_41 : memref<128x128xf32, #tpu.memory_space<vmem_shared>>) target_semaphore(%run_scoped3A : memref<!tpu.dma_semaphore, #tpu.memory_space<semaphore_mem>>)
      %dma_wait3A = arith.constant 0 : i32
      %dma_wait3A_42 = tpu.memref_slice %arg11[%add3A_15, %dma_wait3A] : memref<10112x128xf32, #tpu.memory_space<vmem_shared>> -> memref<128x128xf32, #tpu.memory_space<vmem_shared>>
      %dma_wait3A_43 = arith.constant 0 : i32
      %dma_wait3A_44 = tpu.memref_slice %arg11[%add3A_15, %dma_wait3A_43] : memref<10112x128xf32, #tpu.memory_space<vmem_shared>> -> memref<128x128xf32, #tpu.memory_space<vmem_shared>>
      tpu.wait_dma2 semaphore(%run_scoped3A : memref<!tpu.dma_semaphore, #tpu.memory_space<semaphore_mem>>) src(%arg9 : memref<128x128xf32, #tpu.memory_space<vmem>>) dst(%dma_wait3A_44 : memref<128x128xf32, #tpu.memory_space<vmem_shared>>)
      tpu.yield
    }) : () -> ()
    %add3A_16 = arith.constant 128 : i32
    %add3A_17 = arith.addi %mul3A_13, %add3A_16 : i32
    "tpu.region"() ({
      %run_scoped3A = tpu.sem_alloc : memref<!tpu.dma_semaphore, #tpu.memory_space<semaphore_mem>>
      %dma_start3A = arith.constant 0 : i32
      %dma_start3A_39 = tpu.memref_slice %arg11[%add3A_17, %dma_start3A] : memref<10112x128xf32, #tpu.memory_space<vmem_shared>> -> memref<128x128xf32, #tpu.memory_space<vmem_shared>>
      %dma_start3A_40 = arith.constant 0 : i32
      %dma_start3A_41 = tpu.memref_slice %arg11[%add3A_17, %dma_start3A_40] : memref<10112x128xf32, #tpu.memory_space<vmem_shared>> -> memref<128x128xf32, #tpu.memory_space<vmem_shared>>
      tpu.enqueue_dma source(%arg9 : memref<128x128xf32, #tpu.memory_space<vmem>>) target(%dma_start3A_41 : memref<128x128xf32, #tpu.memory_space<vmem_shared>>) target_semaphore(%run_scoped3A : memref<!tpu.dma_semaphore, #tpu.memory_space<semaphore_mem>>)
      %dma_wait3A = arith.constant 0 : i32
      %dma_wait3A_42 = tpu.memref_slice %arg11[%add3A_17, %dma_wait3A] : memref<10112x128xf32, #tpu.memory_space<vmem_shared>> -> memref<128x128xf32, #tpu.memory_space<vmem_shared>>
      %dma_wait3A_43 = arith.constant 0 : i32
      %dma_wait3A_44 = tpu.memref_slice %arg11[%add3A_17, %dma_wait3A_43] : memref<10112x128xf32, #tpu.memory_space<vmem_shared>> -> memref<128x128xf32, #tpu.memory_space<vmem_shared>>
      tpu.wait_dma2 semaphore(%run_scoped3A : memref<!tpu.dma_semaphore, #tpu.memory_space<semaphore_mem>>) src(%arg9 : memref<128x128xf32, #tpu.memory_space<vmem>>) dst(%dma_wait3A_44 : memref<128x128xf32, #tpu.memory_space<vmem_shared>>)
      tpu.yield
    }) : () -> ()
    %add3A_18 = arith.constant 256 : i32
    %add3A_19 = arith.addi %mul3A_13, %add3A_18 : i32
    "tpu.region"() ({
      %run_scoped3A = tpu.sem_alloc : memref<!tpu.dma_semaphore, #tpu.memory_space<semaphore_mem>>
      %dma_start3A = arith.constant 0 : i32
      %dma_start3A_39 = tpu.memref_slice %arg11[%add3A_19, %dma_start3A] : memref<10112x128xf32, #tpu.memory_space<vmem_shared>> -> memref<128x128xf32, #tpu.memory_space<vmem_shared>>
      %dma_start3A_40 = arith.constant 0 : i32
      %dma_start3A_41 = tpu.memref_slice %arg11[%add3A_19, %dma_start3A_40] : memref<10112x128xf32, #tpu.memory_space<vmem_shared>> -> memref<128x128xf32, #tpu.memory_space<vmem_shared>>
      tpu.enqueue_dma source(%arg9 : memref<128x128xf32, #tpu.memory_space<vmem>>) target(%dma_start3A_41 : memref<128x128xf32, #tpu.memory_space<vmem_shared>>) target_semaphore(%run_scoped3A : memref<!tpu.dma_semaphore, #tpu.memory_space<semaphore_mem>>)
      %dma_wait3A = arith.constant 0 : i32
      %dma_wait3A_42 = tpu.memref_slice %arg11[%add3A_19, %dma_wait3A] : memref<10112x128xf32, #tpu.memory_space<vmem_shared>> -> memref<128x128xf32, #tpu.memory_space<vmem_shared>>
      %dma_wait3A_43 = arith.constant 0 : i32
      %dma_wait3A_44 = tpu.memref_slice %arg11[%add3A_19, %dma_wait3A_43] : memref<10112x128xf32, #tpu.memory_space<vmem_shared>> -> memref<128x128xf32, #tpu.memory_space<vmem_shared>>
      tpu.wait_dma2 semaphore(%run_scoped3A : memref<!tpu.dma_semaphore, #tpu.memory_space<semaphore_mem>>) src(%arg9 : memref<128x128xf32, #tpu.memory_space<vmem>>) dst(%dma_wait3A_44 : memref<128x128xf32, #tpu.memory_space<vmem_shared>>)
      tpu.yield
    }) : () -> ()
    %add3A_20 = arith.constant 384 : i32
    %add3A_21 = arith.addi %mul3A_13, %add3A_20 : i32
    "tpu.region"() ({
      %run_scoped3A = tpu.sem_alloc : memref<!tpu.dma_semaphore, #tpu.memory_space<semaphore_mem>>
      %dma_start3A = arith.constant 0 : i32
      %dma_start3A_39 = tpu.memref_slice %arg11[%add3A_21, %dma_start3A] : memref<10112x128xf32, #tpu.memory_space<vmem_shared>> -> memref<128x128xf32, #tpu.memory_space<vmem_shared>>
      %dma_start3A_40 = arith.constant 0 : i32
      %dma_start3A_41 = tpu.memref_slice %arg11[%add3A_21, %dma_start3A_40] : memref<10112x128xf32, #tpu.memory_space<vmem_shared>> -> memref<128x128xf32, #tpu.memory_space<vmem_shared>>
      tpu.enqueue_dma source(%arg9 : memref<128x128xf32, #tpu.memory_space<vmem>>) target(%dma_start3A_41 : memref<128x128xf32, #tpu.memory_space<vmem_shared>>) target_semaphore(%run_scoped3A : memref<!tpu.dma_semaphore, #tpu.memory_space<semaphore_mem>>)
      %dma_wait3A = arith.constant 0 : i32
      %dma_wait3A_42 = tpu.memref_slice %arg11[%add3A_21, %dma_wait3A] : memref<10112x128xf32, #tpu.memory_space<vmem_shared>> -> memref<128x128xf32, #tpu.memory_space<vmem_shared>>
      %dma_wait3A_43 = arith.constant 0 : i32
      %dma_wait3A_44 = tpu.memref_slice %arg11[%add3A_21, %dma_wait3A_43] : memref<10112x128xf32, #tpu.memory_space<vmem_shared>> -> memref<128x128xf32, #tpu.memory_space<vmem_shared>>
      tpu.wait_dma2 semaphore(%run_scoped3A : memref<!tpu.dma_semaphore, #tpu.memory_space<semaphore_mem>>) src(%arg9 : memref<128x128xf32, #tpu.memory_space<vmem>>) dst(%dma_wait3A_44 : memref<128x128xf32, #tpu.memory_space<vmem_shared>>)
      tpu.yield
    }) : () -> ()
    %add3A_22 = arith.constant 512 : i32
    %add3A_23 = arith.addi %mul3A_13, %add3A_22 : i32
    "tpu.region"() ({
      %run_scoped3A = tpu.sem_alloc : memref<!tpu.dma_semaphore, #tpu.memory_space<semaphore_mem>>
      %dma_start3A = arith.constant 0 : i32
      %dma_start3A_39 = arith.constant 0 : i32
      %dma_start3A_40 = tpu.memref_slice %arg9[%dma_start3A, %dma_start3A_39] : memref<128x128xf32, #tpu.memory_space<vmem>> -> memref<120x128xf32, #tpu.memory_space<vmem>>
      %dma_start3A_41 = arith.constant 0 : i32
      %dma_start3A_42 = tpu.memref_slice %arg11[%add3A_23, %dma_start3A_41] : memref<10112x128xf32, #tpu.memory_space<vmem_shared>> -> memref<120x128xf32, #tpu.memory_space<vmem_shared>>
      %dma_start3A_43 = arith.constant 0 : i32
      %dma_start3A_44 = tpu.memref_slice %arg11[%add3A_23, %dma_start3A_43] : memref<10112x128xf32, #tpu.memory_space<vmem_shared>> -> memref<120x128xf32, #tpu.memory_space<vmem_shared>>
      %dma_start3A_45 = arith.constant 0 : i32
      %dma_start3A_46 = arith.constant 0 : i32
      %dma_start3A_47 = tpu.memref_slice %arg9[%dma_start3A_45, %dma_start3A_46] : memref<128x128xf32, #tpu.memory_space<vmem>> -> memref<120x128xf32, #tpu.memory_space<vmem>>
      tpu.enqueue_dma source(%dma_start3A_47 : memref<120x128xf32, #tpu.memory_space<vmem>>) target(%dma_start3A_44 : memref<120x128xf32, #tpu.memory_space<vmem_shared>>) target_semaphore(%run_scoped3A : memref<!tpu.dma_semaphore, #tpu.memory_space<semaphore_mem>>)
      %dma_wait3A = arith.constant 0 : i32
      %dma_wait3A_48 = arith.constant 0 : i32
      %dma_wait3A_49 = tpu.memref_slice %arg9[%dma_wait3A, %dma_wait3A_48] : memref<128x128xf32, #tpu.memory_space<vmem>> -> memref<120x128xf32, #tpu.memory_space<vmem>>
      %dma_wait3A_50 = arith.constant 0 : i32
      %dma_wait3A_51 = tpu.memref_slice %arg11[%add3A_23, %dma_wait3A_50] : memref<10112x128xf32, #tpu.memory_space<vmem_shared>> -> memref<120x128xf32, #tpu.memory_space<vmem_shared>>
      %dma_wait3A_52 = arith.constant 0 : i32
      %dma_wait3A_53 = tpu.memref_slice %arg11[%add3A_23, %dma_wait3A_52] : memref<10112x128xf32, #tpu.memory_space<vmem_shared>> -> memref<120x128xf32, #tpu.memory_space<vmem_shared>>
      %dma_wait3A_54 = arith.constant 0 : i32
      %dma_wait3A_55 = arith.constant 0 : i32
      %dma_wait3A_56 = tpu.memref_slice %arg9[%dma_wait3A_54, %dma_wait3A_55] : memref<128x128xf32, #tpu.memory_space<vmem>> -> memref<120x128xf32, #tpu.memory_space<vmem>>
      tpu.wait_dma2 semaphore(%run_scoped3A : memref<!tpu.dma_semaphore, #tpu.memory_space<semaphore_mem>>) src(%dma_wait3A_56 : memref<120x128xf32, #tpu.memory_space<vmem>>) dst(%dma_wait3A_53 : memref<120x128xf32, #tpu.memory_space<vmem_shared>>)
      tpu.yield
    }) : () -> ()
    %barrier3A = arith.constant 0 : index
    tpu.barrier barrier_id(%barrier3A)
    %scan3A_24 = arith.constant 0 : i32
    %scan3A_25 = arith.constant 0 : i32
    %scan3A_26 = arith.constant 20 : i32
    %scan3A_27 = arith.addi %scan3A_25, %scan3A_26 : i32
    %scan3A_28 = arith.constant 1 : i32
    %scan3A_29 = scf.for %scan3A_39 = %scan3A_25 to %scan3A_27 step %scan3A_28 iter_args(%scan3A_40 = %scan3A_24) -> (i32)  : i32 {
      %mul3A_41 = arith.constant 2 : i32
      %mul3A_42 = arith.muli %scan3A_39, %mul3A_41 : i32
      %dma_start3A = arith.constant 0 : i32
      %dma_start3A_43 = tpu.memref_slice %arg7[%mul3A_42, %dma_start3A] : memref<40x128xi32, #tpu.memory_space<vmem>> -> memref<1x128xi32, #tpu.memory_space<vmem>>
      %dma_start3A_44 = tpu.memref_squeeze %dma_start3A_43 : memref<1x128xi32, #tpu.memory_space<vmem>> -> memref<128xi32, #tpu.memory_space<vmem>>
      %dma_start3A_45 = arith.constant 0 : i32
      %dma_start3A_46 = arith.constant 0 : i32
      %dma_start3A_47 = tpu.memref_slice %arg4[%dma_start3A_45, %dma_start3A_46] : memref<10000x128xf32, #tpu.memory_space<hbm>> -> memref<10000x128xf32, #tpu.memory_space<hbm>>
      tpu.enqueue_indirect_dma source(%dma_start3A_47 : memref<10000x128xf32, #tpu.memory_space<hbm>>) target(%arg9 : memref<128x128xf32, #tpu.memory_space<vmem>>) offsets(%dma_start3A_44 : memref<128xi32, #tpu.memory_space<vmem>>) semaphore(%arg12 : memref<!tpu.dma_semaphore, #tpu.memory_space<semaphore_mem>>)
      %add3A_48 = arith.constant 1 : i32
      %add3A_49 = arith.addi %mul3A_42, %add3A_48 : i32
      %dma_start3A_50 = arith.constant 0 : i32
      %dma_start3A_51 = tpu.memref_slice %arg7[%add3A_49, %dma_start3A_50] : memref<40x128xi32, #tpu.memory_space<vmem>> -> memref<1x128xi32, #tpu.memory_space<vmem>>
      %dma_start3A_52 = tpu.memref_squeeze %dma_start3A_51 : memref<1x128xi32, #tpu.memory_space<vmem>> -> memref<128xi32, #tpu.memory_space<vmem>>
      %dma_start3A_53 = arith.constant 0 : i32
      %dma_start3A_54 = arith.constant 0 : i32
      %dma_start3A_55 = tpu.memref_slice %arg4[%dma_start3A_53, %dma_start3A_54] : memref<10000x128xf32, #tpu.memory_space<hbm>> -> memref<10000x128xf32, #tpu.memory_space<hbm>>
      tpu.enqueue_indirect_dma source(%dma_start3A_55 : memref<10000x128xf32, #tpu.memory_space<hbm>>) target(%arg10 : memref<128x128xf32, #tpu.memory_space<vmem>>) offsets(%dma_start3A_52 : memref<128xi32, #tpu.memory_space<vmem>>) semaphore(%arg13 : memref<!tpu.dma_semaphore, #tpu.memory_space<semaphore_mem>>)
      %dma_wait3A = arith.constant 0 : i32
      %dma_wait3A_56 = tpu.memref_slice %arg7[%mul3A_42, %dma_wait3A] : memref<40x128xi32, #tpu.memory_space<vmem>> -> memref<1x128xi32, #tpu.memory_space<vmem>>
      %dma_wait3A_57 = tpu.memref_squeeze %dma_wait3A_56 : memref<1x128xi32, #tpu.memory_space<vmem>> -> memref<128xi32, #tpu.memory_space<vmem>>
      %dma_wait3A_58 = arith.constant 0 : i32
      %dma_wait3A_59 = arith.constant 0 : i32
      %dma_wait3A_60 = tpu.memref_slice %arg4[%dma_wait3A_58, %dma_wait3A_59] : memref<10000x128xf32, #tpu.memory_space<hbm>> -> memref<10000x128xf32, #tpu.memory_space<hbm>>
      tpu.wait_indirect_dma semaphore(%arg12 : memref<!tpu.dma_semaphore, #tpu.memory_space<semaphore_mem>>) src(%dma_wait3A_60 : memref<10000x128xf32, #tpu.memory_space<hbm>>) dst(%arg9 : memref<128x128xf32, #tpu.memory_space<vmem>>)
      "tpu.region"() ({
        %run_scoped3A = tpu.sem_alloc : memref<!tpu.dma_semaphore, #tpu.memory_space<semaphore_mem>>
        %dma_start3A_70 = arith.constant 0 : i32
        %dma_start3A_71 = tpu.memref_slice %arg8[%mul3A_42, %dma_start3A_70] : memref<40x128xi32, #tpu.memory_space<vmem>> -> memref<1x128xi32, #tpu.memory_space<vmem>>
        %dma_start3A_72 = tpu.memref_squeeze %dma_start3A_71 : memref<1x128xi32, #tpu.memory_space<vmem>> -> memref<128xi32, #tpu.memory_space<vmem>>
        %dma_start3A_73 = arith.constant 0 : i32
        %dma_start3A_74 = arith.constant 0 : i32
        %dma_start3A_75 = tpu.memref_slice %arg11[%dma_start3A_73, %dma_start3A_74] : memref<10112x128xf32, #tpu.memory_space<vmem_shared>> -> memref<10112x128xf32, #tpu.memory_space<vmem_shared>>
        tpu.enqueue_indirect_dma source(%arg9 : memref<128x128xf32, #tpu.memory_space<vmem>>) target(%dma_start3A_75 : memref<10112x128xf32, #tpu.memory_space<vmem_shared>>) offsets(%dma_start3A_72 : memref<128xi32, #tpu.memory_space<vmem>>) semaphore(%run_scoped3A : memref<!tpu.dma_semaphore, #tpu.memory_space<semaphore_mem>>) {add = true}
        %dma_wait3A_76 = arith.constant 0 : i32
        %dma_wait3A_77 = tpu.memref_slice %arg8[%mul3A_42, %dma_wait3A_76] : memref<40x128xi32, #tpu.memory_space<vmem>> -> memref<1x128xi32, #tpu.memory_space<vmem>>
        %dma_wait3A_78 = tpu.memref_squeeze %dma_wait3A_77 : memref<1x128xi32, #tpu.memory_space<vmem>> -> memref<128xi32, #tpu.memory_space<vmem>>
        %dma_wait3A_79 = arith.constant 0 : i32
        %dma_wait3A_80 = arith.constant 0 : i32
        %dma_wait3A_81 = tpu.memref_slice %arg11[%dma_wait3A_79, %dma_wait3A_80] : memref<10112x128xf32, #tpu.memory_space<vmem_shared>> -> memref<10112x128xf32, #tpu.memory_space<vmem_shared>>
        tpu.wait_indirect_dma semaphore(%run_scoped3A : memref<!tpu.dma_semaphore, #tpu.memory_space<semaphore_mem>>) src(%arg9 : memref<128x128xf32, #tpu.memory_space<vmem>>) dst(%dma_wait3A_81 : memref<10112x128xf32, #tpu.memory_space<vmem_shared>>)
        tpu.yield
      }) : () -> ()
      %dma_wait3A_61 = arith.constant 0 : i32
      %dma_wait3A_62 = tpu.memref_slice %arg7[%add3A_49, %dma_wait3A_61] : memref<40x128xi32, #tpu.memory_space<vmem>> -> memref<1x128xi32, #tpu.memory_space<vmem>>
      %dma_wait3A_63 = tpu.memref_squeeze %dma_wait3A_62 : memref<1x128xi32, #tpu.memory_space<vmem>> -> memref<128xi32, #tpu.memory_space<vmem>>
      %dma_wait3A_64 = arith.constant 0 : i32
      %dma_wait3A_65 = arith.constant 0 : i32
      %dma_wait3A_66 = tpu.memref_slice %arg4[%dma_wait3A_64, %dma_wait3A_65] : memref<10000x128xf32, #tpu.memory_space<hbm>> -> memref<10000x128xf32, #tpu.memory_space<hbm>>
      tpu.wait_indirect_dma semaphore(%arg13 : memref<!tpu.dma_semaphore, #tpu.memory_space<semaphore_mem>>) src(%dma_wait3A_66 : memref<10000x128xf32, #tpu.memory_space<hbm>>) dst(%arg10 : memref<128x128xf32, #tpu.memory_space<vmem>>)
      %add3A_67 = arith.constant 1 : i32
      %add3A_68 = arith.addi %mul3A_42, %add3A_67 : i32
      "tpu.region"() ({
        %run_scoped3A = tpu.sem_alloc : memref<!tpu.dma_semaphore, #tpu.memory_space<semaphore_mem>>
        %dma_start3A_70 = arith.constant 0 : i32
        %dma_start3A_71 = tpu.memref_slice %arg8[%add3A_68, %dma_start3A_70] : memref<40x128xi32, #tpu.memory_space<vmem>> -> memref<1x128xi32, #tpu.memory_space<vmem>>
        %dma_start3A_72 = tpu.memref_squeeze %dma_start3A_71 : memref<1x128xi32, #tpu.memory_space<vmem>> -> memref<128xi32, #tpu.memory_space<vmem>>
        %dma_start3A_73 = arith.constant 0 : i32
        %dma_start3A_74 = arith.constant 0 : i32
        %dma_start3A_75 = tpu.memref_slice %arg11[%dma_start3A_73, %dma_start3A_74] : memref<10112x128xf32, #tpu.memory_space<vmem_shared>> -> memref<10112x128xf32, #tpu.memory_space<vmem_shared>>
        tpu.enqueue_indirect_dma source(%arg10 : memref<128x128xf32, #tpu.memory_space<vmem>>) target(%dma_start3A_75 : memref<10112x128xf32, #tpu.memory_space<vmem_shared>>) offsets(%dma_start3A_72 : memref<128xi32, #tpu.memory_space<vmem>>) semaphore(%run_scoped3A : memref<!tpu.dma_semaphore, #tpu.memory_space<semaphore_mem>>) {add = true}
        %dma_wait3A_76 = arith.constant 0 : i32
        %dma_wait3A_77 = tpu.memref_slice %arg8[%add3A_68, %dma_wait3A_76] : memref<40x128xi32, #tpu.memory_space<vmem>> -> memref<1x128xi32, #tpu.memory_space<vmem>>
        %dma_wait3A_78 = tpu.memref_squeeze %dma_wait3A_77 : memref<1x128xi32, #tpu.memory_space<vmem>> -> memref<128xi32, #tpu.memory_space<vmem>>
        %dma_wait3A_79 = arith.constant 0 : i32
        %dma_wait3A_80 = arith.constant 0 : i32
        %dma_wait3A_81 = tpu.memref_slice %arg11[%dma_wait3A_79, %dma_wait3A_80] : memref<10112x128xf32, #tpu.memory_space<vmem_shared>> -> memref<10112x128xf32, #tpu.memory_space<vmem_shared>>
        tpu.wait_indirect_dma semaphore(%run_scoped3A : memref<!tpu.dma_semaphore, #tpu.memory_space<semaphore_mem>>) src(%arg10 : memref<128x128xf32, #tpu.memory_space<vmem>>) dst(%dma_wait3A_81 : memref<10112x128xf32, #tpu.memory_space<vmem_shared>>)
        tpu.yield
      }) : () -> ()
      %scan3A_69 = arith.constant 0 : i32
      scf.yield %scan3A_69 : i32
    }
    %scan3A_30 = arith.constant 20 : i32
    %barrier3A_31 = arith.constant 0 : index
    tpu.barrier barrier_id(%barrier3A_31)
    %eq3A = arith.constant 0 : i32
    %eq3A_32 = arith.cmpi eq, %arg0, %eq3A : i32
    %convert_element_type3A = arith.extui %eq3A_32 : i1 to i32
    %cond3A = arith.constant 0 : i32
    %cond3A_33 = arith.cmpi ne, %convert_element_type3A, %cond3A : i32
    scf.if %cond3A_33 {
      %mul3A_39 = arith.constant 632 : i32
      %mul3A_40 = arith.muli %arg1, %mul3A_39 : i32
      %mul3A_41 = arith.constant 632 : i32
      %mul3A_42 = arith.muli %arg1, %mul3A_41 : i32
      "tpu.region"() ({
        %run_scoped3A = tpu.sem_alloc : memref<!tpu.dma_semaphore, #tpu.memory_space<semaphore_mem>>
        %dma_start3A = arith.constant 0 : i32
        %dma_start3A_43 = tpu.memref_slice %arg5[%mul3A_42, %dma_start3A] : memref<10112x128xf32, #tpu.memory_space<hbm>> -> memref<632x128xf32, #tpu.memory_space<hbm>>
        %dma_start3A_44 = arith.constant 0 : i32
        %dma_start3A_45 = tpu.memref_slice %arg11[%mul3A_40, %dma_start3A_44] : memref<10112x128xf32, #tpu.memory_space<vmem_shared>> -> memref<632x128xf32, #tpu.memory_space<vmem_shared>>
        tpu.enqueue_dma source(%dma_start3A_45 : memref<632x128xf32, #tpu.memory_space<vmem_shared>>) target(%dma_start3A_43 : memref<632x128xf32, #tpu.memory_space<hbm>>) target_semaphore(%run_scoped3A : memref<!tpu.dma_semaphore, #tpu.memory_space<semaphore_mem>>)
        %dma_wait3A = arith.constant 0 : i32
        %dma_wait3A_46 = tpu.memref_slice %arg5[%mul3A_42, %dma_wait3A] : memref<10112x128xf32, #tpu.memory_space<hbm>> -> memref<632x128xf32, #tpu.memory_space<hbm>>
        %dma_wait3A_47 = arith.constant 0 : i32
        %dma_wait3A_48 = tpu.memref_slice %arg11[%mul3A_40, %dma_wait3A_47] : memref<10112x128xf32, #tpu.memory_space<vmem_shared>> -> memref<632x128xf32, #tpu.memory_space<vmem_shared>>
        tpu.wait_dma2 semaphore(%run_scoped3A : memref<!tpu.dma_semaphore, #tpu.memory_space<semaphore_mem>>) src(%dma_wait3A_48 : memref<632x128xf32, #tpu.memory_space<vmem_shared>>) dst(%dma_wait3A_46 : memref<632x128xf32, #tpu.memory_space<hbm>>)
        tpu.yield
      }) : () -> ()
    } else {
    }
    %eq3A_34 = arith.constant 1 : i32
    %eq3A_35 = arith.cmpi eq, %arg0, %eq3A_34 : i32
    %convert_element_type3A_36 = arith.extui %eq3A_35 : i1 to i32
    %cond3A_37 = arith.constant 0 : i32
    %cond3A_38 = arith.cmpi ne, %convert_element_type3A_36, %cond3A_37 : i32
    scf.if %cond3A_38 {
      %mul3A_39 = arith.constant 632 : i32
      %mul3A_40 = arith.muli %arg1, %mul3A_39 : i32
      %mul3A_41 = arith.constant 632 : i32
      %mul3A_42 = arith.muli %arg1, %mul3A_41 : i32
      "tpu.region"() ({
        %run_scoped3A = tpu.sem_alloc : memref<!tpu.dma_semaphore, #tpu.memory_space<semaphore_mem>>
        %dma_start3A = arith.constant 0 : i32
        %dma_start3A_43 = tpu.memref_slice %arg6[%mul3A_42, %dma_start3A] : memref<10112x128xf32, #tpu.memory_space<hbm>> -> memref<632x128xf32, #tpu.memory_space<hbm>>
        %dma_start3A_44 = arith.constant 0 : i32
        %dma_start3A_45 = tpu.memref_slice %arg11[%mul3A_40, %dma_start3A_44] : memref<10112x128xf32, #tpu.memory_space<vmem_shared>> -> memref<632x128xf32, #tpu.memory_space<vmem_shared>>
        tpu.enqueue_dma source(%dma_start3A_45 : memref<632x128xf32, #tpu.memory_space<vmem_shared>>) target(%dma_start3A_43 : memref<632x128xf32, #tpu.memory_space<hbm>>) target_semaphore(%run_scoped3A : memref<!tpu.dma_semaphore, #tpu.memory_space<semaphore_mem>>)
        %dma_wait3A = arith.constant 0 : i32
        %dma_wait3A_46 = tpu.memref_slice %arg6[%mul3A_42, %dma_wait3A] : memref<10112x128xf32, #tpu.memory_space<hbm>> -> memref<632x128xf32, #tpu.memory_space<hbm>>
        %dma_wait3A_47 = arith.constant 0 : i32
        %dma_wait3A_48 = tpu.memref_slice %arg11[%mul3A_40, %dma_wait3A_47] : memref<10112x128xf32, #tpu.memory_space<vmem_shared>> -> memref<632x128xf32, #tpu.memory_space<vmem_shared>>
        tpu.wait_dma2 semaphore(%run_scoped3A : memref<!tpu.dma_semaphore, #tpu.memory_space<semaphore_mem>>) src(%dma_wait3A_48 : memref<632x128xf32, #tpu.memory_space<vmem_shared>>) dst(%dma_wait3A_46 : memref<632x128xf32, #tpu.memory_space<hbm>>)
        tpu.yield
      }) : () -> ()
    } else {
    }
    return
  }
}

#map = affine_map<(d0, d1) -> (0, 0)>
module attributes {stable_mosaic.version = 14 : i64} {
  func.func @agg_kernel(%arg0: i32, %arg1: i32, %arg2: memref<1280x128xi32, #tpu.memory_space<hbm>>, %arg3: memref<1280x128xi32, #tpu.memory_space<hbm>>, %arg4: memref<10000x128xf32, #tpu.memory_space<hbm>>, %arg5: memref<10112x128xf32, #tpu.memory_space<hbm>>, %arg6: memref<10112x128xf32, #tpu.memory_space<hbm>>, %arg7: memref<40x128xi32, #tpu.memory_space<vmem>>, %arg8: memref<40x128xi32, #tpu.memory_space<vmem>>, %arg9: memref<128x128xf32, #tpu.memory_space<vmem>>, %arg10: memref<128x128xf32, #tpu.memory_space<vmem>>, %arg11: memref<10112x128xf32, #tpu.memory_space<vmem_shared>>, %arg12: memref<!tpu.dma_semaphore, #tpu.memory_space<semaphore_mem>>, %arg13: memref<!tpu.dma_semaphore, #tpu.memory_space<semaphore_mem>>) attributes {dimension_semantics = [#tpu.dimension_semantics<core_parallel>, #tpu.dimension_semantics<subcore_parallel>], iteration_bounds = array<i64: 2, 16>, scalar_prefetch = 0 : i64, scratch_operands = 7 : i64, tpu.core_type = #tpu.core_type<sc_vector_subcore>, window_params = [{transform_indices = #map}, {transform_indices = #map}, {transform_indices = #map}, {transform_indices = #map}, {transform_indices = #map}]} {
    %mul3A = arith.constant 16 : i32
    %mul3A_0 = arith.muli %arg0, %mul3A : i32
    %add3A = arith.addi %mul3A_0, %arg1 : i32
    %mul3A_1 = arith.constant 40 : i32
    %mul3A_2 = arith.muli %add3A, %mul3A_1 : i32
    "tpu.region"() ({
      %run_scoped3A = tpu.sem_alloc : memref<!tpu.dma_semaphore, #tpu.memory_space<semaphore_mem>>
      %dma_start3A = arith.constant 0 : i32
      %dma_start3A_39 = tpu.memref_slice %arg2[%mul3A_2, %dma_start3A] : memref<1280x128xi32, #tpu.memory_space<hbm>> -> memref<40x128xi32, #tpu.memory_space<hbm>>
      %dma_start3A_40 = arith.constant 0 : i32
      %dma_start3A_41 = tpu.memref_slice %arg2[%mul3A_2, %dma_start3A_40] : memref<1280x128xi32, #tpu.memory_space<hbm>> -> memref<40x128xi32, #tpu.memory_space<hbm>>
      tpu.enqueue_dma source(%dma_start3A_41 : memref<40x128xi32, #tpu.memory_space<hbm>>) target(%arg7 : memref<40x128xi32, #tpu.memory_space<vmem>>) target_semaphore(%run_scoped3A : memref<!tpu.dma_semaphore, #tpu.memory_space<semaphore_mem>>)
      %dma_wait3A = arith.constant 0 : i32
      %dma_wait3A_42 = tpu.memref_slice %arg2[%mul3A_2, %dma_wait3A] : memref<1280x128xi32, #tpu.memory_space<hbm>> -> memref<40x128xi32, #tpu.memory_space<hbm>>
      %dma_wait3A_43 = arith.constant 0 : i32
      %dma_wait3A_44 = tpu.memref_slice %arg2[%mul3A_2, %dma_wait3A_43] : memref<1280x128xi32, #tpu.memory_space<hbm>> -> memref<40x128xi32, #tpu.memory_space<hbm>>
      tpu.wait_dma2 semaphore(%run_scoped3A : memref<!tpu.dma_semaphore, #tpu.memory_space<semaphore_mem>>) src(%dma_wait3A_44 : memref<40x128xi32, #tpu.memory_space<hbm>>) dst(%arg7 : memref<40x128xi32, #tpu.memory_space<vmem>>)
      tpu.yield
    }) : () -> ()
    %mul3A_3 = arith.constant 40 : i32
    %mul3A_4 = arith.muli %add3A, %mul3A_3 : i32
    "tpu.region"() ({
      %run_scoped3A = tpu.sem_alloc : memref<!tpu.dma_semaphore, #tpu.memory_space<semaphore_mem>>
      %dma_start3A = arith.constant 0 : i32
      %dma_start3A_39 = tpu.memref_slice %arg3[%mul3A_4, %dma_start3A] : memref<1280x128xi32, #tpu.memory_space<hbm>> -> memref<40x128xi32, #tpu.memory_space<hbm>>
      %dma_start3A_40 = arith.constant 0 : i32
      %dma_start3A_41 = tpu.memref_slice %arg3[%mul3A_4, %dma_start3A_40] : memref<1280x128xi32, #tpu.memory_space<hbm>> -> memref<40x128xi32, #tpu.memory_space<hbm>>
      tpu.enqueue_dma source(%dma_start3A_41 : memref<40x128xi32, #tpu.memory_space<hbm>>) target(%arg8 : memref<40x128xi32, #tpu.memory_space<vmem>>) target_semaphore(%run_scoped3A : memref<!tpu.dma_semaphore, #tpu.memory_space<semaphore_mem>>)
      %dma_wait3A = arith.constant 0 : i32
      %dma_wait3A_42 = tpu.memref_slice %arg3[%mul3A_4, %dma_wait3A] : memref<1280x128xi32, #tpu.memory_space<hbm>> -> memref<40x128xi32, #tpu.memory_space<hbm>>
      %dma_wait3A_43 = arith.constant 0 : i32
      %dma_wait3A_44 = tpu.memref_slice %arg3[%mul3A_4, %dma_wait3A_43] : memref<1280x128xi32, #tpu.memory_space<hbm>> -> memref<40x128xi32, #tpu.memory_space<hbm>>
      tpu.wait_dma2 semaphore(%run_scoped3A : memref<!tpu.dma_semaphore, #tpu.memory_space<semaphore_mem>>) src(%dma_wait3A_44 : memref<40x128xi32, #tpu.memory_space<hbm>>) dst(%arg8 : memref<40x128xi32, #tpu.memory_space<vmem>>)
      tpu.yield
    }) : () -> ()
    %broadcast_in_dim3A = arith.constant 0.000000e+00 : f32
    %broadcast_in_dim3A_5 = vector.broadcast %broadcast_in_dim3A : f32 to vector<16xf32>
    %scan3A = arith.constant 0 : i32
    %scan3A_6 = arith.constant 0 : i32
    %scan3A_7 = arith.constant 128 : i32
    %scan3A_8 = arith.addi %scan3A_6, %scan3A_7 : i32
    %scan3A_9 = arith.constant 1 : i32
    %scan3A_10 = scf.for %scan3A_39 = %scan3A_6 to %scan3A_8 step %scan3A_9 iter_args(%scan3A_40 = %scan3A) -> (i32)  : i32 {
      %swap3A = arith.index_cast %scan3A_39 : i32 to index
      %swap3A_41 = arith.constant 0 : index
      %swap3A_42 = tpu.vector_load %arg9[%swap3A, %swap3A_41] {strides = array<i32>} : memref<128x128xf32, #tpu.memory_space<vmem>>, vector<1x16xf32>,
      %swap3A_43 = vector.shape_cast %swap3A_42 : vector<1x16xf32> to vector<16xf32>
      %swap3A_44 = vector.shape_cast %broadcast_in_dim3A_5 : vector<16xf32> to vector<1x16xf32>
      tpu.vector_store %arg9[%swap3A, %swap3A_41], %swap3A_44 {strides = array<i32>} : memref<128x128xf32, #tpu.memory_space<vmem>>, vector<1x16xf32>,
      %swap3A_45 = arith.index_cast %scan3A_39 : i32 to index
      %swap3A_46 = arith.constant 16 : index
      %swap3A_47 = tpu.vector_load %arg9[%swap3A_45, %swap3A_46] {strides = array<i32>} : memref<128x128xf32, #tpu.memory_space<vmem>>, vector<1x16xf32>,
      %swap3A_48 = vector.shape_cast %swap3A_47 : vector<1x16xf32> to vector<16xf32>
      %swap3A_49 = vector.shape_cast %broadcast_in_dim3A_5 : vector<16xf32> to vector<1x16xf32>
      tpu.vector_store %arg9[%swap3A_45, %swap3A_46], %swap3A_49 {strides = array<i32>} : memref<128x128xf32, #tpu.memory_space<vmem>>, vector<1x16xf32>,
      %swap3A_50 = arith.index_cast %scan3A_39 : i32 to index
      %swap3A_51 = arith.constant 32 : index
      %swap3A_52 = tpu.vector_load %arg9[%swap3A_50, %swap3A_51] {strides = array<i32>} : memref<128x128xf32, #tpu.memory_space<vmem>>, vector<1x16xf32>,
      %swap3A_53 = vector.shape_cast %swap3A_52 : vector<1x16xf32> to vector<16xf32>
      %swap3A_54 = vector.shape_cast %broadcast_in_dim3A_5 : vector<16xf32> to vector<1x16xf32>
      tpu.vector_store %arg9[%swap3A_50, %swap3A_51], %swap3A_54 {strides = array<i32>} : memref<128x128xf32, #tpu.memory_space<vmem>>, vector<1x16xf32>,
      %swap3A_55 = arith.index_cast %scan3A_39 : i32 to index
      %swap3A_56 = arith.constant 48 : index
      %swap3A_57 = tpu.vector_load %arg9[%swap3A_55, %swap3A_56] {strides = array<i32>} : memref<128x128xf32, #tpu.memory_space<vmem>>, vector<1x16xf32>,
      %swap3A_58 = vector.shape_cast %swap3A_57 : vector<1x16xf32> to vector<16xf32>
      %swap3A_59 = vector.shape_cast %broadcast_in_dim3A_5 : vector<16xf32> to vector<1x16xf32>
      tpu.vector_store %arg9[%swap3A_55, %swap3A_56], %swap3A_59 {strides = array<i32>} : memref<128x128xf32, #tpu.memory_space<vmem>>, vector<1x16xf32>,
      %swap3A_60 = arith.index_cast %scan3A_39 : i32 to index
      %swap3A_61 = arith.constant 64 : index
      %swap3A_62 = tpu.vector_load %arg9[%swap3A_60, %swap3A_61] {strides = array<i32>} : memref<128x128xf32, #tpu.memory_space<vmem>>, vector<1x16xf32>,
      %swap3A_63 = vector.shape_cast %swap3A_62 : vector<1x16xf32> to vector<16xf32>
      %swap3A_64 = vector.shape_cast %broadcast_in_dim3A_5 : vector<16xf32> to vector<1x16xf32>
      tpu.vector_store %arg9[%swap3A_60, %swap3A_61], %swap3A_64 {strides = array<i32>} : memref<128x128xf32, #tpu.memory_space<vmem>>, vector<1x16xf32>,
      %swap3A_65 = arith.index_cast %scan3A_39 : i32 to index
      %swap3A_66 = arith.constant 80 : index
      %swap3A_67 = tpu.vector_load %arg9[%swap3A_65, %swap3A_66] {strides = array<i32>} : memref<128x128xf32, #tpu.memory_space<vmem>>, vector<1x16xf32>,
      %swap3A_68 = vector.shape_cast %swap3A_67 : vector<1x16xf32> to vector<16xf32>
      %swap3A_69 = vector.shape_cast %broadcast_in_dim3A_5 : vector<16xf32> to vector<1x16xf32>
      tpu.vector_store %arg9[%swap3A_65, %swap3A_66], %swap3A_69 {strides = array<i32>} : memref<128x128xf32, #tpu.memory_space<vmem>>, vector<1x16xf32>,
      %swap3A_70 = arith.index_cast %scan3A_39 : i32 to index
      %swap3A_71 = arith.constant 96 : index
      %swap3A_72 = tpu.vector_load %arg9[%swap3A_70, %swap3A_71] {strides = array<i32>} : memref<128x128xf32, #tpu.memory_space<vmem>>, vector<1x16xf32>,
      %swap3A_73 = vector.shape_cast %swap3A_72 : vector<1x16xf32> to vector<16xf32>
      %swap3A_74 = vector.shape_cast %broadcast_in_dim3A_5 : vector<16xf32> to vector<1x16xf32>
      tpu.vector_store %arg9[%swap3A_70, %swap3A_71], %swap3A_74 {strides = array<i32>} : memref<128x128xf32, #tpu.memory_space<vmem>>, vector<1x16xf32>,
      %swap3A_75 = arith.index_cast %scan3A_39 : i32 to index
      %swap3A_76 = arith.constant 112 : index
      %swap3A_77 = tpu.vector_load %arg9[%swap3A_75, %swap3A_76] {strides = array<i32>} : memref<128x128xf32, #tpu.memory_space<vmem>>, vector<1x16xf32>,
      %swap3A_78 = vector.shape_cast %swap3A_77 : vector<1x16xf32> to vector<16xf32>
      %swap3A_79 = vector.shape_cast %broadcast_in_dim3A_5 : vector<16xf32> to vector<1x16xf32>
      tpu.vector_store %arg9[%swap3A_75, %swap3A_76], %swap3A_79 {strides = array<i32>} : memref<128x128xf32, #tpu.memory_space<vmem>>, vector<1x16xf32>,
      %scan3A_80 = arith.constant 0 : i32
      scf.yield %scan3A_80 : i32
    }
    %scan3A_11 = arith.constant 128 : i32
    %mul3A_12 = arith.constant 632 : i32
    %mul3A_13 = arith.muli %arg1, %mul3A_12 : i32
    %add3A_14 = arith.constant 0 : i32
    %add3A_15 = arith.addi %mul3A_13, %add3A_14 : i32
    "tpu.region"() ({
      %run_scoped3A = tpu.sem_alloc : memref<!tpu.dma_semaphore, #tpu.memory_space<semaphore_mem>>
      %dma_start3A = arith.constant 0 : i32
      %dma_start3A_39 = tpu.memref_slice %arg11[%add3A_15, %dma_start3A] : memref<10112x128xf32, #tpu.memory_space<vmem_shared>> -> memref<128x128xf32, #tpu.memory_space<vmem_shared>>
      %dma_start3A_40 = arith.constant 0 : i32
      %dma_start3A_41 = tpu.memref_slice %arg11[%add3A_15, %dma_start3A_40] : memref<10112x128xf32, #tpu.memory_space<vmem_shared>> -> memref<128x128xf32, #tpu.memory_space<vmem_shared>>
      tpu.enqueue_dma source(%arg9 : memref<128x128xf32, #tpu.memory_space<vmem>>) target(%dma_start3A_41 : memref<128x128xf32, #tpu.memory_space<vmem_shared>>) target_semaphore(%run_scoped3A : memref<!tpu.dma_semaphore, #tpu.memory_space<semaphore_mem>>)
      %dma_wait3A = arith.constant 0 : i32
      %dma_wait3A_42 = tpu.memref_slice %arg11[%add3A_15, %dma_wait3A] : memref<10112x128xf32, #tpu.memory_space<vmem_shared>> -> memref<128x128xf32, #tpu.memory_space<vmem_shared>>
      %dma_wait3A_43 = arith.constant 0 : i32
      %dma_wait3A_44 = tpu.memref_slice %arg11[%add3A_15, %dma_wait3A_43] : memref<10112x128xf32, #tpu.memory_space<vmem_shared>> -> memref<128x128xf32, #tpu.memory_space<vmem_shared>>
      tpu.wait_dma2 semaphore(%run_scoped3A : memref<!tpu.dma_semaphore, #tpu.memory_space<semaphore_mem>>) src(%arg9 : memref<128x128xf32, #tpu.memory_space<vmem>>) dst(%dma_wait3A_44 : memref<128x128xf32, #tpu.memory_space<vmem_shared>>)
      tpu.yield
    }) : () -> ()
    %add3A_16 = arith.constant 128 : i32
    %add3A_17 = arith.addi %mul3A_13, %add3A_16 : i32
    "tpu.region"() ({
      %run_scoped3A = tpu.sem_alloc : memref<!tpu.dma_semaphore, #tpu.memory_space<semaphore_mem>>
      %dma_start3A = arith.constant 0 : i32
      %dma_start3A_39 = tpu.memref_slice %arg11[%add3A_17, %dma_start3A] : memref<10112x128xf32, #tpu.memory_space<vmem_shared>> -> memref<128x128xf32, #tpu.memory_space<vmem_shared>>
      %dma_start3A_40 = arith.constant 0 : i32
      %dma_start3A_41 = tpu.memref_slice %arg11[%add3A_17, %dma_start3A_40] : memref<10112x128xf32, #tpu.memory_space<vmem_shared>> -> memref<128x128xf32, #tpu.memory_space<vmem_shared>>
      tpu.enqueue_dma source(%arg9 : memref<128x128xf32, #tpu.memory_space<vmem>>) target(%dma_start3A_41 : memref<128x128xf32, #tpu.memory_space<vmem_shared>>) target_semaphore(%run_scoped3A : memref<!tpu.dma_semaphore, #tpu.memory_space<semaphore_mem>>)
      %dma_wait3A = arith.constant 0 : i32
      %dma_wait3A_42 = tpu.memref_slice %arg11[%add3A_17, %dma_wait3A] : memref<10112x128xf32, #tpu.memory_space<vmem_shared>> -> memref<128x128xf32, #tpu.memory_space<vmem_shared>>
      %dma_wait3A_43 = arith.constant 0 : i32
      %dma_wait3A_44 = tpu.memref_slice %arg11[%add3A_17, %dma_wait3A_43] : memref<10112x128xf32, #tpu.memory_space<vmem_shared>> -> memref<128x128xf32, #tpu.memory_space<vmem_shared>>
      tpu.wait_dma2 semaphore(%run_scoped3A : memref<!tpu.dma_semaphore, #tpu.memory_space<semaphore_mem>>) src(%arg9 : memref<128x128xf32, #tpu.memory_space<vmem>>) dst(%dma_wait3A_44 : memref<128x128xf32, #tpu.memory_space<vmem_shared>>)
      tpu.yield
    }) : () -> ()
    %add3A_18 = arith.constant 256 : i32
    %add3A_19 = arith.addi %mul3A_13, %add3A_18 : i32
    "tpu.region"() ({
      %run_scoped3A = tpu.sem_alloc : memref<!tpu.dma_semaphore, #tpu.memory_space<semaphore_mem>>
      %dma_start3A = arith.constant 0 : i32
      %dma_start3A_39 = tpu.memref_slice %arg11[%add3A_19, %dma_start3A] : memref<10112x128xf32, #tpu.memory_space<vmem_shared>> -> memref<128x128xf32, #tpu.memory_space<vmem_shared>>
      %dma_start3A_40 = arith.constant 0 : i32
      %dma_start3A_41 = tpu.memref_slice %arg11[%add3A_19, %dma_start3A_40] : memref<10112x128xf32, #tpu.memory_space<vmem_shared>> -> memref<128x128xf32, #tpu.memory_space<vmem_shared>>
      tpu.enqueue_dma source(%arg9 : memref<128x128xf32, #tpu.memory_space<vmem>>) target(%dma_start3A_41 : memref<128x128xf32, #tpu.memory_space<vmem_shared>>) target_semaphore(%run_scoped3A : memref<!tpu.dma_semaphore, #tpu.memory_space<semaphore_mem>>)
      %dma_wait3A = arith.constant 0 : i32
      %dma_wait3A_42 = tpu.memref_slice %arg11[%add3A_19, %dma_wait3A] : memref<10112x128xf32, #tpu.memory_space<vmem_shared>> -> memref<128x128xf32, #tpu.memory_space<vmem_shared>>
      %dma_wait3A_43 = arith.constant 0 : i32
      %dma_wait3A_44 = tpu.memref_slice %arg11[%add3A_19, %dma_wait3A_43] : memref<10112x128xf32, #tpu.memory_space<vmem_shared>> -> memref<128x128xf32, #tpu.memory_space<vmem_shared>>
      tpu.wait_dma2 semaphore(%run_scoped3A : memref<!tpu.dma_semaphore, #tpu.memory_space<semaphore_mem>>) src(%arg9 : memref<128x128xf32, #tpu.memory_space<vmem>>) dst(%dma_wait3A_44 : memref<128x128xf32, #tpu.memory_space<vmem_shared>>)
      tpu.yield
    }) : () -> ()
    %add3A_20 = arith.constant 384 : i32
    %add3A_21 = arith.addi %mul3A_13, %add3A_20 : i32
    "tpu.region"() ({
      %run_scoped3A = tpu.sem_alloc : memref<!tpu.dma_semaphore, #tpu.memory_space<semaphore_mem>>
      %dma_start3A = arith.constant 0 : i32
      %dma_start3A_39 = tpu.memref_slice %arg11[%add3A_21, %dma_start3A] : memref<10112x128xf32, #tpu.memory_space<vmem_shared>> -> memref<128x128xf32, #tpu.memory_space<vmem_shared>>
      %dma_start3A_40 = arith.constant 0 : i32
      %dma_start3A_41 = tpu.memref_slice %arg11[%add3A_21, %dma_start3A_40] : memref<10112x128xf32, #tpu.memory_space<vmem_shared>> -> memref<128x128xf32, #tpu.memory_space<vmem_shared>>
      tpu.enqueue_dma source(%arg9 : memref<128x128xf32, #tpu.memory_space<vmem>>) target(%dma_start3A_41 : memref<128x128xf32, #tpu.memory_space<vmem_shared>>) target_semaphore(%run_scoped3A : memref<!tpu.dma_semaphore, #tpu.memory_space<semaphore_mem>>)
      %dma_wait3A = arith.constant 0 : i32
      %dma_wait3A_42 = tpu.memref_slice %arg11[%add3A_21, %dma_wait3A] : memref<10112x128xf32, #tpu.memory_space<vmem_shared>> -> memref<128x128xf32, #tpu.memory_space<vmem_shared>>
      %dma_wait3A_43 = arith.constant 0 : i32
      %dma_wait3A_44 = tpu.memref_slice %arg11[%add3A_21, %dma_wait3A_43] : memref<10112x128xf32, #tpu.memory_space<vmem_shared>> -> memref<128x128xf32, #tpu.memory_space<vmem_shared>>
      tpu.wait_dma2 semaphore(%run_scoped3A : memref<!tpu.dma_semaphore, #tpu.memory_space<semaphore_mem>>) src(%arg9 : memref<128x128xf32, #tpu.memory_space<vmem>>) dst(%dma_wait3A_44 : memref<128x128xf32, #tpu.memory_space<vmem_shared>>)
      tpu.yield
    }) : () -> ()
    %add3A_22 = arith.constant 512 : i32
    %add3A_23 = arith.addi %mul3A_13, %add3A_22 : i32
    "tpu.region"() ({
      %run_scoped3A = tpu.sem_alloc : memref<!tpu.dma_semaphore, #tpu.memory_space<semaphore_mem>>
      %dma_start3A = arith.constant 0 : i32
      %dma_start3A_39 = arith.constant 0 : i32
      %dma_start3A_40 = tpu.memref_slice %arg9[%dma_start3A, %dma_start3A_39] : memref<128x128xf32, #tpu.memory_space<vmem>> -> memref<120x128xf32, #tpu.memory_space<vmem>>
      %dma_start3A_41 = arith.constant 0 : i32
      %dma_start3A_42 = tpu.memref_slice %arg11[%add3A_23, %dma_start3A_41] : memref<10112x128xf32, #tpu.memory_space<vmem_shared>> -> memref<120x128xf32, #tpu.memory_space<vmem_shared>>
      %dma_start3A_43 = arith.constant 0 : i32
      %dma_start3A_44 = tpu.memref_slice %arg11[%add3A_23, %dma_start3A_43] : memref<10112x128xf32, #tpu.memory_space<vmem_shared>> -> memref<120x128xf32, #tpu.memory_space<vmem_shared>>
      %dma_start3A_45 = arith.constant 0 : i32
      %dma_start3A_46 = arith.constant 0 : i32
      %dma_start3A_47 = tpu.memref_slice %arg9[%dma_start3A_45, %dma_start3A_46] : memref<128x128xf32, #tpu.memory_space<vmem>> -> memref<120x128xf32, #tpu.memory_space<vmem>>
      tpu.enqueue_dma source(%dma_start3A_47 : memref<120x128xf32, #tpu.memory_space<vmem>>) target(%dma_start3A_44 : memref<120x128xf32, #tpu.memory_space<vmem_shared>>) target_semaphore(%run_scoped3A : memref<!tpu.dma_semaphore, #tpu.memory_space<semaphore_mem>>)
      %dma_wait3A = arith.constant 0 : i32
      %dma_wait3A_48 = arith.constant 0 : i32
      %dma_wait3A_49 = tpu.memref_slice %arg9[%dma_wait3A, %dma_wait3A_48] : memref<128x128xf32, #tpu.memory_space<vmem>> -> memref<120x128xf32, #tpu.memory_space<vmem>>
      %dma_wait3A_50 = arith.constant 0 : i32
      %dma_wait3A_51 = tpu.memref_slice %arg11[%add3A_23, %dma_wait3A_50] : memref<10112x128xf32, #tpu.memory_space<vmem_shared>> -> memref<120x128xf32, #tpu.memory_space<vmem_shared>>
      %dma_wait3A_52 = arith.constant 0 : i32
      %dma_wait3A_53 = tpu.memref_slice %arg11[%add3A_23, %dma_wait3A_52] : memref<10112x128xf32, #tpu.memory_space<vmem_shared>> -> memref<120x128xf32, #tpu.memory_space<vmem_shared>>
      %dma_wait3A_54 = arith.constant 0 : i32
      %dma_wait3A_55 = arith.constant 0 : i32
      %dma_wait3A_56 = tpu.memref_slice %arg9[%dma_wait3A_54, %dma_wait3A_55] : memref<128x128xf32, #tpu.memory_space<vmem>> -> memref<120x128xf32, #tpu.memory_space<vmem>>
      tpu.wait_dma2 semaphore(%run_scoped3A : memref<!tpu.dma_semaphore, #tpu.memory_space<semaphore_mem>>) src(%dma_wait3A_56 : memref<120x128xf32, #tpu.memory_space<vmem>>) dst(%dma_wait3A_53 : memref<120x128xf32, #tpu.memory_space<vmem_shared>>)
      tpu.yield
    }) : () -> ()
    %barrier3A = arith.constant 0 : index
    tpu.barrier barrier_id(%barrier3A)
    %scan3A_24 = arith.constant 0 : i32
    %scan3A_25 = arith.constant 0 : i32
    %scan3A_26 = arith.constant 20 : i32
    %scan3A_27 = arith.addi %scan3A_25, %scan3A_26 : i32
    %scan3A_28 = arith.constant 1 : i32
    %scan3A_29 = scf.for %scan3A_39 = %scan3A_25 to %scan3A_27 step %scan3A_28 iter_args(%scan3A_40 = %scan3A_24) -> (i32)  : i32 {
      %mul3A_41 = arith.constant 2 : i32
      %mul3A_42 = arith.muli %scan3A_39, %mul3A_41 : i32
      %dma_start3A = arith.constant 0 : i32
      %dma_start3A_43 = tpu.memref_slice %arg7[%mul3A_42, %dma_start3A] : memref<40x128xi32, #tpu.memory_space<vmem>> -> memref<1x128xi32, #tpu.memory_space<vmem>>
      %dma_start3A_44 = tpu.memref_squeeze %dma_start3A_43 : memref<1x128xi32, #tpu.memory_space<vmem>> -> memref<128xi32, #tpu.memory_space<vmem>>
      %dma_start3A_45 = arith.constant 0 : i32
      %dma_start3A_46 = arith.constant 0 : i32
      %dma_start3A_47 = tpu.memref_slice %arg4[%dma_start3A_45, %dma_start3A_46] : memref<10000x128xf32, #tpu.memory_space<hbm>> -> memref<10000x128xf32, #tpu.memory_space<hbm>>
      tpu.enqueue_indirect_dma source(%dma_start3A_47 : memref<10000x128xf32, #tpu.memory_space<hbm>>) target(%arg9 : memref<128x128xf32, #tpu.memory_space<vmem>>) offsets(%dma_start3A_44 : memref<128xi32, #tpu.memory_space<vmem>>) semaphore(%arg12 : memref<!tpu.dma_semaphore, #tpu.memory_space<semaphore_mem>>)
      %add3A_48 = arith.constant 1 : i32
      %add3A_49 = arith.addi %mul3A_42, %add3A_48 : i32
      %dma_start3A_50 = arith.constant 0 : i32
      %dma_start3A_51 = tpu.memref_slice %arg7[%add3A_49, %dma_start3A_50] : memref<40x128xi32, #tpu.memory_space<vmem>> -> memref<1x128xi32, #tpu.memory_space<vmem>>
      %dma_start3A_52 = tpu.memref_squeeze %dma_start3A_51 : memref<1x128xi32, #tpu.memory_space<vmem>> -> memref<128xi32, #tpu.memory_space<vmem>>
      %dma_start3A_53 = arith.constant 0 : i32
      %dma_start3A_54 = arith.constant 0 : i32
      %dma_start3A_55 = tpu.memref_slice %arg4[%dma_start3A_53, %dma_start3A_54] : memref<10000x128xf32, #tpu.memory_space<hbm>> -> memref<10000x128xf32, #tpu.memory_space<hbm>>
      tpu.enqueue_indirect_dma source(%dma_start3A_55 : memref<10000x128xf32, #tpu.memory_space<hbm>>) target(%arg10 : memref<128x128xf32, #tpu.memory_space<vmem>>) offsets(%dma_start3A_52 : memref<128xi32, #tpu.memory_space<vmem>>) semaphore(%arg13 : memref<!tpu.dma_semaphore, #tpu.memory_space<semaphore_mem>>)
      %dma_wait3A = arith.constant 0 : i32
      %dma_wait3A_56 = tpu.memref_slice %arg7[%mul3A_42, %dma_wait3A] : memref<40x128xi32, #tpu.memory_space<vmem>> -> memref<1x128xi32, #tpu.memory_space<vmem>>
      %dma_wait3A_57 = tpu.memref_squeeze %dma_wait3A_56 : memref<1x128xi32, #tpu.memory_space<vmem>> -> memref<128xi32, #tpu.memory_space<vmem>>
      %dma_wait3A_58 = arith.constant 0 : i32
      %dma_wait3A_59 = arith.constant 0 : i32
      %dma_wait3A_60 = tpu.memref_slice %arg4[%dma_wait3A_58, %dma_wait3A_59] : memref<10000x128xf32, #tpu.memory_space<hbm>> -> memref<10000x128xf32, #tpu.memory_space<hbm>>
      tpu.wait_indirect_dma semaphore(%arg12 : memref<!tpu.dma_semaphore, #tpu.memory_space<semaphore_mem>>) src(%dma_wait3A_60 : memref<10000x128xf32, #tpu.memory_space<hbm>>) dst(%arg9 : memref<128x128xf32, #tpu.memory_space<vmem>>)
      "tpu.region"() ({
        %run_scoped3A = tpu.sem_alloc : memref<!tpu.dma_semaphore, #tpu.memory_space<semaphore_mem>>
        %dma_start3A_70 = arith.constant 0 : i32
        %dma_start3A_71 = tpu.memref_slice %arg8[%mul3A_42, %dma_start3A_70] : memref<40x128xi32, #tpu.memory_space<vmem>> -> memref<1x128xi32, #tpu.memory_space<vmem>>
        %dma_start3A_72 = tpu.memref_squeeze %dma_start3A_71 : memref<1x128xi32, #tpu.memory_space<vmem>> -> memref<128xi32, #tpu.memory_space<vmem>>
        %dma_start3A_73 = arith.constant 0 : i32
        %dma_start3A_74 = arith.constant 0 : i32
        %dma_start3A_75 = tpu.memref_slice %arg11[%dma_start3A_73, %dma_start3A_74] : memref<10112x128xf32, #tpu.memory_space<vmem_shared>> -> memref<10112x128xf32, #tpu.memory_space<vmem_shared>>
        tpu.enqueue_indirect_dma source(%arg9 : memref<128x128xf32, #tpu.memory_space<vmem>>) target(%dma_start3A_75 : memref<10112x128xf32, #tpu.memory_space<vmem_shared>>) offsets(%dma_start3A_72 : memref<128xi32, #tpu.memory_space<vmem>>) semaphore(%run_scoped3A : memref<!tpu.dma_semaphore, #tpu.memory_space<semaphore_mem>>) {add = true}
        %dma_wait3A_76 = arith.constant 0 : i32
        %dma_wait3A_77 = tpu.memref_slice %arg8[%mul3A_42, %dma_wait3A_76] : memref<40x128xi32, #tpu.memory_space<vmem>> -> memref<1x128xi32, #tpu.memory_space<vmem>>
        %dma_wait3A_78 = tpu.memref_squeeze %dma_wait3A_77 : memref<1x128xi32, #tpu.memory_space<vmem>> -> memref<128xi32, #tpu.memory_space<vmem>>
        %dma_wait3A_79 = arith.constant 0 : i32
        %dma_wait3A_80 = arith.constant 0 : i32
        %dma_wait3A_81 = tpu.memref_slice %arg11[%dma_wait3A_79, %dma_wait3A_80] : memref<10112x128xf32, #tpu.memory_space<vmem_shared>> -> memref<10112x128xf32, #tpu.memory_space<vmem_shared>>
        tpu.wait_indirect_dma semaphore(%run_scoped3A : memref<!tpu.dma_semaphore, #tpu.memory_space<semaphore_mem>>) src(%arg9 : memref<128x128xf32, #tpu.memory_space<vmem>>) dst(%dma_wait3A_81 : memref<10112x128xf32, #tpu.memory_space<vmem_shared>>)
        tpu.yield
      }) : () -> ()
      %dma_wait3A_61 = arith.constant 0 : i32
      %dma_wait3A_62 = tpu.memref_slice %arg7[%add3A_49, %dma_wait3A_61] : memref<40x128xi32, #tpu.memory_space<vmem>> -> memref<1x128xi32, #tpu.memory_space<vmem>>
      %dma_wait3A_63 = tpu.memref_squeeze %dma_wait3A_62 : memref<1x128xi32, #tpu.memory_space<vmem>> -> memref<128xi32, #tpu.memory_space<vmem>>
      %dma_wait3A_64 = arith.constant 0 : i32
      %dma_wait3A_65 = arith.constant 0 : i32
      %dma_wait3A_66 = tpu.memref_slice %arg4[%dma_wait3A_64, %dma_wait3A_65] : memref<10000x128xf32, #tpu.memory_space<hbm>> -> memref<10000x128xf32, #tpu.memory_space<hbm>>
      tpu.wait_indirect_dma semaphore(%arg13 : memref<!tpu.dma_semaphore, #tpu.memory_space<semaphore_mem>>) src(%dma_wait3A_66 : memref<10000x128xf32, #tpu.memory_space<hbm>>) dst(%arg10 : memref<128x128xf32, #tpu.memory_space<vmem>>)
      %add3A_67 = arith.constant 1 : i32
      %add3A_68 = arith.addi %mul3A_42, %add3A_67 : i32
      "tpu.region"() ({
        %run_scoped3A = tpu.sem_alloc : memref<!tpu.dma_semaphore, #tpu.memory_space<semaphore_mem>>
        %dma_start3A_70 = arith.constant 0 : i32
        %dma_start3A_71 = tpu.memref_slice %arg8[%add3A_68, %dma_start3A_70] : memref<40x128xi32, #tpu.memory_space<vmem>> -> memref<1x128xi32, #tpu.memory_space<vmem>>
        %dma_start3A_72 = tpu.memref_squeeze %dma_start3A_71 : memref<1x128xi32, #tpu.memory_space<vmem>> -> memref<128xi32, #tpu.memory_space<vmem>>
        %dma_start3A_73 = arith.constant 0 : i32
        %dma_start3A_74 = arith.constant 0 : i32
        %dma_start3A_75 = tpu.memref_slice %arg11[%dma_start3A_73, %dma_start3A_74] : memref<10112x128xf32, #tpu.memory_space<vmem_shared>> -> memref<10112x128xf32, #tpu.memory_space<vmem_shared>>
        tpu.enqueue_indirect_dma source(%arg10 : memref<128x128xf32, #tpu.memory_space<vmem>>) target(%dma_start3A_75 : memref<10112x128xf32, #tpu.memory_space<vmem_shared>>) offsets(%dma_start3A_72 : memref<128xi32, #tpu.memory_space<vmem>>) semaphore(%run_scoped3A : memref<!tpu.dma_semaphore, #tpu.memory_space<semaphore_mem>>) {add = true}
        %dma_wait3A_76 = arith.constant 0 : i32
        %dma_wait3A_77 = tpu.memref_slice %arg8[%add3A_68, %dma_wait3A_76] : memref<40x128xi32, #tpu.memory_space<vmem>> -> memref<1x128xi32, #tpu.memory_space<vmem>>
        %dma_wait3A_78 = tpu.memref_squeeze %dma_wait3A_77 : memref<1x128xi32, #tpu.memory_space<vmem>> -> memref<128xi32, #tpu.memory_space<vmem>>
        %dma_wait3A_79 = arith.constant 0 : i32
        %dma_wait3A_80 = arith.constant 0 : i32
        %dma_wait3A_81 = tpu.memref_slice %arg11[%dma_wait3A_79, %dma_wait3A_80] : memref<10112x128xf32, #tpu.memory_space<vmem_shared>> -> memref<10112x128xf32, #tpu.memory_space<vmem_shared>>
        tpu.wait_indirect_dma semaphore(%run_scoped3A : memref<!tpu.dma_semaphore, #tpu.memory_space<semaphore_mem>>) src(%arg10 : memref<128x128xf32, #tpu.memory_space<vmem>>) dst(%dma_wait3A_81 : memref<10112x128xf32, #tpu.memory_space<vmem_shared>>)
        tpu.yield
      }) : () -> ()
      %scan3A_69 = arith.constant 0 : i32
      scf.yield %scan3A_69 : i32
    }
    %scan3A_30 = arith.constant 20 : i32
    %barrier3A_31 = arith.constant 0 : index
    tpu.barrier barrier_id(%barrier3A_31)
    %eq3A = arith.constant 0 : i32
    %eq3A_32 = arith.cmpi eq, %arg0, %eq3A : i32
    %convert_element_type3A = arith.extui %eq3A_32 : i1 to i32
    %cond3A = arith.constant 0 : i32
    %cond3A_33 = arith.cmpi ne, %convert_element_type3A, %cond3A : i32
    scf.if %cond3A_33 {
      %mul3A_39 = arith.constant 632 : i32
      %mul3A_40 = arith.muli %arg1, %mul3A_39 : i32
      %mul3A_41 = arith.constant 632 : i32
      %mul3A_42 = arith.muli %arg1, %mul3A_41 : i32
      "tpu.region"() ({
        %run_scoped3A = tpu.sem_alloc : memref<!tpu.dma_semaphore, #tpu.memory_space<semaphore_mem>>
        %dma_start3A = arith.constant 0 : i32
        %dma_start3A_43 = tpu.memref_slice %arg5[%mul3A_42, %dma_start3A] : memref<10112x128xf32, #tpu.memory_space<hbm>> -> memref<632x128xf32, #tpu.memory_space<hbm>>
        %dma_start3A_44 = arith.constant 0 : i32
        %dma_start3A_45 = tpu.memref_slice %arg11[%mul3A_40, %dma_start3A_44] : memref<10112x128xf32, #tpu.memory_space<vmem_shared>> -> memref<632x128xf32, #tpu.memory_space<vmem_shared>>
        tpu.enqueue_dma source(%dma_start3A_45 : memref<632x128xf32, #tpu.memory_space<vmem_shared>>) target(%dma_start3A_43 : memref<632x128xf32, #tpu.memory_space<hbm>>) target_semaphore(%run_scoped3A : memref<!tpu.dma_semaphore, #tpu.memory_space<semaphore_mem>>)
        %dma_wait3A = arith.constant 0 : i32
        %dma_wait3A_46 = tpu.memref_slice %arg5[%mul3A_42, %dma_wait3A] : memref<10112x128xf32, #tpu.memory_space<hbm>> -> memref<632x128xf32, #tpu.memory_space<hbm>>
        %dma_wait3A_47 = arith.constant 0 : i32
        %dma_wait3A_48 = tpu.memref_slice %arg11[%mul3A_40, %dma_wait3A_47] : memref<10112x128xf32, #tpu.memory_space<vmem_shared>> -> memref<632x128xf32, #tpu.memory_space<vmem_shared>>
        tpu.wait_dma2 semaphore(%run_scoped3A : memref<!tpu.dma_semaphore, #tpu.memory_space<semaphore_mem>>) src(%dma_wait3A_48 : memref<632x128xf32, #tpu.memory_space<vmem_shared>>) dst(%dma_wait3A_46 : memref<632x128xf32, #tpu.memory_space<hbm>>)
        tpu.yield
      }) : () -> ()
    } else {
    }
    %eq3A_34 = arith.constant 1 : i32
    %eq3A_35 = arith.cmpi eq, %arg0, %eq3A_34 : i32
    %convert_element_type3A_36 = arith.extui %eq3A_35 : i1 to i32
    %cond3A_37 = arith.constant 0 : i32
    %cond3A_38 = arith.cmpi ne, %convert_element_type3A_36, %cond3A_37 : i32
    scf.if %cond3A_38 {
      %mul3A_39 = arith.constant 632 : i32
      %mul3A_40 = arith.muli %arg1, %mul3A_39 : i32
      %mul3A_41 = arith.constant 632 : i32
      %mul3A_42 = arith.muli %arg1, %mul3A_41 : i32
      "tpu.region"() ({
        %run_scoped3A = tpu.sem_alloc : memref<!tpu.dma_semaphore, #tpu.memory_space<semaphore_mem>>
        %dma_start3A = arith.constant 0 : i32
        %dma_start3A_43 = tpu.memref_slice %arg6[%mul3A_42, %dma_start3A] : memref<10112x128xf32, #tpu.memory_space<hbm>> -> memref<632x128xf32, #tpu.memory_space<hbm>>
        %dma_start3A_44 = arith.constant 0 : i32
        %dma_start3A_45 = tpu.memref_slice %arg11[%mul3A_40, %dma_start3A_44] : memref<10112x128xf32, #tpu.memory_space<vmem_shared>> -> memref<632x128xf32, #tpu.memory_space<vmem_shared>>
        tpu.enqueue_dma source(%dma_start3A_45 : memref<632x128xf32, #tpu.memory_space<vmem_shared>>) target(%dma_start3A_43 : memref<632x128xf32, #tpu.memory_space<hbm>>) target_semaphore(%run_scoped3A : memref<!tpu.dma_semaphore, #tpu.memory_space<semaphore_mem>>)
        %dma_wait3A = arith.constant 0 : i32
        %dma_wait3A_46 = tpu.memref_slice %arg6[%mul3A_42, %dma_wait3A] : memref<10112x128xf32, #tpu.memory_space<hbm>> -> memref<632x128xf32, #tpu.memory_space<hbm>>
        %dma_wait3A_47 = arith.constant 0 : i32
        %dma_wait3A_48 = tpu.memref_slice %arg11[%mul3A_40, %dma_wait3A_47] : memref<10112x128xf32, #tpu.memory_space<vmem_shared>> -> memref<632x128xf32, #tpu.memory_space<vmem_shared>>
        tpu.wait_dma2 semaphore(%run_scoped3A : memref<!tpu.dma_semaphore, #tpu.memory_space<semaphore_mem>>) src(%dma_wait3A_48 : memref<632x128xf32, #tpu.memory_space<vmem_shared>>) dst(%dma_wait3A_46 : memref<632x128xf32, #tpu.memory_space<hbm>>)
        tpu.yield
      }) : () -> ()
    } else {
    }
    return
  }
}

#map = affine_map<(d0, d1) -> (0, 0)>
module attributes {stable_mosaic.version = 14 : i64} {
  func.func @agg_kernel(%arg0: i32, %arg1: i32, %arg2: memref<1280x128xi32, #tpu.memory_space<hbm>>, %arg3: memref<1280x128xi32, #tpu.memory_space<hbm>>, %arg4: memref<10000x128xf32, #tpu.memory_space<hbm>>, %arg5: memref<10112x128xf32, #tpu.memory_space<hbm>>, %arg6: memref<10112x128xf32, #tpu.memory_space<hbm>>, %arg7: memref<40x128xi32, #tpu.memory_space<vmem>>, %arg8: memref<40x128xi32, #tpu.memory_space<vmem>>, %arg9: memref<128x128xf32, #tpu.memory_space<vmem>>, %arg10: memref<128x128xf32, #tpu.memory_space<vmem>>, %arg11: memref<10112x128xf32, #tpu.memory_space<vmem_shared>>, %arg12: memref<!tpu.dma_semaphore, #tpu.memory_space<semaphore_mem>>, %arg13: memref<!tpu.dma_semaphore, #tpu.memory_space<semaphore_mem>>) attributes {dimension_semantics = [#tpu.dimension_semantics<core_parallel>, #tpu.dimension_semantics<subcore_parallel>], iteration_bounds = array<i64: 2, 16>, scalar_prefetch = 0 : i64, scratch_operands = 7 : i64, tpu.core_type = #tpu.core_type<sc_vector_subcore>, window_params = [{transform_indices = #map}, {transform_indices = #map}, {transform_indices = #map}, {transform_indices = #map}, {transform_indices = #map}]} {
    %mul3A = arith.constant 16 : i32
    %mul3A_0 = arith.muli %arg0, %mul3A : i32
    %add3A = arith.addi %mul3A_0, %arg1 : i32
    %mul3A_1 = arith.constant 40 : i32
    %mul3A_2 = arith.muli %add3A, %mul3A_1 : i32
    "tpu.region"() ({
      %run_scoped3A = tpu.sem_alloc : memref<!tpu.dma_semaphore, #tpu.memory_space<semaphore_mem>>
      %dma_start3A = arith.constant 0 : i32
      %dma_start3A_39 = tpu.memref_slice %arg2[%mul3A_2, %dma_start3A] : memref<1280x128xi32, #tpu.memory_space<hbm>> -> memref<40x128xi32, #tpu.memory_space<hbm>>
      %dma_start3A_40 = arith.constant 0 : i32
      %dma_start3A_41 = tpu.memref_slice %arg2[%mul3A_2, %dma_start3A_40] : memref<1280x128xi32, #tpu.memory_space<hbm>> -> memref<40x128xi32, #tpu.memory_space<hbm>>
      tpu.enqueue_dma source(%dma_start3A_41 : memref<40x128xi32, #tpu.memory_space<hbm>>) target(%arg7 : memref<40x128xi32, #tpu.memory_space<vmem>>) target_semaphore(%run_scoped3A : memref<!tpu.dma_semaphore, #tpu.memory_space<semaphore_mem>>)
      %dma_wait3A = arith.constant 0 : i32
      %dma_wait3A_42 = tpu.memref_slice %arg2[%mul3A_2, %dma_wait3A] : memref<1280x128xi32, #tpu.memory_space<hbm>> -> memref<40x128xi32, #tpu.memory_space<hbm>>
      %dma_wait3A_43 = arith.constant 0 : i32
      %dma_wait3A_44 = tpu.memref_slice %arg2[%mul3A_2, %dma_wait3A_43] : memref<1280x128xi32, #tpu.memory_space<hbm>> -> memref<40x128xi32, #tpu.memory_space<hbm>>
      tpu.wait_dma2 semaphore(%run_scoped3A : memref<!tpu.dma_semaphore, #tpu.memory_space<semaphore_mem>>) src(%dma_wait3A_44 : memref<40x128xi32, #tpu.memory_space<hbm>>) dst(%arg7 : memref<40x128xi32, #tpu.memory_space<vmem>>)
      tpu.yield
    }) : () -> ()
    %mul3A_3 = arith.constant 40 : i32
    %mul3A_4 = arith.muli %add3A, %mul3A_3 : i32
    "tpu.region"() ({
      %run_scoped3A = tpu.sem_alloc : memref<!tpu.dma_semaphore, #tpu.memory_space<semaphore_mem>>
      %dma_start3A = arith.constant 0 : i32
      %dma_start3A_39 = tpu.memref_slice %arg3[%mul3A_4, %dma_start3A] : memref<1280x128xi32, #tpu.memory_space<hbm>> -> memref<40x128xi32, #tpu.memory_space<hbm>>
      %dma_start3A_40 = arith.constant 0 : i32
      %dma_start3A_41 = tpu.memref_slice %arg3[%mul3A_4, %dma_start3A_40] : memref<1280x128xi32, #tpu.memory_space<hbm>> -> memref<40x128xi32, #tpu.memory_space<hbm>>
      tpu.enqueue_dma source(%dma_start3A_41 : memref<40x128xi32, #tpu.memory_space<hbm>>) target(%arg8 : memref<40x128xi32, #tpu.memory_space<vmem>>) target_semaphore(%run_scoped3A : memref<!tpu.dma_semaphore, #tpu.memory_space<semaphore_mem>>)
      %dma_wait3A = arith.constant 0 : i32
      %dma_wait3A_42 = tpu.memref_slice %arg3[%mul3A_4, %dma_wait3A] : memref<1280x128xi32, #tpu.memory_space<hbm>> -> memref<40x128xi32, #tpu.memory_space<hbm>>
      %dma_wait3A_43 = arith.constant 0 : i32
      %dma_wait3A_44 = tpu.memref_slice %arg3[%mul3A_4, %dma_wait3A_43] : memref<1280x128xi32, #tpu.memory_space<hbm>> -> memref<40x128xi32, #tpu.memory_space<hbm>>
      tpu.wait_dma2 semaphore(%run_scoped3A : memref<!tpu.dma_semaphore, #tpu.memory_space<semaphore_mem>>) src(%dma_wait3A_44 : memref<40x128xi32, #tpu.memory_space<hbm>>) dst(%arg8 : memref<40x128xi32, #tpu.memory_space<vmem>>)
      tpu.yield
    }) : () -> ()
    %broadcast_in_dim3A = arith.constant 0.000000e+00 : f32
    %broadcast_in_dim3A_5 = vector.broadcast %broadcast_in_dim3A : f32 to vector<16xf32>
    %scan3A = arith.constant 0 : i32
    %scan3A_6 = arith.constant 0 : i32
    %scan3A_7 = arith.constant 128 : i32
    %scan3A_8 = arith.addi %scan3A_6, %scan3A_7 : i32
    %scan3A_9 = arith.constant 1 : i32
    %scan3A_10 = scf.for %scan3A_39 = %scan3A_6 to %scan3A_8 step %scan3A_9 iter_args(%scan3A_40 = %scan3A) -> (i32)  : i32 {
      %swap3A = arith.index_cast %scan3A_39 : i32 to index
      %swap3A_41 = arith.constant 0 : index
      %swap3A_42 = tpu.vector_load %arg9[%swap3A, %swap3A_41] {strides = array<i32>} : memref<128x128xf32, #tpu.memory_space<vmem>>, vector<1x16xf32>,
      %swap3A_43 = vector.shape_cast %swap3A_42 : vector<1x16xf32> to vector<16xf32>
      %swap3A_44 = vector.shape_cast %broadcast_in_dim3A_5 : vector<16xf32> to vector<1x16xf32>
      tpu.vector_store %arg9[%swap3A, %swap3A_41], %swap3A_44 {strides = array<i32>} : memref<128x128xf32, #tpu.memory_space<vmem>>, vector<1x16xf32>,
      %swap3A_45 = arith.index_cast %scan3A_39 : i32 to index
      %swap3A_46 = arith.constant 16 : index
      %swap3A_47 = tpu.vector_load %arg9[%swap3A_45, %swap3A_46] {strides = array<i32>} : memref<128x128xf32, #tpu.memory_space<vmem>>, vector<1x16xf32>,
      %swap3A_48 = vector.shape_cast %swap3A_47 : vector<1x16xf32> to vector<16xf32>
      %swap3A_49 = vector.shape_cast %broadcast_in_dim3A_5 : vector<16xf32> to vector<1x16xf32>
      tpu.vector_store %arg9[%swap3A_45, %swap3A_46], %swap3A_49 {strides = array<i32>} : memref<128x128xf32, #tpu.memory_space<vmem>>, vector<1x16xf32>,
      %swap3A_50 = arith.index_cast %scan3A_39 : i32 to index
      %swap3A_51 = arith.constant 32 : index
      %swap3A_52 = tpu.vector_load %arg9[%swap3A_50, %swap3A_51] {strides = array<i32>} : memref<128x128xf32, #tpu.memory_space<vmem>>, vector<1x16xf32>,
      %swap3A_53 = vector.shape_cast %swap3A_52 : vector<1x16xf32> to vector<16xf32>
      %swap3A_54 = vector.shape_cast %broadcast_in_dim3A_5 : vector<16xf32> to vector<1x16xf32>
      tpu.vector_store %arg9[%swap3A_50, %swap3A_51], %swap3A_54 {strides = array<i32>} : memref<128x128xf32, #tpu.memory_space<vmem>>, vector<1x16xf32>,
      %swap3A_55 = arith.index_cast %scan3A_39 : i32 to index
      %swap3A_56 = arith.constant 48 : index
      %swap3A_57 = tpu.vector_load %arg9[%swap3A_55, %swap3A_56] {strides = array<i32>} : memref<128x128xf32, #tpu.memory_space<vmem>>, vector<1x16xf32>,
      %swap3A_58 = vector.shape_cast %swap3A_57 : vector<1x16xf32> to vector<16xf32>
      %swap3A_59 = vector.shape_cast %broadcast_in_dim3A_5 : vector<16xf32> to vector<1x16xf32>
      tpu.vector_store %arg9[%swap3A_55, %swap3A_56], %swap3A_59 {strides = array<i32>} : memref<128x128xf32, #tpu.memory_space<vmem>>, vector<1x16xf32>,
      %swap3A_60 = arith.index_cast %scan3A_39 : i32 to index
      %swap3A_61 = arith.constant 64 : index
      %swap3A_62 = tpu.vector_load %arg9[%swap3A_60, %swap3A_61] {strides = array<i32>} : memref<128x128xf32, #tpu.memory_space<vmem>>, vector<1x16xf32>,
      %swap3A_63 = vector.shape_cast %swap3A_62 : vector<1x16xf32> to vector<16xf32>
      %swap3A_64 = vector.shape_cast %broadcast_in_dim3A_5 : vector<16xf32> to vector<1x16xf32>
      tpu.vector_store %arg9[%swap3A_60, %swap3A_61], %swap3A_64 {strides = array<i32>} : memref<128x128xf32, #tpu.memory_space<vmem>>, vector<1x16xf32>,
      %swap3A_65 = arith.index_cast %scan3A_39 : i32 to index
      %swap3A_66 = arith.constant 80 : index
      %swap3A_67 = tpu.vector_load %arg9[%swap3A_65, %swap3A_66] {strides = array<i32>} : memref<128x128xf32, #tpu.memory_space<vmem>>, vector<1x16xf32>,
      %swap3A_68 = vector.shape_cast %swap3A_67 : vector<1x16xf32> to vector<16xf32>
      %swap3A_69 = vector.shape_cast %broadcast_in_dim3A_5 : vector<16xf32> to vector<1x16xf32>
      tpu.vector_store %arg9[%swap3A_65, %swap3A_66], %swap3A_69 {strides = array<i32>} : memref<128x128xf32, #tpu.memory_space<vmem>>, vector<1x16xf32>,
      %swap3A_70 = arith.index_cast %scan3A_39 : i32 to index
      %swap3A_71 = arith.constant 96 : index
      %swap3A_72 = tpu.vector_load %arg9[%swap3A_70, %swap3A_71] {strides = array<i32>} : memref<128x128xf32, #tpu.memory_space<vmem>>, vector<1x16xf32>,
      %swap3A_73 = vector.shape_cast %swap3A_72 : vector<1x16xf32> to vector<16xf32>
      %swap3A_74 = vector.shape_cast %broadcast_in_dim3A_5 : vector<16xf32> to vector<1x16xf32>
      tpu.vector_store %arg9[%swap3A_70, %swap3A_71], %swap3A_74 {strides = array<i32>} : memref<128x128xf32, #tpu.memory_space<vmem>>, vector<1x16xf32>,
      %swap3A_75 = arith.index_cast %scan3A_39 : i32 to index
      %swap3A_76 = arith.constant 112 : index
      %swap3A_77 = tpu.vector_load %arg9[%swap3A_75, %swap3A_76] {strides = array<i32>} : memref<128x128xf32, #tpu.memory_space<vmem>>, vector<1x16xf32>,
      %swap3A_78 = vector.shape_cast %swap3A_77 : vector<1x16xf32> to vector<16xf32>
      %swap3A_79 = vector.shape_cast %broadcast_in_dim3A_5 : vector<16xf32> to vector<1x16xf32>
      tpu.vector_store %arg9[%swap3A_75, %swap3A_76], %swap3A_79 {strides = array<i32>} : memref<128x128xf32, #tpu.memory_space<vmem>>, vector<1x16xf32>,
      %scan3A_80 = arith.constant 0 : i32
      scf.yield %scan3A_80 : i32
    }
    %scan3A_11 = arith.constant 128 : i32
    %mul3A_12 = arith.constant 632 : i32
    %mul3A_13 = arith.muli %arg1, %mul3A_12 : i32
    %add3A_14 = arith.constant 0 : i32
    %add3A_15 = arith.addi %mul3A_13, %add3A_14 : i32
    "tpu.region"() ({
      %run_scoped3A = tpu.sem_alloc : memref<!tpu.dma_semaphore, #tpu.memory_space<semaphore_mem>>
      %dma_start3A = arith.constant 0 : i32
      %dma_start3A_39 = tpu.memref_slice %arg11[%add3A_15, %dma_start3A] : memref<10112x128xf32, #tpu.memory_space<vmem_shared>> -> memref<128x128xf32, #tpu.memory_space<vmem_shared>>
      %dma_start3A_40 = arith.constant 0 : i32
      %dma_start3A_41 = tpu.memref_slice %arg11[%add3A_15, %dma_start3A_40] : memref<10112x128xf32, #tpu.memory_space<vmem_shared>> -> memref<128x128xf32, #tpu.memory_space<vmem_shared>>
      tpu.enqueue_dma source(%arg9 : memref<128x128xf32, #tpu.memory_space<vmem>>) target(%dma_start3A_41 : memref<128x128xf32, #tpu.memory_space<vmem_shared>>) target_semaphore(%run_scoped3A : memref<!tpu.dma_semaphore, #tpu.memory_space<semaphore_mem>>)
      %dma_wait3A = arith.constant 0 : i32
      %dma_wait3A_42 = tpu.memref_slice %arg11[%add3A_15, %dma_wait3A] : memref<10112x128xf32, #tpu.memory_space<vmem_shared>> -> memref<128x128xf32, #tpu.memory_space<vmem_shared>>
      %dma_wait3A_43 = arith.constant 0 : i32
      %dma_wait3A_44 = tpu.memref_slice %arg11[%add3A_15, %dma_wait3A_43] : memref<10112x128xf32, #tpu.memory_space<vmem_shared>> -> memref<128x128xf32, #tpu.memory_space<vmem_shared>>
      tpu.wait_dma2 semaphore(%run_scoped3A : memref<!tpu.dma_semaphore, #tpu.memory_space<semaphore_mem>>) src(%arg9 : memref<128x128xf32, #tpu.memory_space<vmem>>) dst(%dma_wait3A_44 : memref<128x128xf32, #tpu.memory_space<vmem_shared>>)
      tpu.yield
    }) : () -> ()
    %add3A_16 = arith.constant 128 : i32
    %add3A_17 = arith.addi %mul3A_13, %add3A_16 : i32
    "tpu.region"() ({
      %run_scoped3A = tpu.sem_alloc : memref<!tpu.dma_semaphore, #tpu.memory_space<semaphore_mem>>
      %dma_start3A = arith.constant 0 : i32
      %dma_start3A_39 = tpu.memref_slice %arg11[%add3A_17, %dma_start3A] : memref<10112x128xf32, #tpu.memory_space<vmem_shared>> -> memref<128x128xf32, #tpu.memory_space<vmem_shared>>
      %dma_start3A_40 = arith.constant 0 : i32
      %dma_start3A_41 = tpu.memref_slice %arg11[%add3A_17, %dma_start3A_40] : memref<10112x128xf32, #tpu.memory_space<vmem_shared>> -> memref<128x128xf32, #tpu.memory_space<vmem_shared>>
      tpu.enqueue_dma source(%arg9 : memref<128x128xf32, #tpu.memory_space<vmem>>) target(%dma_start3A_41 : memref<128x128xf32, #tpu.memory_space<vmem_shared>>) target_semaphore(%run_scoped3A : memref<!tpu.dma_semaphore, #tpu.memory_space<semaphore_mem>>)
      %dma_wait3A = arith.constant 0 : i32
      %dma_wait3A_42 = tpu.memref_slice %arg11[%add3A_17, %dma_wait3A] : memref<10112x128xf32, #tpu.memory_space<vmem_shared>> -> memref<128x128xf32, #tpu.memory_space<vmem_shared>>
      %dma_wait3A_43 = arith.constant 0 : i32
      %dma_wait3A_44 = tpu.memref_slice %arg11[%add3A_17, %dma_wait3A_43] : memref<10112x128xf32, #tpu.memory_space<vmem_shared>> -> memref<128x128xf32, #tpu.memory_space<vmem_shared>>
      tpu.wait_dma2 semaphore(%run_scoped3A : memref<!tpu.dma_semaphore, #tpu.memory_space<semaphore_mem>>) src(%arg9 : memref<128x128xf32, #tpu.memory_space<vmem>>) dst(%dma_wait3A_44 : memref<128x128xf32, #tpu.memory_space<vmem_shared>>)
      tpu.yield
    }) : () -> ()
    %add3A_18 = arith.constant 256 : i32
    %add3A_19 = arith.addi %mul3A_13, %add3A_18 : i32
    "tpu.region"() ({
      %run_scoped3A = tpu.sem_alloc : memref<!tpu.dma_semaphore, #tpu.memory_space<semaphore_mem>>
      %dma_start3A = arith.constant 0 : i32
      %dma_start3A_39 = tpu.memref_slice %arg11[%add3A_19, %dma_start3A] : memref<10112x128xf32, #tpu.memory_space<vmem_shared>> -> memref<128x128xf32, #tpu.memory_space<vmem_shared>>
      %dma_start3A_40 = arith.constant 0 : i32
      %dma_start3A_41 = tpu.memref_slice %arg11[%add3A_19, %dma_start3A_40] : memref<10112x128xf32, #tpu.memory_space<vmem_shared>> -> memref<128x128xf32, #tpu.memory_space<vmem_shared>>
      tpu.enqueue_dma source(%arg9 : memref<128x128xf32, #tpu.memory_space<vmem>>) target(%dma_start3A_41 : memref<128x128xf32, #tpu.memory_space<vmem_shared>>) target_semaphore(%run_scoped3A : memref<!tpu.dma_semaphore, #tpu.memory_space<semaphore_mem>>)
      %dma_wait3A = arith.constant 0 : i32
      %dma_wait3A_42 = tpu.memref_slice %arg11[%add3A_19, %dma_wait3A] : memref<10112x128xf32, #tpu.memory_space<vmem_shared>> -> memref<128x128xf32, #tpu.memory_space<vmem_shared>>
      %dma_wait3A_43 = arith.constant 0 : i32
      %dma_wait3A_44 = tpu.memref_slice %arg11[%add3A_19, %dma_wait3A_43] : memref<10112x128xf32, #tpu.memory_space<vmem_shared>> -> memref<128x128xf32, #tpu.memory_space<vmem_shared>>
      tpu.wait_dma2 semaphore(%run_scoped3A : memref<!tpu.dma_semaphore, #tpu.memory_space<semaphore_mem>>) src(%arg9 : memref<128x128xf32, #tpu.memory_space<vmem>>) dst(%dma_wait3A_44 : memref<128x128xf32, #tpu.memory_space<vmem_shared>>)
      tpu.yield
    }) : () -> ()
    %add3A_20 = arith.constant 384 : i32
    %add3A_21 = arith.addi %mul3A_13, %add3A_20 : i32
    "tpu.region"() ({
      %run_scoped3A = tpu.sem_alloc : memref<!tpu.dma_semaphore, #tpu.memory_space<semaphore_mem>>
      %dma_start3A = arith.constant 0 : i32
      %dma_start3A_39 = tpu.memref_slice %arg11[%add3A_21, %dma_start3A] : memref<10112x128xf32, #tpu.memory_space<vmem_shared>> -> memref<128x128xf32, #tpu.memory_space<vmem_shared>>
      %dma_start3A_40 = arith.constant 0 : i32
      %dma_start3A_41 = tpu.memref_slice %arg11[%add3A_21, %dma_start3A_40] : memref<10112x128xf32, #tpu.memory_space<vmem_shared>> -> memref<128x128xf32, #tpu.memory_space<vmem_shared>>
      tpu.enqueue_dma source(%arg9 : memref<128x128xf32, #tpu.memory_space<vmem>>) target(%dma_start3A_41 : memref<128x128xf32, #tpu.memory_space<vmem_shared>>) target_semaphore(%run_scoped3A : memref<!tpu.dma_semaphore, #tpu.memory_space<semaphore_mem>>)
      %dma_wait3A = arith.constant 0 : i32
      %dma_wait3A_42 = tpu.memref_slice %arg11[%add3A_21, %dma_wait3A] : memref<10112x128xf32, #tpu.memory_space<vmem_shared>> -> memref<128x128xf32, #tpu.memory_space<vmem_shared>>
      %dma_wait3A_43 = arith.constant 0 : i32
      %dma_wait3A_44 = tpu.memref_slice %arg11[%add3A_21, %dma_wait3A_43] : memref<10112x128xf32, #tpu.memory_space<vmem_shared>> -> memref<128x128xf32, #tpu.memory_space<vmem_shared>>
      tpu.wait_dma2 semaphore(%run_scoped3A : memref<!tpu.dma_semaphore, #tpu.memory_space<semaphore_mem>>) src(%arg9 : memref<128x128xf32, #tpu.memory_space<vmem>>) dst(%dma_wait3A_44 : memref<128x128xf32, #tpu.memory_space<vmem_shared>>)
      tpu.yield
    }) : () -> ()
    %add3A_22 = arith.constant 512 : i32
    %add3A_23 = arith.addi %mul3A_13, %add3A_22 : i32
    "tpu.region"() ({
      %run_scoped3A = tpu.sem_alloc : memref<!tpu.dma_semaphore, #tpu.memory_space<semaphore_mem>>
      %dma_start3A = arith.constant 0 : i32
      %dma_start3A_39 = arith.constant 0 : i32
      %dma_start3A_40 = tpu.memref_slice %arg9[%dma_start3A, %dma_start3A_39] : memref<128x128xf32, #tpu.memory_space<vmem>> -> memref<120x128xf32, #tpu.memory_space<vmem>>
      %dma_start3A_41 = arith.constant 0 : i32
      %dma_start3A_42 = tpu.memref_slice %arg11[%add3A_23, %dma_start3A_41] : memref<10112x128xf32, #tpu.memory_space<vmem_shared>> -> memref<120x128xf32, #tpu.memory_space<vmem_shared>>
      %dma_start3A_43 = arith.constant 0 : i32
      %dma_start3A_44 = tpu.memref_slice %arg11[%add3A_23, %dma_start3A_43] : memref<10112x128xf32, #tpu.memory_space<vmem_shared>> -> memref<120x128xf32, #tpu.memory_space<vmem_shared>>
      %dma_start3A_45 = arith.constant 0 : i32
      %dma_start3A_46 = arith.constant 0 : i32
      %dma_start3A_47 = tpu.memref_slice %arg9[%dma_start3A_45, %dma_start3A_46] : memref<128x128xf32, #tpu.memory_space<vmem>> -> memref<120x128xf32, #tpu.memory_space<vmem>>
      tpu.enqueue_dma source(%dma_start3A_47 : memref<120x128xf32, #tpu.memory_space<vmem>>) target(%dma_start3A_44 : memref<120x128xf32, #tpu.memory_space<vmem_shared>>) target_semaphore(%run_scoped3A : memref<!tpu.dma_semaphore, #tpu.memory_space<semaphore_mem>>)
      %dma_wait3A = arith.constant 0 : i32
      %dma_wait3A_48 = arith.constant 0 : i32
      %dma_wait3A_49 = tpu.memref_slice %arg9[%dma_wait3A, %dma_wait3A_48] : memref<128x128xf32, #tpu.memory_space<vmem>> -> memref<120x128xf32, #tpu.memory_space<vmem>>
      %dma_wait3A_50 = arith.constant 0 : i32
      %dma_wait3A_51 = tpu.memref_slice %arg11[%add3A_23, %dma_wait3A_50] : memref<10112x128xf32, #tpu.memory_space<vmem_shared>> -> memref<120x128xf32, #tpu.memory_space<vmem_shared>>
      %dma_wait3A_52 = arith.constant 0 : i32
      %dma_wait3A_53 = tpu.memref_slice %arg11[%add3A_23, %dma_wait3A_52] : memref<10112x128xf32, #tpu.memory_space<vmem_shared>> -> memref<120x128xf32, #tpu.memory_space<vmem_shared>>
      %dma_wait3A_54 = arith.constant 0 : i32
      %dma_wait3A_55 = arith.constant 0 : i32
      %dma_wait3A_56 = tpu.memref_slice %arg9[%dma_wait3A_54, %dma_wait3A_55] : memref<128x128xf32, #tpu.memory_space<vmem>> -> memref<120x128xf32, #tpu.memory_space<vmem>>
      tpu.wait_dma2 semaphore(%run_scoped3A : memref<!tpu.dma_semaphore, #tpu.memory_space<semaphore_mem>>) src(%dma_wait3A_56 : memref<120x128xf32, #tpu.memory_space<vmem>>) dst(%dma_wait3A_53 : memref<120x128xf32, #tpu.memory_space<vmem_shared>>)
      tpu.yield
    }) : () -> ()
    %barrier3A = arith.constant 0 : index
    tpu.barrier barrier_id(%barrier3A)
    %scan3A_24 = arith.constant 0 : i32
    %scan3A_25 = arith.constant 0 : i32
    %scan3A_26 = arith.constant 20 : i32
    %scan3A_27 = arith.addi %scan3A_25, %scan3A_26 : i32
    %scan3A_28 = arith.constant 1 : i32
    %scan3A_29 = scf.for %scan3A_39 = %scan3A_25 to %scan3A_27 step %scan3A_28 iter_args(%scan3A_40 = %scan3A_24) -> (i32)  : i32 {
      %mul3A_41 = arith.constant 2 : i32
      %mul3A_42 = arith.muli %scan3A_39, %mul3A_41 : i32
      %dma_start3A = arith.constant 0 : i32
      %dma_start3A_43 = tpu.memref_slice %arg7[%mul3A_42, %dma_start3A] : memref<40x128xi32, #tpu.memory_space<vmem>> -> memref<1x128xi32, #tpu.memory_space<vmem>>
      %dma_start3A_44 = tpu.memref_squeeze %dma_start3A_43 : memref<1x128xi32, #tpu.memory_space<vmem>> -> memref<128xi32, #tpu.memory_space<vmem>>
      %dma_start3A_45 = arith.constant 0 : i32
      %dma_start3A_46 = arith.constant 0 : i32
      %dma_start3A_47 = tpu.memref_slice %arg4[%dma_start3A_45, %dma_start3A_46] : memref<10000x128xf32, #tpu.memory_space<hbm>> -> memref<10000x128xf32, #tpu.memory_space<hbm>>
      tpu.enqueue_indirect_dma source(%dma_start3A_47 : memref<10000x128xf32, #tpu.memory_space<hbm>>) target(%arg9 : memref<128x128xf32, #tpu.memory_space<vmem>>) offsets(%dma_start3A_44 : memref<128xi32, #tpu.memory_space<vmem>>) semaphore(%arg12 : memref<!tpu.dma_semaphore, #tpu.memory_space<semaphore_mem>>)
      %add3A_48 = arith.constant 1 : i32
      %add3A_49 = arith.addi %mul3A_42, %add3A_48 : i32
      %dma_start3A_50 = arith.constant 0 : i32
      %dma_start3A_51 = tpu.memref_slice %arg7[%add3A_49, %dma_start3A_50] : memref<40x128xi32, #tpu.memory_space<vmem>> -> memref<1x128xi32, #tpu.memory_space<vmem>>
      %dma_start3A_52 = tpu.memref_squeeze %dma_start3A_51 : memref<1x128xi32, #tpu.memory_space<vmem>> -> memref<128xi32, #tpu.memory_space<vmem>>
      %dma_start3A_53 = arith.constant 0 : i32
      %dma_start3A_54 = arith.constant 0 : i32
      %dma_start3A_55 = tpu.memref_slice %arg4[%dma_start3A_53, %dma_start3A_54] : memref<10000x128xf32, #tpu.memory_space<hbm>> -> memref<10000x128xf32, #tpu.memory_space<hbm>>
      tpu.enqueue_indirect_dma source(%dma_start3A_55 : memref<10000x128xf32, #tpu.memory_space<hbm>>) target(%arg10 : memref<128x128xf32, #tpu.memory_space<vmem>>) offsets(%dma_start3A_52 : memref<128xi32, #tpu.memory_space<vmem>>) semaphore(%arg13 : memref<!tpu.dma_semaphore, #tpu.memory_space<semaphore_mem>>)
      %dma_wait3A = arith.constant 0 : i32
      %dma_wait3A_56 = tpu.memref_slice %arg7[%mul3A_42, %dma_wait3A] : memref<40x128xi32, #tpu.memory_space<vmem>> -> memref<1x128xi32, #tpu.memory_space<vmem>>
      %dma_wait3A_57 = tpu.memref_squeeze %dma_wait3A_56 : memref<1x128xi32, #tpu.memory_space<vmem>> -> memref<128xi32, #tpu.memory_space<vmem>>
      %dma_wait3A_58 = arith.constant 0 : i32
      %dma_wait3A_59 = arith.constant 0 : i32
      %dma_wait3A_60 = tpu.memref_slice %arg4[%dma_wait3A_58, %dma_wait3A_59] : memref<10000x128xf32, #tpu.memory_space<hbm>> -> memref<10000x128xf32, #tpu.memory_space<hbm>>
      tpu.wait_indirect_dma semaphore(%arg12 : memref<!tpu.dma_semaphore, #tpu.memory_space<semaphore_mem>>) src(%dma_wait3A_60 : memref<10000x128xf32, #tpu.memory_space<hbm>>) dst(%arg9 : memref<128x128xf32, #tpu.memory_space<vmem>>)
      "tpu.region"() ({
        %run_scoped3A = tpu.sem_alloc : memref<!tpu.dma_semaphore, #tpu.memory_space<semaphore_mem>>
        %dma_start3A_70 = arith.constant 0 : i32
        %dma_start3A_71 = tpu.memref_slice %arg8[%mul3A_42, %dma_start3A_70] : memref<40x128xi32, #tpu.memory_space<vmem>> -> memref<1x128xi32, #tpu.memory_space<vmem>>
        %dma_start3A_72 = tpu.memref_squeeze %dma_start3A_71 : memref<1x128xi32, #tpu.memory_space<vmem>> -> memref<128xi32, #tpu.memory_space<vmem>>
        %dma_start3A_73 = arith.constant 0 : i32
        %dma_start3A_74 = arith.constant 0 : i32
        %dma_start3A_75 = tpu.memref_slice %arg11[%dma_start3A_73, %dma_start3A_74] : memref<10112x128xf32, #tpu.memory_space<vmem_shared>> -> memref<10112x128xf32, #tpu.memory_space<vmem_shared>>
        tpu.enqueue_indirect_dma source(%arg9 : memref<128x128xf32, #tpu.memory_space<vmem>>) target(%dma_start3A_75 : memref<10112x128xf32, #tpu.memory_space<vmem_shared>>) offsets(%dma_start3A_72 : memref<128xi32, #tpu.memory_space<vmem>>) semaphore(%run_scoped3A : memref<!tpu.dma_semaphore, #tpu.memory_space<semaphore_mem>>) {add = true}
        %dma_wait3A_76 = arith.constant 0 : i32
        %dma_wait3A_77 = tpu.memref_slice %arg8[%mul3A_42, %dma_wait3A_76] : memref<40x128xi32, #tpu.memory_space<vmem>> -> memref<1x128xi32, #tpu.memory_space<vmem>>
        %dma_wait3A_78 = tpu.memref_squeeze %dma_wait3A_77 : memref<1x128xi32, #tpu.memory_space<vmem>> -> memref<128xi32, #tpu.memory_space<vmem>>
        %dma_wait3A_79 = arith.constant 0 : i32
        %dma_wait3A_80 = arith.constant 0 : i32
        %dma_wait3A_81 = tpu.memref_slice %arg11[%dma_wait3A_79, %dma_wait3A_80] : memref<10112x128xf32, #tpu.memory_space<vmem_shared>> -> memref<10112x128xf32, #tpu.memory_space<vmem_shared>>
        tpu.wait_indirect_dma semaphore(%run_scoped3A : memref<!tpu.dma_semaphore, #tpu.memory_space<semaphore_mem>>) src(%arg9 : memref<128x128xf32, #tpu.memory_space<vmem>>) dst(%dma_wait3A_81 : memref<10112x128xf32, #tpu.memory_space<vmem_shared>>)
        tpu.yield
      }) : () -> ()
      %dma_wait3A_61 = arith.constant 0 : i32
      %dma_wait3A_62 = tpu.memref_slice %arg7[%add3A_49, %dma_wait3A_61] : memref<40x128xi32, #tpu.memory_space<vmem>> -> memref<1x128xi32, #tpu.memory_space<vmem>>
      %dma_wait3A_63 = tpu.memref_squeeze %dma_wait3A_62 : memref<1x128xi32, #tpu.memory_space<vmem>> -> memref<128xi32, #tpu.memory_space<vmem>>
      %dma_wait3A_64 = arith.constant 0 : i32
      %dma_wait3A_65 = arith.constant 0 : i32
      %dma_wait3A_66 = tpu.memref_slice %arg4[%dma_wait3A_64, %dma_wait3A_65] : memref<10000x128xf32, #tpu.memory_space<hbm>> -> memref<10000x128xf32, #tpu.memory_space<hbm>>
      tpu.wait_indirect_dma semaphore(%arg13 : memref<!tpu.dma_semaphore, #tpu.memory_space<semaphore_mem>>) src(%dma_wait3A_66 : memref<10000x128xf32, #tpu.memory_space<hbm>>) dst(%arg10 : memref<128x128xf32, #tpu.memory_space<vmem>>)
      %add3A_67 = arith.constant 1 : i32
      %add3A_68 = arith.addi %mul3A_42, %add3A_67 : i32
      "tpu.region"() ({
        %run_scoped3A = tpu.sem_alloc : memref<!tpu.dma_semaphore, #tpu.memory_space<semaphore_mem>>
        %dma_start3A_70 = arith.constant 0 : i32
        %dma_start3A_71 = tpu.memref_slice %arg8[%add3A_68, %dma_start3A_70] : memref<40x128xi32, #tpu.memory_space<vmem>> -> memref<1x128xi32, #tpu.memory_space<vmem>>
        %dma_start3A_72 = tpu.memref_squeeze %dma_start3A_71 : memref<1x128xi32, #tpu.memory_space<vmem>> -> memref<128xi32, #tpu.memory_space<vmem>>
        %dma_start3A_73 = arith.constant 0 : i32
        %dma_start3A_74 = arith.constant 0 : i32
        %dma_start3A_75 = tpu.memref_slice %arg11[%dma_start3A_73, %dma_start3A_74] : memref<10112x128xf32, #tpu.memory_space<vmem_shared>> -> memref<10112x128xf32, #tpu.memory_space<vmem_shared>>
        tpu.enqueue_indirect_dma source(%arg10 : memref<128x128xf32, #tpu.memory_space<vmem>>) target(%dma_start3A_75 : memref<10112x128xf32, #tpu.memory_space<vmem_shared>>) offsets(%dma_start3A_72 : memref<128xi32, #tpu.memory_space<vmem>>) semaphore(%run_scoped3A : memref<!tpu.dma_semaphore, #tpu.memory_space<semaphore_mem>>) {add = true}
        %dma_wait3A_76 = arith.constant 0 : i32
        %dma_wait3A_77 = tpu.memref_slice %arg8[%add3A_68, %dma_wait3A_76] : memref<40x128xi32, #tpu.memory_space<vmem>> -> memref<1x128xi32, #tpu.memory_space<vmem>>
        %dma_wait3A_78 = tpu.memref_squeeze %dma_wait3A_77 : memref<1x128xi32, #tpu.memory_space<vmem>> -> memref<128xi32, #tpu.memory_space<vmem>>
        %dma_wait3A_79 = arith.constant 0 : i32
        %dma_wait3A_80 = arith.constant 0 : i32
        %dma_wait3A_81 = tpu.memref_slice %arg11[%dma_wait3A_79, %dma_wait3A_80] : memref<10112x128xf32, #tpu.memory_space<vmem_shared>> -> memref<10112x128xf32, #tpu.memory_space<vmem_shared>>
        tpu.wait_indirect_dma semaphore(%run_scoped3A : memref<!tpu.dma_semaphore, #tpu.memory_space<semaphore_mem>>) src(%arg10 : memref<128x128xf32, #tpu.memory_space<vmem>>) dst(%dma_wait3A_81 : memref<10112x128xf32, #tpu.memory_space<vmem_shared>>)
        tpu.yield
      }) : () -> ()
      %scan3A_69 = arith.constant 0 : i32
      scf.yield %scan3A_69 : i32
    }
    %scan3A_30 = arith.constant 20 : i32
    %barrier3A_31 = arith.constant 0 : index
    tpu.barrier barrier_id(%barrier3A_31)
    %eq3A = arith.constant 0 : i32
    %eq3A_32 = arith.cmpi eq, %arg0, %eq3A : i32
    %convert_element_type3A = arith.extui %eq3A_32 : i1 to i32
    %cond3A = arith.constant 0 : i32
    %cond3A_33 = arith.cmpi ne, %convert_element_type3A, %cond3A : i32
    scf.if %cond3A_33 {
      %mul3A_39 = arith.constant 632 : i32
      %mul3A_40 = arith.muli %arg1, %mul3A_39 : i32
      %mul3A_41 = arith.constant 632 : i32
      %mul3A_42 = arith.muli %arg1, %mul3A_41 : i32
      "tpu.region"() ({
        %run_scoped3A = tpu.sem_alloc : memref<!tpu.dma_semaphore, #tpu.memory_space<semaphore_mem>>
        %dma_start3A = arith.constant 0 : i32
        %dma_start3A_43 = tpu.memref_slice %arg5[%mul3A_42, %dma_start3A] : memref<10112x128xf32, #tpu.memory_space<hbm>> -> memref<632x128xf32, #tpu.memory_space<hbm>>
        %dma_start3A_44 = arith.constant 0 : i32
        %dma_start3A_45 = tpu.memref_slice %arg11[%mul3A_40, %dma_start3A_44] : memref<10112x128xf32, #tpu.memory_space<vmem_shared>> -> memref<632x128xf32, #tpu.memory_space<vmem_shared>>
        tpu.enqueue_dma source(%dma_start3A_45 : memref<632x128xf32, #tpu.memory_space<vmem_shared>>) target(%dma_start3A_43 : memref<632x128xf32, #tpu.memory_space<hbm>>) target_semaphore(%run_scoped3A : memref<!tpu.dma_semaphore, #tpu.memory_space<semaphore_mem>>)
        %dma_wait3A = arith.constant 0 : i32
        %dma_wait3A_46 = tpu.memref_slice %arg5[%mul3A_42, %dma_wait3A] : memref<10112x128xf32, #tpu.memory_space<hbm>> -> memref<632x128xf32, #tpu.memory_space<hbm>>
        %dma_wait3A_47 = arith.constant 0 : i32
        %dma_wait3A_48 = tpu.memref_slice %arg11[%mul3A_40, %dma_wait3A_47] : memref<10112x128xf32, #tpu.memory_space<vmem_shared>> -> memref<632x128xf32, #tpu.memory_space<vmem_shared>>
        tpu.wait_dma2 semaphore(%run_scoped3A : memref<!tpu.dma_semaphore, #tpu.memory_space<semaphore_mem>>) src(%dma_wait3A_48 : memref<632x128xf32, #tpu.memory_space<vmem_shared>>) dst(%dma_wait3A_46 : memref<632x128xf32, #tpu.memory_space<hbm>>)
        tpu.yield
      }) : () -> ()
    } else {
    }
    %eq3A_34 = arith.constant 1 : i32
    %eq3A_35 = arith.cmpi eq, %arg0, %eq3A_34 : i32
    %convert_element_type3A_36 = arith.extui %eq3A_35 : i1 to i32
    %cond3A_37 = arith.constant 0 : i32
    %cond3A_38 = arith.cmpi ne, %convert_element_type3A_36, %cond3A_37 : i32
    scf.if %cond3A_38 {
      %mul3A_39 = arith.constant 632 : i32
      %mul3A_40 = arith.muli %arg1, %mul3A_39 : i32
      %mul3A_41 = arith.constant 632 : i32
      %mul3A_42 = arith.muli %arg1, %mul3A_41 : i32
      "tpu.region"() ({
        %run_scoped3A = tpu.sem_alloc : memref<!tpu.dma_semaphore, #tpu.memory_space<semaphore_mem>>
        %dma_start3A = arith.constant 0 : i32
        %dma_start3A_43 = tpu.memref_slice %arg6[%mul3A_42, %dma_start3A] : memref<10112x128xf32, #tpu.memory_space<hbm>> -> memref<632x128xf32, #tpu.memory_space<hbm>>
        %dma_start3A_44 = arith.constant 0 : i32
        %dma_start3A_45 = tpu.memref_slice %arg11[%mul3A_40, %dma_start3A_44] : memref<10112x128xf32, #tpu.memory_space<vmem_shared>> -> memref<632x128xf32, #tpu.memory_space<vmem_shared>>
        tpu.enqueue_dma source(%dma_start3A_45 : memref<632x128xf32, #tpu.memory_space<vmem_shared>>) target(%dma_start3A_43 : memref<632x128xf32, #tpu.memory_space<hbm>>) target_semaphore(%run_scoped3A : memref<!tpu.dma_semaphore, #tpu.memory_space<semaphore_mem>>)
        %dma_wait3A = arith.constant 0 : i32
        %dma_wait3A_46 = tpu.memref_slice %arg6[%mul3A_42, %dma_wait3A] : memref<10112x128xf32, #tpu.memory_space<hbm>> -> memref<632x128xf32, #tpu.memory_space<hbm>>
        %dma_wait3A_47 = arith.constant 0 : i32
        %dma_wait3A_48 = tpu.memref_slice %arg11[%mul3A_40, %dma_wait3A_47] : memref<10112x128xf32, #tpu.memory_space<vmem_shared>> -> memref<632x128xf32, #tpu.memory_space<vmem_shared>>
        tpu.wait_dma2 semaphore(%run_scoped3A : memref<!tpu.dma_semaphore, #tpu.memory_space<semaphore_mem>>) src(%dma_wait3A_48 : memref<632x128xf32, #tpu.memory_space<vmem_shared>>) dst(%dma_wait3A_46 : memref<632x128xf32, #tpu.memory_space<hbm>>)
        tpu.yield
      }) : () -> ()
    } else {
    }
    return
  }
}

#map = affine_map<(d0, d1) -> (0, 0)>
module attributes {stable_mosaic.version = 14 : i64} {
  func.func @agg_kernel(%arg0: i32, %arg1: i32, %arg2: memref<1280x128xi32, #tpu.memory_space<hbm>>, %arg3: memref<1280x128xi32, #tpu.memory_space<hbm>>, %arg4: memref<10000x128xf32, #tpu.memory_space<hbm>>, %arg5: memref<10112x128xf32, #tpu.memory_space<hbm>>, %arg6: memref<10112x128xf32, #tpu.memory_space<hbm>>, %arg7: memref<40x128xi32, #tpu.memory_space<vmem>>, %arg8: memref<40x128xi32, #tpu.memory_space<vmem>>, %arg9: memref<128x128xf32, #tpu.memory_space<vmem>>, %arg10: memref<128x128xf32, #tpu.memory_space<vmem>>, %arg11: memref<10112x128xf32, #tpu.memory_space<vmem_shared>>, %arg12: memref<!tpu.dma_semaphore, #tpu.memory_space<semaphore_mem>>, %arg13: memref<!tpu.dma_semaphore, #tpu.memory_space<semaphore_mem>>) attributes {dimension_semantics = [#tpu.dimension_semantics<core_parallel>, #tpu.dimension_semantics<subcore_parallel>], iteration_bounds = array<i64: 2, 16>, scalar_prefetch = 0 : i64, scratch_operands = 7 : i64, tpu.core_type = #tpu.core_type<sc_vector_subcore>, window_params = [{transform_indices = #map}, {transform_indices = #map}, {transform_indices = #map}, {transform_indices = #map}, {transform_indices = #map}]} {
    %mul3A = arith.constant 16 : i32
    %mul3A_0 = arith.muli %arg0, %mul3A : i32
    %add3A = arith.addi %mul3A_0, %arg1 : i32
    %mul3A_1 = arith.constant 40 : i32
    %mul3A_2 = arith.muli %add3A, %mul3A_1 : i32
    "tpu.region"() ({
      %run_scoped3A = tpu.sem_alloc : memref<!tpu.dma_semaphore, #tpu.memory_space<semaphore_mem>>
      %dma_start3A = arith.constant 0 : i32
      %dma_start3A_39 = tpu.memref_slice %arg2[%mul3A_2, %dma_start3A] : memref<1280x128xi32, #tpu.memory_space<hbm>> -> memref<40x128xi32, #tpu.memory_space<hbm>>
      %dma_start3A_40 = arith.constant 0 : i32
      %dma_start3A_41 = tpu.memref_slice %arg2[%mul3A_2, %dma_start3A_40] : memref<1280x128xi32, #tpu.memory_space<hbm>> -> memref<40x128xi32, #tpu.memory_space<hbm>>
      tpu.enqueue_dma source(%dma_start3A_41 : memref<40x128xi32, #tpu.memory_space<hbm>>) target(%arg7 : memref<40x128xi32, #tpu.memory_space<vmem>>) target_semaphore(%run_scoped3A : memref<!tpu.dma_semaphore, #tpu.memory_space<semaphore_mem>>)
      %dma_wait3A = arith.constant 0 : i32
      %dma_wait3A_42 = tpu.memref_slice %arg2[%mul3A_2, %dma_wait3A] : memref<1280x128xi32, #tpu.memory_space<hbm>> -> memref<40x128xi32, #tpu.memory_space<hbm>>
      %dma_wait3A_43 = arith.constant 0 : i32
      %dma_wait3A_44 = tpu.memref_slice %arg2[%mul3A_2, %dma_wait3A_43] : memref<1280x128xi32, #tpu.memory_space<hbm>> -> memref<40x128xi32, #tpu.memory_space<hbm>>
      tpu.wait_dma2 semaphore(%run_scoped3A : memref<!tpu.dma_semaphore, #tpu.memory_space<semaphore_mem>>) src(%dma_wait3A_44 : memref<40x128xi32, #tpu.memory_space<hbm>>) dst(%arg7 : memref<40x128xi32, #tpu.memory_space<vmem>>)
      tpu.yield
    }) : () -> ()
    %mul3A_3 = arith.constant 40 : i32
    %mul3A_4 = arith.muli %add3A, %mul3A_3 : i32
    "tpu.region"() ({
      %run_scoped3A = tpu.sem_alloc : memref<!tpu.dma_semaphore, #tpu.memory_space<semaphore_mem>>
      %dma_start3A = arith.constant 0 : i32
      %dma_start3A_39 = tpu.memref_slice %arg3[%mul3A_4, %dma_start3A] : memref<1280x128xi32, #tpu.memory_space<hbm>> -> memref<40x128xi32, #tpu.memory_space<hbm>>
      %dma_start3A_40 = arith.constant 0 : i32
      %dma_start3A_41 = tpu.memref_slice %arg3[%mul3A_4, %dma_start3A_40] : memref<1280x128xi32, #tpu.memory_space<hbm>> -> memref<40x128xi32, #tpu.memory_space<hbm>>
      tpu.enqueue_dma source(%dma_start3A_41 : memref<40x128xi32, #tpu.memory_space<hbm>>) target(%arg8 : memref<40x128xi32, #tpu.memory_space<vmem>>) target_semaphore(%run_scoped3A : memref<!tpu.dma_semaphore, #tpu.memory_space<semaphore_mem>>)
      %dma_wait3A = arith.constant 0 : i32
      %dma_wait3A_42 = tpu.memref_slice %arg3[%mul3A_4, %dma_wait3A] : memref<1280x128xi32, #tpu.memory_space<hbm>> -> memref<40x128xi32, #tpu.memory_space<hbm>>
      %dma_wait3A_43 = arith.constant 0 : i32
      %dma_wait3A_44 = tpu.memref_slice %arg3[%mul3A_4, %dma_wait3A_43] : memref<1280x128xi32, #tpu.memory_space<hbm>> -> memref<40x128xi32, #tpu.memory_space<hbm>>
      tpu.wait_dma2 semaphore(%run_scoped3A : memref<!tpu.dma_semaphore, #tpu.memory_space<semaphore_mem>>) src(%dma_wait3A_44 : memref<40x128xi32, #tpu.memory_space<hbm>>) dst(%arg8 : memref<40x128xi32, #tpu.memory_space<vmem>>)
      tpu.yield
    }) : () -> ()
    %broadcast_in_dim3A = arith.constant 0.000000e+00 : f32
    %broadcast_in_dim3A_5 = vector.broadcast %broadcast_in_dim3A : f32 to vector<16xf32>
    %scan3A = arith.constant 0 : i32
    %scan3A_6 = arith.constant 0 : i32
    %scan3A_7 = arith.constant 128 : i32
    %scan3A_8 = arith.addi %scan3A_6, %scan3A_7 : i32
    %scan3A_9 = arith.constant 1 : i32
    %scan3A_10 = scf.for %scan3A_39 = %scan3A_6 to %scan3A_8 step %scan3A_9 iter_args(%scan3A_40 = %scan3A) -> (i32)  : i32 {
      %swap3A = arith.index_cast %scan3A_39 : i32 to index
      %swap3A_41 = arith.constant 0 : index
      %swap3A_42 = tpu.vector_load %arg9[%swap3A, %swap3A_41] {strides = array<i32>} : memref<128x128xf32, #tpu.memory_space<vmem>>, vector<1x16xf32>,
      %swap3A_43 = vector.shape_cast %swap3A_42 : vector<1x16xf32> to vector<16xf32>
      %swap3A_44 = vector.shape_cast %broadcast_in_dim3A_5 : vector<16xf32> to vector<1x16xf32>
      tpu.vector_store %arg9[%swap3A, %swap3A_41], %swap3A_44 {strides = array<i32>} : memref<128x128xf32, #tpu.memory_space<vmem>>, vector<1x16xf32>,
      %swap3A_45 = arith.index_cast %scan3A_39 : i32 to index
      %swap3A_46 = arith.constant 16 : index
      %swap3A_47 = tpu.vector_load %arg9[%swap3A_45, %swap3A_46] {strides = array<i32>} : memref<128x128xf32, #tpu.memory_space<vmem>>, vector<1x16xf32>,
      %swap3A_48 = vector.shape_cast %swap3A_47 : vector<1x16xf32> to vector<16xf32>
      %swap3A_49 = vector.shape_cast %broadcast_in_dim3A_5 : vector<16xf32> to vector<1x16xf32>
      tpu.vector_store %arg9[%swap3A_45, %swap3A_46], %swap3A_49 {strides = array<i32>} : memref<128x128xf32, #tpu.memory_space<vmem>>, vector<1x16xf32>,
      %swap3A_50 = arith.index_cast %scan3A_39 : i32 to index
      %swap3A_51 = arith.constant 32 : index
      %swap3A_52 = tpu.vector_load %arg9[%swap3A_50, %swap3A_51] {strides = array<i32>} : memref<128x128xf32, #tpu.memory_space<vmem>>, vector<1x16xf32>,
      %swap3A_53 = vector.shape_cast %swap3A_52 : vector<1x16xf32> to vector<16xf32>
      %swap3A_54 = vector.shape_cast %broadcast_in_dim3A_5 : vector<16xf32> to vector<1x16xf32>
      tpu.vector_store %arg9[%swap3A_50, %swap3A_51], %swap3A_54 {strides = array<i32>} : memref<128x128xf32, #tpu.memory_space<vmem>>, vector<1x16xf32>,
      %swap3A_55 = arith.index_cast %scan3A_39 : i32 to index
      %swap3A_56 = arith.constant 48 : index
      %swap3A_57 = tpu.vector_load %arg9[%swap3A_55, %swap3A_56] {strides = array<i32>} : memref<128x128xf32, #tpu.memory_space<vmem>>, vector<1x16xf32>,
      %swap3A_58 = vector.shape_cast %swap3A_57 : vector<1x16xf32> to vector<16xf32>
      %swap3A_59 = vector.shape_cast %broadcast_in_dim3A_5 : vector<16xf32> to vector<1x16xf32>
      tpu.vector_store %arg9[%swap3A_55, %swap3A_56], %swap3A_59 {strides = array<i32>} : memref<128x128xf32, #tpu.memory_space<vmem>>, vector<1x16xf32>,
      %swap3A_60 = arith.index_cast %scan3A_39 : i32 to index
      %swap3A_61 = arith.constant 64 : index
      %swap3A_62 = tpu.vector_load %arg9[%swap3A_60, %swap3A_61] {strides = array<i32>} : memref<128x128xf32, #tpu.memory_space<vmem>>, vector<1x16xf32>,
      %swap3A_63 = vector.shape_cast %swap3A_62 : vector<1x16xf32> to vector<16xf32>
      %swap3A_64 = vector.shape_cast %broadcast_in_dim3A_5 : vector<16xf32> to vector<1x16xf32>
      tpu.vector_store %arg9[%swap3A_60, %swap3A_61], %swap3A_64 {strides = array<i32>} : memref<128x128xf32, #tpu.memory_space<vmem>>, vector<1x16xf32>,
      %swap3A_65 = arith.index_cast %scan3A_39 : i32 to index
      %swap3A_66 = arith.constant 80 : index
      %swap3A_67 = tpu.vector_load %arg9[%swap3A_65, %swap3A_66] {strides = array<i32>} : memref<128x128xf32, #tpu.memory_space<vmem>>, vector<1x16xf32>,
      %swap3A_68 = vector.shape_cast %swap3A_67 : vector<1x16xf32> to vector<16xf32>
      %swap3A_69 = vector.shape_cast %broadcast_in_dim3A_5 : vector<16xf32> to vector<1x16xf32>
      tpu.vector_store %arg9[%swap3A_65, %swap3A_66], %swap3A_69 {strides = array<i32>} : memref<128x128xf32, #tpu.memory_space<vmem>>, vector<1x16xf32>,
      %swap3A_70 = arith.index_cast %scan3A_39 : i32 to index
      %swap3A_71 = arith.constant 96 : index
      %swap3A_72 = tpu.vector_load %arg9[%swap3A_70, %swap3A_71] {strides = array<i32>} : memref<128x128xf32, #tpu.memory_space<vmem>>, vector<1x16xf32>,
      %swap3A_73 = vector.shape_cast %swap3A_72 : vector<1x16xf32> to vector<16xf32>
      %swap3A_74 = vector.shape_cast %broadcast_in_dim3A_5 : vector<16xf32> to vector<1x16xf32>
      tpu.vector_store %arg9[%swap3A_70, %swap3A_71], %swap3A_74 {strides = array<i32>} : memref<128x128xf32, #tpu.memory_space<vmem>>, vector<1x16xf32>,
      %swap3A_75 = arith.index_cast %scan3A_39 : i32 to index
      %swap3A_76 = arith.constant 112 : index
      %swap3A_77 = tpu.vector_load %arg9[%swap3A_75, %swap3A_76] {strides = array<i32>} : memref<128x128xf32, #tpu.memory_space<vmem>>, vector<1x16xf32>,
      %swap3A_78 = vector.shape_cast %swap3A_77 : vector<1x16xf32> to vector<16xf32>
      %swap3A_79 = vector.shape_cast %broadcast_in_dim3A_5 : vector<16xf32> to vector<1x16xf32>
      tpu.vector_store %arg9[%swap3A_75, %swap3A_76], %swap3A_79 {strides = array<i32>} : memref<128x128xf32, #tpu.memory_space<vmem>>, vector<1x16xf32>,
      %scan3A_80 = arith.constant 0 : i32
      scf.yield %scan3A_80 : i32
    }
    %scan3A_11 = arith.constant 128 : i32
    %mul3A_12 = arith.constant 632 : i32
    %mul3A_13 = arith.muli %arg1, %mul3A_12 : i32
    %add3A_14 = arith.constant 0 : i32
    %add3A_15 = arith.addi %mul3A_13, %add3A_14 : i32
    "tpu.region"() ({
      %run_scoped3A = tpu.sem_alloc : memref<!tpu.dma_semaphore, #tpu.memory_space<semaphore_mem>>
      %dma_start3A = arith.constant 0 : i32
      %dma_start3A_39 = tpu.memref_slice %arg11[%add3A_15, %dma_start3A] : memref<10112x128xf32, #tpu.memory_space<vmem_shared>> -> memref<128x128xf32, #tpu.memory_space<vmem_shared>>
      %dma_start3A_40 = arith.constant 0 : i32
      %dma_start3A_41 = tpu.memref_slice %arg11[%add3A_15, %dma_start3A_40] : memref<10112x128xf32, #tpu.memory_space<vmem_shared>> -> memref<128x128xf32, #tpu.memory_space<vmem_shared>>
      tpu.enqueue_dma source(%arg9 : memref<128x128xf32, #tpu.memory_space<vmem>>) target(%dma_start3A_41 : memref<128x128xf32, #tpu.memory_space<vmem_shared>>) target_semaphore(%run_scoped3A : memref<!tpu.dma_semaphore, #tpu.memory_space<semaphore_mem>>)
      %dma_wait3A = arith.constant 0 : i32
      %dma_wait3A_42 = tpu.memref_slice %arg11[%add3A_15, %dma_wait3A] : memref<10112x128xf32, #tpu.memory_space<vmem_shared>> -> memref<128x128xf32, #tpu.memory_space<vmem_shared>>
      %dma_wait3A_43 = arith.constant 0 : i32
      %dma_wait3A_44 = tpu.memref_slice %arg11[%add3A_15, %dma_wait3A_43] : memref<10112x128xf32, #tpu.memory_space<vmem_shared>> -> memref<128x128xf32, #tpu.memory_space<vmem_shared>>
      tpu.wait_dma2 semaphore(%run_scoped3A : memref<!tpu.dma_semaphore, #tpu.memory_space<semaphore_mem>>) src(%arg9 : memref<128x128xf32, #tpu.memory_space<vmem>>) dst(%dma_wait3A_44 : memref<128x128xf32, #tpu.memory_space<vmem_shared>>)
      tpu.yield
    }) : () -> ()
    %add3A_16 = arith.constant 128 : i32
    %add3A_17 = arith.addi %mul3A_13, %add3A_16 : i32
    "tpu.region"() ({
      %run_scoped3A = tpu.sem_alloc : memref<!tpu.dma_semaphore, #tpu.memory_space<semaphore_mem>>
      %dma_start3A = arith.constant 0 : i32
      %dma_start3A_39 = tpu.memref_slice %arg11[%add3A_17, %dma_start3A] : memref<10112x128xf32, #tpu.memory_space<vmem_shared>> -> memref<128x128xf32, #tpu.memory_space<vmem_shared>>
      %dma_start3A_40 = arith.constant 0 : i32
      %dma_start3A_41 = tpu.memref_slice %arg11[%add3A_17, %dma_start3A_40] : memref<10112x128xf32, #tpu.memory_space<vmem_shared>> -> memref<128x128xf32, #tpu.memory_space<vmem_shared>>
      tpu.enqueue_dma source(%arg9 : memref<128x128xf32, #tpu.memory_space<vmem>>) target(%dma_start3A_41 : memref<128x128xf32, #tpu.memory_space<vmem_shared>>) target_semaphore(%run_scoped3A : memref<!tpu.dma_semaphore, #tpu.memory_space<semaphore_mem>>)
      %dma_wait3A = arith.constant 0 : i32
      %dma_wait3A_42 = tpu.memref_slice %arg11[%add3A_17, %dma_wait3A] : memref<10112x128xf32, #tpu.memory_space<vmem_shared>> -> memref<128x128xf32, #tpu.memory_space<vmem_shared>>
      %dma_wait3A_43 = arith.constant 0 : i32
      %dma_wait3A_44 = tpu.memref_slice %arg11[%add3A_17, %dma_wait3A_43] : memref<10112x128xf32, #tpu.memory_space<vmem_shared>> -> memref<128x128xf32, #tpu.memory_space<vmem_shared>>
      tpu.wait_dma2 semaphore(%run_scoped3A : memref<!tpu.dma_semaphore, #tpu.memory_space<semaphore_mem>>) src(%arg9 : memref<128x128xf32, #tpu.memory_space<vmem>>) dst(%dma_wait3A_44 : memref<128x128xf32, #tpu.memory_space<vmem_shared>>)
      tpu.yield
    }) : () -> ()
    %add3A_18 = arith.constant 256 : i32
    %add3A_19 = arith.addi %mul3A_13, %add3A_18 : i32
    "tpu.region"() ({
      %run_scoped3A = tpu.sem_alloc : memref<!tpu.dma_semaphore, #tpu.memory_space<semaphore_mem>>
      %dma_start3A = arith.constant 0 : i32
      %dma_start3A_39 = tpu.memref_slice %arg11[%add3A_19, %dma_start3A] : memref<10112x128xf32, #tpu.memory_space<vmem_shared>> -> memref<128x128xf32, #tpu.memory_space<vmem_shared>>
      %dma_start3A_40 = arith.constant 0 : i32
      %dma_start3A_41 = tpu.memref_slice %arg11[%add3A_19, %dma_start3A_40] : memref<10112x128xf32, #tpu.memory_space<vmem_shared>> -> memref<128x128xf32, #tpu.memory_space<vmem_shared>>
      tpu.enqueue_dma source(%arg9 : memref<128x128xf32, #tpu.memory_space<vmem>>) target(%dma_start3A_41 : memref<128x128xf32, #tpu.memory_space<vmem_shared>>) target_semaphore(%run_scoped3A : memref<!tpu.dma_semaphore, #tpu.memory_space<semaphore_mem>>)
      %dma_wait3A = arith.constant 0 : i32
      %dma_wait3A_42 = tpu.memref_slice %arg11[%add3A_19, %dma_wait3A] : memref<10112x128xf32, #tpu.memory_space<vmem_shared>> -> memref<128x128xf32, #tpu.memory_space<vmem_shared>>
      %dma_wait3A_43 = arith.constant 0 : i32
      %dma_wait3A_44 = tpu.memref_slice %arg11[%add3A_19, %dma_wait3A_43] : memref<10112x128xf32, #tpu.memory_space<vmem_shared>> -> memref<128x128xf32, #tpu.memory_space<vmem_shared>>
      tpu.wait_dma2 semaphore(%run_scoped3A : memref<!tpu.dma_semaphore, #tpu.memory_space<semaphore_mem>>) src(%arg9 : memref<128x128xf32, #tpu.memory_space<vmem>>) dst(%dma_wait3A_44 : memref<128x128xf32, #tpu.memory_space<vmem_shared>>)
      tpu.yield
    }) : () -> ()
    %add3A_20 = arith.constant 384 : i32
    %add3A_21 = arith.addi %mul3A_13, %add3A_20 : i32
    "tpu.region"() ({
      %run_scoped3A = tpu.sem_alloc : memref<!tpu.dma_semaphore, #tpu.memory_space<semaphore_mem>>
      %dma_start3A = arith.constant 0 : i32
      %dma_start3A_39 = tpu.memref_slice %arg11[%add3A_21, %dma_start3A] : memref<10112x128xf32, #tpu.memory_space<vmem_shared>> -> memref<128x128xf32, #tpu.memory_space<vmem_shared>>
      %dma_start3A_40 = arith.constant 0 : i32
      %dma_start3A_41 = tpu.memref_slice %arg11[%add3A_21, %dma_start3A_40] : memref<10112x128xf32, #tpu.memory_space<vmem_shared>> -> memref<128x128xf32, #tpu.memory_space<vmem_shared>>
      tpu.enqueue_dma source(%arg9 : memref<128x128xf32, #tpu.memory_space<vmem>>) target(%dma_start3A_41 : memref<128x128xf32, #tpu.memory_space<vmem_shared>>) target_semaphore(%run_scoped3A : memref<!tpu.dma_semaphore, #tpu.memory_space<semaphore_mem>>)
      %dma_wait3A = arith.constant 0 : i32
      %dma_wait3A_42 = tpu.memref_slice %arg11[%add3A_21, %dma_wait3A] : memref<10112x128xf32, #tpu.memory_space<vmem_shared>> -> memref<128x128xf32, #tpu.memory_space<vmem_shared>>
      %dma_wait3A_43 = arith.constant 0 : i32
      %dma_wait3A_44 = tpu.memref_slice %arg11[%add3A_21, %dma_wait3A_43] : memref<10112x128xf32, #tpu.memory_space<vmem_shared>> -> memref<128x128xf32, #tpu.memory_space<vmem_shared>>
      tpu.wait_dma2 semaphore(%run_scoped3A : memref<!tpu.dma_semaphore, #tpu.memory_space<semaphore_mem>>) src(%arg9 : memref<128x128xf32, #tpu.memory_space<vmem>>) dst(%dma_wait3A_44 : memref<128x128xf32, #tpu.memory_space<vmem_shared>>)
      tpu.yield
    }) : () -> ()
    %add3A_22 = arith.constant 512 : i32
    %add3A_23 = arith.addi %mul3A_13, %add3A_22 : i32
    "tpu.region"() ({
      %run_scoped3A = tpu.sem_alloc : memref<!tpu.dma_semaphore, #tpu.memory_space<semaphore_mem>>
      %dma_start3A = arith.constant 0 : i32
      %dma_start3A_39 = arith.constant 0 : i32
      %dma_start3A_40 = tpu.memref_slice %arg9[%dma_start3A, %dma_start3A_39] : memref<128x128xf32, #tpu.memory_space<vmem>> -> memref<120x128xf32, #tpu.memory_space<vmem>>
      %dma_start3A_41 = arith.constant 0 : i32
      %dma_start3A_42 = tpu.memref_slice %arg11[%add3A_23, %dma_start3A_41] : memref<10112x128xf32, #tpu.memory_space<vmem_shared>> -> memref<120x128xf32, #tpu.memory_space<vmem_shared>>
      %dma_start3A_43 = arith.constant 0 : i32
      %dma_start3A_44 = tpu.memref_slice %arg11[%add3A_23, %dma_start3A_43] : memref<10112x128xf32, #tpu.memory_space<vmem_shared>> -> memref<120x128xf32, #tpu.memory_space<vmem_shared>>
      %dma_start3A_45 = arith.constant 0 : i32
      %dma_start3A_46 = arith.constant 0 : i32
      %dma_start3A_47 = tpu.memref_slice %arg9[%dma_start3A_45, %dma_start3A_46] : memref<128x128xf32, #tpu.memory_space<vmem>> -> memref<120x128xf32, #tpu.memory_space<vmem>>
      tpu.enqueue_dma source(%dma_start3A_47 : memref<120x128xf32, #tpu.memory_space<vmem>>) target(%dma_start3A_44 : memref<120x128xf32, #tpu.memory_space<vmem_shared>>) target_semaphore(%run_scoped3A : memref<!tpu.dma_semaphore, #tpu.memory_space<semaphore_mem>>)
      %dma_wait3A = arith.constant 0 : i32
      %dma_wait3A_48 = arith.constant 0 : i32
      %dma_wait3A_49 = tpu.memref_slice %arg9[%dma_wait3A, %dma_wait3A_48] : memref<128x128xf32, #tpu.memory_space<vmem>> -> memref<120x128xf32, #tpu.memory_space<vmem>>
      %dma_wait3A_50 = arith.constant 0 : i32
      %dma_wait3A_51 = tpu.memref_slice %arg11[%add3A_23, %dma_wait3A_50] : memref<10112x128xf32, #tpu.memory_space<vmem_shared>> -> memref<120x128xf32, #tpu.memory_space<vmem_shared>>
      %dma_wait3A_52 = arith.constant 0 : i32
      %dma_wait3A_53 = tpu.memref_slice %arg11[%add3A_23, %dma_wait3A_52] : memref<10112x128xf32, #tpu.memory_space<vmem_shared>> -> memref<120x128xf32, #tpu.memory_space<vmem_shared>>
      %dma_wait3A_54 = arith.constant 0 : i32
      %dma_wait3A_55 = arith.constant 0 : i32
      %dma_wait3A_56 = tpu.memref_slice %arg9[%dma_wait3A_54, %dma_wait3A_55] : memref<128x128xf32, #tpu.memory_space<vmem>> -> memref<120x128xf32, #tpu.memory_space<vmem>>
      tpu.wait_dma2 semaphore(%run_scoped3A : memref<!tpu.dma_semaphore, #tpu.memory_space<semaphore_mem>>) src(%dma_wait3A_56 : memref<120x128xf32, #tpu.memory_space<vmem>>) dst(%dma_wait3A_53 : memref<120x128xf32, #tpu.memory_space<vmem_shared>>)
      tpu.yield
    }) : () -> ()
    %barrier3A = arith.constant 0 : index
    tpu.barrier barrier_id(%barrier3A)
    %scan3A_24 = arith.constant 0 : i32
    %scan3A_25 = arith.constant 0 : i32
    %scan3A_26 = arith.constant 20 : i32
    %scan3A_27 = arith.addi %scan3A_25, %scan3A_26 : i32
    %scan3A_28 = arith.constant 1 : i32
    %scan3A_29 = scf.for %scan3A_39 = %scan3A_25 to %scan3A_27 step %scan3A_28 iter_args(%scan3A_40 = %scan3A_24) -> (i32)  : i32 {
      %mul3A_41 = arith.constant 2 : i32
      %mul3A_42 = arith.muli %scan3A_39, %mul3A_41 : i32
      %dma_start3A = arith.constant 0 : i32
      %dma_start3A_43 = tpu.memref_slice %arg7[%mul3A_42, %dma_start3A] : memref<40x128xi32, #tpu.memory_space<vmem>> -> memref<1x128xi32, #tpu.memory_space<vmem>>
      %dma_start3A_44 = tpu.memref_squeeze %dma_start3A_43 : memref<1x128xi32, #tpu.memory_space<vmem>> -> memref<128xi32, #tpu.memory_space<vmem>>
      %dma_start3A_45 = arith.constant 0 : i32
      %dma_start3A_46 = arith.constant 0 : i32
      %dma_start3A_47 = tpu.memref_slice %arg4[%dma_start3A_45, %dma_start3A_46] : memref<10000x128xf32, #tpu.memory_space<hbm>> -> memref<10000x128xf32, #tpu.memory_space<hbm>>
      tpu.enqueue_indirect_dma source(%dma_start3A_47 : memref<10000x128xf32, #tpu.memory_space<hbm>>) target(%arg9 : memref<128x128xf32, #tpu.memory_space<vmem>>) offsets(%dma_start3A_44 : memref<128xi32, #tpu.memory_space<vmem>>) semaphore(%arg12 : memref<!tpu.dma_semaphore, #tpu.memory_space<semaphore_mem>>)
      %add3A_48 = arith.constant 1 : i32
      %add3A_49 = arith.addi %mul3A_42, %add3A_48 : i32
      %dma_start3A_50 = arith.constant 0 : i32
      %dma_start3A_51 = tpu.memref_slice %arg7[%add3A_49, %dma_start3A_50] : memref<40x128xi32, #tpu.memory_space<vmem>> -> memref<1x128xi32, #tpu.memory_space<vmem>>
      %dma_start3A_52 = tpu.memref_squeeze %dma_start3A_51 : memref<1x128xi32, #tpu.memory_space<vmem>> -> memref<128xi32, #tpu.memory_space<vmem>>
      %dma_start3A_53 = arith.constant 0 : i32
      %dma_start3A_54 = arith.constant 0 : i32
      %dma_start3A_55 = tpu.memref_slice %arg4[%dma_start3A_53, %dma_start3A_54] : memref<10000x128xf32, #tpu.memory_space<hbm>> -> memref<10000x128xf32, #tpu.memory_space<hbm>>
      tpu.enqueue_indirect_dma source(%dma_start3A_55 : memref<10000x128xf32, #tpu.memory_space<hbm>>) target(%arg10 : memref<128x128xf32, #tpu.memory_space<vmem>>) offsets(%dma_start3A_52 : memref<128xi32, #tpu.memory_space<vmem>>) semaphore(%arg13 : memref<!tpu.dma_semaphore, #tpu.memory_space<semaphore_mem>>)
      %dma_wait3A = arith.constant 0 : i32
      %dma_wait3A_56 = tpu.memref_slice %arg7[%mul3A_42, %dma_wait3A] : memref<40x128xi32, #tpu.memory_space<vmem>> -> memref<1x128xi32, #tpu.memory_space<vmem>>
      %dma_wait3A_57 = tpu.memref_squeeze %dma_wait3A_56 : memref<1x128xi32, #tpu.memory_space<vmem>> -> memref<128xi32, #tpu.memory_space<vmem>>
      %dma_wait3A_58 = arith.constant 0 : i32
      %dma_wait3A_59 = arith.constant 0 : i32
      %dma_wait3A_60 = tpu.memref_slice %arg4[%dma_wait3A_58, %dma_wait3A_59] : memref<10000x128xf32, #tpu.memory_space<hbm>> -> memref<10000x128xf32, #tpu.memory_space<hbm>>
      tpu.wait_indirect_dma semaphore(%arg12 : memref<!tpu.dma_semaphore, #tpu.memory_space<semaphore_mem>>) src(%dma_wait3A_60 : memref<10000x128xf32, #tpu.memory_space<hbm>>) dst(%arg9 : memref<128x128xf32, #tpu.memory_space<vmem>>)
      "tpu.region"() ({
        %run_scoped3A = tpu.sem_alloc : memref<!tpu.dma_semaphore, #tpu.memory_space<semaphore_mem>>
        %dma_start3A_70 = arith.constant 0 : i32
        %dma_start3A_71 = tpu.memref_slice %arg8[%mul3A_42, %dma_start3A_70] : memref<40x128xi32, #tpu.memory_space<vmem>> -> memref<1x128xi32, #tpu.memory_space<vmem>>
        %dma_start3A_72 = tpu.memref_squeeze %dma_start3A_71 : memref<1x128xi32, #tpu.memory_space<vmem>> -> memref<128xi32, #tpu.memory_space<vmem>>
        %dma_start3A_73 = arith.constant 0 : i32
        %dma_start3A_74 = arith.constant 0 : i32
        %dma_start3A_75 = tpu.memref_slice %arg11[%dma_start3A_73, %dma_start3A_74] : memref<10112x128xf32, #tpu.memory_space<vmem_shared>> -> memref<10112x128xf32, #tpu.memory_space<vmem_shared>>
        tpu.enqueue_indirect_dma source(%arg9 : memref<128x128xf32, #tpu.memory_space<vmem>>) target(%dma_start3A_75 : memref<10112x128xf32, #tpu.memory_space<vmem_shared>>) offsets(%dma_start3A_72 : memref<128xi32, #tpu.memory_space<vmem>>) semaphore(%run_scoped3A : memref<!tpu.dma_semaphore, #tpu.memory_space<semaphore_mem>>) {add = true}
        %dma_wait3A_76 = arith.constant 0 : i32
        %dma_wait3A_77 = tpu.memref_slice %arg8[%mul3A_42, %dma_wait3A_76] : memref<40x128xi32, #tpu.memory_space<vmem>> -> memref<1x128xi32, #tpu.memory_space<vmem>>
        %dma_wait3A_78 = tpu.memref_squeeze %dma_wait3A_77 : memref<1x128xi32, #tpu.memory_space<vmem>> -> memref<128xi32, #tpu.memory_space<vmem>>
        %dma_wait3A_79 = arith.constant 0 : i32
        %dma_wait3A_80 = arith.constant 0 : i32
        %dma_wait3A_81 = tpu.memref_slice %arg11[%dma_wait3A_79, %dma_wait3A_80] : memref<10112x128xf32, #tpu.memory_space<vmem_shared>> -> memref<10112x128xf32, #tpu.memory_space<vmem_shared>>
        tpu.wait_indirect_dma semaphore(%run_scoped3A : memref<!tpu.dma_semaphore, #tpu.memory_space<semaphore_mem>>) src(%arg9 : memref<128x128xf32, #tpu.memory_space<vmem>>) dst(%dma_wait3A_81 : memref<10112x128xf32, #tpu.memory_space<vmem_shared>>)
        tpu.yield
      }) : () -> ()
      %dma_wait3A_61 = arith.constant 0 : i32
      %dma_wait3A_62 = tpu.memref_slice %arg7[%add3A_49, %dma_wait3A_61] : memref<40x128xi32, #tpu.memory_space<vmem>> -> memref<1x128xi32, #tpu.memory_space<vmem>>
      %dma_wait3A_63 = tpu.memref_squeeze %dma_wait3A_62 : memref<1x128xi32, #tpu.memory_space<vmem>> -> memref<128xi32, #tpu.memory_space<vmem>>
      %dma_wait3A_64 = arith.constant 0 : i32
      %dma_wait3A_65 = arith.constant 0 : i32
      %dma_wait3A_66 = tpu.memref_slice %arg4[%dma_wait3A_64, %dma_wait3A_65] : memref<10000x128xf32, #tpu.memory_space<hbm>> -> memref<10000x128xf32, #tpu.memory_space<hbm>>
      tpu.wait_indirect_dma semaphore(%arg13 : memref<!tpu.dma_semaphore, #tpu.memory_space<semaphore_mem>>) src(%dma_wait3A_66 : memref<10000x128xf32, #tpu.memory_space<hbm>>) dst(%arg10 : memref<128x128xf32, #tpu.memory_space<vmem>>)
      %add3A_67 = arith.constant 1 : i32
      %add3A_68 = arith.addi %mul3A_42, %add3A_67 : i32
      "tpu.region"() ({
        %run_scoped3A = tpu.sem_alloc : memref<!tpu.dma_semaphore, #tpu.memory_space<semaphore_mem>>
        %dma_start3A_70 = arith.constant 0 : i32
        %dma_start3A_71 = tpu.memref_slice %arg8[%add3A_68, %dma_start3A_70] : memref<40x128xi32, #tpu.memory_space<vmem>> -> memref<1x128xi32, #tpu.memory_space<vmem>>
        %dma_start3A_72 = tpu.memref_squeeze %dma_start3A_71 : memref<1x128xi32, #tpu.memory_space<vmem>> -> memref<128xi32, #tpu.memory_space<vmem>>
        %dma_start3A_73 = arith.constant 0 : i32
        %dma_start3A_74 = arith.constant 0 : i32
        %dma_start3A_75 = tpu.memref_slice %arg11[%dma_start3A_73, %dma_start3A_74] : memref<10112x128xf32, #tpu.memory_space<vmem_shared>> -> memref<10112x128xf32, #tpu.memory_space<vmem_shared>>
        tpu.enqueue_indirect_dma source(%arg10 : memref<128x128xf32, #tpu.memory_space<vmem>>) target(%dma_start3A_75 : memref<10112x128xf32, #tpu.memory_space<vmem_shared>>) offsets(%dma_start3A_72 : memref<128xi32, #tpu.memory_space<vmem>>) semaphore(%run_scoped3A : memref<!tpu.dma_semaphore, #tpu.memory_space<semaphore_mem>>) {add = true}
        %dma_wait3A_76 = arith.constant 0 : i32
        %dma_wait3A_77 = tpu.memref_slice %arg8[%add3A_68, %dma_wait3A_76] : memref<40x128xi32, #tpu.memory_space<vmem>> -> memref<1x128xi32, #tpu.memory_space<vmem>>
        %dma_wait3A_78 = tpu.memref_squeeze %dma_wait3A_77 : memref<1x128xi32, #tpu.memory_space<vmem>> -> memref<128xi32, #tpu.memory_space<vmem>>
        %dma_wait3A_79 = arith.constant 0 : i32
        %dma_wait3A_80 = arith.constant 0 : i32
        %dma_wait3A_81 = tpu.memref_slice %arg11[%dma_wait3A_79, %dma_wait3A_80] : memref<10112x128xf32, #tpu.memory_space<vmem_shared>> -> memref<10112x128xf32, #tpu.memory_space<vmem_shared>>
        tpu.wait_indirect_dma semaphore(%run_scoped3A : memref<!tpu.dma_semaphore, #tpu.memory_space<semaphore_mem>>) src(%arg10 : memref<128x128xf32, #tpu.memory_space<vmem>>) dst(%dma_wait3A_81 : memref<10112x128xf32, #tpu.memory_space<vmem_shared>>)
        tpu.yield
      }) : () -> ()
      %scan3A_69 = arith.constant 0 : i32
      scf.yield %scan3A_69 : i32
    }
    %scan3A_30 = arith.constant 20 : i32
    %barrier3A_31 = arith.constant 0 : index
    tpu.barrier barrier_id(%barrier3A_31)
    %eq3A = arith.constant 0 : i32
    %eq3A_32 = arith.cmpi eq, %arg0, %eq3A : i32
    %convert_element_type3A = arith.extui %eq3A_32 : i1 to i32
    %cond3A = arith.constant 0 : i32
    %cond3A_33 = arith.cmpi ne, %convert_element_type3A, %cond3A : i32
    scf.if %cond3A_33 {
      %mul3A_39 = arith.constant 632 : i32
      %mul3A_40 = arith.muli %arg1, %mul3A_39 : i32
      %mul3A_41 = arith.constant 632 : i32
      %mul3A_42 = arith.muli %arg1, %mul3A_41 : i32
      "tpu.region"() ({
        %run_scoped3A = tpu.sem_alloc : memref<!tpu.dma_semaphore, #tpu.memory_space<semaphore_mem>>
        %dma_start3A = arith.constant 0 : i32
        %dma_start3A_43 = tpu.memref_slice %arg5[%mul3A_42, %dma_start3A] : memref<10112x128xf32, #tpu.memory_space<hbm>> -> memref<632x128xf32, #tpu.memory_space<hbm>>
        %dma_start3A_44 = arith.constant 0 : i32
        %dma_start3A_45 = tpu.memref_slice %arg11[%mul3A_40, %dma_start3A_44] : memref<10112x128xf32, #tpu.memory_space<vmem_shared>> -> memref<632x128xf32, #tpu.memory_space<vmem_shared>>
        tpu.enqueue_dma source(%dma_start3A_45 : memref<632x128xf32, #tpu.memory_space<vmem_shared>>) target(%dma_start3A_43 : memref<632x128xf32, #tpu.memory_space<hbm>>) target_semaphore(%run_scoped3A : memref<!tpu.dma_semaphore, #tpu.memory_space<semaphore_mem>>)
        %dma_wait3A = arith.constant 0 : i32
        %dma_wait3A_46 = tpu.memref_slice %arg5[%mul3A_42, %dma_wait3A] : memref<10112x128xf32, #tpu.memory_space<hbm>> -> memref<632x128xf32, #tpu.memory_space<hbm>>
        %dma_wait3A_47 = arith.constant 0 : i32
        %dma_wait3A_48 = tpu.memref_slice %arg11[%mul3A_40, %dma_wait3A_47] : memref<10112x128xf32, #tpu.memory_space<vmem_shared>> -> memref<632x128xf32, #tpu.memory_space<vmem_shared>>
        tpu.wait_dma2 semaphore(%run_scoped3A : memref<!tpu.dma_semaphore, #tpu.memory_space<semaphore_mem>>) src(%dma_wait3A_48 : memref<632x128xf32, #tpu.memory_space<vmem_shared>>) dst(%dma_wait3A_46 : memref<632x128xf32, #tpu.memory_space<hbm>>)
        tpu.yield
      }) : () -> ()
    } else {
    }
    %eq3A_34 = arith.constant 1 : i32
    %eq3A_35 = arith.cmpi eq, %arg0, %eq3A_34 : i32
    %convert_element_type3A_36 = arith.extui %eq3A_35 : i1 to i32
    %cond3A_37 = arith.constant 0 : i32
    %cond3A_38 = arith.cmpi ne, %convert_element_type3A_36, %cond3A_37 : i32
    scf.if %cond3A_38 {
      %mul3A_39 = arith.constant 632 : i32
      %mul3A_40 = arith.muli %arg1, %mul3A_39 : i32
      %mul3A_41 = arith.constant 632 : i32
      %mul3A_42 = arith.muli %arg1, %mul3A_41 : i32
      "tpu.region"() ({
        %run_scoped3A = tpu.sem_alloc : memref<!tpu.dma_semaphore, #tpu.memory_space<semaphore_mem>>
        %dma_start3A = arith.constant 0 : i32
        %dma_start3A_43 = tpu.memref_slice %arg6[%mul3A_42, %dma_start3A] : memref<10112x128xf32, #tpu.memory_space<hbm>> -> memref<632x128xf32, #tpu.memory_space<hbm>>
        %dma_start3A_44 = arith.constant 0 : i32
        %dma_start3A_45 = tpu.memref_slice %arg11[%mul3A_40, %dma_start3A_44] : memref<10112x128xf32, #tpu.memory_space<vmem_shared>> -> memref<632x128xf32, #tpu.memory_space<vmem_shared>>
        tpu.enqueue_dma source(%dma_start3A_45 : memref<632x128xf32, #tpu.memory_space<vmem_shared>>) target(%dma_start3A_43 : memref<632x128xf32, #tpu.memory_space<hbm>>) target_semaphore(%run_scoped3A : memref<!tpu.dma_semaphore, #tpu.memory_space<semaphore_mem>>)
        %dma_wait3A = arith.constant 0 : i32
        %dma_wait3A_46 = tpu.memref_slice %arg6[%mul3A_42, %dma_wait3A] : memref<10112x128xf32, #tpu.memory_space<hbm>> -> memref<632x128xf32, #tpu.memory_space<hbm>>
        %dma_wait3A_47 = arith.constant 0 : i32
        %dma_wait3A_48 = tpu.memref_slice %arg11[%mul3A_40, %dma_wait3A_47] : memref<10112x128xf32, #tpu.memory_space<vmem_shared>> -> memref<632x128xf32, #tpu.memory_space<vmem_shared>>
        tpu.wait_dma2 semaphore(%run_scoped3A : memref<!tpu.dma_semaphore, #tpu.memory_space<semaphore_mem>>) src(%dma_wait3A_48 : memref<632x128xf32, #tpu.memory_space<vmem_shared>>) dst(%dma_wait3A_46 : memref<632x128xf32, #tpu.memory_space<hbm>>)
        tpu.yield
      }) : () -> ()
    } else {
    }
    return
  }
}

#map = affine_map<(d0, d1) -> (0, 0)>
module attributes {stable_mosaic.version = 14 : i64} {
  func.func @agg_kernel(%arg0: i32, %arg1: i32, %arg2: memref<1280x128xi32, #tpu.memory_space<hbm>>, %arg3: memref<1280x128xi32, #tpu.memory_space<hbm>>, %arg4: memref<10000x128xf32, #tpu.memory_space<hbm>>, %arg5: memref<10112x128xf32, #tpu.memory_space<hbm>>, %arg6: memref<10112x128xf32, #tpu.memory_space<hbm>>, %arg7: memref<40x128xi32, #tpu.memory_space<vmem>>, %arg8: memref<40x128xi32, #tpu.memory_space<vmem>>, %arg9: memref<128x128xf32, #tpu.memory_space<vmem>>, %arg10: memref<128x128xf32, #tpu.memory_space<vmem>>, %arg11: memref<10112x128xf32, #tpu.memory_space<vmem_shared>>, %arg12: memref<!tpu.dma_semaphore, #tpu.memory_space<semaphore_mem>>, %arg13: memref<!tpu.dma_semaphore, #tpu.memory_space<semaphore_mem>>) attributes {dimension_semantics = [#tpu.dimension_semantics<core_parallel>, #tpu.dimension_semantics<subcore_parallel>], iteration_bounds = array<i64: 2, 16>, scalar_prefetch = 0 : i64, scratch_operands = 7 : i64, tpu.core_type = #tpu.core_type<sc_vector_subcore>, window_params = [{transform_indices = #map}, {transform_indices = #map}, {transform_indices = #map}, {transform_indices = #map}, {transform_indices = #map}]} {
    %mul3A = arith.constant 16 : i32
    %mul3A_0 = arith.muli %arg0, %mul3A : i32
    %add3A = arith.addi %mul3A_0, %arg1 : i32
    %mul3A_1 = arith.constant 40 : i32
    %mul3A_2 = arith.muli %add3A, %mul3A_1 : i32
    "tpu.region"() ({
      %run_scoped3A = tpu.sem_alloc : memref<!tpu.dma_semaphore, #tpu.memory_space<semaphore_mem>>
      %dma_start3A = arith.constant 0 : i32
      %dma_start3A_39 = tpu.memref_slice %arg2[%mul3A_2, %dma_start3A] : memref<1280x128xi32, #tpu.memory_space<hbm>> -> memref<40x128xi32, #tpu.memory_space<hbm>>
      %dma_start3A_40 = arith.constant 0 : i32
      %dma_start3A_41 = tpu.memref_slice %arg2[%mul3A_2, %dma_start3A_40] : memref<1280x128xi32, #tpu.memory_space<hbm>> -> memref<40x128xi32, #tpu.memory_space<hbm>>
      tpu.enqueue_dma source(%dma_start3A_41 : memref<40x128xi32, #tpu.memory_space<hbm>>) target(%arg7 : memref<40x128xi32, #tpu.memory_space<vmem>>) target_semaphore(%run_scoped3A : memref<!tpu.dma_semaphore, #tpu.memory_space<semaphore_mem>>)
      %dma_wait3A = arith.constant 0 : i32
      %dma_wait3A_42 = tpu.memref_slice %arg2[%mul3A_2, %dma_wait3A] : memref<1280x128xi32, #tpu.memory_space<hbm>> -> memref<40x128xi32, #tpu.memory_space<hbm>>
      %dma_wait3A_43 = arith.constant 0 : i32
      %dma_wait3A_44 = tpu.memref_slice %arg2[%mul3A_2, %dma_wait3A_43] : memref<1280x128xi32, #tpu.memory_space<hbm>> -> memref<40x128xi32, #tpu.memory_space<hbm>>
      tpu.wait_dma2 semaphore(%run_scoped3A : memref<!tpu.dma_semaphore, #tpu.memory_space<semaphore_mem>>) src(%dma_wait3A_44 : memref<40x128xi32, #tpu.memory_space<hbm>>) dst(%arg7 : memref<40x128xi32, #tpu.memory_space<vmem>>)
      tpu.yield
    }) : () -> ()
    %mul3A_3 = arith.constant 40 : i32
    %mul3A_4 = arith.muli %add3A, %mul3A_3 : i32
    "tpu.region"() ({
      %run_scoped3A = tpu.sem_alloc : memref<!tpu.dma_semaphore, #tpu.memory_space<semaphore_mem>>
      %dma_start3A = arith.constant 0 : i32
      %dma_start3A_39 = tpu.memref_slice %arg3[%mul3A_4, %dma_start3A] : memref<1280x128xi32, #tpu.memory_space<hbm>> -> memref<40x128xi32, #tpu.memory_space<hbm>>
      %dma_start3A_40 = arith.constant 0 : i32
      %dma_start3A_41 = tpu.memref_slice %arg3[%mul3A_4, %dma_start3A_40] : memref<1280x128xi32, #tpu.memory_space<hbm>> -> memref<40x128xi32, #tpu.memory_space<hbm>>
      tpu.enqueue_dma source(%dma_start3A_41 : memref<40x128xi32, #tpu.memory_space<hbm>>) target(%arg8 : memref<40x128xi32, #tpu.memory_space<vmem>>) target_semaphore(%run_scoped3A : memref<!tpu.dma_semaphore, #tpu.memory_space<semaphore_mem>>)
      %dma_wait3A = arith.constant 0 : i32
      %dma_wait3A_42 = tpu.memref_slice %arg3[%mul3A_4, %dma_wait3A] : memref<1280x128xi32, #tpu.memory_space<hbm>> -> memref<40x128xi32, #tpu.memory_space<hbm>>
      %dma_wait3A_43 = arith.constant 0 : i32
      %dma_wait3A_44 = tpu.memref_slice %arg3[%mul3A_4, %dma_wait3A_43] : memref<1280x128xi32, #tpu.memory_space<hbm>> -> memref<40x128xi32, #tpu.memory_space<hbm>>
      tpu.wait_dma2 semaphore(%run_scoped3A : memref<!tpu.dma_semaphore, #tpu.memory_space<semaphore_mem>>) src(%dma_wait3A_44 : memref<40x128xi32, #tpu.memory_space<hbm>>) dst(%arg8 : memref<40x128xi32, #tpu.memory_space<vmem>>)
      tpu.yield
    }) : () -> ()
    %broadcast_in_dim3A = arith.constant 0.000000e+00 : f32
    %broadcast_in_dim3A_5 = vector.broadcast %broadcast_in_dim3A : f32 to vector<16xf32>
    %scan3A = arith.constant 0 : i32
    %scan3A_6 = arith.constant 0 : i32
    %scan3A_7 = arith.constant 128 : i32
    %scan3A_8 = arith.addi %scan3A_6, %scan3A_7 : i32
    %scan3A_9 = arith.constant 1 : i32
    %scan3A_10 = scf.for %scan3A_39 = %scan3A_6 to %scan3A_8 step %scan3A_9 iter_args(%scan3A_40 = %scan3A) -> (i32)  : i32 {
      %swap3A = arith.index_cast %scan3A_39 : i32 to index
      %swap3A_41 = arith.constant 0 : index
      %swap3A_42 = tpu.vector_load %arg9[%swap3A, %swap3A_41] {strides = array<i32>} : memref<128x128xf32, #tpu.memory_space<vmem>>, vector<1x16xf32>,
      %swap3A_43 = vector.shape_cast %swap3A_42 : vector<1x16xf32> to vector<16xf32>
      %swap3A_44 = vector.shape_cast %broadcast_in_dim3A_5 : vector<16xf32> to vector<1x16xf32>
      tpu.vector_store %arg9[%swap3A, %swap3A_41], %swap3A_44 {strides = array<i32>} : memref<128x128xf32, #tpu.memory_space<vmem>>, vector<1x16xf32>,
      %swap3A_45 = arith.index_cast %scan3A_39 : i32 to index
      %swap3A_46 = arith.constant 16 : index
      %swap3A_47 = tpu.vector_load %arg9[%swap3A_45, %swap3A_46] {strides = array<i32>} : memref<128x128xf32, #tpu.memory_space<vmem>>, vector<1x16xf32>,
      %swap3A_48 = vector.shape_cast %swap3A_47 : vector<1x16xf32> to vector<16xf32>
      %swap3A_49 = vector.shape_cast %broadcast_in_dim3A_5 : vector<16xf32> to vector<1x16xf32>
      tpu.vector_store %arg9[%swap3A_45, %swap3A_46], %swap3A_49 {strides = array<i32>} : memref<128x128xf32, #tpu.memory_space<vmem>>, vector<1x16xf32>,
      %swap3A_50 = arith.index_cast %scan3A_39 : i32 to index
      %swap3A_51 = arith.constant 32 : index
      %swap3A_52 = tpu.vector_load %arg9[%swap3A_50, %swap3A_51] {strides = array<i32>} : memref<128x128xf32, #tpu.memory_space<vmem>>, vector<1x16xf32>,
      %swap3A_53 = vector.shape_cast %swap3A_52 : vector<1x16xf32> to vector<16xf32>
      %swap3A_54 = vector.shape_cast %broadcast_in_dim3A_5 : vector<16xf32> to vector<1x16xf32>
      tpu.vector_store %arg9[%swap3A_50, %swap3A_51], %swap3A_54 {strides = array<i32>} : memref<128x128xf32, #tpu.memory_space<vmem>>, vector<1x16xf32>,
      %swap3A_55 = arith.index_cast %scan3A_39 : i32 to index
      %swap3A_56 = arith.constant 48 : index
      %swap3A_57 = tpu.vector_load %arg9[%swap3A_55, %swap3A_56] {strides = array<i32>} : memref<128x128xf32, #tpu.memory_space<vmem>>, vector<1x16xf32>,
      %swap3A_58 = vector.shape_cast %swap3A_57 : vector<1x16xf32> to vector<16xf32>
      %swap3A_59 = vector.shape_cast %broadcast_in_dim3A_5 : vector<16xf32> to vector<1x16xf32>
      tpu.vector_store %arg9[%swap3A_55, %swap3A_56], %swap3A_59 {strides = array<i32>} : memref<128x128xf32, #tpu.memory_space<vmem>>, vector<1x16xf32>,
      %swap3A_60 = arith.index_cast %scan3A_39 : i32 to index
      %swap3A_61 = arith.constant 64 : index
      %swap3A_62 = tpu.vector_load %arg9[%swap3A_60, %swap3A_61] {strides = array<i32>} : memref<128x128xf32, #tpu.memory_space<vmem>>, vector<1x16xf32>,
      %swap3A_63 = vector.shape_cast %swap3A_62 : vector<1x16xf32> to vector<16xf32>
      %swap3A_64 = vector.shape_cast %broadcast_in_dim3A_5 : vector<16xf32> to vector<1x16xf32>
      tpu.vector_store %arg9[%swap3A_60, %swap3A_61], %swap3A_64 {strides = array<i32>} : memref<128x128xf32, #tpu.memory_space<vmem>>, vector<1x16xf32>,
      %swap3A_65 = arith.index_cast %scan3A_39 : i32 to index
      %swap3A_66 = arith.constant 80 : index
      %swap3A_67 = tpu.vector_load %arg9[%swap3A_65, %swap3A_66] {strides = array<i32>} : memref<128x128xf32, #tpu.memory_space<vmem>>, vector<1x16xf32>,
      %swap3A_68 = vector.shape_cast %swap3A_67 : vector<1x16xf32> to vector<16xf32>
      %swap3A_69 = vector.shape_cast %broadcast_in_dim3A_5 : vector<16xf32> to vector<1x16xf32>
      tpu.vector_store %arg9[%swap3A_65, %swap3A_66], %swap3A_69 {strides = array<i32>} : memref<128x128xf32, #tpu.memory_space<vmem>>, vector<1x16xf32>,
      %swap3A_70 = arith.index_cast %scan3A_39 : i32 to index
      %swap3A_71 = arith.constant 96 : index
      %swap3A_72 = tpu.vector_load %arg9[%swap3A_70, %swap3A_71] {strides = array<i32>} : memref<128x128xf32, #tpu.memory_space<vmem>>, vector<1x16xf32>,
      %swap3A_73 = vector.shape_cast %swap3A_72 : vector<1x16xf32> to vector<16xf32>
      %swap3A_74 = vector.shape_cast %broadcast_in_dim3A_5 : vector<16xf32> to vector<1x16xf32>
      tpu.vector_store %arg9[%swap3A_70, %swap3A_71], %swap3A_74 {strides = array<i32>} : memref<128x128xf32, #tpu.memory_space<vmem>>, vector<1x16xf32>,
      %swap3A_75 = arith.index_cast %scan3A_39 : i32 to index
      %swap3A_76 = arith.constant 112 : index
      %swap3A_77 = tpu.vector_load %arg9[%swap3A_75, %swap3A_76] {strides = array<i32>} : memref<128x128xf32, #tpu.memory_space<vmem>>, vector<1x16xf32>,
      %swap3A_78 = vector.shape_cast %swap3A_77 : vector<1x16xf32> to vector<16xf32>
      %swap3A_79 = vector.shape_cast %broadcast_in_dim3A_5 : vector<16xf32> to vector<1x16xf32>
      tpu.vector_store %arg9[%swap3A_75, %swap3A_76], %swap3A_79 {strides = array<i32>} : memref<128x128xf32, #tpu.memory_space<vmem>>, vector<1x16xf32>,
      %scan3A_80 = arith.constant 0 : i32
      scf.yield %scan3A_80 : i32
    }
    %scan3A_11 = arith.constant 128 : i32
    %mul3A_12 = arith.constant 632 : i32
    %mul3A_13 = arith.muli %arg1, %mul3A_12 : i32
    %add3A_14 = arith.constant 0 : i32
    %add3A_15 = arith.addi %mul3A_13, %add3A_14 : i32
    "tpu.region"() ({
      %run_scoped3A = tpu.sem_alloc : memref<!tpu.dma_semaphore, #tpu.memory_space<semaphore_mem>>
      %dma_start3A = arith.constant 0 : i32
      %dma_start3A_39 = tpu.memref_slice %arg11[%add3A_15, %dma_start3A] : memref<10112x128xf32, #tpu.memory_space<vmem_shared>> -> memref<128x128xf32, #tpu.memory_space<vmem_shared>>
      %dma_start3A_40 = arith.constant 0 : i32
      %dma_start3A_41 = tpu.memref_slice %arg11[%add3A_15, %dma_start3A_40] : memref<10112x128xf32, #tpu.memory_space<vmem_shared>> -> memref<128x128xf32, #tpu.memory_space<vmem_shared>>
      tpu.enqueue_dma source(%arg9 : memref<128x128xf32, #tpu.memory_space<vmem>>) target(%dma_start3A_41 : memref<128x128xf32, #tpu.memory_space<vmem_shared>>) target_semaphore(%run_scoped3A : memref<!tpu.dma_semaphore, #tpu.memory_space<semaphore_mem>>)
      %dma_wait3A = arith.constant 0 : i32
      %dma_wait3A_42 = tpu.memref_slice %arg11[%add3A_15, %dma_wait3A] : memref<10112x128xf32, #tpu.memory_space<vmem_shared>> -> memref<128x128xf32, #tpu.memory_space<vmem_shared>>
      %dma_wait3A_43 = arith.constant 0 : i32
      %dma_wait3A_44 = tpu.memref_slice %arg11[%add3A_15, %dma_wait3A_43] : memref<10112x128xf32, #tpu.memory_space<vmem_shared>> -> memref<128x128xf32, #tpu.memory_space<vmem_shared>>
      tpu.wait_dma2 semaphore(%run_scoped3A : memref<!tpu.dma_semaphore, #tpu.memory_space<semaphore_mem>>) src(%arg9 : memref<128x128xf32, #tpu.memory_space<vmem>>) dst(%dma_wait3A_44 : memref<128x128xf32, #tpu.memory_space<vmem_shared>>)
      tpu.yield
    }) : () -> ()
    %add3A_16 = arith.constant 128 : i32
    %add3A_17 = arith.addi %mul3A_13, %add3A_16 : i32
    "tpu.region"() ({
      %run_scoped3A = tpu.sem_alloc : memref<!tpu.dma_semaphore, #tpu.memory_space<semaphore_mem>>
      %dma_start3A = arith.constant 0 : i32
      %dma_start3A_39 = tpu.memref_slice %arg11[%add3A_17, %dma_start3A] : memref<10112x128xf32, #tpu.memory_space<vmem_shared>> -> memref<128x128xf32, #tpu.memory_space<vmem_shared>>
      %dma_start3A_40 = arith.constant 0 : i32
      %dma_start3A_41 = tpu.memref_slice %arg11[%add3A_17, %dma_start3A_40] : memref<10112x128xf32, #tpu.memory_space<vmem_shared>> -> memref<128x128xf32, #tpu.memory_space<vmem_shared>>
      tpu.enqueue_dma source(%arg9 : memref<128x128xf32, #tpu.memory_space<vmem>>) target(%dma_start3A_41 : memref<128x128xf32, #tpu.memory_space<vmem_shared>>) target_semaphore(%run_scoped3A : memref<!tpu.dma_semaphore, #tpu.memory_space<semaphore_mem>>)
      %dma_wait3A = arith.constant 0 : i32
      %dma_wait3A_42 = tpu.memref_slice %arg11[%add3A_17, %dma_wait3A] : memref<10112x128xf32, #tpu.memory_space<vmem_shared>> -> memref<128x128xf32, #tpu.memory_space<vmem_shared>>
      %dma_wait3A_43 = arith.constant 0 : i32
      %dma_wait3A_44 = tpu.memref_slice %arg11[%add3A_17, %dma_wait3A_43] : memref<10112x128xf32, #tpu.memory_space<vmem_shared>> -> memref<128x128xf32, #tpu.memory_space<vmem_shared>>
      tpu.wait_dma2 semaphore(%run_scoped3A : memref<!tpu.dma_semaphore, #tpu.memory_space<semaphore_mem>>) src(%arg9 : memref<128x128xf32, #tpu.memory_space<vmem>>) dst(%dma_wait3A_44 : memref<128x128xf32, #tpu.memory_space<vmem_shared>>)
      tpu.yield
    }) : () -> ()
    %add3A_18 = arith.constant 256 : i32
    %add3A_19 = arith.addi %mul3A_13, %add3A_18 : i32
    "tpu.region"() ({
      %run_scoped3A = tpu.sem_alloc : memref<!tpu.dma_semaphore, #tpu.memory_space<semaphore_mem>>
      %dma_start3A = arith.constant 0 : i32
      %dma_start3A_39 = tpu.memref_slice %arg11[%add3A_19, %dma_start3A] : memref<10112x128xf32, #tpu.memory_space<vmem_shared>> -> memref<128x128xf32, #tpu.memory_space<vmem_shared>>
      %dma_start3A_40 = arith.constant 0 : i32
      %dma_start3A_41 = tpu.memref_slice %arg11[%add3A_19, %dma_start3A_40] : memref<10112x128xf32, #tpu.memory_space<vmem_shared>> -> memref<128x128xf32, #tpu.memory_space<vmem_shared>>
      tpu.enqueue_dma source(%arg9 : memref<128x128xf32, #tpu.memory_space<vmem>>) target(%dma_start3A_41 : memref<128x128xf32, #tpu.memory_space<vmem_shared>>) target_semaphore(%run_scoped3A : memref<!tpu.dma_semaphore, #tpu.memory_space<semaphore_mem>>)
      %dma_wait3A = arith.constant 0 : i32
      %dma_wait3A_42 = tpu.memref_slice %arg11[%add3A_19, %dma_wait3A] : memref<10112x128xf32, #tpu.memory_space<vmem_shared>> -> memref<128x128xf32, #tpu.memory_space<vmem_shared>>
      %dma_wait3A_43 = arith.constant 0 : i32
      %dma_wait3A_44 = tpu.memref_slice %arg11[%add3A_19, %dma_wait3A_43] : memref<10112x128xf32, #tpu.memory_space<vmem_shared>> -> memref<128x128xf32, #tpu.memory_space<vmem_shared>>
      tpu.wait_dma2 semaphore(%run_scoped3A : memref<!tpu.dma_semaphore, #tpu.memory_space<semaphore_mem>>) src(%arg9 : memref<128x128xf32, #tpu.memory_space<vmem>>) dst(%dma_wait3A_44 : memref<128x128xf32, #tpu.memory_space<vmem_shared>>)
      tpu.yield
    }) : () -> ()
    %add3A_20 = arith.constant 384 : i32
    %add3A_21 = arith.addi %mul3A_13, %add3A_20 : i32
    "tpu.region"() ({
      %run_scoped3A = tpu.sem_alloc : memref<!tpu.dma_semaphore, #tpu.memory_space<semaphore_mem>>
      %dma_start3A = arith.constant 0 : i32
      %dma_start3A_39 = tpu.memref_slice %arg11[%add3A_21, %dma_start3A] : memref<10112x128xf32, #tpu.memory_space<vmem_shared>> -> memref<128x128xf32, #tpu.memory_space<vmem_shared>>
      %dma_start3A_40 = arith.constant 0 : i32
      %dma_start3A_41 = tpu.memref_slice %arg11[%add3A_21, %dma_start3A_40] : memref<10112x128xf32, #tpu.memory_space<vmem_shared>> -> memref<128x128xf32, #tpu.memory_space<vmem_shared>>
      tpu.enqueue_dma source(%arg9 : memref<128x128xf32, #tpu.memory_space<vmem>>) target(%dma_start3A_41 : memref<128x128xf32, #tpu.memory_space<vmem_shared>>) target_semaphore(%run_scoped3A : memref<!tpu.dma_semaphore, #tpu.memory_space<semaphore_mem>>)
      %dma_wait3A = arith.constant 0 : i32
      %dma_wait3A_42 = tpu.memref_slice %arg11[%add3A_21, %dma_wait3A] : memref<10112x128xf32, #tpu.memory_space<vmem_shared>> -> memref<128x128xf32, #tpu.memory_space<vmem_shared>>
      %dma_wait3A_43 = arith.constant 0 : i32
      %dma_wait3A_44 = tpu.memref_slice %arg11[%add3A_21, %dma_wait3A_43] : memref<10112x128xf32, #tpu.memory_space<vmem_shared>> -> memref<128x128xf32, #tpu.memory_space<vmem_shared>>
      tpu.wait_dma2 semaphore(%run_scoped3A : memref<!tpu.dma_semaphore, #tpu.memory_space<semaphore_mem>>) src(%arg9 : memref<128x128xf32, #tpu.memory_space<vmem>>) dst(%dma_wait3A_44 : memref<128x128xf32, #tpu.memory_space<vmem_shared>>)
      tpu.yield
    }) : () -> ()
    %add3A_22 = arith.constant 512 : i32
    %add3A_23 = arith.addi %mul3A_13, %add3A_22 : i32
    "tpu.region"() ({
      %run_scoped3A = tpu.sem_alloc : memref<!tpu.dma_semaphore, #tpu.memory_space<semaphore_mem>>
      %dma_start3A = arith.constant 0 : i32
      %dma_start3A_39 = arith.constant 0 : i32
      %dma_start3A_40 = tpu.memref_slice %arg9[%dma_start3A, %dma_start3A_39] : memref<128x128xf32, #tpu.memory_space<vmem>> -> memref<120x128xf32, #tpu.memory_space<vmem>>
      %dma_start3A_41 = arith.constant 0 : i32
      %dma_start3A_42 = tpu.memref_slice %arg11[%add3A_23, %dma_start3A_41] : memref<10112x128xf32, #tpu.memory_space<vmem_shared>> -> memref<120x128xf32, #tpu.memory_space<vmem_shared>>
      %dma_start3A_43 = arith.constant 0 : i32
      %dma_start3A_44 = tpu.memref_slice %arg11[%add3A_23, %dma_start3A_43] : memref<10112x128xf32, #tpu.memory_space<vmem_shared>> -> memref<120x128xf32, #tpu.memory_space<vmem_shared>>
      %dma_start3A_45 = arith.constant 0 : i32
      %dma_start3A_46 = arith.constant 0 : i32
      %dma_start3A_47 = tpu.memref_slice %arg9[%dma_start3A_45, %dma_start3A_46] : memref<128x128xf32, #tpu.memory_space<vmem>> -> memref<120x128xf32, #tpu.memory_space<vmem>>
      tpu.enqueue_dma source(%dma_start3A_47 : memref<120x128xf32, #tpu.memory_space<vmem>>) target(%dma_start3A_44 : memref<120x128xf32, #tpu.memory_space<vmem_shared>>) target_semaphore(%run_scoped3A : memref<!tpu.dma_semaphore, #tpu.memory_space<semaphore_mem>>)
      %dma_wait3A = arith.constant 0 : i32
      %dma_wait3A_48 = arith.constant 0 : i32
      %dma_wait3A_49 = tpu.memref_slice %arg9[%dma_wait3A, %dma_wait3A_48] : memref<128x128xf32, #tpu.memory_space<vmem>> -> memref<120x128xf32, #tpu.memory_space<vmem>>
      %dma_wait3A_50 = arith.constant 0 : i32
      %dma_wait3A_51 = tpu.memref_slice %arg11[%add3A_23, %dma_wait3A_50] : memref<10112x128xf32, #tpu.memory_space<vmem_shared>> -> memref<120x128xf32, #tpu.memory_space<vmem_shared>>
      %dma_wait3A_52 = arith.constant 0 : i32
      %dma_wait3A_53 = tpu.memref_slice %arg11[%add3A_23, %dma_wait3A_52] : memref<10112x128xf32, #tpu.memory_space<vmem_shared>> -> memref<120x128xf32, #tpu.memory_space<vmem_shared>>
      %dma_wait3A_54 = arith.constant 0 : i32
      %dma_wait3A_55 = arith.constant 0 : i32
      %dma_wait3A_56 = tpu.memref_slice %arg9[%dma_wait3A_54, %dma_wait3A_55] : memref<128x128xf32, #tpu.memory_space<vmem>> -> memref<120x128xf32, #tpu.memory_space<vmem>>
      tpu.wait_dma2 semaphore(%run_scoped3A : memref<!tpu.dma_semaphore, #tpu.memory_space<semaphore_mem>>) src(%dma_wait3A_56 : memref<120x128xf32, #tpu.memory_space<vmem>>) dst(%dma_wait3A_53 : memref<120x128xf32, #tpu.memory_space<vmem_shared>>)
      tpu.yield
    }) : () -> ()
    %barrier3A = arith.constant 0 : index
    tpu.barrier barrier_id(%barrier3A)
    %scan3A_24 = arith.constant 0 : i32
    %scan3A_25 = arith.constant 0 : i32
    %scan3A_26 = arith.constant 20 : i32
    %scan3A_27 = arith.addi %scan3A_25, %scan3A_26 : i32
    %scan3A_28 = arith.constant 1 : i32
    %scan3A_29 = scf.for %scan3A_39 = %scan3A_25 to %scan3A_27 step %scan3A_28 iter_args(%scan3A_40 = %scan3A_24) -> (i32)  : i32 {
      %mul3A_41 = arith.constant 2 : i32
      %mul3A_42 = arith.muli %scan3A_39, %mul3A_41 : i32
      %dma_start3A = arith.constant 0 : i32
      %dma_start3A_43 = tpu.memref_slice %arg7[%mul3A_42, %dma_start3A] : memref<40x128xi32, #tpu.memory_space<vmem>> -> memref<1x128xi32, #tpu.memory_space<vmem>>
      %dma_start3A_44 = tpu.memref_squeeze %dma_start3A_43 : memref<1x128xi32, #tpu.memory_space<vmem>> -> memref<128xi32, #tpu.memory_space<vmem>>
      %dma_start3A_45 = arith.constant 0 : i32
      %dma_start3A_46 = arith.constant 0 : i32
      %dma_start3A_47 = tpu.memref_slice %arg4[%dma_start3A_45, %dma_start3A_46] : memref<10000x128xf32, #tpu.memory_space<hbm>> -> memref<10000x128xf32, #tpu.memory_space<hbm>>
      tpu.enqueue_indirect_dma source(%dma_start3A_47 : memref<10000x128xf32, #tpu.memory_space<hbm>>) target(%arg9 : memref<128x128xf32, #tpu.memory_space<vmem>>) offsets(%dma_start3A_44 : memref<128xi32, #tpu.memory_space<vmem>>) semaphore(%arg12 : memref<!tpu.dma_semaphore, #tpu.memory_space<semaphore_mem>>)
      %add3A_48 = arith.constant 1 : i32
      %add3A_49 = arith.addi %mul3A_42, %add3A_48 : i32
      %dma_start3A_50 = arith.constant 0 : i32
      %dma_start3A_51 = tpu.memref_slice %arg7[%add3A_49, %dma_start3A_50] : memref<40x128xi32, #tpu.memory_space<vmem>> -> memref<1x128xi32, #tpu.memory_space<vmem>>
      %dma_start3A_52 = tpu.memref_squeeze %dma_start3A_51 : memref<1x128xi32, #tpu.memory_space<vmem>> -> memref<128xi32, #tpu.memory_space<vmem>>
      %dma_start3A_53 = arith.constant 0 : i32
      %dma_start3A_54 = arith.constant 0 : i32
      %dma_start3A_55 = tpu.memref_slice %arg4[%dma_start3A_53, %dma_start3A_54] : memref<10000x128xf32, #tpu.memory_space<hbm>> -> memref<10000x128xf32, #tpu.memory_space<hbm>>
      tpu.enqueue_indirect_dma source(%dma_start3A_55 : memref<10000x128xf32, #tpu.memory_space<hbm>>) target(%arg10 : memref<128x128xf32, #tpu.memory_space<vmem>>) offsets(%dma_start3A_52 : memref<128xi32, #tpu.memory_space<vmem>>) semaphore(%arg13 : memref<!tpu.dma_semaphore, #tpu.memory_space<semaphore_mem>>)
      %dma_wait3A = arith.constant 0 : i32
      %dma_wait3A_56 = tpu.memref_slice %arg7[%mul3A_42, %dma_wait3A] : memref<40x128xi32, #tpu.memory_space<vmem>> -> memref<1x128xi32, #tpu.memory_space<vmem>>
      %dma_wait3A_57 = tpu.memref_squeeze %dma_wait3A_56 : memref<1x128xi32, #tpu.memory_space<vmem>> -> memref<128xi32, #tpu.memory_space<vmem>>
      %dma_wait3A_58 = arith.constant 0 : i32
      %dma_wait3A_59 = arith.constant 0 : i32
      %dma_wait3A_60 = tpu.memref_slice %arg4[%dma_wait3A_58, %dma_wait3A_59] : memref<10000x128xf32, #tpu.memory_space<hbm>> -> memref<10000x128xf32, #tpu.memory_space<hbm>>
      tpu.wait_indirect_dma semaphore(%arg12 : memref<!tpu.dma_semaphore, #tpu.memory_space<semaphore_mem>>) src(%dma_wait3A_60 : memref<10000x128xf32, #tpu.memory_space<hbm>>) dst(%arg9 : memref<128x128xf32, #tpu.memory_space<vmem>>)
      "tpu.region"() ({
        %run_scoped3A = tpu.sem_alloc : memref<!tpu.dma_semaphore, #tpu.memory_space<semaphore_mem>>
        %dma_start3A_70 = arith.constant 0 : i32
        %dma_start3A_71 = tpu.memref_slice %arg8[%mul3A_42, %dma_start3A_70] : memref<40x128xi32, #tpu.memory_space<vmem>> -> memref<1x128xi32, #tpu.memory_space<vmem>>
        %dma_start3A_72 = tpu.memref_squeeze %dma_start3A_71 : memref<1x128xi32, #tpu.memory_space<vmem>> -> memref<128xi32, #tpu.memory_space<vmem>>
        %dma_start3A_73 = arith.constant 0 : i32
        %dma_start3A_74 = arith.constant 0 : i32
        %dma_start3A_75 = tpu.memref_slice %arg11[%dma_start3A_73, %dma_start3A_74] : memref<10112x128xf32, #tpu.memory_space<vmem_shared>> -> memref<10112x128xf32, #tpu.memory_space<vmem_shared>>
        tpu.enqueue_indirect_dma source(%arg9 : memref<128x128xf32, #tpu.memory_space<vmem>>) target(%dma_start3A_75 : memref<10112x128xf32, #tpu.memory_space<vmem_shared>>) offsets(%dma_start3A_72 : memref<128xi32, #tpu.memory_space<vmem>>) semaphore(%run_scoped3A : memref<!tpu.dma_semaphore, #tpu.memory_space<semaphore_mem>>) {add = true}
        %dma_wait3A_76 = arith.constant 0 : i32
        %dma_wait3A_77 = tpu.memref_slice %arg8[%mul3A_42, %dma_wait3A_76] : memref<40x128xi32, #tpu.memory_space<vmem>> -> memref<1x128xi32, #tpu.memory_space<vmem>>
        %dma_wait3A_78 = tpu.memref_squeeze %dma_wait3A_77 : memref<1x128xi32, #tpu.memory_space<vmem>> -> memref<128xi32, #tpu.memory_space<vmem>>
        %dma_wait3A_79 = arith.constant 0 : i32
        %dma_wait3A_80 = arith.constant 0 : i32
        %dma_wait3A_81 = tpu.memref_slice %arg11[%dma_wait3A_79, %dma_wait3A_80] : memref<10112x128xf32, #tpu.memory_space<vmem_shared>> -> memref<10112x128xf32, #tpu.memory_space<vmem_shared>>
        tpu.wait_indirect_dma semaphore(%run_scoped3A : memref<!tpu.dma_semaphore, #tpu.memory_space<semaphore_mem>>) src(%arg9 : memref<128x128xf32, #tpu.memory_space<vmem>>) dst(%dma_wait3A_81 : memref<10112x128xf32, #tpu.memory_space<vmem_shared>>)
        tpu.yield
      }) : () -> ()
      %dma_wait3A_61 = arith.constant 0 : i32
      %dma_wait3A_62 = tpu.memref_slice %arg7[%add3A_49, %dma_wait3A_61] : memref<40x128xi32, #tpu.memory_space<vmem>> -> memref<1x128xi32, #tpu.memory_space<vmem>>
      %dma_wait3A_63 = tpu.memref_squeeze %dma_wait3A_62 : memref<1x128xi32, #tpu.memory_space<vmem>> -> memref<128xi32, #tpu.memory_space<vmem>>
      %dma_wait3A_64 = arith.constant 0 : i32
      %dma_wait3A_65 = arith.constant 0 : i32
      %dma_wait3A_66 = tpu.memref_slice %arg4[%dma_wait3A_64, %dma_wait3A_65] : memref<10000x128xf32, #tpu.memory_space<hbm>> -> memref<10000x128xf32, #tpu.memory_space<hbm>>
      tpu.wait_indirect_dma semaphore(%arg13 : memref<!tpu.dma_semaphore, #tpu.memory_space<semaphore_mem>>) src(%dma_wait3A_66 : memref<10000x128xf32, #tpu.memory_space<hbm>>) dst(%arg10 : memref<128x128xf32, #tpu.memory_space<vmem>>)
      %add3A_67 = arith.constant 1 : i32
      %add3A_68 = arith.addi %mul3A_42, %add3A_67 : i32
      "tpu.region"() ({
        %run_scoped3A = tpu.sem_alloc : memref<!tpu.dma_semaphore, #tpu.memory_space<semaphore_mem>>
        %dma_start3A_70 = arith.constant 0 : i32
        %dma_start3A_71 = tpu.memref_slice %arg8[%add3A_68, %dma_start3A_70] : memref<40x128xi32, #tpu.memory_space<vmem>> -> memref<1x128xi32, #tpu.memory_space<vmem>>
        %dma_start3A_72 = tpu.memref_squeeze %dma_start3A_71 : memref<1x128xi32, #tpu.memory_space<vmem>> -> memref<128xi32, #tpu.memory_space<vmem>>
        %dma_start3A_73 = arith.constant 0 : i32
        %dma_start3A_74 = arith.constant 0 : i32
        %dma_start3A_75 = tpu.memref_slice %arg11[%dma_start3A_73, %dma_start3A_74] : memref<10112x128xf32, #tpu.memory_space<vmem_shared>> -> memref<10112x128xf32, #tpu.memory_space<vmem_shared>>
        tpu.enqueue_indirect_dma source(%arg10 : memref<128x128xf32, #tpu.memory_space<vmem>>) target(%dma_start3A_75 : memref<10112x128xf32, #tpu.memory_space<vmem_shared>>) offsets(%dma_start3A_72 : memref<128xi32, #tpu.memory_space<vmem>>) semaphore(%run_scoped3A : memref<!tpu.dma_semaphore, #tpu.memory_space<semaphore_mem>>) {add = true}
        %dma_wait3A_76 = arith.constant 0 : i32
        %dma_wait3A_77 = tpu.memref_slice %arg8[%add3A_68, %dma_wait3A_76] : memref<40x128xi32, #tpu.memory_space<vmem>> -> memref<1x128xi32, #tpu.memory_space<vmem>>
        %dma_wait3A_78 = tpu.memref_squeeze %dma_wait3A_77 : memref<1x128xi32, #tpu.memory_space<vmem>> -> memref<128xi32, #tpu.memory_space<vmem>>
        %dma_wait3A_79 = arith.constant 0 : i32
        %dma_wait3A_80 = arith.constant 0 : i32
        %dma_wait3A_81 = tpu.memref_slice %arg11[%dma_wait3A_79, %dma_wait3A_80] : memref<10112x128xf32, #tpu.memory_space<vmem_shared>> -> memref<10112x128xf32, #tpu.memory_space<vmem_shared>>
        tpu.wait_indirect_dma semaphore(%run_scoped3A : memref<!tpu.dma_semaphore, #tpu.memory_space<semaphore_mem>>) src(%arg10 : memref<128x128xf32, #tpu.memory_space<vmem>>) dst(%dma_wait3A_81 : memref<10112x128xf32, #tpu.memory_space<vmem_shared>>)
        tpu.yield
      }) : () -> ()
      %scan3A_69 = arith.constant 0 : i32
      scf.yield %scan3A_69 : i32
    }
    %scan3A_30 = arith.constant 20 : i32
    %barrier3A_31 = arith.constant 0 : index
    tpu.barrier barrier_id(%barrier3A_31)
    %eq3A = arith.constant 0 : i32
    %eq3A_32 = arith.cmpi eq, %arg0, %eq3A : i32
    %convert_element_type3A = arith.extui %eq3A_32 : i1 to i32
    %cond3A = arith.constant 0 : i32
    %cond3A_33 = arith.cmpi ne, %convert_element_type3A, %cond3A : i32
    scf.if %cond3A_33 {
      %mul3A_39 = arith.constant 632 : i32
      %mul3A_40 = arith.muli %arg1, %mul3A_39 : i32
      %mul3A_41 = arith.constant 632 : i32
      %mul3A_42 = arith.muli %arg1, %mul3A_41 : i32
      "tpu.region"() ({
        %run_scoped3A = tpu.sem_alloc : memref<!tpu.dma_semaphore, #tpu.memory_space<semaphore_mem>>
        %dma_start3A = arith.constant 0 : i32
        %dma_start3A_43 = tpu.memref_slice %arg5[%mul3A_42, %dma_start3A] : memref<10112x128xf32, #tpu.memory_space<hbm>> -> memref<632x128xf32, #tpu.memory_space<hbm>>
        %dma_start3A_44 = arith.constant 0 : i32
        %dma_start3A_45 = tpu.memref_slice %arg11[%mul3A_40, %dma_start3A_44] : memref<10112x128xf32, #tpu.memory_space<vmem_shared>> -> memref<632x128xf32, #tpu.memory_space<vmem_shared>>
        tpu.enqueue_dma source(%dma_start3A_45 : memref<632x128xf32, #tpu.memory_space<vmem_shared>>) target(%dma_start3A_43 : memref<632x128xf32, #tpu.memory_space<hbm>>) target_semaphore(%run_scoped3A : memref<!tpu.dma_semaphore, #tpu.memory_space<semaphore_mem>>)
        %dma_wait3A = arith.constant 0 : i32
        %dma_wait3A_46 = tpu.memref_slice %arg5[%mul3A_42, %dma_wait3A] : memref<10112x128xf32, #tpu.memory_space<hbm>> -> memref<632x128xf32, #tpu.memory_space<hbm>>
        %dma_wait3A_47 = arith.constant 0 : i32
        %dma_wait3A_48 = tpu.memref_slice %arg11[%mul3A_40, %dma_wait3A_47] : memref<10112x128xf32, #tpu.memory_space<vmem_shared>> -> memref<632x128xf32, #tpu.memory_space<vmem_shared>>
        tpu.wait_dma2 semaphore(%run_scoped3A : memref<!tpu.dma_semaphore, #tpu.memory_space<semaphore_mem>>) src(%dma_wait3A_48 : memref<632x128xf32, #tpu.memory_space<vmem_shared>>) dst(%dma_wait3A_46 : memref<632x128xf32, #tpu.memory_space<hbm>>)
        tpu.yield
      }) : () -> ()
    } else {
    }
    %eq3A_34 = arith.constant 1 : i32
    %eq3A_35 = arith.cmpi eq, %arg0, %eq3A_34 : i32
    %convert_element_type3A_36 = arith.extui %eq3A_35 : i1 to i32
    %cond3A_37 = arith.constant 0 : i32
    %cond3A_38 = arith.cmpi ne, %convert_element_type3A_36, %cond3A_37 : i32
    scf.if %cond3A_38 {
      %mul3A_39 = arith.constant 632 : i32
      %mul3A_40 = arith.muli %arg1, %mul3A_39 : i32
      %mul3A_41 = arith.constant 632 : i32
      %mul3A_42 = arith.muli %arg1, %mul3A_41 : i32
      "tpu.region"() ({
        %run_scoped3A = tpu.sem_alloc : memref<!tpu.dma_semaphore, #tpu.memory_space<semaphore_mem>>
        %dma_start3A = arith.constant 0 : i32
        %dma_start3A_43 = tpu.memref_slice %arg6[%mul3A_42, %dma_start3A] : memref<10112x128xf32, #tpu.memory_space<hbm>> -> memref<632x128xf32, #tpu.memory_space<hbm>>
        %dma_start3A_44 = arith.constant 0 : i32
        %dma_start3A_45 = tpu.memref_slice %arg11[%mul3A_40, %dma_start3A_44] : memref<10112x128xf32, #tpu.memory_space<vmem_shared>> -> memref<632x128xf32, #tpu.memory_space<vmem_shared>>
        tpu.enqueue_dma source(%dma_start3A_45 : memref<632x128xf32, #tpu.memory_space<vmem_shared>>) target(%dma_start3A_43 : memref<632x128xf32, #tpu.memory_space<hbm>>) target_semaphore(%run_scoped3A : memref<!tpu.dma_semaphore, #tpu.memory_space<semaphore_mem>>)
        %dma_wait3A = arith.constant 0 : i32
        %dma_wait3A_46 = tpu.memref_slice %arg6[%mul3A_42, %dma_wait3A] : memref<10112x128xf32, #tpu.memory_space<hbm>> -> memref<632x128xf32, #tpu.memory_space<hbm>>
        %dma_wait3A_47 = arith.constant 0 : i32
        %dma_wait3A_48 = tpu.memref_slice %arg11[%mul3A_40, %dma_wait3A_47] : memref<10112x128xf32, #tpu.memory_space<vmem_shared>> -> memref<632x128xf32, #tpu.memory_space<vmem_shared>>
        tpu.wait_dma2 semaphore(%run_scoped3A : memref<!tpu.dma_semaphore, #tpu.memory_space<semaphore_mem>>) src(%dma_wait3A_48 : memref<632x128xf32, #tpu.memory_space<vmem_shared>>) dst(%dma_wait3A_46 : memref<632x128xf32, #tpu.memory_space<hbm>>)
        tpu.yield
      }) : () -> ()
    } else {
    }
    return
  }
}

module attributes {stable_mosaic.version = 14 : i64} {
  func.func @body(%arg0: i32, %arg1: memref<2000x256xf32, #tpu.memory_space<vmem>>, %arg2: memref<256x256xf32, #tpu.memory_space<vmem>>, %arg3: memref<2000x16xf32, #tpu.memory_space<vmem>>, %arg4: memref<2000x16xf32, #tpu.memory_space<vmem>>, %arg5: memref<2000x128xf32, #tpu.memory_space<vmem>>, %arg6: memref<2000x128xf32, #tpu.memory_space<vmem>>) attributes {dimension_semantics = [#tpu.dimension_semantics<arbitrary>], iteration_bounds = array<i64: 5>, scalar_prefetch = 0 : i64, scratch_operands = 0 : i64, tpu.core_type = #tpu.core_type<tc>, window_params = [{transform_indices = @transform_0, window_bounds = array<i64: 2000, 256>}, {pipeline_mode = #tpu.pipeline_mode<synchronous>, transform_indices = @transform_1, window_bounds = array<i64: 256, 256>}, {transform_indices = @transform_2, window_bounds = array<i64: 2000, 16>}, {transform_indices = @transform_3, window_bounds = array<i64: 2000, 16>}, {transform_indices = @transform_4, window_bounds = array<i64: 2000, 128>}, {transform_indices = @transform_5, window_bounds = array<i64: 2000, 128>}]} {
    %get3A = arith.constant 0 : index
    %get3A_0 = arith.constant 0 : index
    %get3A_1 = vector.load %arg3[%get3A, %get3A_0] : memref<2000x16xf32, #tpu.memory_space<vmem>>, vector<2000x1xf32>
    %get3A_2 = arith.constant 0 : index
    %get3A_3 = arith.constant 0 : index
    %get3A_4 = vector.load %arg4[%get3A_2, %get3A_3] : memref<2000x16xf32, #tpu.memory_space<vmem>>, vector<2000x1xf32>
    %add3A = arith.addf %get3A_1, %get3A_4 : vector<2000x1xf32>
    %rsqrt3A = math.rsqrt %add3A : vector<2000x1xf32>
    %get3A_5 = arith.constant 0 : index
    %get3A_6 = arith.constant 0 : index
    %get3A_7 = vector.load %arg1[%get3A_5, %get3A_6] : memref<2000x256xf32, #tpu.memory_space<vmem>>, vector<2000x256xf32>
    %get3A_8 = arith.constant 0 : index
    %get3A_9 = arith.constant 0 : index
    %get3A_10 = vector.load %arg2[%get3A_8, %get3A_9] : memref<256x256xf32, #tpu.memory_space<vmem>>, vector<256x256xf32>
    %dot_general3A = arith.constant dense<0.000000e+00> : vector<2000x256xf32>
    %dot_general3A_11 = tpu.matmul %get3A_7, %get3A_10, %dot_general3A {dimension_numbers = #tpu.dot_dimension_numbers<[1], [0], [0], [1], [0, 0, 1, 1], [], []>, transpose_lhs_hint = false} : vector<2000x256xf32>, vector<256x256xf32>, vector<2000x256xf32> -> vector<2000x256xf32>
    %mul3A = vector.broadcast %rsqrt3A : vector<2000x1xf32> to vector<2000x256xf32>
    %mul3A_12 = arith.mulf %dot_general3A_11, %mul3A : vector<2000x256xf32>
    %slice3A = vector.extract_strided_slice %mul3A_12 {offsets = [0, 0], sizes = [2000, 128], strides = [1, 1]} : vector<2000x256xf32> to vector<2000x128xf32>
    %swap3A = arith.constant 0 : index
    %swap3A_13 = arith.constant 0 : index
    %swap3A_14 = vector.load %arg5[%swap3A, %swap3A_13] : memref<2000x128xf32, #tpu.memory_space<vmem>>, vector<2000x128xf32>
    tpu.vector_store %arg5[%swap3A, %swap3A_13], %slice3A {strides = array<i32>} : memref<2000x128xf32, #tpu.memory_space<vmem>>, vector<2000x128xf32>,
    %slice3A_15 = vector.extract_strided_slice %mul3A_12 {offsets = [0, 128], sizes = [2000, 128], strides = [1, 1]} : vector<2000x256xf32> to vector<2000x128xf32>
    %swap3A_16 = arith.constant 0 : index
    %swap3A_17 = arith.constant 0 : index
    %swap3A_18 = vector.load %arg6[%swap3A_16, %swap3A_17] : memref<2000x128xf32, #tpu.memory_space<vmem>>, vector<2000x128xf32>
    tpu.vector_store %arg6[%swap3A_16, %swap3A_17], %slice3A_15 {strides = array<i32>} : memref<2000x128xf32, #tpu.memory_space<vmem>>, vector<2000x128xf32>,
    return
  }
  func.func @transform_0(%arg0: i32) -> (i32, i32) {
    %c0_i32 = arith.constant 0 : i32
    %c0_i32_0 = arith.constant 0 : i32
    return %arg0, %c0_i32 : i32, i32
  }
  func.func @transform_1(%arg0: i32) -> (i32, i32) {
    %c0_i32 = arith.constant 0 : i32
    %c0_i32_0 = arith.constant 0 : i32
    %c0_i32_1 = arith.constant 0 : i32
    return %c0_i32, %c0_i32_0 : i32, i32
  }
  func.func @transform_2(%arg0: i32) -> (i32, i32) {
    %c0_i32 = arith.constant 0 : i32
    %c0_i32_0 = arith.constant 0 : i32
    return %arg0, %c0_i32 : i32, i32
  }
  func.func @transform_3(%arg0: i32) -> (i32, i32) {
    %c0_i32 = arith.constant 0 : i32
    %c0_i32_0 = arith.constant 0 : i32
    return %arg0, %c0_i32 : i32, i32
  }
  func.func @transform_4(%arg0: i32) -> (i32, i32) {
    %c0_i32 = arith.constant 0 : i32
    %c0_i32_0 = arith.constant 0 : i32
    return %arg0, %c0_i32 : i32, i32
  }
  func.func @transform_5(%arg0: i32) -> (i32, i32) {
    %c0_i32 = arith.constant 0 : i32
    %c0_i32_0 = arith.constant 0 : i32
    return %arg0, %c0_i32 : i32, i32
  }
}

module attributes {stable_mosaic.version = 14 : i64} {
  func.func @body(%arg0: i32, %arg1: memref<2000x128xf32, #tpu.memory_space<vmem>>, %arg2: memref<2000x128xf32, #tpu.memory_space<vmem>>, %arg3: memref<2000x128xf32, #tpu.memory_space<vmem>>, %arg4: memref<2000x16xf32, #tpu.memory_space<vmem>>, %arg5: memref<2000x16xf32, #tpu.memory_space<vmem>>, %arg6: memref<1x64xf32, #tpu.memory_space<vmem>>, %arg7: memref<64x256xf32, #tpu.memory_space<vmem>>, %arg8: memref<2000x128xf32, #tpu.memory_space<vmem>>, %arg9: memref<2000x128xf32, #tpu.memory_space<vmem>>) attributes {dimension_semantics = [#tpu.dimension_semantics<arbitrary>], iteration_bounds = array<i64: 5>, scalar_prefetch = 0 : i64, scratch_operands = 0 : i64, tpu.core_type = #tpu.core_type<tc>, window_params = [{transform_indices = @transform_0, window_bounds = array<i64: 2000, 128>}, {transform_indices = @transform_1, window_bounds = array<i64: 2000, 128>}, {transform_indices = @transform_2, window_bounds = array<i64: 2000, 128>}, {transform_indices = @transform_3, window_bounds = array<i64: 2000, 16>}, {transform_indices = @transform_4, window_bounds = array<i64: 2000, 16>}, {pipeline_mode = #tpu.pipeline_mode<synchronous>, transform_indices = @transform_5, window_bounds = array<i64: 1, 64>}, {pipeline_mode = #tpu.pipeline_mode<synchronous>, transform_indices = @transform_6, window_bounds = array<i64: 64, 256>}, {transform_indices = @transform_7, window_bounds = array<i64: 2000, 128>}, {transform_indices = @transform_8, window_bounds = array<i64: 2000, 128>}]} {
    %get3A = arith.constant 0 : index
    %get3A_0 = arith.constant 0 : index
    %get3A_1 = vector.load %arg4[%get3A, %get3A_0] : memref<2000x16xf32, #tpu.memory_space<vmem>>, vector<2000x1xf32>
    %get3A_2 = arith.constant 0 : index
    %get3A_3 = arith.constant 0 : index
    %get3A_4 = vector.load %arg5[%get3A_2, %get3A_3] : memref<2000x16xf32, #tpu.memory_space<vmem>>, vector<2000x1xf32>
    %add3A = arith.addf %get3A_1, %get3A_4 : vector<2000x1xf32>
    %rsqrt3A = math.rsqrt %add3A : vector<2000x1xf32>
    %get3A_5 = arith.constant 0 : index
    %get3A_6 = arith.constant 0 : index
    %get3A_7 = vector.load %arg1[%get3A_5, %get3A_6] : memref<2000x128xf32, #tpu.memory_space<vmem>>, vector<2000x128xf32>
    %get3A_8 = arith.constant 0 : index
    %get3A_9 = arith.constant 0 : index
    %get3A_10 = vector.load %arg2[%get3A_8, %get3A_9] : memref<2000x128xf32, #tpu.memory_space<vmem>>, vector<2000x128xf32>
    %add3A_11 = arith.addf %get3A_7, %get3A_10 : vector<2000x128xf32>
    %get3A_12 = arith.constant 0 : index
    %get3A_13 = arith.constant 0 : index
    %get3A_14 = vector.load %arg3[%get3A_12, %get3A_13] : memref<2000x128xf32, #tpu.memory_space<vmem>>, vector<2000x128xf32>
    %add3A_15 = arith.addf %add3A_11, %get3A_14 : vector<2000x128xf32>
    %slice3A = vector.extract_strided_slice %add3A_15 {offsets = [0, 0], sizes = [2000, 64], strides = [1, 1]} : vector<2000x128xf32> to vector<2000x64xf32>
    %mul3A = vector.broadcast %rsqrt3A : vector<2000x1xf32> to vector<2000x64xf32>
    %mul3A_16 = arith.mulf %slice3A, %mul3A : vector<2000x64xf32>
    %get3A_17 = arith.constant 0 : index
    %get3A_18 = arith.constant 0 : index
    %get3A_19 = vector.load %arg6[%get3A_17, %get3A_18] : memref<1x64xf32, #tpu.memory_space<vmem>>, vector<1x64xf32>
    %add3A_20 = vector.broadcast %get3A_19 : vector<1x64xf32> to vector<2000x64xf32>
    %add3A_21 = arith.addf %mul3A_16, %add3A_20 : vector<2000x64xf32>
    %get3A_22 = arith.constant 0 : index
    %get3A_23 = arith.constant 0 : index
    %get3A_24 = vector.load %arg7[%get3A_22, %get3A_23] : memref<64x256xf32, #tpu.memory_space<vmem>>, vector<64x256xf32>
    %dot_general3A = arith.constant dense<0.000000e+00> : vector<2000x256xf32>
    %dot_general3A_25 = tpu.matmul %add3A_21, %get3A_24, %dot_general3A {dimension_numbers = #tpu.dot_dimension_numbers<[1], [0], [0], [1], [0, 0, 1, 1], [], []>, transpose_lhs_hint = false} : vector<2000x64xf32>, vector<64x256xf32>, vector<2000x256xf32> -> vector<2000x256xf32>
    %mul3A_26 = vector.broadcast %rsqrt3A : vector<2000x1xf32> to vector<2000x256xf32>
    %mul3A_27 = arith.mulf %dot_general3A_25, %mul3A_26 : vector<2000x256xf32>
    %slice3A_28 = vector.extract_strided_slice %mul3A_27 {offsets = [0, 0], sizes = [2000, 128], strides = [1, 1]} : vector<2000x256xf32> to vector<2000x128xf32>
    %swap3A = arith.constant 0 : index
    %swap3A_29 = arith.constant 0 : index
    %swap3A_30 = vector.load %arg8[%swap3A, %swap3A_29] : memref<2000x128xf32, #tpu.memory_space<vmem>>, vector<2000x128xf32>
    tpu.vector_store %arg8[%swap3A, %swap3A_29], %slice3A_28 {strides = array<i32>} : memref<2000x128xf32, #tpu.memory_space<vmem>>, vector<2000x128xf32>,
    %slice3A_31 = vector.extract_strided_slice %mul3A_27 {offsets = [0, 128], sizes = [2000, 128], strides = [1, 1]} : vector<2000x256xf32> to vector<2000x128xf32>
    %swap3A_32 = arith.constant 0 : index
    %swap3A_33 = arith.constant 0 : index
    %swap3A_34 = vector.load %arg9[%swap3A_32, %swap3A_33] : memref<2000x128xf32, #tpu.memory_space<vmem>>, vector<2000x128xf32>
    tpu.vector_store %arg9[%swap3A_32, %swap3A_33], %slice3A_31 {strides = array<i32>} : memref<2000x128xf32, #tpu.memory_space<vmem>>, vector<2000x128xf32>,
    return
  }
  func.func @transform_0(%arg0: i32) -> (i32, i32) {
    %c0_i32 = arith.constant 0 : i32
    %c0_i32_0 = arith.constant 0 : i32
    return %arg0, %c0_i32 : i32, i32
  }
  func.func @transform_1(%arg0: i32) -> (i32, i32) {
    %c0_i32 = arith.constant 0 : i32
    %c0_i32_0 = arith.constant 0 : i32
    return %arg0, %c0_i32 : i32, i32
  }
  func.func @transform_2(%arg0: i32) -> (i32, i32) {
    %c0_i32 = arith.constant 0 : i32
    %c0_i32_0 = arith.constant 0 : i32
    return %arg0, %c0_i32 : i32, i32
  }
  func.func @transform_3(%arg0: i32) -> (i32, i32) {
    %c0_i32 = arith.constant 0 : i32
    %c0_i32_0 = arith.constant 0 : i32
    return %arg0, %c0_i32 : i32, i32
  }
  func.func @transform_4(%arg0: i32) -> (i32, i32) {
    %c0_i32 = arith.constant 0 : i32
    %c0_i32_0 = arith.constant 0 : i32
    return %arg0, %c0_i32 : i32, i32
  }
  func.func @transform_5(%arg0: i32) -> (i32, i32) {
    %c0_i32 = arith.constant 0 : i32
    %c0_i32_0 = arith.constant 0 : i32
    %c0_i32_1 = arith.constant 0 : i32
    return %c0_i32, %c0_i32_0 : i32, i32
  }
  func.func @transform_6(%arg0: i32) -> (i32, i32) {
    %c0_i32 = arith.constant 0 : i32
    %c0_i32_0 = arith.constant 0 : i32
    %c0_i32_1 = arith.constant 0 : i32
    return %c0_i32, %c0_i32_0 : i32, i32
  }
  func.func @transform_7(%arg0: i32) -> (i32, i32) {
    %c0_i32 = arith.constant 0 : i32
    %c0_i32_0 = arith.constant 0 : i32
    return %arg0, %c0_i32 : i32, i32
  }
  func.func @transform_8(%arg0: i32) -> (i32, i32) {
    %c0_i32 = arith.constant 0 : i32
    %c0_i32_0 = arith.constant 0 : i32
    return %arg0, %c0_i32 : i32, i32
  }
}

module attributes {stable_mosaic.version = 14 : i64} {
  func.func @body(%arg0: i32, %arg1: memref<2000x128xf32, #tpu.memory_space<vmem>>, %arg2: memref<2000x128xf32, #tpu.memory_space<vmem>>, %arg3: memref<2000x128xf32, #tpu.memory_space<vmem>>, %arg4: memref<2000x128xf32, #tpu.memory_space<vmem>>, %arg5: memref<2000x128xf32, #tpu.memory_space<vmem>>, %arg6: memref<2000x128xf32, #tpu.memory_space<vmem>>, %arg7: memref<2000x16xf32, #tpu.memory_space<vmem>>, %arg8: memref<2000x16xf32, #tpu.memory_space<vmem>>, %arg9: memref<1x256xf32, #tpu.memory_space<vmem>>, %arg10: memref<256x64xf32, #tpu.memory_space<vmem>>, %arg11: memref<2000x128xf32, #tpu.memory_space<vmem>>) attributes {dimension_semantics = [#tpu.dimension_semantics<arbitrary>], iteration_bounds = array<i64: 5>, scalar_prefetch = 0 : i64, scratch_operands = 0 : i64, tpu.core_type = #tpu.core_type<tc>, window_params = [{transform_indices = @transform_0, window_bounds = array<i64: 2000, 128>}, {transform_indices = @transform_1, window_bounds = array<i64: 2000, 128>}, {transform_indices = @transform_2, window_bounds = array<i64: 2000, 128>}, {transform_indices = @transform_3, window_bounds = array<i64: 2000, 128>}, {transform_indices = @transform_4, window_bounds = array<i64: 2000, 128>}, {transform_indices = @transform_5, window_bounds = array<i64: 2000, 128>}, {transform_indices = @transform_6, window_bounds = array<i64: 2000, 16>}, {transform_indices = @transform_7, window_bounds = array<i64: 2000, 16>}, {pipeline_mode = #tpu.pipeline_mode<synchronous>, transform_indices = @transform_8, window_bounds = array<i64: 1, 256>}, {pipeline_mode = #tpu.pipeline_mode<synchronous>, transform_indices = @transform_9, window_bounds = array<i64: 256, 64>}, {transform_indices = @transform_10, window_bounds = array<i64: 2000, 128>}]} {
    %get3A = arith.constant 0 : index
    %get3A_0 = arith.constant 0 : index
    %get3A_1 = vector.load %arg7[%get3A, %get3A_0] : memref<2000x16xf32, #tpu.memory_space<vmem>>, vector<2000x1xf32>
    %get3A_2 = arith.constant 0 : index
    %get3A_3 = arith.constant 0 : index
    %get3A_4 = vector.load %arg8[%get3A_2, %get3A_3] : memref<2000x16xf32, #tpu.memory_space<vmem>>, vector<2000x1xf32>
    %add3A = arith.addf %get3A_1, %get3A_4 : vector<2000x1xf32>
    %rsqrt3A = math.rsqrt %add3A : vector<2000x1xf32>
    %get3A_5 = arith.constant 0 : index
    %get3A_6 = arith.constant 0 : index
    %get3A_7 = vector.load %arg1[%get3A_5, %get3A_6] : memref<2000x128xf32, #tpu.memory_space<vmem>>, vector<2000x128xf32>
    %get3A_8 = arith.constant 0 : index
    %get3A_9 = arith.constant 0 : index
    %get3A_10 = vector.load %arg2[%get3A_8, %get3A_9] : memref<2000x128xf32, #tpu.memory_space<vmem>>, vector<2000x128xf32>
    %add3A_11 = arith.addf %get3A_7, %get3A_10 : vector<2000x128xf32>
    %get3A_12 = arith.constant 0 : index
    %get3A_13 = arith.constant 0 : index
    %get3A_14 = vector.load %arg5[%get3A_12, %get3A_13] : memref<2000x128xf32, #tpu.memory_space<vmem>>, vector<2000x128xf32>
    %add3A_15 = arith.addf %add3A_11, %get3A_14 : vector<2000x128xf32>
    %get3A_16 = arith.constant 0 : index
    %get3A_17 = arith.constant 0 : index
    %get3A_18 = vector.load %arg3[%get3A_16, %get3A_17] : memref<2000x128xf32, #tpu.memory_space<vmem>>, vector<2000x128xf32>
    %get3A_19 = arith.constant 0 : index
    %get3A_20 = arith.constant 0 : index
    %get3A_21 = vector.load %arg4[%get3A_19, %get3A_20] : memref<2000x128xf32, #tpu.memory_space<vmem>>, vector<2000x128xf32>
    %add3A_22 = arith.addf %get3A_18, %get3A_21 : vector<2000x128xf32>
    %get3A_23 = arith.constant 0 : index
    %get3A_24 = arith.constant 0 : index
    %get3A_25 = vector.load %arg6[%get3A_23, %get3A_24] : memref<2000x128xf32, #tpu.memory_space<vmem>>, vector<2000x128xf32>
    %add3A_26 = arith.addf %add3A_22, %get3A_25 : vector<2000x128xf32>
    %concatenate3A = tpu.concatenate %add3A_15, %add3A_26 in 1 : vector<2000x128xf32>, vector<2000x128xf32> -> vector<2000x256xf32>
    %mul3A = vector.broadcast %rsqrt3A : vector<2000x1xf32> to vector<2000x256xf32>
    %mul3A_27 = arith.mulf %concatenate3A, %mul3A : vector<2000x256xf32>
    %get3A_28 = arith.constant 0 : index
    %get3A_29 = arith.constant 0 : index
    %get3A_30 = vector.load %arg9[%get3A_28, %get3A_29] : memref<1x256xf32, #tpu.memory_space<vmem>>, vector<1x256xf32>
    %add3A_31 = vector.broadcast %get3A_30 : vector<1x256xf32> to vector<2000x256xf32>
    %add3A_32 = arith.addf %mul3A_27, %add3A_31 : vector<2000x256xf32>
    %max3A = arith.constant 0.000000e+00 : f32
    %max3A_33 = vector.broadcast %max3A : f32 to vector<2000x256xf32>
    %max3A_34 = arith.maximumf %add3A_32, %max3A_33 : vector<2000x256xf32>
    %get3A_35 = arith.constant 0 : index
    %get3A_36 = arith.constant 0 : index
    %get3A_37 = vector.load %arg10[%get3A_35, %get3A_36] : memref<256x64xf32, #tpu.memory_space<vmem>>, vector<256x64xf32>
    %dot_general3A = arith.constant dense<0.000000e+00> : vector<2000x64xf32>
    %dot_general3A_38 = tpu.matmul %max3A_34, %get3A_37, %dot_general3A {dimension_numbers = #tpu.dot_dimension_numbers<[1], [0], [0], [1], [0, 0, 1, 1], [], []>, transpose_lhs_hint = false} : vector<2000x256xf32>, vector<256x64xf32>, vector<2000x64xf32> -> vector<2000x64xf32>
    %mul3A_39 = vector.broadcast %rsqrt3A : vector<2000x1xf32> to vector<2000x64xf32>
    %mul3A_40 = arith.mulf %dot_general3A_38, %mul3A_39 : vector<2000x64xf32>
    %jit3A = arith.constant 0 : i32
    %convert_element_type3A = arith.sitofp %jit3A : i32 to f32
    %pad3A = vector.broadcast %convert_element_type3A : f32 to vector<2000x64xf32>
    %pad3A_41 = tpu.concatenate %mul3A_40, %pad3A in 1 : vector<2000x64xf32>, vector<2000x64xf32> -> vector<2000x128xf32>
    %swap3A = arith.constant 0 : index
    %swap3A_42 = arith.constant 0 : index
    %swap3A_43 = vector.load %arg11[%swap3A, %swap3A_42] : memref<2000x128xf32, #tpu.memory_space<vmem>>, vector<2000x128xf32>
    tpu.vector_store %arg11[%swap3A, %swap3A_42], %pad3A_41 {strides = array<i32>} : memref<2000x128xf32, #tpu.memory_space<vmem>>, vector<2000x128xf32>,
    return
  }
  func.func @transform_0(%arg0: i32) -> (i32, i32) {
    %c0_i32 = arith.constant 0 : i32
    %c0_i32_0 = arith.constant 0 : i32
    return %arg0, %c0_i32 : i32, i32
  }
  func.func @transform_1(%arg0: i32) -> (i32, i32) {
    %c0_i32 = arith.constant 0 : i32
    %c0_i32_0 = arith.constant 0 : i32
    return %arg0, %c0_i32 : i32, i32
  }
  func.func @transform_2(%arg0: i32) -> (i32, i32) {
    %c0_i32 = arith.constant 0 : i32
    %c0_i32_0 = arith.constant 0 : i32
    return %arg0, %c0_i32 : i32, i32
  }
  func.func @transform_3(%arg0: i32) -> (i32, i32) {
    %c0_i32 = arith.constant 0 : i32
    %c0_i32_0 = arith.constant 0 : i32
    return %arg0, %c0_i32 : i32, i32
  }
  func.func @transform_4(%arg0: i32) -> (i32, i32) {
    %c0_i32 = arith.constant 0 : i32
    %c0_i32_0 = arith.constant 0 : i32
    return %arg0, %c0_i32 : i32, i32
  }
  func.func @transform_5(%arg0: i32) -> (i32, i32) {
    %c0_i32 = arith.constant 0 : i32
    %c0_i32_0 = arith.constant 0 : i32
    return %arg0, %c0_i32 : i32, i32
  }
  func.func @transform_6(%arg0: i32) -> (i32, i32) {
    %c0_i32 = arith.constant 0 : i32
    %c0_i32_0 = arith.constant 0 : i32
    return %arg0, %c0_i32 : i32, i32
  }
  func.func @transform_7(%arg0: i32) -> (i32, i32) {
    %c0_i32 = arith.constant 0 : i32
    %c0_i32_0 = arith.constant 0 : i32
    return %arg0, %c0_i32 : i32, i32
  }
  func.func @transform_8(%arg0: i32) -> (i32, i32) {
    %c0_i32 = arith.constant 0 : i32
    %c0_i32_0 = arith.constant 0 : i32
    %c0_i32_1 = arith.constant 0 : i32
    return %c0_i32, %c0_i32_0 : i32, i32
  }
  func.func @transform_9(%arg0: i32) -> (i32, i32) {
    %c0_i32 = arith.constant 0 : i32
    %c0_i32_0 = arith.constant 0 : i32
    %c0_i32_1 = arith.constant 0 : i32
    return %c0_i32, %c0_i32_0 : i32, i32
  }
  func.func @transform_10(%arg0: i32) -> (i32, i32) {
    %c0_i32 = arith.constant 0 : i32
    %c0_i32_0 = arith.constant 0 : i32
    return %arg0, %c0_i32 : i32, i32
  }
}

module attributes {stable_mosaic.version = 14 : i64} {
  func.func @body(%arg0: i32, %arg1: memref<2000x128xf32, #tpu.memory_space<vmem>>, %arg2: memref<2000x128xf32, #tpu.memory_space<vmem>>, %arg3: memref<2000x128xf32, #tpu.memory_space<vmem>>, %arg4: memref<2000x128xf32, #tpu.memory_space<vmem>>, %arg5: memref<2000x128xf32, #tpu.memory_space<vmem>>, %arg6: memref<2000x128xf32, #tpu.memory_space<vmem>>, %arg7: memref<2000x16xf32, #tpu.memory_space<vmem>>, %arg8: memref<2000x16xf32, #tpu.memory_space<vmem>>, %arg9: memref<1x256xf32, #tpu.memory_space<vmem>>, %arg10: memref<256x256xf32, #tpu.memory_space<vmem>>, %arg11: memref<2000x128xf32, #tpu.memory_space<vmem>>, %arg12: memref<2000x128xf32, #tpu.memory_space<vmem>>) attributes {dimension_semantics = [#tpu.dimension_semantics<arbitrary>], iteration_bounds = array<i64: 5>, scalar_prefetch = 0 : i64, scratch_operands = 0 : i64, tpu.core_type = #tpu.core_type<tc>, window_params = [{transform_indices = @transform_0, window_bounds = array<i64: 2000, 128>}, {transform_indices = @transform_1, window_bounds = array<i64: 2000, 128>}, {transform_indices = @transform_2, window_bounds = array<i64: 2000, 128>}, {transform_indices = @transform_3, window_bounds = array<i64: 2000, 128>}, {transform_indices = @transform_4, window_bounds = array<i64: 2000, 128>}, {transform_indices = @transform_5, window_bounds = array<i64: 2000, 128>}, {transform_indices = @transform_6, window_bounds = array<i64: 2000, 16>}, {transform_indices = @transform_7, window_bounds = array<i64: 2000, 16>}, {pipeline_mode = #tpu.pipeline_mode<synchronous>, transform_indices = @transform_8, window_bounds = array<i64: 1, 256>}, {pipeline_mode = #tpu.pipeline_mode<synchronous>, transform_indices = @transform_9, window_bounds = array<i64: 256, 256>}, {transform_indices = @transform_10, window_bounds = array<i64: 2000, 128>}, {transform_indices = @transform_11, window_bounds = array<i64: 2000, 128>}]} {
    %get3A = arith.constant 0 : index
    %get3A_0 = arith.constant 0 : index
    %get3A_1 = vector.load %arg7[%get3A, %get3A_0] : memref<2000x16xf32, #tpu.memory_space<vmem>>, vector<2000x1xf32>
    %get3A_2 = arith.constant 0 : index
    %get3A_3 = arith.constant 0 : index
    %get3A_4 = vector.load %arg8[%get3A_2, %get3A_3] : memref<2000x16xf32, #tpu.memory_space<vmem>>, vector<2000x1xf32>
    %add3A = arith.addf %get3A_1, %get3A_4 : vector<2000x1xf32>
    %rsqrt3A = math.rsqrt %add3A : vector<2000x1xf32>
    %get3A_5 = arith.constant 0 : index
    %get3A_6 = arith.constant 0 : index
    %get3A_7 = vector.load %arg1[%get3A_5, %get3A_6] : memref<2000x128xf32, #tpu.memory_space<vmem>>, vector<2000x128xf32>
    %get3A_8 = arith.constant 0 : index
    %get3A_9 = arith.constant 0 : index
    %get3A_10 = vector.load %arg2[%get3A_8, %get3A_9] : memref<2000x128xf32, #tpu.memory_space<vmem>>, vector<2000x128xf32>
    %add3A_11 = arith.addf %get3A_7, %get3A_10 : vector<2000x128xf32>
    %get3A_12 = arith.constant 0 : index
    %get3A_13 = arith.constant 0 : index
    %get3A_14 = vector.load %arg5[%get3A_12, %get3A_13] : memref<2000x128xf32, #tpu.memory_space<vmem>>, vector<2000x128xf32>
    %add3A_15 = arith.addf %add3A_11, %get3A_14 : vector<2000x128xf32>
    %get3A_16 = arith.constant 0 : index
    %get3A_17 = arith.constant 0 : index
    %get3A_18 = vector.load %arg3[%get3A_16, %get3A_17] : memref<2000x128xf32, #tpu.memory_space<vmem>>, vector<2000x128xf32>
    %get3A_19 = arith.constant 0 : index
    %get3A_20 = arith.constant 0 : index
    %get3A_21 = vector.load %arg4[%get3A_19, %get3A_20] : memref<2000x128xf32, #tpu.memory_space<vmem>>, vector<2000x128xf32>
    %add3A_22 = arith.addf %get3A_18, %get3A_21 : vector<2000x128xf32>
    %get3A_23 = arith.constant 0 : index
    %get3A_24 = arith.constant 0 : index
    %get3A_25 = vector.load %arg6[%get3A_23, %get3A_24] : memref<2000x128xf32, #tpu.memory_space<vmem>>, vector<2000x128xf32>
    %add3A_26 = arith.addf %add3A_22, %get3A_25 : vector<2000x128xf32>
    %concatenate3A = tpu.concatenate %add3A_15, %add3A_26 in 1 : vector<2000x128xf32>, vector<2000x128xf32> -> vector<2000x256xf32>
    %mul3A = vector.broadcast %rsqrt3A : vector<2000x1xf32> to vector<2000x256xf32>
    %mul3A_27 = arith.mulf %concatenate3A, %mul3A : vector<2000x256xf32>
    %get3A_28 = arith.constant 0 : index
    %get3A_29 = arith.constant 0 : index
    %get3A_30 = vector.load %arg9[%get3A_28, %get3A_29] : memref<1x256xf32, #tpu.memory_space<vmem>>, vector<1x256xf32>
    %add3A_31 = vector.broadcast %get3A_30 : vector<1x256xf32> to vector<2000x256xf32>
    %add3A_32 = arith.addf %mul3A_27, %add3A_31 : vector<2000x256xf32>
    %max3A = arith.constant 0.000000e+00 : f32
    %max3A_33 = vector.broadcast %max3A : f32 to vector<2000x256xf32>
    %max3A_34 = arith.maximumf %add3A_32, %max3A_33 : vector<2000x256xf32>
    %get3A_35 = arith.constant 0 : index
    %get3A_36 = arith.constant 0 : index
    %get3A_37 = vector.load %arg10[%get3A_35, %get3A_36] : memref<256x256xf32, #tpu.memory_space<vmem>>, vector<256x256xf32>
    %dot_general3A = arith.constant dense<0.000000e+00> : vector<2000x256xf32>
    %dot_general3A_38 = tpu.matmul %max3A_34, %get3A_37, %dot_general3A {dimension_numbers = #tpu.dot_dimension_numbers<[1], [0], [0], [1], [0, 0, 1, 1], [], []>, transpose_lhs_hint = false} : vector<2000x256xf32>, vector<256x256xf32>, vector<2000x256xf32> -> vector<2000x256xf32>
    %mul3A_39 = vector.broadcast %rsqrt3A : vector<2000x1xf32> to vector<2000x256xf32>
    %mul3A_40 = arith.mulf %dot_general3A_38, %mul3A_39 : vector<2000x256xf32>
    %slice3A = vector.extract_strided_slice %mul3A_40 {offsets = [0, 0], sizes = [2000, 128], strides = [1, 1]} : vector<2000x256xf32> to vector<2000x128xf32>
    %swap3A = arith.constant 0 : index
    %swap3A_41 = arith.constant 0 : index
    %swap3A_42 = vector.load %arg11[%swap3A, %swap3A_41] : memref<2000x128xf32, #tpu.memory_space<vmem>>, vector<2000x128xf32>
    tpu.vector_store %arg11[%swap3A, %swap3A_41], %slice3A {strides = array<i32>} : memref<2000x128xf32, #tpu.memory_space<vmem>>, vector<2000x128xf32>,
    %slice3A_43 = vector.extract_strided_slice %mul3A_40 {offsets = [0, 128], sizes = [2000, 128], strides = [1, 1]} : vector<2000x256xf32> to vector<2000x128xf32>
    %swap3A_44 = arith.constant 0 : index
    %swap3A_45 = arith.constant 0 : index
    %swap3A_46 = vector.load %arg12[%swap3A_44, %swap3A_45] : memref<2000x128xf32, #tpu.memory_space<vmem>>, vector<2000x128xf32>
    tpu.vector_store %arg12[%swap3A_44, %swap3A_45], %slice3A_43 {strides = array<i32>} : memref<2000x128xf32, #tpu.memory_space<vmem>>, vector<2000x128xf32>,
    return
  }
  func.func @transform_0(%arg0: i32) -> (i32, i32) {
    %c0_i32 = arith.constant 0 : i32
    %c0_i32_0 = arith.constant 0 : i32
    return %arg0, %c0_i32 : i32, i32
  }
  func.func @transform_1(%arg0: i32) -> (i32, i32) {
    %c0_i32 = arith.constant 0 : i32
    %c0_i32_0 = arith.constant 0 : i32
    return %arg0, %c0_i32 : i32, i32
  }
  func.func @transform_2(%arg0: i32) -> (i32, i32) {
    %c0_i32 = arith.constant 0 : i32
    %c0_i32_0 = arith.constant 0 : i32
    return %arg0, %c0_i32 : i32, i32
  }
  func.func @transform_3(%arg0: i32) -> (i32, i32) {
    %c0_i32 = arith.constant 0 : i32
    %c0_i32_0 = arith.constant 0 : i32
    return %arg0, %c0_i32 : i32, i32
  }
  func.func @transform_4(%arg0: i32) -> (i32, i32) {
    %c0_i32 = arith.constant 0 : i32
    %c0_i32_0 = arith.constant 0 : i32
    return %arg0, %c0_i32 : i32, i32
  }
  func.func @transform_5(%arg0: i32) -> (i32, i32) {
    %c0_i32 = arith.constant 0 : i32
    %c0_i32_0 = arith.constant 0 : i32
    return %arg0, %c0_i32 : i32, i32
  }
  func.func @transform_6(%arg0: i32) -> (i32, i32) {
    %c0_i32 = arith.constant 0 : i32
    %c0_i32_0 = arith.constant 0 : i32
    return %arg0, %c0_i32 : i32, i32
  }
  func.func @transform_7(%arg0: i32) -> (i32, i32) {
    %c0_i32 = arith.constant 0 : i32
    %c0_i32_0 = arith.constant 0 : i32
    return %arg0, %c0_i32 : i32, i32
  }
  func.func @transform_8(%arg0: i32) -> (i32, i32) {
    %c0_i32 = arith.constant 0 : i32
    %c0_i32_0 = arith.constant 0 : i32
    %c0_i32_1 = arith.constant 0 : i32
    return %c0_i32, %c0_i32_0 : i32, i32
  }
  func.func @transform_9(%arg0: i32) -> (i32, i32) {
    %c0_i32 = arith.constant 0 : i32
    %c0_i32_0 = arith.constant 0 : i32
    %c0_i32_1 = arith.constant 0 : i32
    return %c0_i32, %c0_i32_0 : i32, i32
  }
  func.func @transform_10(%arg0: i32) -> (i32, i32) {
    %c0_i32 = arith.constant 0 : i32
    %c0_i32_0 = arith.constant 0 : i32
    return %arg0, %c0_i32 : i32, i32
  }
  func.func @transform_11(%arg0: i32) -> (i32, i32) {
    %c0_i32 = arith.constant 0 : i32
    %c0_i32_0 = arith.constant 0 : i32
    return %arg0, %c0_i32 : i32, i32
  }
}

module attributes {stable_mosaic.version = 14 : i64} {
  func.func @body(%arg0: i32, %arg1: memref<2000x128xf32, #tpu.memory_space<vmem>>, %arg2: memref<2000x128xf32, #tpu.memory_space<vmem>>, %arg3: memref<2000x128xf32, #tpu.memory_space<vmem>>, %arg4: memref<2000x128xf32, #tpu.memory_space<vmem>>, %arg5: memref<2000x128xf32, #tpu.memory_space<vmem>>, %arg6: memref<2000x128xf32, #tpu.memory_space<vmem>>, %arg7: memref<2000x16xf32, #tpu.memory_space<vmem>>, %arg8: memref<2000x16xf32, #tpu.memory_space<vmem>>, %arg9: memref<1x256xf32, #tpu.memory_space<vmem>>, %arg10: memref<2000x256xf32, #tpu.memory_space<vmem>>) attributes {dimension_semantics = [#tpu.dimension_semantics<arbitrary>], iteration_bounds = array<i64: 5>, scalar_prefetch = 0 : i64, scratch_operands = 0 : i64, tpu.core_type = #tpu.core_type<tc>, window_params = [{transform_indices = @transform_0, window_bounds = array<i64: 2000, 128>}, {transform_indices = @transform_1, window_bounds = array<i64: 2000, 128>}, {transform_indices = @transform_2, window_bounds = array<i64: 2000, 128>}, {transform_indices = @transform_3, window_bounds = array<i64: 2000, 128>}, {transform_indices = @transform_4, window_bounds = array<i64: 2000, 128>}, {transform_indices = @transform_5, window_bounds = array<i64: 2000, 128>}, {transform_indices = @transform_6, window_bounds = array<i64: 2000, 16>}, {transform_indices = @transform_7, window_bounds = array<i64: 2000, 16>}, {pipeline_mode = #tpu.pipeline_mode<synchronous>, transform_indices = @transform_8, window_bounds = array<i64: 1, 256>}, {transform_indices = @transform_9, window_bounds = array<i64: 2000, 256>}]} {
    %get3A = arith.constant 0 : index
    %get3A_0 = arith.constant 0 : index
    %get3A_1 = vector.load %arg7[%get3A, %get3A_0] : memref<2000x16xf32, #tpu.memory_space<vmem>>, vector<2000x1xf32>
    %get3A_2 = arith.constant 0 : index
    %get3A_3 = arith.constant 0 : index
    %get3A_4 = vector.load %arg8[%get3A_2, %get3A_3] : memref<2000x16xf32, #tpu.memory_space<vmem>>, vector<2000x1xf32>
    %add3A = arith.addf %get3A_1, %get3A_4 : vector<2000x1xf32>
    %rsqrt3A = math.rsqrt %add3A : vector<2000x1xf32>
    %get3A_5 = arith.constant 0 : index
    %get3A_6 = arith.constant 0 : index
    %get3A_7 = vector.load %arg1[%get3A_5, %get3A_6] : memref<2000x128xf32, #tpu.memory_space<vmem>>, vector<2000x128xf32>
    %get3A_8 = arith.constant 0 : index
    %get3A_9 = arith.constant 0 : index
    %get3A_10 = vector.load %arg2[%get3A_8, %get3A_9] : memref<2000x128xf32, #tpu.memory_space<vmem>>, vector<2000x128xf32>
    %add3A_11 = arith.addf %get3A_7, %get3A_10 : vector<2000x128xf32>
    %get3A_12 = arith.constant 0 : index
    %get3A_13 = arith.constant 0 : index
    %get3A_14 = vector.load %arg5[%get3A_12, %get3A_13] : memref<2000x128xf32, #tpu.memory_space<vmem>>, vector<2000x128xf32>
    %add3A_15 = arith.addf %add3A_11, %get3A_14 : vector<2000x128xf32>
    %get3A_16 = arith.constant 0 : index
    %get3A_17 = arith.constant 0 : index
    %get3A_18 = vector.load %arg3[%get3A_16, %get3A_17] : memref<2000x128xf32, #tpu.memory_space<vmem>>, vector<2000x128xf32>
    %get3A_19 = arith.constant 0 : index
    %get3A_20 = arith.constant 0 : index
    %get3A_21 = vector.load %arg4[%get3A_19, %get3A_20] : memref<2000x128xf32, #tpu.memory_space<vmem>>, vector<2000x128xf32>
    %add3A_22 = arith.addf %get3A_18, %get3A_21 : vector<2000x128xf32>
    %get3A_23 = arith.constant 0 : index
    %get3A_24 = arith.constant 0 : index
    %get3A_25 = vector.load %arg6[%get3A_23, %get3A_24] : memref<2000x128xf32, #tpu.memory_space<vmem>>, vector<2000x128xf32>
    %add3A_26 = arith.addf %add3A_22, %get3A_25 : vector<2000x128xf32>
    %concatenate3A = tpu.concatenate %add3A_15, %add3A_26 in 1 : vector<2000x128xf32>, vector<2000x128xf32> -> vector<2000x256xf32>
    %mul3A = vector.broadcast %rsqrt3A : vector<2000x1xf32> to vector<2000x256xf32>
    %mul3A_27 = arith.mulf %concatenate3A, %mul3A : vector<2000x256xf32>
    %get3A_28 = arith.constant 0 : index
    %get3A_29 = arith.constant 0 : index
    %get3A_30 = vector.load %arg9[%get3A_28, %get3A_29] : memref<1x256xf32, #tpu.memory_space<vmem>>, vector<1x256xf32>
    %add3A_31 = vector.broadcast %get3A_30 : vector<1x256xf32> to vector<2000x256xf32>
    %add3A_32 = arith.addf %mul3A_27, %add3A_31 : vector<2000x256xf32>
    %swap3A = arith.constant 0 : index
    %swap3A_33 = arith.constant 0 : index
    %swap3A_34 = vector.load %arg10[%swap3A, %swap3A_33] : memref<2000x256xf32, #tpu.memory_space<vmem>>, vector<2000x256xf32>
    tpu.vector_store %arg10[%swap3A, %swap3A_33], %add3A_32 {strides = array<i32>} : memref<2000x256xf32, #tpu.memory_space<vmem>>, vector<2000x256xf32>,
    return
  }
  func.func @transform_0(%arg0: i32) -> (i32, i32) {
    %c0_i32 = arith.constant 0 : i32
    %c0_i32_0 = arith.constant 0 : i32
    return %arg0, %c0_i32 : i32, i32
  }
  func.func @transform_1(%arg0: i32) -> (i32, i32) {
    %c0_i32 = arith.constant 0 : i32
    %c0_i32_0 = arith.constant 0 : i32
    return %arg0, %c0_i32 : i32, i32
  }
  func.func @transform_2(%arg0: i32) -> (i32, i32) {
    %c0_i32 = arith.constant 0 : i32
    %c0_i32_0 = arith.constant 0 : i32
    return %arg0, %c0_i32 : i32, i32
  }
  func.func @transform_3(%arg0: i32) -> (i32, i32) {
    %c0_i32 = arith.constant 0 : i32
    %c0_i32_0 = arith.constant 0 : i32
    return %arg0, %c0_i32 : i32, i32
  }
  func.func @transform_4(%arg0: i32) -> (i32, i32) {
    %c0_i32 = arith.constant 0 : i32
    %c0_i32_0 = arith.constant 0 : i32
    return %arg0, %c0_i32 : i32, i32
  }
  func.func @transform_5(%arg0: i32) -> (i32, i32) {
    %c0_i32 = arith.constant 0 : i32
    %c0_i32_0 = arith.constant 0 : i32
    return %arg0, %c0_i32 : i32, i32
  }
  func.func @transform_6(%arg0: i32) -> (i32, i32) {
    %c0_i32 = arith.constant 0 : i32
    %c0_i32_0 = arith.constant 0 : i32
    return %arg0, %c0_i32 : i32, i32
  }
  func.func @transform_7(%arg0: i32) -> (i32, i32) {
    %c0_i32 = arith.constant 0 : i32
    %c0_i32_0 = arith.constant 0 : i32
    return %arg0, %c0_i32 : i32, i32
  }
  func.func @transform_8(%arg0: i32) -> (i32, i32) {
    %c0_i32 = arith.constant 0 : i32
    %c0_i32_0 = arith.constant 0 : i32
    %c0_i32_1 = arith.constant 0 : i32
    return %c0_i32, %c0_i32_0 : i32, i32
  }
  func.func @transform_9(%arg0: i32) -> (i32, i32) {
    %c0_i32 = arith.constant 0 : i32
    %c0_i32_0 = arith.constant 0 : i32
    return %arg0, %c0_i32 : i32, i32
  }
}

</mosaic_0001>

<sc_bundles>
// kernel: kernel.15.cloned.1.call-start
scs
__scs_entry_jumppad:
0x0: {  	(pc) =	sbr.rel $0x88, $3  }
0x1: {  	(tag) =	ssettag $0x0;
	lr =	simm.s32 $0x1  }
0x2: {  	[smem:$0x3F97] =	sst lr;
	_ =	strace $0xD0000000  }
0x3: {  	_ = 	snop  }
0x4: {  	_ = 	snop  }
0x5: {  	_ = 	snop  }
0x6: {  	_ = 	snop  }
0x7: {  	_ = 	snop  }
__scs_overlays_trampoline_lowered:
0x8: {  	[smem:$0x3FA6] =	sst s0  }
0x9: {  	[smem:$0x3FA7] =	sst s1  }
0xa: {  	[smem:$0x3FA8] =	sst s2  }
0xb: {  	[smem:$0x3FA9] =	sst s3  }
0xc: {  	[smem:$0x3FAA] =	sst s4  }
0xd: {  	[smem:$0x3FAB] =	sst s5  }
0xe: {  	[smem:$0x3FAC] =	sst s6  }
0xf: {  	[smem:$0x3FAD] =	sst s7  }
0x10: {  	[smem:$0x3FAE] =	sst s8  }
0x11: {  	[smem:$0x3FAF] =	sst s9;
	s0 =	simm.s32 @!p0 $0x0  }
0x12: {  	s1 =	sld [smem:$0x3F95];
	s0 =	simm.s32 @p0 $0x1  }
0x13: {  	[smem:$0x3FB0] =	sst s0;
	s0 =	simm.s32 @!p1 $0x0  }
0x14: {  	s2 =	sld [smem:$0x3F94];
	s0 =	simm.s32 @p1 $0x1  }
0x15: {  	[smem:$0x3FB1] =	sst s0;
	s0 =	simm.s32 @!p2 $0x0  }
0x16: {  	s3 =	sld [smem:$0x3FDB];
	s0 =	simm.s32 @p2 $0x1  }
0x17: {  	s4 =	simm.s32 $0x1BF5;
	[smem:$0x3FB3] =	sst s0  }
0x18: {  	s0 =	sld [smem:$0x3F96];
	_ =	swait.ge [sflag:s4], $0x0  }
0x19: {  	s7 =	sld [smem:$0x3F97]  }
0x1a: {  	s8 =	sadd.s32 $0xFFFFE003, lr  }
0x1b: {  	s9 =	sadd.s32 $0xFFFFFEF7, lr;
	s5 =	simm.s32 $0xFFFFFFFF;
	p2 =	slt.u32 s8, $0xFFFFF086  }
0x1c: {  	p1 =	slt.u32 s9, $0xF7A;
	s5 =	simm.s32 @!p2 $0x0  }
0x1d: {  	s5 =	simm.s32 @p1 $0x1;
	p0 =	seq.s32 s7, s2  }
0x1e: {  	s7 =	smul.u32 @!p0 $0xF7A, s2;
	p2 =	seq.s32 @!p0 s5, $0x0  }
0x1f: {  	s9 =	smul.u32 $0xF7A, s1;
	s8 =	simm.s32 @!p0 $0x1BF5;
	p2 =	por !p2, p0  }
0x20: {  	[sflag:s8] =	ssyncset.s32 @!p0 $0xFFFFF086;
	s6 =	sadd.s32 @!p0 s3, s7;
	s7 =	simm.s32 @!p0 $0x108  }
0x21: {  	s3 =	sadd.s32 s3, s9;
	s6 =	sadd.s32 @!p0 $0x88, s6;
	s7 =	simm.s32 @p2 $0x1082  }
0x22: {  	[simem:s7], [sflag:s8] =	dma.local @!p0 [hbm:s6], $0xF7A  }
0x23: {  	s9 =	sor.u32 $0xD0000000, s2;
	s6 =	simm.s32 $0x108;
	_ =	swait.ge @!p0 [sflag:s8], $0x0  }
0x24: {  	s3 =	sadd.s32 $0x88, s3;
	s6 =	simm.s32 @!p1 $0x1082;
	[sflag:s4] =	ssyncset.s32 $0xFFFFF086  }
0x25: {  	[simem:s6], [sflag:s4] =	dma.local [hbm:s3], $0xF7A  }
0x26: {  	[smem:$0x3F97] =	sst s1;
	(tag) =	ssettag s2;
	_ =	strace s9  }
0x27: {  	s1 =	sld [smem:$0x3FA7]  }
0x28: {  	s2 =	sld [smem:$0x3FA8]  }
0x29: {  	s4 =	sld [smem:$0x3FAA]  }
0x2a: {  	p0 =	seq.s32 s5, $0x0;
	s5 =	sld [smem:$0x3FAB]  }
0x2b: {  	s6 =	sld [smem:$0x3FAC]  }
0x2c: {  	s7 =	sld [smem:$0x3FAD]  }
0x2d: {  	s3 =	simm.s32 $0x108;
	s8 =	sld [smem:$0x3FAE]  }
0x2e: {  	s3 =	simm.s32 @!p0 $0x1082;
	s9 =	sld [smem:$0x3FAF]  }
0x2f: {  	lr =	sadd.s32 s0, s3;
	s0 =	sld [smem:$0x3FA6]  }
0x30: {  	s3 =	sld [smem:$0x3FA9]  }
0x31: {  	[smem:$0x3FB2] =	sst s10  }
0x32: {  	s10 =	sld [smem:$0x3FB0];
	_ =	sdelay $0x3  }
0x33: {  	p0 =	seq.s32 s10, $0x1;
	s10 =	sld [smem:$0x3FB2];
	_ =	sdelay $0x3  }
0x34: {  	[smem:$0x3FB2] =	sst s10  }
0x35: {  	s10 =	sld [smem:$0x3FB1];
	_ =	sdelay $0x3  }
0x36: {  	p1 =	seq.s32 s10, $0x1;
	s10 =	sld [smem:$0x3FB2];
	_ =	sdelay $0x3  }
0x37: {  	[smem:$0x3FB2] =	sst s10  }
0x38: {  	s10 =	sld [smem:$0x3FB3]  }
0x39: {  	_ = 	snop;
	(pc) =	sbr.ind lr, $3  }
0x3a: {  	_ = 	snop  }
0x3b: {  	_ = 	snop  }
0x3c: {  	p2 =	seq.s32 s10, $0x1;
	s10 =	sld [smem:$0x3FB2]  }
0x3d: {  	_ =	shalt  }
0x3e: {  	_ =	shalt  }
0x3f: {  	_ =	shalt  }
0x40: {  	_ =	shalt  }
0x41: {  	_ =	shalt  }
0x42: {  	_ =	shalt  }
0x43: {  	_ =	shalt  }
0x44: {  	_ =	shalt  }
0x45: {  	_ =	shalt  }
0x46: {  	_ =	shalt  }
0x47: {  	_ =	shalt  }
0x48: {  	_ =	shalt  }
0x49: {  	_ =	shalt  }
0x4a: {  	_ =	shalt  }
0x4b: {  	_ =	shalt  }
0x4c: {  	_ =	shalt  }
0x4d: {  	_ =	shalt  }
0x4e: {  	_ =	shalt  }
0x4f: {  	_ =	shalt  }
0x50: {  	_ =	shalt  }
0x51: {  	_ =	shalt  }
0x52: {  	_ =	shalt  }
0x53: {  	_ =	shalt  }
0x54: {  	_ =	shalt  }
0x55: {  	_ =	shalt  }
0x56: {  	_ =	shalt  }
0x57: {  	_ =	shalt  }
0x58: {  	_ =	shalt  }
0x59: {  	_ =	shalt  }
0x5a: {  	_ =	shalt  }
0x5b: {  	_ =	shalt  }
0x5c: {  	_ =	shalt  }
0x5d: {  	_ =	shalt  }
0x5e: {  	_ =	shalt  }
0x5f: {  	_ =	shalt  }
0x60: {  	_ =	shalt  }
0x61: {  	_ =	shalt  }
0x62: {  	_ =	shalt  }
0x63: {  	_ =	shalt  }
0x64: {  	_ =	shalt  }
0x65: {  	_ =	shalt  }
0x66: {  	_ =	shalt  }
0x67: {  	_ =	shalt  }
0x68: {  	_ =	shalt  }
0x69: {  	_ =	shalt  }
0x6a: {  	_ =	shalt  }
0x6b: {  	_ =	shalt  }
0x6c: {  	_ =	shalt  }
0x6d: {  	_ =	shalt  }
0x6e: {  	_ =	shalt  }
0x6f: {  	_ =	shalt  }
0x70: {  	_ =	shalt  }
0x71: {  	_ =	shalt  }
0x72: {  	_ =	shalt  }
0x73: {  	_ =	shalt  }
0x74: {  	_ =	shalt  }
0x75: {  	_ =	shalt  }
0x76: {  	_ =	shalt  }
0x77: {  	_ =	shalt  }
0x78: {  	_ =	shalt  }
0x79: {  	_ =	shalt  }
0x7a: {  	_ =	shalt  }
0x7b: {  	_ =	shalt  }
0x7c: {  	_ =	shalt  }
0x7d: {  	_ =	shalt  }
0x7e: {  	_ =	shalt  }
0x7f: {  	_ =	shalt  }
0x80: {  	_ =	shalt  }
0x81: {  	_ =	shalt  }
0x82: {  	_ =	shalt  }
0x83: {  	_ =	shalt  }
0x84: {  	_ =	shalt  }
0x85: {  	_ =	shalt  }
0x86: {  	_ =	shalt  }
0x87: {  	_ =	shalt  }
.Lfunc_end0:
.L_simem_size_0:
called_computation_lowered:
.L_overlay_start_0:
0x88: {  	s2 =	sld [smem:$0x3FD9]  }
0x89: {  	s3 =	sld [smem:$0x3FFE];
	_ =	sdelay $0x1  }
0x8a: {  	s1 =	srdreg.scid  }
0x8b: {  	s0 =	sand.u32 $0x1, s1  }
0x8c: {  	s17 =	sshll.u32 s0, $0xA;
	s2 =	sadd.s32 s3, s2  }
0x8d: {  	s2 =	sadd.s32 s2, s17  }
0x8e: {  	[smem:$0x3FBE] =	sst s2  }
0x8f: {  	_ = 	snop  }
0x90: {  	s2 =	sld [smem:$0x3FD0];
	(tm) =	ssettm $0x1  }
0x91: {  	s18 =	sld [smem:$0x3FFB];
	_ =	sdelay $0x3  }
0x92: {  	_ =	strace s18  }
0x93: {  	s3 =	sld [smem:$0x3FFC];
	_ =	sdelay $0x3  }
0x94: {  	_ =	strace s3  }
0x95: {  	s3 =	sld [smem:$0x3FFD];
	_ =	sdelay $0x3  }
0x96: {  	_ =	strace s3  }
0x97: {  	_ =	strace $0x8FFFFFFF  }
0x98: {  	s19 =	sld [smem:$0x3FDB];
	_ =	sdelay $0x1  }
0x99: {  	s4 =	simm.s32 $_scs_section_size  }
0x9a: {  	s5 =	simm.s32 $_size__tile_overlayer_lowered;
	s6 =	simm.s32 $_tile_overlayer_lowered  }
0x9b: {  	s22 =	simm.s32 $0x1BFF;
	s21 =	sshll.u32 s6, $0x1;
	s3 =	sadd.s32 s4, s19  }
0x9c: {  	s7 =	simm.s32 $0x0;
	s20 =	sshll.u32 s5, $0x1;
	s5 =	sadd.s32 s21, s3  }
0x9d: {  	[timem:s7], [sflag:s22] =	dma.local [hbm:s5], s20  }
0x9e: {  	_ =	swait.ge [sflag:s22], s20  }
0x9f: {  	s4 =	ssub.s32 $0x0, s20;
	[sflag:s22] =	ssyncset.done $0x0  }
0xa0: {  	[sflag:s22] =	ssyncadd.s32 s4;
	_ =	sdelay $0x1  }
0xa1: {  	s23 =	simm.s32 $0x1B8B  }
0xa2: {  	_ =	swait.ge [sflag:s23], $0x1  }
0xa3: {  	[sflag:s23] =	ssyncset.done $0x0  }
0xa4: {  	s25 =	simm.s32 $0x1B8E;
	s24 =	sld [smem:$0x3FFE];
	[sflag:s23] =	ssyncadd.s32 $0xFFFFFFFF  }
0xa5: {  	s26 =	simm.s32 $execute0_lowered;
	[smem:$0x3FD2] =	sst s25  }
0xa6: {  	s5 =	sshll.u32 s26, $0x1;
	_ =	strace $0x80000046;
	[dreg:$0x1] =	wrdreg $0xFFFFFFFF  }
0xa7: {  	s28 =	simm.s32 $_size_execute0_lowered;
	s3 =	sadd.s32 s3, s5;
	[dreg:$0x0] =	wrdreg $0x0  }
0xa8: {  	s5 =	sshll.u32 s28, $0x1;
	[dreg:$0x2] =	wrdreg s3  }
0xa9: {  	[dreg:$0x3] =	wrdreg s5  }
0xaa: {  	[dreg:$0x4] =	wrdreg $0xC0  }
0xab: {  	_ =	task [dreg:s7], $0x5FFFF  }
0xac: {  	[dreg:$0x1] =	wrdreg $0xFFFFFFFF  }
0xad: {  	[dreg:$0x0] =	wrdreg $0x60  }
0xae: {  	[dreg:$0x2] =	wrdreg s24  }
0xaf: {  	[dreg:$0x3] =	wrdreg s2  }
0xb0: {  	[dreg:$0x4] =	wrdreg $0x94000  }
0xb1: {  	[dreg:$0x5] =	wrdreg $0x9  }
0xb2: {  	_ =	task.clear_ibuf [dreg:s7], $0x6FFFF;
	_ =	strace $0x90000046  }
0xb3: {  	s29 =	simm.s32 $0x9;
	_ =	strace $0x80000048  }
0xb4: {  	_ =	swait.ge [sflag:s29], $0x1  }
0xb5: {  	[sflag:s29] =	ssyncadd.s32 $0xFFFFFFFF  }
0xb6: {  	_ =	strace $0x90000048  }
0xb7: {  	_ =	sfence  }
0xb8: {  	s30 =	sld [smem:$0x0];
	_ =	sdelay $0x2  }
0xb9: {  	s31 =	sshll.u32 s1, $0xD;
	s1 =	sshrl.u32 s1, $0x2  }
0xba: {  	s3 =	sand.u32 $0x4000, s31;
	s1 =	sadd.s32 s1, s30  }
0xbb: {  	s0 =	sor.u32 s3, s0;
	s1 =	sshll.u32 s1, $0x11  }
0xbc: {  	s0 =	sor.u32 s1, s0  }
0xbd: {  	s0 =	sadd.s32 $0x8F2B, s0  }
0xbe: {  	[sflag:s0] =	ssyncadd.remote.s32 $0x1  }
0xbf: {  	_ =	sfence.sel $0xFFFF  }
0xc0: {  	[dreg:$0x0] =	wrdreg $0xFFFFFFFF;
	(pc) =	sbr.abs _section_cstart, $3  }
0xc1: {  	[dreg:$0x1] =	wrdreg $0xFFFFFFFF  }
0xc2: {  	_ =	task.clear_ibuf [dreg:s7], $0x2FFFF;
	_ =	strace $0x9FFFFFFF  }
0xc3: {  	(tm) =	ssettm $0x7FFFFFFF  }
tec
execute0_lowered:
.L_overlay_start_1:
0x0: {  	(tag) =	ssettag $0x1  }
0x1: {  	s4 =	rddreg [dreg:$0x0]  }
0x2: {  	s0 =	srdreg.scid;
	s11 =	rddreg [dreg:$0x1]  }
0x3: {  	s2 =	rddreg [dreg:$0x2];
	s3 =	simm.s32 $0x0;
	s14 =	simm.s32 $0x80  }
0x4: {  	s15 =	simm.s32 $0x1400;
	s18 =	simm.s32 $0x0;
	s9 =	sand.u32 $0x1, s0  }
0x5: {  	s0 =	stileid.u32;
	[smem:$0x7FF] =	sst s3;
	s12 =	sadd.s32 $0x12A00, s4  }
0x6: {  	s1 =	sshll.u32 s9, $0x4;
	s6 =	smul.u32 $0x4F000, s0;
	s7 =	ssub.s32 $0x2, s9  }
0x7: {  	p0 =	seq.s32 s9, $0x1;
	s13 =	smul.u32 $0x2780, s0;
	s16 =	sshll.u32 s0, $0x6  }
0x8: {  	s5 =	sor.u32 s0, s1;
	s1 =	rddreg [dreg:$0x3];
	_ =	strace $0x80000047  }
0x9: {  	s8 =	sshrl.u32 s7, $0x1;
	s11 =	smov.u32 @p0 s12;
	s12 =	simm.s32 $0x1  }
0xa: {  	s16 =	sor.u32 $0x1C01, s16;
	s5 =	smul.u32 $0x280, s5;
	s6 =	sshrl.u32 s6, $0x2  }
0xb: {  	s10 =	ssub.s32 s7, s8;
	s11 =	sadd.s32 s11, s13;
	s13 =	simm.s32 $0x5400  }
0xc: {  	s10 =	smax.u32 s10, $0x1;
	s5 =	sadd.s32 s5, s4;
	s4 =	sadd.s32 s6, s2  }
0xd: {  	s5 =	sadd.s32 $0x8A00, s5;
	s6 =	sadd.s32 $0x4000, s4;
	s7 =	sadd.s32 $0x8000, s4  }
0xe: {  	v0 =	vimm.f32 $1.000000000e+00;
	v1 =	vimm.f32 $0.0e+00;
	s8 =	sadd.s32 $0xC000, s4;
	s9 =	sadd.s32 $0x10000, s4;
	s17 =	sshrl.u32 s4, $0x3  }
.LBB2_1:
0xf: {  	[tilespmem:s3], [sflag:$0x1] =	stream.linear.gather [hbm4b:s5+s3], $0x1400, $0x38;
	[tilespmem:$0xBB80] =	vst v63  }
0x10: {  	_ =	swait.ge [sflag:s12], $0x1400  }
0x11: {  	[sflag:s12] =	ssyncset.done $0x0  }
0x12: {  	s19 =	simm.s32 $0x0;
	[sflag:s12] =	ssyncadd.s32 $0xFFFFEC00  }
.LBB2_2:
0x13: {  	p0 =	sne.s32 s19, $0xFE00  }
.Ltmp0:
0x14: {  	_ = 	snop;
	(pc) =	sbr.rel @p0 .LBB2_2-.Ltmp0, $3  }
0x15: {  	_ =	sdelay $0x1  }
0x16: {  	s20 =	sshra.s32 s19, $0x2  }
0x17: {  	s19 =	sadd.s32 $0x200, s19;
	[tilespmem:s20+$0x1400] =	vst v0  }
0x18: {  	s19 =	simm.s32 $0x200;
	s20 =	simm.s32 $0x0  }
.LBB2_4:
0x19: {  	p0 =	sne.s32 s19, $0xFE00;
	[tilespmem:s20+$0x5400] =	vst v1;
	s20 =	smov.u32 s19;
	s19 =	sadd.s32 $0x200, s19  }
.Ltmp1:
0x1a: {  	(pc) =	sbr.rel @p0 .LBB2_4-.Ltmp1, $2  }
0x1b: {  	_ =	sdelay $0x2  }
0x1c: {  	s20 =	sshra.s32 s20, $0x2  }
0x1d: {  	[tilespmem:s20+$0x5400] =	vst v1  }
0x1e: {  	[spmem:s4] =	stream.linear.scatter [tilespmem:s13], [sflag:$0x1], $0x4000, $0x38;
	[tilespmem:$0xBB80] =	vst v63  }
0x1f: {  	_ =	swait.ge [sflag:s12], $0x4000  }
0x20: {  	[sflag:s12] =	ssyncset.done $0x0  }
0x21: {  	[sflag:s12] =	ssyncadd.s32 $0xFFFFC000  }
0x22: {  	[spmem:s6] =	stream.linear.scatter [tilespmem:s13], [sflag:$0x1], $0x4000, $0x38;
	[tilespmem:$0xBB80] =	vst v63  }
0x23: {  	_ =	swait.ge [sflag:s12], $0x4000  }
0x24: {  	[sflag:s12] =	ssyncset.done $0x0  }
0x25: {  	[sflag:s12] =	ssyncadd.s32 $0xFFFFC000  }
0x26: {  	[spmem:s7] =	stream.linear.scatter [tilespmem:s13], [sflag:$0x1], $0x4000, $0x38;
	[tilespmem:$0xBB80] =	vst v63  }
0x27: {  	_ =	swait.ge [sflag:s12], $0x4000  }
0x28: {  	[sflag:s12] =	ssyncset.done $0x0  }
0x29: {  	[sflag:s12] =	ssyncadd.s32 $0xFFFFC000  }
0x2a: {  	[spmem:s8] =	stream.linear.scatter [tilespmem:s13], [sflag:$0x1], $0x4000, $0x38;
	[tilespmem:$0xBB80] =	vst v63  }
0x2b: {  	_ =	swait.ge [sflag:s12], $0x4000  }
0x2c: {  	[sflag:s12] =	ssyncset.done $0x0  }
0x2d: {  	[sflag:s12] =	ssyncadd.s32 $0xFFFFC000  }
0x2e: {  	[spmem:s9] =	stream.linear.scatter [tilespmem:s13], [sflag:$0x1], $0x3C00, $0x38;
	[tilespmem:$0xBB80] =	vst v63  }
0x2f: {  	_ =	swait.ge [sflag:s12], $0x3C00  }
0x30: {  	[sflag:s12] =	ssyncset.done $0x0  }
0x31: {  	[sflag:s12] =	ssyncadd.s32 $0xFFFFC400  }
0x32: {  	s19 =	simm.s32 $0x0;
	[bflag:$0x0] =	sbarrier.arrive $0xFFFF  }
0x33: {  	[spmem:s2] =	stream.indirect.scatter.add.f32 [tilespmem:s15], [sflag:$0x1], $0x10, s19, s14, $0xb8;
	[tilespmem:$0xBB80] =	vst v63  }
0x34: {  	_ =	swait.ge [sflag:s12], $0x800  }
0x35: {  	s19 =	simm.s32 $0x200;
	[sflag:s12] =	ssyncset.done $0x0  }
.LBB2_6:
0x36: {  	s20 =	sshra.s32 s19, $0x2;
	[sflag:s12] =	ssyncadd.s32 $0xFFFFF800;
	p0 =	sne.s32 s19, $0x4E00  }
0x37: {  	[spmem:s2] =	stream.indirect.scatter.add.f32 [tilespmem:s15], [sflag:$0x1], $0x10, s20, s14, $0xb8;
	[tilespmem:$0xBB80] =	vst v63  }
.Ltmp2:
0x38: {  	_ = 	snop;
	(pc) =	sbr.rel @p0 .LBB2_6-.Ltmp2, $4  }
0x39: {  	_ = 	snop  }
0x3a: {  	s19 =	sadd.s32 $0x200, s19  }
0x3b: {  	_ =	swait.ge [sflag:s12], $0x800  }
0x3c: {  	[sflag:s12] =	ssyncset.done $0x0  }
0x3d: {  	s18 =	sadd.s32 $0x1, s18  }
0x3e: {  	[sflag:s12] =	ssyncadd.s32 $0xFFFFF800;
	p0 =	sne.s32 s18, s10  }
.Ltmp3:
0x3f: {  	[bflag:$0x0] =	sbarrier.arrive $0xFFFF;
	(pc) =	sbr.rel @p0 .LBB2_1-.Ltmp3, $4  }
0x40: {  	[hbm:s11], [sflag:s16] =	dma.local [spmem:s17], $0x2780  }
0x41: {  	_ =	swait.ge [sflag:s12], $0x2780  }
0x42: {  	[sflag:s12] =	ssyncset.done $0x0  }
0x43: {  	[sflag:s12] =	ssyncadd.s32 $0xFFFFD880  }
0x44: {  	_ =	sfence.sel $0x180000  }
0x45: {  	[bflag:$0x0] =	sbarrier.arrive $0xFFFF  }
0x46: {  	p0 =	sne.s32 s0, $0x0;
	_ =	strace $0x90000047  }
0x47: {  	s0 =	sadd.s32 @!p0 $0x100000, s1;
	[bflag:$0x2] =	sbarrier.arrive $0xFFFF  }
0x48: {  	[sflag:s0] =	ssyncadd.tile.s32 @!p0 $0x1;
	_ =	shalt  }
.Lfunc_end2:
_tile_overlayer_lowered:
.L_overlay_start_2:
0x49: {  	(tag) =	ssettag $0x2  }
0x4a: {  	s0 =	rddreg [dreg:$0x0];
	s2 =	stileid.u32  }
0x4b: {  	s1 =	rddreg [dreg:$0x1];
	p0 =	sne.s32 s2, $0x0  }
0x4c: {  	s3 =	rddreg [dreg:$0x2];
	[bflag:$0x3] =	sbarrier.arrive $0xFFFF;
	s2 =	simm.s32 @!p0 $0x1C01  }
0x4d: {  	[timem:s3], [sflag:s2] =	dma.local @!p0 [hbm:s0], s1  }
0x4e: {  	s0 =	simm.s32 @!p0 $0x1  }
0x4f: {  	_ =	swait.ge @!p0 [sflag:s0], s1  }
0x50: {  	s1 =	ssub.s32 @!p0 $0x0, s1;
	[sflag:s0] =	ssyncset.done @!p0 $0x0  }
0x51: {  	[sflag:s0] =	ssyncadd.s32 @!p0 s1  }
0x52: {  	[bflag:$0x3] =	sbarrier.arrive $0xFFFF  }
0x53: {  	_ =	shalt  }

// kernel: kernel.18.cloned.1.call-start
scs
__scs_entry_jumppad:
0x0: {  	(pc) =	sbr.rel $0x88, $3  }
0x1: {  	(tag) =	ssettag $0x0;
	lr =	simm.s32 $0x1  }
0x2: {  	[smem:$0x3F97] =	sst lr;
	_ =	strace $0xD0000000  }
0x3: {  	_ = 	snop  }
0x4: {  	_ = 	snop  }
0x5: {  	_ = 	snop  }
0x6: {  	_ = 	snop  }
0x7: {  	_ = 	snop  }
__scs_overlays_trampoline_lowered:
0x8: {  	[smem:$0x3FA6] =	sst s0  }
0x9: {  	[smem:$0x3FA7] =	sst s1  }
0xa: {  	[smem:$0x3FA8] =	sst s2  }
0xb: {  	[smem:$0x3FA9] =	sst s3  }
0xc: {  	[smem:$0x3FAA] =	sst s4  }
0xd: {  	[smem:$0x3FAB] =	sst s5  }
0xe: {  	[smem:$0x3FAC] =	sst s6  }
0xf: {  	[smem:$0x3FAD] =	sst s7  }
0x10: {  	[smem:$0x3FAE] =	sst s8  }
0x11: {  	[smem:$0x3FAF] =	sst s9;
	s0 =	simm.s32 @!p0 $0x0  }
0x12: {  	s1 =	sld [smem:$0x3F95];
	s0 =	simm.s32 @p0 $0x1  }
0x13: {  	[smem:$0x3FB0] =	sst s0;
	s0 =	simm.s32 @!p1 $0x0  }
0x14: {  	s2 =	sld [smem:$0x3F94];
	s0 =	simm.s32 @p1 $0x1  }
0x15: {  	[smem:$0x3FB1] =	sst s0;
	s0 =	simm.s32 @!p2 $0x0  }
0x16: {  	s3 =	sld [smem:$0x3FDB];
	s0 =	simm.s32 @p2 $0x1  }
0x17: {  	s4 =	simm.s32 $0x1BF5;
	[smem:$0x3FB3] =	sst s0  }
0x18: {  	s0 =	sld [smem:$0x3F96];
	_ =	swait.ge [sflag:s4], $0x0  }
0x19: {  	s7 =	sld [smem:$0x3F97]  }
0x1a: {  	s8 =	sadd.s32 $0xFFFFE003, lr  }
0x1b: {  	s9 =	sadd.s32 $0xFFFFFEF7, lr;
	s5 =	simm.s32 $0xFFFFFFFF;
	p2 =	slt.u32 s8, $0xFFFFF086  }
0x1c: {  	p1 =	slt.u32 s9, $0xF7A;
	s5 =	simm.s32 @!p2 $0x0  }
0x1d: {  	s5 =	simm.s32 @p1 $0x1;
	p0 =	seq.s32 s7, s2  }
0x1e: {  	s7 =	smul.u32 @!p0 $0xF7A, s2;
	p2 =	seq.s32 @!p0 s5, $0x0  }
0x1f: {  	s9 =	smul.u32 $0xF7A, s1;
	s8 =	simm.s32 @!p0 $0x1BF5;
	p2 =	por !p2, p0  }
0x20: {  	[sflag:s8] =	ssyncset.s32 @!p0 $0xFFFFF086;
	s6 =	sadd.s32 @!p0 s3, s7;
	s7 =	simm.s32 @!p0 $0x108  }
0x21: {  	s3 =	sadd.s32 s3, s9;
	s6 =	sadd.s32 @!p0 $0x88, s6;
	s7 =	simm.s32 @p2 $0x1082  }
0x22: {  	[simem:s7], [sflag:s8] =	dma.local @!p0 [hbm:s6], $0xF7A  }
0x23: {  	s9 =	sor.u32 $0xD0000000, s2;
	s6 =	simm.s32 $0x108;
	_ =	swait.ge @!p0 [sflag:s8], $0x0  }
0x24: {  	s3 =	sadd.s32 $0x88, s3;
	s6 =	simm.s32 @!p1 $0x1082;
	[sflag:s4] =	ssyncset.s32 $0xFFFFF086  }
0x25: {  	[simem:s6], [sflag:s4] =	dma.local [hbm:s3], $0xF7A  }
0x26: {  	[smem:$0x3F97] =	sst s1;
	(tag) =	ssettag s2;
	_ =	strace s9  }
0x27: {  	s1 =	sld [smem:$0x3FA7]  }
0x28: {  	s2 =	sld [smem:$0x3FA8]  }
0x29: {  	s4 =	sld [smem:$0x3FAA]  }
0x2a: {  	p0 =	seq.s32 s5, $0x0;
	s5 =	sld [smem:$0x3FAB]  }
0x2b: {  	s6 =	sld [smem:$0x3FAC]  }
0x2c: {  	s7 =	sld [smem:$0x3FAD]  }
0x2d: {  	s3 =	simm.s32 $0x108;
	s8 =	sld [smem:$0x3FAE]  }
0x2e: {  	s3 =	simm.s32 @!p0 $0x1082;
	s9 =	sld [smem:$0x3FAF]  }
0x2f: {  	lr =	sadd.s32 s0, s3;
	s0 =	sld [smem:$0x3FA6]  }
0x30: {  	s3 =	sld [smem:$0x3FA9]  }
0x31: {  	[smem:$0x3FB2] =	sst s10  }
0x32: {  	s10 =	sld [smem:$0x3FB0];
	_ =	sdelay $0x3  }
0x33: {  	p0 =	seq.s32 s10, $0x1;
	s10 =	sld [smem:$0x3FB2];
	_ =	sdelay $0x3  }
0x34: {  	[smem:$0x3FB2] =	sst s10  }
0x35: {  	s10 =	sld [smem:$0x3FB1];
	_ =	sdelay $0x3  }
0x36: {  	p1 =	seq.s32 s10, $0x1;
	s10 =	sld [smem:$0x3FB2];
	_ =	sdelay $0x3  }
0x37: {  	[smem:$0x3FB2] =	sst s10  }
0x38: {  	s10 =	sld [smem:$0x3FB3]  }
0x39: {  	_ = 	snop;
	(pc) =	sbr.ind lr, $3  }
0x3a: {  	_ = 	snop  }
0x3b: {  	_ = 	snop  }
0x3c: {  	p2 =	seq.s32 s10, $0x1;
	s10 =	sld [smem:$0x3FB2]  }
0x3d: {  	_ =	shalt  }
0x3e: {  	_ =	shalt  }
0x3f: {  	_ =	shalt  }
0x40: {  	_ =	shalt  }
0x41: {  	_ =	shalt  }
0x42: {  	_ =	shalt  }
0x43: {  	_ =	shalt  }
0x44: {  	_ =	shalt  }
0x45: {  	_ =	shalt  }
0x46: {  	_ =	shalt  }
0x47: {  	_ =	shalt  }
0x48: {  	_ =	shalt  }
0x49: {  	_ =	shalt  }
0x4a: {  	_ =	shalt  }
0x4b: {  	_ =	shalt  }
0x4c: {  	_ =	shalt  }
0x4d: {  	_ =	shalt  }
0x4e: {  	_ =	shalt  }
0x4f: {  	_ =	shalt  }
0x50: {  	_ =	shalt  }
0x51: {  	_ =	shalt  }
0x52: {  	_ =	shalt  }
0x53: {  	_ =	shalt  }
0x54: {  	_ =	shalt  }
0x55: {  	_ =	shalt  }
0x56: {  	_ =	shalt  }
0x57: {  	_ =	shalt  }
0x58: {  	_ =	shalt  }
0x59: {  	_ =	shalt  }
0x5a: {  	_ =	shalt  }
0x5b: {  	_ =	shalt  }
0x5c: {  	_ =	shalt  }
0x5d: {  	_ =	shalt  }
0x5e: {  	_ =	shalt  }
0x5f: {  	_ =	shalt  }
0x60: {  	_ =	shalt  }
0x61: {  	_ =	shalt  }
0x62: {  	_ =	shalt  }
0x63: {  	_ =	shalt  }
0x64: {  	_ =	shalt  }
0x65: {  	_ =	shalt  }
0x66: {  	_ =	shalt  }
0x67: {  	_ =	shalt  }
0x68: {  	_ =	shalt  }
0x69: {  	_ =	shalt  }
0x6a: {  	_ =	shalt  }
0x6b: {  	_ =	shalt  }
0x6c: {  	_ =	shalt  }
0x6d: {  	_ =	shalt  }
0x6e: {  	_ =	shalt  }
0x6f: {  	_ =	shalt  }
0x70: {  	_ =	shalt  }
0x71: {  	_ =	shalt  }
0x72: {  	_ =	shalt  }
0x73: {  	_ =	shalt  }
0x74: {  	_ =	shalt  }
0x75: {  	_ =	shalt  }
0x76: {  	_ =	shalt  }
0x77: {  	_ =	shalt  }
0x78: {  	_ =	shalt  }
0x79: {  	_ =	shalt  }
0x7a: {  	_ =	shalt  }
0x7b: {  	_ =	shalt  }
0x7c: {  	_ =	shalt  }
0x7d: {  	_ =	shalt  }
0x7e: {  	_ =	shalt  }
0x7f: {  	_ =	shalt  }
0x80: {  	_ =	shalt  }
0x81: {  	_ =	shalt  }
0x82: {  	_ =	shalt  }
0x83: {  	_ =	shalt  }
0x84: {  	_ =	shalt  }
0x85: {  	_ =	shalt  }
0x86: {  	_ =	shalt  }
0x87: {  	_ =	shalt  }
.Lfunc_end0:
.L_simem_size_0:
called_computation.1_lowered:
.L_overlay_start_0:
0x88: {  	s2 =	sld [smem:$0x3FD9]  }
0x89: {  	s3 =	sld [smem:$0x3FFE];
	_ =	sdelay $0x1  }
0x8a: {  	s1 =	srdreg.scid  }
0x8b: {  	s0 =	sand.u32 $0x1, s1  }
0x8c: {  	s16 =	sshll.u32 s0, $0xA;
	s2 =	sadd.s32 s3, s2  }
0x8d: {  	s2 =	sadd.s32 s2, s16  }
0x8e: {  	[smem:$0x3FBE] =	sst s2  }
0x8f: {  	_ = 	snop  }
0x90: {  	(tm) =	ssettm $0x1  }
0x91: {  	s17 =	sld [smem:$0x3FFB];
	_ =	sdelay $0x3  }
0x92: {  	_ =	strace s17  }
0x93: {  	s2 =	sld [smem:$0x3FFC];
	_ =	sdelay $0x3  }
0x94: {  	_ =	strace s2  }
0x95: {  	s2 =	sld [smem:$0x3FFD];
	_ =	sdelay $0x3  }
0x96: {  	_ =	strace s2  }
0x97: {  	_ =	strace $0x8FFFFFFF  }
0x98: {  	s18 =	sld [smem:$0x3FDB];
	_ =	sdelay $0x1  }
0x99: {  	s19 =	simm.s32 $_scs_section_size  }
0x9a: {  	s4 =	simm.s32 $_size__tile_overlayer_lowered;
	s5 =	simm.s32 $_tile_overlayer_lowered  }
0x9b: {  	s22 =	simm.s32 $0x1BFF;
	s21 =	sshll.u32 s5, $0x1;
	s2 =	sadd.s32 s19, s18  }
0x9c: {  	s6 =	simm.s32 $0x0;
	s20 =	sshll.u32 s4, $0x1;
	s4 =	sadd.s32 s21, s2  }
0x9d: {  	[timem:s6], [sflag:s22] =	dma.local [hbm:s4], s20  }
0x9e: {  	_ =	swait.ge [sflag:s22], s20  }
0x9f: {  	s3 =	ssub.s32 $0x0, s20;
	[sflag:s22] =	ssyncset.done $0x0  }
0xa0: {  	[sflag:s22] =	ssyncadd.s32 s3;
	_ =	sdelay $0x1  }
0xa1: {  	s23 =	simm.s32 $0x1B8B  }
0xa2: {  	_ =	swait.ge [sflag:s23], $0x1  }
0xa3: {  	[sflag:s23] =	ssyncset.done $0x0  }
0xa4: {  	s25 =	simm.s32 $0x1B8E;
	s24 =	sld [smem:$0x3FFE];
	[sflag:s23] =	ssyncadd.s32 $0xFFFFFFFF  }
0xa5: {  	s26 =	simm.s32 $execute0_lowered;
	[smem:$0x3FD2] =	sst s25  }
0xa6: {  	s4 =	sshll.u32 s26, $0x1;
	_ =	strace $0x80000049;
	[dreg:$0x1] =	wrdreg $0xFFFFFFFF  }
0xa7: {  	s28 =	simm.s32 $_size_execute0_lowered;
	s2 =	sadd.s32 s2, s4;
	[dreg:$0x0] =	wrdreg $0x0  }
0xa8: {  	s4 =	sshll.u32 s28, $0x1;
	[dreg:$0x2] =	wrdreg s2  }
0xa9: {  	[dreg:$0x3] =	wrdreg s4  }
0xaa: {  	[dreg:$0x4] =	wrdreg $0xC0  }
0xab: {  	_ =	task [dreg:s6], $0x5FFFF  }
0xac: {  	[dreg:$0x1] =	wrdreg $0xFFFFFFFF  }
0xad: {  	[dreg:$0x0] =	wrdreg $0x60  }
0xae: {  	[dreg:$0x2] =	wrdreg s24  }
0xaf: {  	[dreg:$0x3] =	wrdreg $0xA8000  }
0xb0: {  	[dreg:$0x4] =	wrdreg $0x9  }
0xb1: {  	_ =	task.clear_ibuf [dreg:s6], $0x5FFFF;
	_ =	strace $0x90000049  }
0xb2: {  	s29 =	simm.s32 $0x9;
	_ =	strace $0x8000004B  }
0xb3: {  	_ =	swait.ge [sflag:s29], $0x1  }
0xb4: {  	[sflag:s29] =	ssyncadd.s32 $0xFFFFFFFF  }
0xb5: {  	_ =	strace $0x9000004B  }
0xb6: {  	_ =	sfence  }
0xb7: {  	s30 =	sld [smem:$0x0];
	_ =	sdelay $0x2  }
0xb8: {  	s31 =	sshll.u32 s1, $0xD;
	s1 =	sshrl.u32 s1, $0x2  }
0xb9: {  	s3 =	sand.u32 $0x4000, s31;
	s1 =	sadd.s32 s1, s30  }
0xba: {  	s0 =	sor.u32 s3, s0;
	s1 =	sshll.u32 s1, $0x11  }
0xbb: {  	s0 =	sor.u32 s1, s0  }
0xbc: {  	s0 =	sadd.s32 $0x8F2B, s0  }
0xbd: {  	[sflag:s0] =	ssyncadd.remote.s32 $0x1  }
0xbe: {  	_ =	sfence.sel $0xFFFF  }
0xbf: {  	[dreg:$0x0] =	wrdreg $0xFFFFFFFF;
	(pc) =	sbr.abs _section_cstart, $3  }
0xc0: {  	[dreg:$0x1] =	wrdreg $0xFFFFFFFF  }
0xc1: {  	_ =	task.clear_ibuf [dreg:s6], $0x2FFFF;
	_ =	strace $0x9FFFFFFF  }
0xc2: {  	(tm) =	ssettm $0x7FFFFFFF  }
0xc3: {  	_ =	shalt  }
tec
execute0_lowered:
.L_overlay_start_1:
0x0: {  	(tag) =	ssettag $0x1  }
0x1: {  	s0 =	srdreg.scid;
	s13 =	rddreg [dreg:$0x0]  }
0x2: {  	s2 =	rddreg [dreg:$0x1];
	s3 =	simm.s32 $0x0;
	s14 =	simm.s32 $0xD7600  }
0x3: {  	s16 =	simm.s32 $0x2800;
	s17 =	simm.s32 $0x80;
	s18 =	simm.s32 $0x6800  }
0x4: {  	s19 =	simm.s32 $0x1;
	s20 =	simm.s32 $0x2;
	s23 =	simm.s32 $0x0  }
0x5: {  	s10 =	sand.u32 $0x1, s0;
	s0 =	stileid.u32;
	[smem:$0x7FF] =	sst s3  }
0x6: {  	s1 =	sshll.u32 s10, $0x4;
	s5 =	smul.u32 $0x4F000, s0;
	s6 =	ssub.s32 $0x2, s10  }
0x7: {  	p0 =	seq.s32 s10, $0x1;
	s15 =	smul.u32 $0x2780, s0;
	s21 =	sshll.u32 s0, $0x6  }
0x8: {  	s4 =	sor.u32 s0, s1;
	s1 =	rddreg [dreg:$0x2];
	_ =	strace $0x8000004A  }
0x9: {  	s8 =	sshrl.u32 s6, $0x1;
	s14 =	simm.s32 @!p0 $0xAFE00;
	s4 =	smul.u32 $0x280, s4  }
0xa: {  	s21 =	sor.u32 $0x1C03, s21;
	s5 =	sshrl.u32 s5, $0x2;
	s12 =	ssub.s32 s6, s8  }
0xb: {  	s5 =	sadd.s32 s5, s2;
	s12 =	smax.u32 s12, $0x1;
	s7 =	sadd.s32 s4, s13  }
0xc: {  	s4 =	sadd.s32 $0x61A00, s13;
	s8 =	sadd.s32 $0x4000, s5;
	s9 =	sadd.s32 $0x8000, s5  }
0xd: {  	s10 =	sadd.s32 $0xC000, s5;
	s11 =	sadd.s32 $0x10000, s5;
	s13 =	sadd.s32 s14, s13  }
0xe: {  	s14 =	simm.s32 $0x3;
	s22 =	sshrl.u32 s5, $0x3;
	s6 =	sadd.s32 $0xDA00, s7  }
0xf: {  	v0 =	vimm.f32 $0.0e+00;
	s7 =	sadd.s32 $0x8A00, s7;
	s13 =	sadd.s32 s13, s15;
	s15 =	simm.s32 $0x1400  }
.LBB2_1:
0x10: {  	[tilespmem:s3], [sflag:$0x3] =	stream.linear.gather [hbm4b:s6+s3], $0x1400, $0x38;
	[tilespmem:$0x1E400] =	vst v63  }
0x11: {  	_ =	swait.ge [sflag:s14], $0x1400  }
0x12: {  	[sflag:s14] =	ssyncset.done $0x0  }
0x13: {  	[sflag:s14] =	ssyncadd.s32 $0xFFFFEC00  }
0x14: {  	[tilespmem:s15], [sflag:$0x3] =	stream.linear.gather [hbm4b:s7+s3], $0x1400, $0x38;
	[tilespmem:$0x1E400] =	vst v63  }
0x15: {  	_ =	swait.ge [sflag:s14], $0x1400  }
0x16: {  	[sflag:s14] =	ssyncset.done $0x0  }
0x17: {  	s24 =	simm.s32 $0x0;
	s25 =	simm.s32 $0x200;
	[sflag:s14] =	ssyncadd.s32 $0xFFFFEC00  }
.LBB2_2:
0x18: {  	p0 =	sne.s32 s25, $0xFE00;
	[tilespmem:s24+$0x2870] =	vst v0  }
0x19: {  	[tilespmem:s24+$0x2800] =	vst v0  }
0x1a: {  	[tilespmem:s24+$0x2810] =	vst v0  }
.Ltmp0:
0x1b: {  	[tilespmem:s24+$0x2820] =	vst v0;
	(pc) =	sbr.rel @p0 .LBB2_2-.Ltmp0, $4  }
0x1c: {  	[tilespmem:s24+$0x2830] =	vst v0  }
0x1d: {  	[tilespmem:s24+$0x2840] =	vst v0  }
0x1e: {  	[tilespmem:s24+$0x2850] =	vst v0  }
0x1f: {  	[tilespmem:s24+$0x2860] =	vst v0;
	s24 =	sshra.s32 s25, $0x2;
	s25 =	sadd.s32 $0x200, s25  }
0x20: {  	[tilespmem:s24+$0x2870] =	vst v0  }
0x21: {  	[tilespmem:s24+$0x2800] =	vst v0  }
0x22: {  	[tilespmem:s24+$0x2810] =	vst v0  }
0x23: {  	[tilespmem:s24+$0x2820] =	vst v0  }
0x24: {  	[tilespmem:s24+$0x2830] =	vst v0  }
0x25: {  	[tilespmem:s24+$0x2840] =	vst v0  }
0x26: {  	[tilespmem:s24+$0x2850] =	vst v0  }
0x27: {  	[tilespmem:s24+$0x2860] =	vst v0  }
0x28: {  	[spmem:s5] =	stream.linear.scatter [tilespmem:s16], [sflag:$0x3], $0x4000, $0x38;
	[tilespmem:$0x1E400] =	vst v63  }
0x29: {  	_ =	swait.ge [sflag:s14], $0x4000  }
0x2a: {  	[sflag:s14] =	ssyncset.done $0x0  }
0x2b: {  	[sflag:s14] =	ssyncadd.s32 $0xFFFFC000  }
0x2c: {  	[spmem:s8] =	stream.linear.scatter [tilespmem:s16], [sflag:$0x3], $0x4000, $0x38;
	[tilespmem:$0x1E400] =	vst v63  }
0x2d: {  	_ =	swait.ge [sflag:s14], $0x4000  }
0x2e: {  	[sflag:s14] =	ssyncset.done $0x0  }
0x2f: {  	[sflag:s14] =	ssyncadd.s32 $0xFFFFC000  }
0x30: {  	[spmem:s9] =	stream.linear.scatter [tilespmem:s16], [sflag:$0x3], $0x4000, $0x38;
	[tilespmem:$0x1E400] =	vst v63  }
0x31: {  	_ =	swait.ge [sflag:s14], $0x4000  }
0x32: {  	[sflag:s14] =	ssyncset.done $0x0  }
0x33: {  	[sflag:s14] =	ssyncadd.s32 $0xFFFFC000  }
0x34: {  	[spmem:s10] =	stream.linear.scatter [tilespmem:s16], [sflag:$0x3], $0x4000, $0x38;
	[tilespmem:$0x1E400] =	vst v63  }
0x35: {  	_ =	swait.ge [sflag:s14], $0x4000  }
0x36: {  	[sflag:s14] =	ssyncset.done $0x0  }
0x37: {  	[sflag:s14] =	ssyncadd.s32 $0xFFFFC000  }
0x38: {  	[spmem:s11] =	stream.linear.scatter [tilespmem:s16], [sflag:$0x3], $0x3C00, $0x38;
	[tilespmem:$0x1E400] =	vst v63  }
0x39: {  	_ =	swait.ge [sflag:s14], $0x3C00  }
0x3a: {  	[sflag:s14] =	ssyncset.done $0x0  }
0x3b: {  	[sflag:s14] =	ssyncadd.s32 $0xFFFFC400  }
0x3c: {  	s28 =	simm.s32 $0x0;
	[bflag:$0x0] =	sbarrier.arrive $0xFFFF  }
0x3d: {  	[tilespmem:s16], [sflag:$0x1] =	stream.indirect.gather [hbm4b:s4+s17], $0x80, s28, s17, $0xb8;
	[tilespmem:$0x1E400] =	vst v63  }
0x3e: {  	s29 =	simm.s32 $0x80  }
0x3f: {  	[tilespmem:s18], [sflag:$0x2] =	stream.indirect.gather [hbm4b:s4+s17], $0x80, s29, s17, $0xb8;
	[tilespmem:$0x1E400] =	vst v63  }
0x40: {  	_ =	swait.ge [sflag:s19], $0x4000  }
0x41: {  	[sflag:s19] =	ssyncset.done $0x0  }
0x42: {  	s30 =	simm.s32 $0x1400;
	[sflag:s19] =	ssyncadd.s32 $0xFFFFC000  }
0x43: {  	[spmem:s2] =	stream.indirect.scatter.add.f32 [tilespmem:s16], [sflag:$0x3], $0x80, s30, s17, $0xb8;
	[tilespmem:$0x1E400] =	vst v63  }
0x44: {  	_ =	swait.ge [sflag:s14], $0x4000  }
0x45: {  	[sflag:s14] =	ssyncset.done $0x0  }
0x46: {  	[sflag:s14] =	ssyncadd.s32 $0xFFFFC000  }
0x47: {  	_ =	swait.ge [sflag:s20], $0x4000  }
0x48: {  	[sflag:s20] =	ssyncset.done $0x0  }
0x49: {  	s31 =	simm.s32 $0x1480;
	[sflag:s20] =	ssyncadd.s32 $0xFFFFC000  }
0x4a: {  	[spmem:s2] =	stream.indirect.scatter.add.f32 [tilespmem:s18], [sflag:$0x3], $0x80, s31, s17, $0xb8;
	[tilespmem:$0x1E400] =	vst v63  }
0x4b: {  	_ =	swait.ge [sflag:s14], $0x4000  }
0x4c: {  	s24 =	simm.s32 $0x400;
	s25 =	simm.s32 $0x800;
	[sflag:s14] =	ssyncset.done $0x0  }
.LBB2_4:
0x4d: {  	s26 =	sshra.s32 s24, $0x2  }
0x4e: {  	[sflag:s14] =	ssyncadd.s32 $0xFFFFC000;
	s24 =	smov.u32 s25;
	s28 =	sadd.s32 $0x400, s25  }
0x4f: {  	[tilespmem:s16], [sflag:$0x1] =	stream.indirect.gather [hbm4b:s4+s17], $0x80, s26, s17, $0xb8;
	[tilespmem:$0x1E400] =	vst v63  }
0x50: {  	p0 =	sne.s32 s25, $0x4C00;
	s25 =	sadd.s32 $0x80, s26  }
0x51: {  	[tilespmem:s18], [sflag:$0x2] =	stream.indirect.gather [hbm4b:s4+s17], $0x80, s25, s17, $0xb8;
	[tilespmem:$0x1E400] =	vst v63  }
0x52: {  	_ =	swait.ge [sflag:s19], $0x4000  }
0x53: {  	[sflag:s19] =	ssyncset.done $0x0  }
0x54: {  	s25 =	sadd.s32 $0x1400, s26;
	[sflag:s19] =	ssyncadd.s32 $0xFFFFC000  }
0x55: {  	[spmem:s2] =	stream.indirect.scatter.add.f32 [tilespmem:s16], [sflag:$0x3], $0x80, s25, s17, $0xb8;
	[tilespmem:$0x1E400] =	vst v63  }
0x56: {  	_ =	swait.ge [sflag:s14], $0x4000  }
0x57: {  	[sflag:s14] =	ssyncset.done $0x0  }
0x58: {  	[sflag:s14] =	ssyncadd.s32 $0xFFFFC000  }
0x59: {  	_ =	swait.ge [sflag:s20], $0x4000  }
.Ltmp1:
0x5a: {  	[sflag:s20] =	ssyncset.done $0x0;
	(pc) =	sbr.rel @p0 .LBB2_4-.Ltmp1, $4  }
0x5b: {  	s25 =	sadd.s32 $0x1480, s26;
	[sflag:s20] =	ssyncadd.s32 $0xFFFFC000  }
0x5c: {  	[spmem:s2] =	stream.indirect.scatter.add.f32 [tilespmem:s18], [sflag:$0x3], $0x80, s25, s17, $0xb8;
	[tilespmem:$0x1E400] =	vst v63  }
0x5d: {  	_ =	swait.ge [sflag:s14], $0x4000  }
0x5e: {  	s25 =	smov.u32 s28;
	[sflag:s14] =	ssyncset.done $0x0  }
0x5f: {  	s24 =	sshra.s32 s24, $0x2;
	[sflag:s14] =	ssyncadd.s32 $0xFFFFC000  }
0x60: {  	[tilespmem:s16], [sflag:$0x1] =	stream.indirect.gather [hbm4b:s4+s17], $0x80, s24, s17, $0xb8;
	[tilespmem:$0x1E400] =	vst v63  }
0x61: {  	s25 =	sadd.s32 $0x80, s24  }
0x62: {  	[tilespmem:s18], [sflag:$0x2] =	stream.indirect.gather [hbm4b:s4+s17], $0x80, s25, s17, $0xb8;
	[tilespmem:$0x1E400] =	vst v63  }
0x63: {  	_ =	swait.ge [sflag:s19], $0x4000  }
0x64: {  	[sflag:s19] =	ssyncset.done $0x0  }
0x65: {  	s31 =	sadd.s32 $0x1400, s24;
	[sflag:s19] =	ssyncadd.s32 $0xFFFFC000  }
0x66: {  	[spmem:s2] =	stream.indirect.scatter.add.f32 [tilespmem:s16], [sflag:$0x3], $0x80, s31, s17, $0xb8;
	[tilespmem:$0x1E400] =	vst v63  }
0x67: {  	_ =	swait.ge [sflag:s14], $0x4000  }
0x68: {  	[sflag:s14] =	ssyncset.done $0x0  }
0x69: {  	[sflag:s14] =	ssyncadd.s32 $0xFFFFC000  }
0x6a: {  	_ =	swait.ge [sflag:s20], $0x4000  }
0x6b: {  	[sflag:s20] =	ssyncset.done $0x0  }
0x6c: {  	s24 =	sadd.s32 $0x1480, s24;
	[sflag:s20] =	ssyncadd.s32 $0xFFFFC000  }
0x6d: {  	[spmem:s2] =	stream.indirect.scatter.add.f32 [tilespmem:s18], [sflag:$0x3], $0x80, s24, s17, $0xb8;
	[tilespmem:$0x1E400] =	vst v63  }
0x6e: {  	_ =	swait.ge [sflag:s14], $0x4000  }
0x6f: {  	s23 =	sadd.s32 $0x1, s23;
	[sflag:s14] =	ssyncset.done $0x0  }
0x70: {  	p0 =	sne.s32 s23, s12;
	[sflag:s14] =	ssyncadd.s32 $0xFFFFC000  }
.Ltmp2:
0x71: {  	[bflag:$0x0] =	sbarrier.arrive $0xFFFF;
	(pc) =	sbr.rel @p0 .LBB2_1-.Ltmp2, $4  }
0x72: {  	[hbm:s13], [sflag:s21] =	dma.local [spmem:s22], $0x2780  }
0x73: {  	_ =	swait.ge [sflag:s14], $0x2780  }
0x74: {  	[sflag:s14] =	ssyncset.done $0x0  }
0x75: {  	[sflag:s14] =	ssyncadd.s32 $0xFFFFD880  }
0x76: {  	_ =	sfence.sel $0x180000  }
0x77: {  	[bflag:$0x0] =	sbarrier.arrive $0xFFFF  }
0x78: {  	p0 =	sne.s32 s0, $0x0;
	_ =	strace $0x9000004A  }
0x79: {  	s0 =	sadd.s32 @!p0 $0x100000, s1;
	[bflag:$0x2] =	sbarrier.arrive $0xFFFF  }
0x7a: {  	[sflag:s0] =	ssyncadd.tile.s32 @!p0 $0x1;
	_ =	shalt  }
.Lfunc_end2:
_tile_overlayer_lowered:
.L_overlay_start_2:
0x7b: {  	(tag) =	ssettag $0x2  }
0x7c: {  	s0 =	rddreg [dreg:$0x0];
	s2 =	stileid.u32  }
0x7d: {  	s1 =	rddreg [dreg:$0x1];
	p0 =	sne.s32 s2, $0x0  }
0x7e: {  	s3 =	rddreg [dreg:$0x2];
	[bflag:$0x3] =	sbarrier.arrive $0xFFFF;
	s2 =	simm.s32 @!p0 $0x1C03  }
0x7f: {  	[timem:s3], [sflag:s2] =	dma.local @!p0 [hbm:s0], s1  }
0x80: {  	s0 =	simm.s32 @!p0 $0x3  }
0x81: {  	_ =	swait.ge @!p0 [sflag:s0], s1  }
0x82: {  	s1 =	ssub.s32 @!p0 $0x0, s1;
	[sflag:s0] =	ssyncset.done @!p0 $0x0  }
0x83: {  	[sflag:s0] =	ssyncadd.s32 @!p0 s1  }
0x84: {  	[bflag:$0x3] =	sbarrier.arrive $0xFFFF  }
0x85: {  	_ =	shalt  }

// kernel: kernel.21.cloned.1.call-start
scs
__scs_entry_jumppad:
0x0: {  	(pc) =	sbr.rel $0x88, $3  }
0x1: {  	(tag) =	ssettag $0x0;
	lr =	simm.s32 $0x1  }
0x2: {  	[smem:$0x3F97] =	sst lr;
	_ =	strace $0xD0000000  }
0x3: {  	_ = 	snop  }
0x4: {  	_ = 	snop  }
0x5: {  	_ = 	snop  }
0x6: {  	_ = 	snop  }
0x7: {  	_ = 	snop  }
__scs_overlays_trampoline_lowered:
0x8: {  	[smem:$0x3FA6] =	sst s0  }
0x9: {  	[smem:$0x3FA7] =	sst s1  }
0xa: {  	[smem:$0x3FA8] =	sst s2  }
0xb: {  	[smem:$0x3FA9] =	sst s3  }
0xc: {  	[smem:$0x3FAA] =	sst s4  }
0xd: {  	[smem:$0x3FAB] =	sst s5  }
0xe: {  	[smem:$0x3FAC] =	sst s6  }
0xf: {  	[smem:$0x3FAD] =	sst s7  }
0x10: {  	[smem:$0x3FAE] =	sst s8  }
0x11: {  	[smem:$0x3FAF] =	sst s9;
	s0 =	simm.s32 @!p0 $0x0  }
0x12: {  	s1 =	sld [smem:$0x3F95];
	s0 =	simm.s32 @p0 $0x1  }
0x13: {  	[smem:$0x3FB0] =	sst s0;
	s0 =	simm.s32 @!p1 $0x0  }
0x14: {  	s2 =	sld [smem:$0x3F94];
	s0 =	simm.s32 @p1 $0x1  }
0x15: {  	[smem:$0x3FB1] =	sst s0;
	s0 =	simm.s32 @!p2 $0x0  }
0x16: {  	s3 =	sld [smem:$0x3FDB];
	s0 =	simm.s32 @p2 $0x1  }
0x17: {  	s4 =	simm.s32 $0x1BF5;
	[smem:$0x3FB3] =	sst s0  }
0x18: {  	s0 =	sld [smem:$0x3F96];
	_ =	swait.ge [sflag:s4], $0x0  }
0x19: {  	s7 =	sld [smem:$0x3F97]  }
0x1a: {  	s8 =	sadd.s32 $0xFFFFE003, lr  }
0x1b: {  	s9 =	sadd.s32 $0xFFFFFEF7, lr;
	s5 =	simm.s32 $0xFFFFFFFF;
	p2 =	slt.u32 s8, $0xFFFFF086  }
0x1c: {  	p1 =	slt.u32 s9, $0xF7A;
	s5 =	simm.s32 @!p2 $0x0  }
0x1d: {  	s5 =	simm.s32 @p1 $0x1;
	p0 =	seq.s32 s7, s2  }
0x1e: {  	s7 =	smul.u32 @!p0 $0xF7A, s2;
	p2 =	seq.s32 @!p0 s5, $0x0  }
0x1f: {  	s9 =	smul.u32 $0xF7A, s1;
	s8 =	simm.s32 @!p0 $0x1BF5;
	p2 =	por !p2, p0  }
0x20: {  	[sflag:s8] =	ssyncset.s32 @!p0 $0xFFFFF086;
	s6 =	sadd.s32 @!p0 s3, s7;
	s7 =	simm.s32 @!p0 $0x108  }
0x21: {  	s3 =	sadd.s32 s3, s9;
	s6 =	sadd.s32 @!p0 $0x88, s6;
	s7 =	simm.s32 @p2 $0x1082  }
0x22: {  	[simem:s7], [sflag:s8] =	dma.local @!p0 [hbm:s6], $0xF7A  }
0x23: {  	s9 =	sor.u32 $0xD0000000, s2;
	s6 =	simm.s32 $0x108;
	_ =	swait.ge @!p0 [sflag:s8], $0x0  }
0x24: {  	s3 =	sadd.s32 $0x88, s3;
	s6 =	simm.s32 @!p1 $0x1082;
	[sflag:s4] =	ssyncset.s32 $0xFFFFF086  }
0x25: {  	[simem:s6], [sflag:s4] =	dma.local [hbm:s3], $0xF7A  }
0x26: {  	[smem:$0x3F97] =	sst s1;
	(tag) =	ssettag s2;
	_ =	strace s9  }
0x27: {  	s1 =	sld [smem:$0x3FA7]  }
0x28: {  	s2 =	sld [smem:$0x3FA8]  }
0x29: {  	s4 =	sld [smem:$0x3FAA]  }
0x2a: {  	p0 =	seq.s32 s5, $0x0;
	s5 =	sld [smem:$0x3FAB]  }
0x2b: {  	s6 =	sld [smem:$0x3FAC]  }
0x2c: {  	s7 =	sld [smem:$0x3FAD]  }
0x2d: {  	s3 =	simm.s32 $0x108;
	s8 =	sld [smem:$0x3FAE]  }
0x2e: {  	s3 =	simm.s32 @!p0 $0x1082;
	s9 =	sld [smem:$0x3FAF]  }
0x2f: {  	lr =	sadd.s32 s0, s3;
	s0 =	sld [smem:$0x3FA6]  }
0x30: {  	s3 =	sld [smem:$0x3FA9]  }
0x31: {  	[smem:$0x3FB2] =	sst s10  }
0x32: {  	s10 =	sld [smem:$0x3FB0];
	_ =	sdelay $0x3  }
0x33: {  	p0 =	seq.s32 s10, $0x1;
	s10 =	sld [smem:$0x3FB2];
	_ =	sdelay $0x3  }
0x34: {  	[smem:$0x3FB2] =	sst s10  }
0x35: {  	s10 =	sld [smem:$0x3FB1];
	_ =	sdelay $0x3  }
0x36: {  	p1 =	seq.s32 s10, $0x1;
	s10 =	sld [smem:$0x3FB2];
	_ =	sdelay $0x3  }
0x37: {  	[smem:$0x3FB2] =	sst s10  }
0x38: {  	s10 =	sld [smem:$0x3FB3]  }
0x39: {  	_ = 	snop;
	(pc) =	sbr.ind lr, $3  }
0x3a: {  	_ = 	snop  }
0x3b: {  	_ = 	snop  }
0x3c: {  	p2 =	seq.s32 s10, $0x1;
	s10 =	sld [smem:$0x3FB2]  }
0x3d: {  	_ =	shalt  }
0x3e: {  	_ =	shalt  }
0x3f: {  	_ =	shalt  }
0x40: {  	_ =	shalt  }
0x41: {  	_ =	shalt  }
0x42: {  	_ =	shalt  }
0x43: {  	_ =	shalt  }
0x44: {  	_ =	shalt  }
0x45: {  	_ =	shalt  }
0x46: {  	_ =	shalt  }
0x47: {  	_ =	shalt  }
0x48: {  	_ =	shalt  }
0x49: {  	_ =	shalt  }
0x4a: {  	_ =	shalt  }
0x4b: {  	_ =	shalt  }
0x4c: {  	_ =	shalt  }
0x4d: {  	_ =	shalt  }
0x4e: {  	_ =	shalt  }
0x4f: {  	_ =	shalt  }
0x50: {  	_ =	shalt  }
0x51: {  	_ =	shalt  }
0x52: {  	_ =	shalt  }
0x53: {  	_ =	shalt  }
0x54: {  	_ =	shalt  }
0x55: {  	_ =	shalt  }
0x56: {  	_ =	shalt  }
0x57: {  	_ =	shalt  }
0x58: {  	_ =	shalt  }
0x59: {  	_ =	shalt  }
0x5a: {  	_ =	shalt  }
0x5b: {  	_ =	shalt  }
0x5c: {  	_ =	shalt  }
0x5d: {  	_ =	shalt  }
0x5e: {  	_ =	shalt  }
0x5f: {  	_ =	shalt  }
0x60: {  	_ =	shalt  }
0x61: {  	_ =	shalt  }
0x62: {  	_ =	shalt  }
0x63: {  	_ =	shalt  }
0x64: {  	_ =	shalt  }
0x65: {  	_ =	shalt  }
0x66: {  	_ =	shalt  }
0x67: {  	_ =	shalt  }
0x68: {  	_ =	shalt  }
0x69: {  	_ =	shalt  }
0x6a: {  	_ =	shalt  }
0x6b: {  	_ =	shalt  }
0x6c: {  	_ =	shalt  }
0x6d: {  	_ =	shalt  }
0x6e: {  	_ =	shalt  }
0x6f: {  	_ =	shalt  }
0x70: {  	_ =	shalt  }
0x71: {  	_ =	shalt  }
0x72: {  	_ =	shalt  }
0x73: {  	_ =	shalt  }
0x74: {  	_ =	shalt  }
0x75: {  	_ =	shalt  }
0x76: {  	_ =	shalt  }
0x77: {  	_ =	shalt  }
0x78: {  	_ =	shalt  }
0x79: {  	_ =	shalt  }
0x7a: {  	_ =	shalt  }
0x7b: {  	_ =	shalt  }
0x7c: {  	_ =	shalt  }
0x7d: {  	_ =	shalt  }
0x7e: {  	_ =	shalt  }
0x7f: {  	_ =	shalt  }
0x80: {  	_ =	shalt  }
0x81: {  	_ =	shalt  }
0x82: {  	_ =	shalt  }
0x83: {  	_ =	shalt  }
0x84: {  	_ =	shalt  }
0x85: {  	_ =	shalt  }
0x86: {  	_ =	shalt  }
0x87: {  	_ =	shalt  }
.Lfunc_end0:
.L_simem_size_0:
called_computation.2_lowered:
.L_overlay_start_0:
0x88: {  	s2 =	sld [smem:$0x3FD9]  }
0x89: {  	s3 =	sld [smem:$0x3FFE];
	_ =	sdelay $0x1  }
0x8a: {  	s1 =	srdreg.scid  }
0x8b: {  	s0 =	sand.u32 $0x1, s1  }
0x8c: {  	s17 =	sshll.u32 s0, $0xA;
	s2 =	sadd.s32 s3, s2  }
0x8d: {  	s2 =	sadd.s32 s2, s17  }
0x8e: {  	[smem:$0x3FBE] =	sst s2  }
0x8f: {  	_ = 	snop  }
0x90: {  	s18 =	sld [smem:$0x3FD0];
	(tm) =	ssettm $0x1  }
0x91: {  	s19 =	sld [smem:$0x3FFB];
	_ =	sdelay $0x3  }
0x92: {  	_ =	strace s19  }
0x93: {  	s2 =	sld [smem:$0x3FFC];
	_ =	sdelay $0x3  }
0x94: {  	_ =	strace s2  }
0x95: {  	s2 =	sld [smem:$0x3FFD];
	_ =	sdelay $0x3  }
0x96: {  	_ =	strace s2  }
0x97: {  	_ =	strace $0x8FFFFFFF  }
0x98: {  	s20 =	sld [smem:$0x3FDB];
	_ =	sdelay $0x1  }
0x99: {  	s4 =	simm.s32 $_scs_section_size  }
0x9a: {  	s5 =	simm.s32 $_size__tile_overlayer_lowered;
	s6 =	simm.s32 $_tile_overlayer_lowered  }
0x9b: {  	s7 =	simm.s32 $0x1BFF;
	s21 =	sshll.u32 s6, $0x1;
	s4 =	sadd.s32 s4, s20  }
0x9c: {  	s22 =	simm.s32 $0x0;
	s5 =	sshll.u32 s5, $0x1;
	s6 =	sadd.s32 s21, s4  }
0x9d: {  	[timem:s22], [sflag:s7] =	dma.local [hbm:s6], s5  }
0x9e: {  	_ =	swait.ge [sflag:s7], s5  }
0x9f: {  	s5 =	ssub.s32 $0x0, s5;
	[sflag:s7] =	ssyncset.done $0x0  }
0xa0: {  	[sflag:s7] =	ssyncadd.s32 s5;
	_ =	sdelay $0x1  }
0xa1: {  	s23 =	simm.s32 $0x1B8B  }
0xa2: {  	_ =	swait.ge [sflag:s23], $0x1  }
0xa3: {  	[sflag:s23] =	ssyncset.done $0x0  }
0xa4: {  	[sflag:s23] =	ssyncadd.s32 $0xFFFFFFFF  }
0xa5: {  	s5 =	sld [smem:$0x0]  }
0xa6: {  	s6 =	sand.u32 $0xFFFFFFFE, s1  }
0xa7: {  	p0 =	sne.s32 s1, s6  }
0xa8: {  	s6 =	sshll.u32 @p0 s6, $0xE  }
0xa9: {  	s6 =	sadd.s32 @p0 $0x11B8D, s6;
	s7 =	sshll.u32 @p0 s5, $0x11  }
0xaa: {  	s6 =	sor.u32 @p0 s7, s6  }
0xab: {  	[sflag:s6] =	ssyncadd.remote.s32 @p0 $0x1;
	_ =	sdelay $0x1  }
0xac: {  	s6 =	simm.s32 @p0 $0x1B8D  }
0xad: {  	_ =	swait.eq @p0 [sflag:s6], $0x1  }
0xae: {  	[sflag:s6] =	ssyncadd.s32 @p0 $0xFFFFFFFF  }
0xaf: {  	s7 =	sshll.u32 @!p0 s1, $0xE  }
0xb0: {  	s7 =	sor.u32 @!p0 $0x4000, s7;
	s6 =	simm.s32 @!p0 $0x1B8D  }
0xb1: {  	s5 =	sshll.u32 @!p0 s5, $0x11;
	s7 =	sadd.s32 @!p0 $0x11B8D, s7;
	_ =	swait.eq @!p0 [sflag:s6], $0x1  }
0xb2: {  	s5 =	sor.u32 @!p0 s5, s7;
	[sflag:s6] =	ssyncadd.s32 @!p0 $0xFFFFFFFF  }
0xb3: {  	s25 =	simm.s32 $0x1B8E;
	s24 =	sld [smem:$0x3FFE];
	[sflag:s5] =	ssyncadd.remote.s32 @!p0 $0x1  }
0xb4: {  	s26 =	simm.s32 $execute0_lowered;
	[smem:$0x3FD2] =	sst s25  }
0xb5: {  	s6 =	sshll.u32 s26, $0x1;
	_ =	strace $0x8000004C;
	[dreg:$0x1] =	wrdreg $0xFFFFFFFF  }
0xb6: {  	s28 =	simm.s32 $_size_execute0_lowered;
	s4 =	sadd.s32 s4, s6;
	[dreg:$0x0] =	wrdreg $0x0  }
0xb7: {  	s6 =	sshll.u32 s28, $0x1;
	[dreg:$0x2] =	wrdreg s4  }
0xb8: {  	[dreg:$0x3] =	wrdreg s6  }
0xb9: {  	[dreg:$0x4] =	wrdreg $0xC0  }
0xba: {  	_ =	task [dreg:s22], $0x5FFFF  }
0xbb: {  	[dreg:$0x1] =	wrdreg $0xFFFFFFFF  }
0xbc: {  	[dreg:$0x0] =	wrdreg $0x60  }
0xbd: {  	[dreg:$0x2] =	wrdreg s24  }
0xbe: {  	[dreg:$0x3] =	wrdreg s18  }
0xbf: {  	[dreg:$0x4] =	wrdreg $0xA8000  }
0xc0: {  	[dreg:$0x5] =	wrdreg $0xA  }
0xc1: {  	_ =	task.clear_ibuf [dreg:s22], $0x6FFFF;
	_ =	strace $0x9000004C  }
0xc2: {  	s29 =	simm.s32 $0xA;
	_ =	strace $0x8000004E  }
0xc3: {  	_ =	swait.ge [sflag:s29], $0x1  }
0xc4: {  	[sflag:s29] =	ssyncadd.s32 $0xFFFFFFFF  }
0xc5: {  	_ =	strace $0x9000004E  }
0xc6: {  	_ =	sfence  }
0xc7: {  	s30 =	sld [smem:$0x0];
	_ =	sdelay $0x2  }
0xc8: {  	s31 =	sshll.u32 s1, $0xD;
	s1 =	sshrl.u32 s1, $0x2  }
0xc9: {  	s4 =	sand.u32 $0x4000, s31;
	s1 =	sadd.s32 s1, s30  }
0xca: {  	s0 =	sor.u32 s4, s0;
	s1 =	sshll.u32 s1, $0x11  }
0xcb: {  	s0 =	sor.u32 s1, s0  }
0xcc: {  	s0 =	sadd.s32 $0x8F2B, s0  }
0xcd: {  	[sflag:s0] =	ssyncadd.remote.s32 $0x1  }
0xce: {  	_ =	sfence.sel $0xFFFF  }
0xcf: {  	[dreg:$0x0] =	wrdreg $0xFFFFFFFF;
	(pc) =	sbr.abs _section_cstart, $3  }
0xd0: {  	[dreg:$0x1] =	wrdreg $0xFFFFFFFF  }
0xd1: {  	_ =	task.clear_ibuf [dreg:s22], $0x2FFFF;
	_ =	strace $0x9FFFFFFF  }
0xd2: {  	(tm) =	ssettm $0x7FFFFFFF  }
0xd3: {  	_ =	shalt  }
tec
execute0_lowered:
.L_overlay_start_1:
0x0: {  	(tag) =	ssettag $0x1  }
0x1: {  	s5 =	rddreg [dreg:$0x0]  }
0x2: {  	s0 =	srdreg.scid;
	s13 =	rddreg [dreg:$0x1]  }
0x3: {  	s2 =	rddreg [dreg:$0x2];
	s1 =	stileid.u32  }
0x4: {  	s3 =	simm.s32 $0x0;
	s16 =	simm.s32 $0x2800;
	s17 =	simm.s32 $0x80  }
0x5: {  	s18 =	simm.s32 $0x6800;
	s19 =	simm.s32 $0x1;
	s20 =	simm.s32 $0x2  }
0x6: {  	s23 =	simm.s32 $0x0;
	s11 =	sand.u32 $0x1, s0;
	s0 =	rddreg [dreg:$0x3]  }
0x7: {  	[smem:$0x7FF] =	sst s3;
	s6 =	smul.u32 $0x4F000, s1;
	s14 =	sadd.s32 $0xFEE00, s5  }
0x8: {  	s15 =	smul.u32 $0x2780, s1;
	s21 =	sshll.u32 s1, $0x6;
	s4 =	sshll.u32 s11, $0x4  }
0x9: {  	_ =	strace $0x8000004D;
	s8 =	ssub.s32 $0x2, s11;
	p0 =	seq.s32 s11, $0x1  }
0xa: {  	s21 =	sor.u32 $0x1C03, s21;
	s4 =	sor.u32 s1, s4;
	s31 =	sshrl.u32 s8, $0x1  }
0xb: {  	s6 =	sshrl.u32 s6, $0x2;
	s13 =	smov.u32 @p0 s14;
	s14 =	simm.s32 $0x3  }
0xc: {  	s4 =	smul.u32 $0x280, s4;
	s12 =	ssub.s32 s8, s31;
	s6 =	sadd.s32 s6, s2  }
0xd: {  	s13 =	sadd.s32 s13, s15;
	s15 =	simm.s32 $0x1400;
	s8 =	sadd.s32 $0x4000, s6  }
0xe: {  	s9 =	sadd.s32 $0x8000, s6;
	s10 =	sadd.s32 $0xC000, s6;
	s11 =	sadd.s32 $0x10000, s6  }
0xf: {  	s12 =	smax.u32 s12, $0x1;
	s22 =	sshrl.u32 s6, $0x3;
	s7 =	sadd.s32 s4, s5  }
0x10: {  	v0 =	vimm.f32 $0.0e+00;
	s4 =	sadd.s32 $0x88C00, s5;
	s5 =	sadd.s32 $0xDA00, s7;
	s7 =	sadd.s32 $0x8A00, s7  }
.LBB2_1:
0x11: {  	[tilespmem:s3], [sflag:$0x3] =	stream.linear.gather [hbm4b:s5+s3], $0x1400, $0x38;
	[tilespmem:$0x1E400] =	vst v63  }
0x12: {  	_ =	swait.ge [sflag:s14], $0x1400  }
0x13: {  	[sflag:s14] =	ssyncset.done $0x0  }
0x14: {  	[sflag:s14] =	ssyncadd.s32 $0xFFFFEC00  }
0x15: {  	[tilespmem:s15], [sflag:$0x3] =	stream.linear.gather [hbm4b:s7+s3], $0x1400, $0x38;
	[tilespmem:$0x1E400] =	vst v63  }
0x16: {  	_ =	swait.ge [sflag:s14], $0x1400  }
0x17: {  	[sflag:s14] =	ssyncset.done $0x0  }
0x18: {  	s24 =	simm.s32 $0x0;
	s25 =	simm.s32 $0x200;
	[sflag:s14] =	ssyncadd.s32 $0xFFFFEC00  }
.LBB2_2:
0x19: {  	p0 =	sne.s32 s25, $0xFE00;
	[tilespmem:s24+$0x2870] =	vst v0  }
0x1a: {  	[tilespmem:s24+$0x2800] =	vst v0  }
0x1b: {  	[tilespmem:s24+$0x2810] =	vst v0  }
.Ltmp0:
0x1c: {  	[tilespmem:s24+$0x2820] =	vst v0;
	(pc) =	sbr.rel @p0 .LBB2_2-.Ltmp0, $4  }
0x1d: {  	[tilespmem:s24+$0x2830] =	vst v0  }
0x1e: {  	[tilespmem:s24+$0x2840] =	vst v0  }
0x1f: {  	[tilespmem:s24+$0x2850] =	vst v0  }
0x20: {  	[tilespmem:s24+$0x2860] =	vst v0;
	s24 =	sshra.s32 s25, $0x2;
	s25 =	sadd.s32 $0x200, s25  }
0x21: {  	[tilespmem:s24+$0x2870] =	vst v0  }
0x22: {  	[tilespmem:s24+$0x2800] =	vst v0  }
0x23: {  	[tilespmem:s24+$0x2810] =	vst v0  }
0x24: {  	[tilespmem:s24+$0x2820] =	vst v0  }
0x25: {  	[tilespmem:s24+$0x2830] =	vst v0  }
0x26: {  	[tilespmem:s24+$0x2840] =	vst v0  }
0x27: {  	[tilespmem:s24+$0x2850] =	vst v0  }
0x28: {  	[tilespmem:s24+$0x2860] =	vst v0  }
0x29: {  	[spmem:s6] =	stream.linear.scatter [tilespmem:s16], [sflag:$0x3], $0x4000, $0x38;
	[tilespmem:$0x1E400] =	vst v63  }
0x2a: {  	_ =	swait.ge [sflag:s14], $0x4000  }
0x2b: {  	[sflag:s14] =	ssyncset.done $0x0  }
0x2c: {  	[sflag:s14] =	ssyncadd.s32 $0xFFFFC000  }
0x2d: {  	[spmem:s8] =	stream.linear.scatter [tilespmem:s16], [sflag:$0x3], $0x4000, $0x38;
	[tilespmem:$0x1E400] =	vst v63  }
0x2e: {  	_ =	swait.ge [sflag:s14], $0x4000  }
0x2f: {  	[sflag:s14] =	ssyncset.done $0x0  }
0x30: {  	[sflag:s14] =	ssyncadd.s32 $0xFFFFC000  }
0x31: {  	[spmem:s9] =	stream.linear.scatter [tilespmem:s16], [sflag:$0x3], $0x4000, $0x38;
	[tilespmem:$0x1E400] =	vst v63  }
0x32: {  	_ =	swait.ge [sflag:s14], $0x4000  }
0x33: {  	[sflag:s14] =	ssyncset.done $0x0  }
0x34: {  	[sflag:s14] =	ssyncadd.s32 $0xFFFFC000  }
0x35: {  	[spmem:s10] =	stream.linear.scatter [tilespmem:s16], [sflag:$0x3], $0x4000, $0x38;
	[tilespmem:$0x1E400] =	vst v63  }
0x36: {  	_ =	swait.ge [sflag:s14], $0x4000  }
0x37: {  	[sflag:s14] =	ssyncset.done $0x0  }
0x38: {  	[sflag:s14] =	ssyncadd.s32 $0xFFFFC000  }
0x39: {  	[spmem:s11] =	stream.linear.scatter [tilespmem:s16], [sflag:$0x3], $0x3C00, $0x38;
	[tilespmem:$0x1E400] =	vst v63  }
0x3a: {  	_ =	swait.ge [sflag:s14], $0x3C00  }
0x3b: {  	[sflag:s14] =	ssyncset.done $0x0  }
0x3c: {  	[sflag:s14] =	ssyncadd.s32 $0xFFFFC400  }
0x3d: {  	s28 =	simm.s32 $0x0;
	[bflag:$0x0] =	sbarrier.arrive $0xFFFF  }
0x3e: {  	[tilespmem:s16], [sflag:$0x1] =	stream.indirect.gather [hbm4b:s4+s17], $0x80, s28, s17, $0xb8;
	[tilespmem:$0x1E400] =	vst v63  }
0x3f: {  	s29 =	simm.s32 $0x80  }
0x40: {  	[tilespmem:s18], [sflag:$0x2] =	stream.indirect.gather [hbm4b:s4+s17], $0x80, s29, s17, $0xb8;
	[tilespmem:$0x1E400] =	vst v63  }
0x41: {  	_ =	swait.ge [sflag:s19], $0x4000  }
0x42: {  	[sflag:s19] =	ssyncset.done $0x0  }
0x43: {  	s30 =	simm.s32 $0x1400;
	[sflag:s19] =	ssyncadd.s32 $0xFFFFC000  }
0x44: {  	[spmem:s2] =	stream.indirect.scatter.add.f32 [tilespmem:s16], [sflag:$0x3], $0x80, s30, s17, $0xb8;
	[tilespmem:$0x1E400] =	vst v63  }
0x45: {  	_ =	swait.ge [sflag:s14], $0x4000  }
0x46: {  	[sflag:s14] =	ssyncset.done $0x0  }
0x47: {  	[sflag:s14] =	ssyncadd.s32 $0xFFFFC000  }
0x48: {  	_ =	swait.ge [sflag:s20], $0x4000  }
0x49: {  	[sflag:s20] =	ssyncset.done $0x0  }
0x4a: {  	s31 =	simm.s32 $0x1480;
	[sflag:s20] =	ssyncadd.s32 $0xFFFFC000  }
0x4b: {  	[spmem:s2] =	stream.indirect.scatter.add.f32 [tilespmem:s18], [sflag:$0x3], $0x80, s31, s17, $0xb8;
	[tilespmem:$0x1E400] =	vst v63  }
0x4c: {  	_ =	swait.ge [sflag:s14], $0x4000  }
0x4d: {  	s24 =	simm.s32 $0x400;
	s25 =	simm.s32 $0x800;
	[sflag:s14] =	ssyncset.done $0x0  }
.LBB2_4:
0x4e: {  	s26 =	sshra.s32 s24, $0x2  }
0x4f: {  	[sflag:s14] =	ssyncadd.s32 $0xFFFFC000;
	s24 =	smov.u32 s25;
	s28 =	sadd.s32 $0x400, s25  }
0x50: {  	[tilespmem:s16], [sflag:$0x1] =	stream.indirect.gather [hbm4b:s4+s17], $0x80, s26, s17, $0xb8;
	[tilespmem:$0x1E400] =	vst v63  }
0x51: {  	p0 =	sne.s32 s25, $0x4C00;
	s25 =	sadd.s32 $0x80, s26  }
0x52: {  	[tilespmem:s18], [sflag:$0x2] =	stream.indirect.gather [hbm4b:s4+s17], $0x80, s25, s17, $0xb8;
	[tilespmem:$0x1E400] =	vst v63  }
0x53: {  	_ =	swait.ge [sflag:s19], $0x4000  }
0x54: {  	[sflag:s19] =	ssyncset.done $0x0  }
0x55: {  	s25 =	sadd.s32 $0x1400, s26;
	[sflag:s19] =	ssyncadd.s32 $0xFFFFC000  }
0x56: {  	[spmem:s2] =	stream.indirect.scatter.add.f32 [tilespmem:s16], [sflag:$0x3], $0x80, s25, s17, $0xb8;
	[tilespmem:$0x1E400] =	vst v63  }
0x57: {  	_ =	swait.ge [sflag:s14], $0x4000  }
0x58: {  	[sflag:s14] =	ssyncset.done $0x0  }
0x59: {  	[sflag:s14] =	ssyncadd.s32 $0xFFFFC000  }
0x5a: {  	_ =	swait.ge [sflag:s20], $0x4000  }
.Ltmp1:
0x5b: {  	[sflag:s20] =	ssyncset.done $0x0;
	(pc) =	sbr.rel @p0 .LBB2_4-.Ltmp1, $4  }
0x5c: {  	s25 =	sadd.s32 $0x1480, s26;
	[sflag:s20] =	ssyncadd.s32 $0xFFFFC000  }
0x5d: {  	[spmem:s2] =	stream.indirect.scatter.add.f32 [tilespmem:s18], [sflag:$0x3], $0x80, s25, s17, $0xb8;
	[tilespmem:$0x1E400] =	vst v63  }
0x5e: {  	_ =	swait.ge [sflag:s14], $0x4000  }
0x5f: {  	s25 =	smov.u32 s28;
	[sflag:s14] =	ssyncset.done $0x0  }
0x60: {  	s24 =	sshra.s32 s24, $0x2;
	[sflag:s14] =	ssyncadd.s32 $0xFFFFC000  }
0x61: {  	[tilespmem:s16], [sflag:$0x1] =	stream.indirect.gather [hbm4b:s4+s17], $0x80, s24, s17, $0xb8;
	[tilespmem:$0x1E400] =	vst v63  }
0x62: {  	s25 =	sadd.s32 $0x80, s24  }
0x63: {  	[tilespmem:s18], [sflag:$0x2] =	stream.indirect.gather [hbm4b:s4+s17], $0x80, s25, s17, $0xb8;
	[tilespmem:$0x1E400] =	vst v63  }
0x64: {  	_ =	swait.ge [sflag:s19], $0x4000  }
0x65: {  	[sflag:s19] =	ssyncset.done $0x0  }
0x66: {  	s31 =	sadd.s32 $0x1400, s24;
	[sflag:s19] =	ssyncadd.s32 $0xFFFFC000  }
0x67: {  	[spmem:s2] =	stream.indirect.scatter.add.f32 [tilespmem:s16], [sflag:$0x3], $0x80, s31, s17, $0xb8;
	[tilespmem:$0x1E400] =	vst v63  }
0x68: {  	_ =	swait.ge [sflag:s14], $0x4000  }
0x69: {  	[sflag:s14] =	ssyncset.done $0x0  }
0x6a: {  	[sflag:s14] =	ssyncadd.s32 $0xFFFFC000  }
0x6b: {  	_ =	swait.ge [sflag:s20], $0x4000  }
0x6c: {  	[sflag:s20] =	ssyncset.done $0x0  }
0x6d: {  	s24 =	sadd.s32 $0x1480, s24;
	[sflag:s20] =	ssyncadd.s32 $0xFFFFC000  }
0x6e: {  	[spmem:s2] =	stream.indirect.scatter.add.f32 [tilespmem:s18], [sflag:$0x3], $0x80, s24, s17, $0xb8;
	[tilespmem:$0x1E400] =	vst v63  }
0x6f: {  	_ =	swait.ge [sflag:s14], $0x4000  }
0x70: {  	s23 =	sadd.s32 $0x1, s23;
	[sflag:s14] =	ssyncset.done $0x0  }
0x71: {  	p0 =	sne.s32 s23, s12;
	[sflag:s14] =	ssyncadd.s32 $0xFFFFC000  }
.Ltmp2:
0x72: {  	[bflag:$0x0] =	sbarrier.arrive $0xFFFF;
	(pc) =	sbr.rel @p0 .LBB2_1-.Ltmp2, $4  }
0x73: {  	[hbm:s13], [sflag:s21] =	dma.local [spmem:s22], $0x2780  }
0x74: {  	_ =	swait.ge [sflag:s14], $0x2780  }
0x75: {  	[sflag:s14] =	ssyncset.done $0x0  }
0x76: {  	[sflag:s14] =	ssyncadd.s32 $0xFFFFD880  }
0x77: {  	_ =	sfence.sel $0x180000  }
0x78: {  	[bflag:$0x0] =	sbarrier.arrive $0xFFFF  }
0x79: {  	p0 =	sne.s32 s1, $0x0;
	_ =	strace $0x9000004D  }
0x7a: {  	s0 =	sadd.s32 @!p0 $0x100000, s0;
	[bflag:$0x2] =	sbarrier.arrive $0xFFFF  }
0x7b: {  	[sflag:s0] =	ssyncadd.tile.s32 @!p0 $0x1;
	_ =	shalt  }
.Lfunc_end2:
_tile_overlayer_lowered:
.L_overlay_start_2:
0x7c: {  	(tag) =	ssettag $0x2  }
0x7d: {  	s0 =	rddreg [dreg:$0x0];
	s2 =	stileid.u32  }
0x7e: {  	s1 =	rddreg [dreg:$0x1];
	p0 =	sne.s32 s2, $0x0  }
0x7f: {  	s3 =	rddreg [dreg:$0x2];
	[bflag:$0x3] =	sbarrier.arrive $0xFFFF;
	s2 =	simm.s32 @!p0 $0x1C03  }
0x80: {  	[timem:s3], [sflag:s2] =	dma.local @!p0 [hbm:s0], s1  }
0x81: {  	s0 =	simm.s32 @!p0 $0x3  }
0x82: {  	_ =	swait.ge @!p0 [sflag:s0], s1  }
0x83: {  	s1 =	ssub.s32 @!p0 $0x0, s1;
	[sflag:s0] =	ssyncset.done @!p0 $0x0  }
0x84: {  	[sflag:s0] =	ssyncadd.s32 @!p0 s1  }
0x85: {  	[bflag:$0x3] =	sbarrier.arrive $0xFFFF  }
0x86: {  	_ =	shalt  }

// kernel: kernel.24.cloned.1.call-start
scs
__scs_entry_jumppad:
0x0: {  	(pc) =	sbr.rel $0x88, $3  }
0x1: {  	(tag) =	ssettag $0x0;
	lr =	simm.s32 $0x1  }
0x2: {  	[smem:$0x3F97] =	sst lr;
	_ =	strace $0xD0000000  }
0x3: {  	_ = 	snop  }
0x4: {  	_ = 	snop  }
0x5: {  	_ = 	snop  }
0x6: {  	_ = 	snop  }
0x7: {  	_ = 	snop  }
__scs_overlays_trampoline_lowered:
0x8: {  	[smem:$0x3FA6] =	sst s0  }
0x9: {  	[smem:$0x3FA7] =	sst s1  }
0xa: {  	[smem:$0x3FA8] =	sst s2  }
0xb: {  	[smem:$0x3FA9] =	sst s3  }
0xc: {  	[smem:$0x3FAA] =	sst s4  }
0xd: {  	[smem:$0x3FAB] =	sst s5  }
0xe: {  	[smem:$0x3FAC] =	sst s6  }
0xf: {  	[smem:$0x3FAD] =	sst s7  }
0x10: {  	[smem:$0x3FAE] =	sst s8  }
0x11: {  	[smem:$0x3FAF] =	sst s9;
	s0 =	simm.s32 @!p0 $0x0  }
0x12: {  	s1 =	sld [smem:$0x3F95];
	s0 =	simm.s32 @p0 $0x1  }
0x13: {  	[smem:$0x3FB0] =	sst s0;
	s0 =	simm.s32 @!p1 $0x0  }
0x14: {  	s2 =	sld [smem:$0x3F94];
	s0 =	simm.s32 @p1 $0x1  }
0x15: {  	[smem:$0x3FB1] =	sst s0;
	s0 =	simm.s32 @!p2 $0x0  }
0x16: {  	s3 =	sld [smem:$0x3FDB];
	s0 =	simm.s32 @p2 $0x1  }
0x17: {  	s4 =	simm.s32 $0x1BF5;
	[smem:$0x3FB3] =	sst s0  }
0x18: {  	s0 =	sld [smem:$0x3F96];
	_ =	swait.ge [sflag:s4], $0x0  }
0x19: {  	s7 =	sld [smem:$0x3F97]  }
0x1a: {  	s8 =	sadd.s32 $0xFFFFE003, lr  }
0x1b: {  	s9 =	sadd.s32 $0xFFFFFEF7, lr;
	s5 =	simm.s32 $0xFFFFFFFF;
	p2 =	slt.u32 s8, $0xFFFFF086  }
0x1c: {  	p1 =	slt.u32 s9, $0xF7A;
	s5 =	simm.s32 @!p2 $0x0  }
0x1d: {  	s5 =	simm.s32 @p1 $0x1;
	p0 =	seq.s32 s7, s2  }
0x1e: {  	s7 =	smul.u32 @!p0 $0xF7A, s2;
	p2 =	seq.s32 @!p0 s5, $0x0  }
0x1f: {  	s9 =	smul.u32 $0xF7A, s1;
	s8 =	simm.s32 @!p0 $0x1BF5;
	p2 =	por !p2, p0  }
0x20: {  	[sflag:s8] =	ssyncset.s32 @!p0 $0xFFFFF086;
	s6 =	sadd.s32 @!p0 s3, s7;
	s7 =	simm.s32 @!p0 $0x108  }
0x21: {  	s3 =	sadd.s32 s3, s9;
	s6 =	sadd.s32 @!p0 $0x88, s6;
	s7 =	simm.s32 @p2 $0x1082  }
0x22: {  	[simem:s7], [sflag:s8] =	dma.local @!p0 [hbm:s6], $0xF7A  }
0x23: {  	s9 =	sor.u32 $0xD0000000, s2;
	s6 =	simm.s32 $0x108;
	_ =	swait.ge @!p0 [sflag:s8], $0x0  }
0x24: {  	s3 =	sadd.s32 $0x88, s3;
	s6 =	simm.s32 @!p1 $0x1082;
	[sflag:s4] =	ssyncset.s32 $0xFFFFF086  }
0x25: {  	[simem:s6], [sflag:s4] =	dma.local [hbm:s3], $0xF7A  }
0x26: {  	[smem:$0x3F97] =	sst s1;
	(tag) =	ssettag s2;
	_ =	strace s9  }
0x27: {  	s1 =	sld [smem:$0x3FA7]  }
0x28: {  	s2 =	sld [smem:$0x3FA8]  }
0x29: {  	s4 =	sld [smem:$0x3FAA]  }
0x2a: {  	p0 =	seq.s32 s5, $0x0;
	s5 =	sld [smem:$0x3FAB]  }
0x2b: {  	s6 =	sld [smem:$0x3FAC]  }
0x2c: {  	s7 =	sld [smem:$0x3FAD]  }
0x2d: {  	s3 =	simm.s32 $0x108;
	s8 =	sld [smem:$0x3FAE]  }
0x2e: {  	s3 =	simm.s32 @!p0 $0x1082;
	s9 =	sld [smem:$0x3FAF]  }
0x2f: {  	lr =	sadd.s32 s0, s3;
	s0 =	sld [smem:$0x3FA6]  }
0x30: {  	s3 =	sld [smem:$0x3FA9]  }
0x31: {  	[smem:$0x3FB2] =	sst s10  }
0x32: {  	s10 =	sld [smem:$0x3FB0];
	_ =	sdelay $0x3  }
0x33: {  	p0 =	seq.s32 s10, $0x1;
	s10 =	sld [smem:$0x3FB2];
	_ =	sdelay $0x3  }
0x34: {  	[smem:$0x3FB2] =	sst s10  }
0x35: {  	s10 =	sld [smem:$0x3FB1];
	_ =	sdelay $0x3  }
0x36: {  	p1 =	seq.s32 s10, $0x1;
	s10 =	sld [smem:$0x3FB2];
	_ =	sdelay $0x3  }
0x37: {  	[smem:$0x3FB2] =	sst s10  }
0x38: {  	s10 =	sld [smem:$0x3FB3]  }
0x39: {  	_ = 	snop;
	(pc) =	sbr.ind lr, $3  }
0x3a: {  	_ = 	snop  }
0x3b: {  	_ = 	snop  }
0x3c: {  	p2 =	seq.s32 s10, $0x1;
	s10 =	sld [smem:$0x3FB2]  }
0x3d: {  	_ =	shalt  }
0x3e: {  	_ =	shalt  }
0x3f: {  	_ =	shalt  }
0x40: {  	_ =	shalt  }
0x41: {  	_ =	shalt  }
0x42: {  	_ =	shalt  }
0x43: {  	_ =	shalt  }
0x44: {  	_ =	shalt  }
0x45: {  	_ =	shalt  }
0x46: {  	_ =	shalt  }
0x47: {  	_ =	shalt  }
0x48: {  	_ =	shalt  }
0x49: {  	_ =	shalt  }
0x4a: {  	_ =	shalt  }
0x4b: {  	_ =	shalt  }
0x4c: {  	_ =	shalt  }
0x4d: {  	_ =	shalt  }
0x4e: {  	_ =	shalt  }
0x4f: {  	_ =	shalt  }
0x50: {  	_ =	shalt  }
0x51: {  	_ =	shalt  }
0x52: {  	_ =	shalt  }
0x53: {  	_ =	shalt  }
0x54: {  	_ =	shalt  }
0x55: {  	_ =	shalt  }
0x56: {  	_ =	shalt  }
0x57: {  	_ =	shalt  }
0x58: {  	_ =	shalt  }
0x59: {  	_ =	shalt  }
0x5a: {  	_ =	shalt  }
0x5b: {  	_ =	shalt  }
0x5c: {  	_ =	shalt  }
0x5d: {  	_ =	shalt  }
0x5e: {  	_ =	shalt  }
0x5f: {  	_ =	shalt  }
0x60: {  	_ =	shalt  }
0x61: {  	_ =	shalt  }
0x62: {  	_ =	shalt  }
0x63: {  	_ =	shalt  }
0x64: {  	_ =	shalt  }
0x65: {  	_ =	shalt  }
0x66: {  	_ =	shalt  }
0x67: {  	_ =	shalt  }
0x68: {  	_ =	shalt  }
0x69: {  	_ =	shalt  }
0x6a: {  	_ =	shalt  }
0x6b: {  	_ =	shalt  }
0x6c: {  	_ =	shalt  }
0x6d: {  	_ =	shalt  }
0x6e: {  	_ =	shalt  }
0x6f: {  	_ =	shalt  }
0x70: {  	_ =	shalt  }
0x71: {  	_ =	shalt  }
0x72: {  	_ =	shalt  }
0x73: {  	_ =	shalt  }
0x74: {  	_ =	shalt  }
0x75: {  	_ =	shalt  }
0x76: {  	_ =	shalt  }
0x77: {  	_ =	shalt  }
0x78: {  	_ =	shalt  }
0x79: {  	_ =	shalt  }
0x7a: {  	_ =	shalt  }
0x7b: {  	_ =	shalt  }
0x7c: {  	_ =	shalt  }
0x7d: {  	_ =	shalt  }
0x7e: {  	_ =	shalt  }
0x7f: {  	_ =	shalt  }
0x80: {  	_ =	shalt  }
0x81: {  	_ =	shalt  }
0x82: {  	_ =	shalt  }
0x83: {  	_ =	shalt  }
0x84: {  	_ =	shalt  }
0x85: {  	_ =	shalt  }
0x86: {  	_ =	shalt  }
0x87: {  	_ =	shalt  }
.Lfunc_end0:
.L_simem_size_0:
called_computation.3_lowered:
.L_overlay_start_0:
0x88: {  	s2 =	sld [smem:$0x3FD9]  }
0x89: {  	s3 =	sld [smem:$0x3FFE];
	_ =	sdelay $0x1  }
0x8a: {  	s1 =	srdreg.scid  }
0x8b: {  	s0 =	sand.u32 $0x1, s1  }
0x8c: {  	s17 =	sshll.u32 s0, $0xA;
	s2 =	sadd.s32 s3, s2  }
0x8d: {  	s2 =	sadd.s32 s2, s17  }
0x8e: {  	[smem:$0x3FBE] =	sst s2  }
0x8f: {  	_ = 	snop  }
0x90: {  	s2 =	sld [smem:$0x3FD0];
	(tm) =	ssettm $0x1  }
0x91: {  	s18 =	sld [smem:$0x3FFB];
	_ =	sdelay $0x3  }
0x92: {  	_ =	strace s18  }
0x93: {  	s3 =	sld [smem:$0x3FFC];
	_ =	sdelay $0x3  }
0x94: {  	_ =	strace s3  }
0x95: {  	s3 =	sld [smem:$0x3FFD];
	_ =	sdelay $0x3  }
0x96: {  	_ =	strace s3  }
0x97: {  	_ =	strace $0x8FFFFFFF  }
0x98: {  	s19 =	sld [smem:$0x3FDB];
	_ =	sdelay $0x1  }
0x99: {  	s4 =	simm.s32 $_scs_section_size  }
0x9a: {  	s5 =	simm.s32 $_size__tile_overlayer_lowered;
	s6 =	simm.s32 $_tile_overlayer_lowered  }
0x9b: {  	s22 =	simm.s32 $0x1BFF;
	s21 =	sshll.u32 s6, $0x1;
	s3 =	sadd.s32 s4, s19  }
0x9c: {  	s7 =	simm.s32 $0x0;
	s20 =	sshll.u32 s5, $0x1;
	s5 =	sadd.s32 s21, s3  }
0x9d: {  	[timem:s7], [sflag:s22] =	dma.local [hbm:s5], s20  }
0x9e: {  	_ =	swait.ge [sflag:s22], s20  }
0x9f: {  	s4 =	ssub.s32 $0x0, s20;
	[sflag:s22] =	ssyncset.done $0x0  }
0xa0: {  	[sflag:s22] =	ssyncadd.s32 s4;
	_ =	sdelay $0x1  }
0xa1: {  	s23 =	simm.s32 $0x1B8B  }
0xa2: {  	_ =	swait.ge [sflag:s23], $0x1  }
0xa3: {  	[sflag:s23] =	ssyncset.done $0x0  }
0xa4: {  	s25 =	simm.s32 $0x1B8E;
	s24 =	sld [smem:$0x3FFE];
	[sflag:s23] =	ssyncadd.s32 $0xFFFFFFFF  }
0xa5: {  	s26 =	simm.s32 $execute0_lowered;
	[smem:$0x3FD2] =	sst s25  }
0xa6: {  	s5 =	sshll.u32 s26, $0x1;
	_ =	strace $0x8000004F;
	[dreg:$0x1] =	wrdreg $0xFFFFFFFF  }
0xa7: {  	s28 =	simm.s32 $_size_execute0_lowered;
	s3 =	sadd.s32 s3, s5;
	[dreg:$0x0] =	wrdreg $0x0  }
0xa8: {  	s5 =	sshll.u32 s28, $0x1;
	[dreg:$0x2] =	wrdreg s3  }
0xa9: {  	[dreg:$0x3] =	wrdreg s5  }
0xaa: {  	[dreg:$0x4] =	wrdreg $0xC0  }
0xab: {  	_ =	task [dreg:s7], $0x5FFFF  }
0xac: {  	[dreg:$0x1] =	wrdreg $0xFFFFFFFF  }
0xad: {  	[dreg:$0x0] =	wrdreg $0x60  }
0xae: {  	[dreg:$0x2] =	wrdreg s24  }
0xaf: {  	[dreg:$0x3] =	wrdreg s2  }
0xb0: {  	[dreg:$0x4] =	wrdreg $0xA8000  }
0xb1: {  	[dreg:$0x5] =	wrdreg $0x9  }
0xb2: {  	_ =	task.clear_ibuf [dreg:s7], $0x6FFFF;
	_ =	strace $0x9000004F  }
0xb3: {  	s29 =	simm.s32 $0x9;
	_ =	strace $0x80000051  }
0xb4: {  	_ =	swait.ge [sflag:s29], $0x1  }
0xb5: {  	[sflag:s29] =	ssyncadd.s32 $0xFFFFFFFF  }
0xb6: {  	_ =	strace $0x90000051  }
0xb7: {  	_ =	sfence  }
0xb8: {  	s30 =	sld [smem:$0x0];
	_ =	sdelay $0x2  }
0xb9: {  	s31 =	sshll.u32 s1, $0xD;
	s1 =	sshrl.u32 s1, $0x2  }
0xba: {  	s3 =	sand.u32 $0x4000, s31;
	s1 =	sadd.s32 s1, s30  }
0xbb: {  	s0 =	sor.u32 s3, s0;
	s1 =	sshll.u32 s1, $0x11  }
0xbc: {  	s0 =	sor.u32 s1, s0  }
0xbd: {  	s0 =	sadd.s32 $0x8F2B, s0  }
0xbe: {  	[sflag:s0] =	ssyncadd.remote.s32 $0x1  }
0xbf: {  	_ =	sfence.sel $0xFFFF  }
0xc0: {  	[dreg:$0x0] =	wrdreg $0xFFFFFFFF;
	(pc) =	sbr.abs _section_cstart, $3  }
0xc1: {  	[dreg:$0x1] =	wrdreg $0xFFFFFFFF  }
0xc2: {  	_ =	task.clear_ibuf [dreg:s7], $0x2FFFF;
	_ =	strace $0x9FFFFFFF  }
0xc3: {  	(tm) =	ssettm $0x7FFFFFFF  }
tec
execute0_lowered:
.L_overlay_start_1:
0x0: {  	(tag) =	ssettag $0x1  }
0x1: {  	s5 =	rddreg [dreg:$0x0]  }
0x2: {  	s0 =	srdreg.scid;
	s13 =	rddreg [dreg:$0x1]  }
0x3: {  	s2 =	rddreg [dreg:$0x2];
	s1 =	stileid.u32  }
0x4: {  	s3 =	simm.s32 $0x0;
	s16 =	simm.s32 $0x2800;
	s17 =	simm.s32 $0x80  }
0x5: {  	s18 =	simm.s32 $0x6800;
	s19 =	simm.s32 $0x1;
	s20 =	simm.s32 $0x2  }
0x6: {  	s23 =	simm.s32 $0x0;
	s11 =	sand.u32 $0x1, s0;
	s0 =	rddreg [dreg:$0x3]  }
0x7: {  	[smem:$0x7FF] =	sst s3;
	s6 =	smul.u32 $0x4F000, s1;
	s14 =	sadd.s32 $0x88C00, s5  }
0x8: {  	s15 =	smul.u32 $0x2780, s1;
	s21 =	sshll.u32 s1, $0x6;
	s4 =	sshll.u32 s11, $0x4  }
0x9: {  	_ =	strace $0x80000050;
	s8 =	ssub.s32 $0x2, s11;
	p0 =	seq.s32 s11, $0x1  }
0xa: {  	s21 =	sor.u32 $0x1C03, s21;
	s4 =	sor.u32 s1, s4;
	s31 =	sshrl.u32 s8, $0x1  }
0xb: {  	s6 =	sshrl.u32 s6, $0x2;
	s13 =	smov.u32 @p0 s14;
	s14 =	simm.s32 $0x3  }
0xc: {  	s4 =	smul.u32 $0x280, s4;
	s12 =	ssub.s32 s8, s31;
	s6 =	sadd.s32 s6, s2  }
0xd: {  	s13 =	sadd.s32 s13, s15;
	s15 =	simm.s32 $0x1400;
	s8 =	sadd.s32 $0x4000, s6  }
0xe: {  	s9 =	sadd.s32 $0x8000, s6;
	s10 =	sadd.s32 $0xC000, s6;
	s11 =	sadd.s32 $0x10000, s6  }
0xf: {  	s12 =	smax.u32 s12, $0x1;
	s22 =	sshrl.u32 s6, $0x3;
	s7 =	sadd.s32 s4, s5  }
0x10: {  	v0 =	vimm.f32 $0.0e+00;
	s4 =	sadd.s32 $0x61A00, s5;
	s5 =	sadd.s32 $0xDA00, s7;
	s7 =	sadd.s32 $0x8A00, s7  }
.LBB2_1:
0x11: {  	[tilespmem:s3], [sflag:$0x3] =	stream.linear.gather [hbm4b:s5+s3], $0x1400, $0x38;
	[tilespmem:$0x1E400] =	vst v63  }
0x12: {  	_ =	swait.ge [sflag:s14], $0x1400  }
0x13: {  	[sflag:s14] =	ssyncset.done $0x0  }
0x14: {  	[sflag:s14] =	ssyncadd.s32 $0xFFFFEC00  }
0x15: {  	[tilespmem:s15], [sflag:$0x3] =	stream.linear.gather [hbm4b:s7+s3], $0x1400, $0x38;
	[tilespmem:$0x1E400] =	vst v63  }
0x16: {  	_ =	swait.ge [sflag:s14], $0x1400  }
0x17: {  	[sflag:s14] =	ssyncset.done $0x0  }
0x18: {  	s24 =	simm.s32 $0x0;
	s25 =	simm.s32 $0x200;
	[sflag:s14] =	ssyncadd.s32 $0xFFFFEC00  }
.LBB2_2:
0x19: {  	p0 =	sne.s32 s25, $0xFE00;
	[tilespmem:s24+$0x2870] =	vst v0  }
0x1a: {  	[tilespmem:s24+$0x2800] =	vst v0  }
0x1b: {  	[tilespmem:s24+$0x2810] =	vst v0  }
.Ltmp0:
0x1c: {  	[tilespmem:s24+$0x2820] =	vst v0;
	(pc) =	sbr.rel @p0 .LBB2_2-.Ltmp0, $4  }
0x1d: {  	[tilespmem:s24+$0x2830] =	vst v0  }
0x1e: {  	[tilespmem:s24+$0x2840] =	vst v0  }
0x1f: {  	[tilespmem:s24+$0x2850] =	vst v0  }
0x20: {  	[tilespmem:s24+$0x2860] =	vst v0;
	s24 =	sshra.s32 s25, $0x2;
	s25 =	sadd.s32 $0x200, s25  }
0x21: {  	[tilespmem:s24+$0x2870] =	vst v0  }
0x22: {  	[tilespmem:s24+$0x2800] =	vst v0  }
0x23: {  	[tilespmem:s24+$0x2810] =	vst v0  }
0x24: {  	[tilespmem:s24+$0x2820] =	vst v0  }
0x25: {  	[tilespmem:s24+$0x2830] =	vst v0  }
0x26: {  	[tilespmem:s24+$0x2840] =	vst v0  }
0x27: {  	[tilespmem:s24+$0x2850] =	vst v0  }
0x28: {  	[tilespmem:s24+$0x2860] =	vst v0  }
0x29: {  	[spmem:s6] =	stream.linear.scatter [tilespmem:s16], [sflag:$0x3], $0x4000, $0x38;
	[tilespmem:$0x1E400] =	vst v63  }
0x2a: {  	_ =	swait.ge [sflag:s14], $0x4000  }
0x2b: {  	[sflag:s14] =	ssyncset.done $0x0  }
0x2c: {  	[sflag:s14] =	ssyncadd.s32 $0xFFFFC000  }
0x2d: {  	[spmem:s8] =	stream.linear.scatter [tilespmem:s16], [sflag:$0x3], $0x4000, $0x38;
	[tilespmem:$0x1E400] =	vst v63  }
0x2e: {  	_ =	swait.ge [sflag:s14], $0x4000  }
0x2f: {  	[sflag:s14] =	ssyncset.done $0x0  }
0x30: {  	[sflag:s14] =	ssyncadd.s32 $0xFFFFC000  }
0x31: {  	[spmem:s9] =	stream.linear.scatter [tilespmem:s16], [sflag:$0x3], $0x4000, $0x38;
	[tilespmem:$0x1E400] =	vst v63  }
0x32: {  	_ =	swait.ge [sflag:s14], $0x4000  }
0x33: {  	[sflag:s14] =	ssyncset.done $0x0  }
0x34: {  	[sflag:s14] =	ssyncadd.s32 $0xFFFFC000  }
0x35: {  	[spmem:s10] =	stream.linear.scatter [tilespmem:s16], [sflag:$0x3], $0x4000, $0x38;
	[tilespmem:$0x1E400] =	vst v63  }
0x36: {  	_ =	swait.ge [sflag:s14], $0x4000  }
0x37: {  	[sflag:s14] =	ssyncset.done $0x0  }
0x38: {  	[sflag:s14] =	ssyncadd.s32 $0xFFFFC000  }
0x39: {  	[spmem:s11] =	stream.linear.scatter [tilespmem:s16], [sflag:$0x3], $0x3C00, $0x38;
	[tilespmem:$0x1E400] =	vst v63  }
0x3a: {  	_ =	swait.ge [sflag:s14], $0x3C00  }
0x3b: {  	[sflag:s14] =	ssyncset.done $0x0  }
0x3c: {  	[sflag:s14] =	ssyncadd.s32 $0xFFFFC400  }
0x3d: {  	s28 =	simm.s32 $0x0;
	[bflag:$0x0] =	sbarrier.arrive $0xFFFF  }
0x3e: {  	[tilespmem:s16], [sflag:$0x1] =	stream.indirect.gather [hbm4b:s4+s17], $0x80, s28, s17, $0xb8;
	[tilespmem:$0x1E400] =	vst v63  }
0x3f: {  	s29 =	simm.s32 $0x80  }
0x40: {  	[tilespmem:s18], [sflag:$0x2] =	stream.indirect.gather [hbm4b:s4+s17], $0x80, s29, s17, $0xb8;
	[tilespmem:$0x1E400] =	vst v63  }
0x41: {  	_ =	swait.ge [sflag:s19], $0x4000  }
0x42: {  	[sflag:s19] =	ssyncset.done $0x0  }
0x43: {  	s30 =	simm.s32 $0x1400;
	[sflag:s19] =	ssyncadd.s32 $0xFFFFC000  }
0x44: {  	[spmem:s2] =	stream.indirect.scatter.add.f32 [tilespmem:s16], [sflag:$0x3], $0x80, s30, s17, $0xb8;
	[tilespmem:$0x1E400] =	vst v63  }
0x45: {  	_ =	swait.ge [sflag:s14], $0x4000  }
0x46: {  	[sflag:s14] =	ssyncset.done $0x0  }
0x47: {  	[sflag:s14] =	ssyncadd.s32 $0xFFFFC000  }
0x48: {  	_ =	swait.ge [sflag:s20], $0x4000  }
0x49: {  	[sflag:s20] =	ssyncset.done $0x0  }
0x4a: {  	s31 =	simm.s32 $0x1480;
	[sflag:s20] =	ssyncadd.s32 $0xFFFFC000  }
0x4b: {  	[spmem:s2] =	stream.indirect.scatter.add.f32 [tilespmem:s18], [sflag:$0x3], $0x80, s31, s17, $0xb8;
	[tilespmem:$0x1E400] =	vst v63  }
0x4c: {  	_ =	swait.ge [sflag:s14], $0x4000  }
0x4d: {  	s24 =	simm.s32 $0x400;
	s25 =	simm.s32 $0x800;
	[sflag:s14] =	ssyncset.done $0x0  }
.LBB2_4:
0x4e: {  	s26 =	sshra.s32 s24, $0x2  }
0x4f: {  	[sflag:s14] =	ssyncadd.s32 $0xFFFFC000;
	s24 =	smov.u32 s25;
	s28 =	sadd.s32 $0x400, s25  }
0x50: {  	[tilespmem:s16], [sflag:$0x1] =	stream.indirect.gather [hbm4b:s4+s17], $0x80, s26, s17, $0xb8;
	[tilespmem:$0x1E400] =	vst v63  }
0x51: {  	p0 =	sne.s32 s25, $0x4C00;
	s25 =	sadd.s32 $0x80, s26  }
0x52: {  	[tilespmem:s18], [sflag:$0x2] =	stream.indirect.gather [hbm4b:s4+s17], $0x80, s25, s17, $0xb8;
	[tilespmem:$0x1E400] =	vst v63  }
0x53: {  	_ =	swait.ge [sflag:s19], $0x4000  }
0x54: {  	[sflag:s19] =	ssyncset.done $0x0  }
0x55: {  	s25 =	sadd.s32 $0x1400, s26;
	[sflag:s19] =	ssyncadd.s32 $0xFFFFC000  }
0x56: {  	[spmem:s2] =	stream.indirect.scatter.add.f32 [tilespmem:s16], [sflag:$0x3], $0x80, s25, s17, $0xb8;
	[tilespmem:$0x1E400] =	vst v63  }
0x57: {  	_ =	swait.ge [sflag:s14], $0x4000  }
0x58: {  	[sflag:s14] =	ssyncset.done $0x0  }
0x59: {  	[sflag:s14] =	ssyncadd.s32 $0xFFFFC000  }
0x5a: {  	_ =	swait.ge [sflag:s20], $0x4000  }
.Ltmp1:
0x5b: {  	[sflag:s20] =	ssyncset.done $0x0;
	(pc) =	sbr.rel @p0 .LBB2_4-.Ltmp1, $4  }
0x5c: {  	s25 =	sadd.s32 $0x1480, s26;
	[sflag:s20] =	ssyncadd.s32 $0xFFFFC000  }
0x5d: {  	[spmem:s2] =	stream.indirect.scatter.add.f32 [tilespmem:s18], [sflag:$0x3], $0x80, s25, s17, $0xb8;
	[tilespmem:$0x1E400] =	vst v63  }
0x5e: {  	_ =	swait.ge [sflag:s14], $0x4000  }
0x5f: {  	s25 =	smov.u32 s28;
	[sflag:s14] =	ssyncset.done $0x0  }
0x60: {  	s24 =	sshra.s32 s24, $0x2;
	[sflag:s14] =	ssyncadd.s32 $0xFFFFC000  }
0x61: {  	[tilespmem:s16], [sflag:$0x1] =	stream.indirect.gather [hbm4b:s4+s17], $0x80, s24, s17, $0xb8;
	[tilespmem:$0x1E400] =	vst v63  }
0x62: {  	s25 =	sadd.s32 $0x80, s24  }
0x63: {  	[tilespmem:s18], [sflag:$0x2] =	stream.indirect.gather [hbm4b:s4+s17], $0x80, s25, s17, $0xb8;
	[tilespmem:$0x1E400] =	vst v63  }
0x64: {  	_ =	swait.ge [sflag:s19], $0x4000  }
0x65: {  	[sflag:s19] =	ssyncset.done $0x0  }
0x66: {  	s31 =	sadd.s32 $0x1400, s24;
	[sflag:s19] =	ssyncadd.s32 $0xFFFFC000  }
0x67: {  	[spmem:s2] =	stream.indirect.scatter.add.f32 [tilespmem:s16], [sflag:$0x3], $0x80, s31, s17, $0xb8;
	[tilespmem:$0x1E400] =	vst v63  }
0x68: {  	_ =	swait.ge [sflag:s14], $0x4000  }
0x69: {  	[sflag:s14] =	ssyncset.done $0x0  }
0x6a: {  	[sflag:s14] =	ssyncadd.s32 $0xFFFFC000  }
0x6b: {  	_ =	swait.ge [sflag:s20], $0x4000  }
0x6c: {  	[sflag:s20] =	ssyncset.done $0x0  }
0x6d: {  	s24 =	sadd.s32 $0x1480, s24;
	[sflag:s20] =	ssyncadd.s32 $0xFFFFC000  }
0x6e: {  	[spmem:s2] =	stream.indirect.scatter.add.f32 [tilespmem:s18], [sflag:$0x3], $0x80, s24, s17, $0xb8;
	[tilespmem:$0x1E400] =	vst v63  }
0x6f: {  	_ =	swait.ge [sflag:s14], $0x4000  }
0x70: {  	s23 =	sadd.s32 $0x1, s23;
	[sflag:s14] =	ssyncset.done $0x0  }
0x71: {  	p0 =	sne.s32 s23, s12;
	[sflag:s14] =	ssyncadd.s32 $0xFFFFC000  }
.Ltmp2:
0x72: {  	[bflag:$0x0] =	sbarrier.arrive $0xFFFF;
	(pc) =	sbr.rel @p0 .LBB2_1-.Ltmp2, $4  }
0x73: {  	[hbm:s13], [sflag:s21] =	dma.local [spmem:s22], $0x2780  }
0x74: {  	_ =	swait.ge [sflag:s14], $0x2780  }
0x75: {  	[sflag:s14] =	ssyncset.done $0x0  }
0x76: {  	[sflag:s14] =	ssyncadd.s32 $0xFFFFD880  }
0x77: {  	_ =	sfence.sel $0x180000  }
0x78: {  	[bflag:$0x0] =	sbarrier.arrive $0xFFFF  }
0x79: {  	p0 =	sne.s32 s1, $0x0;
	_ =	strace $0x90000050  }
0x7a: {  	s0 =	sadd.s32 @!p0 $0x100000, s0;
	[bflag:$0x2] =	sbarrier.arrive $0xFFFF  }
0x7b: {  	[sflag:s0] =	ssyncadd.tile.s32 @!p0 $0x1;
	_ =	shalt  }
.Lfunc_end2:
_tile_overlayer_lowered:
.L_overlay_start_2:
0x7c: {  	(tag) =	ssettag $0x2  }
0x7d: {  	s0 =	rddreg [dreg:$0x0];
	s2 =	stileid.u32  }
0x7e: {  	s1 =	rddreg [dreg:$0x1];
	p0 =	sne.s32 s2, $0x0  }
0x7f: {  	s3 =	rddreg [dreg:$0x2];
	[bflag:$0x3] =	sbarrier.arrive $0xFFFF;
	s2 =	simm.s32 @!p0 $0x1C03  }
0x80: {  	[timem:s3], [sflag:s2] =	dma.local @!p0 [hbm:s0], s1  }
0x81: {  	s0 =	simm.s32 @!p0 $0x3  }
0x82: {  	_ =	swait.ge @!p0 [sflag:s0], s1  }
0x83: {  	s1 =	ssub.s32 @!p0 $0x0, s1;
	[sflag:s0] =	ssyncset.done @!p0 $0x0  }
0x84: {  	[sflag:s0] =	ssyncadd.s32 @!p0 s1  }
0x85: {  	[bflag:$0x3] =	sbarrier.arrive $0xFFFF  }
0x86: {  	_ =	shalt  }

// kernel: kernel.27.cloned.1.call-start
scs
__scs_entry_jumppad:
0x0: {  	(pc) =	sbr.rel $0x88, $3  }
0x1: {  	(tag) =	ssettag $0x0;
	lr =	simm.s32 $0x1  }
0x2: {  	[smem:$0x3F97] =	sst lr;
	_ =	strace $0xD0000000  }
0x3: {  	_ = 	snop  }
0x4: {  	_ = 	snop  }
0x5: {  	_ = 	snop  }
0x6: {  	_ = 	snop  }
0x7: {  	_ = 	snop  }
__scs_overlays_trampoline_lowered:
0x8: {  	[smem:$0x3FA6] =	sst s0  }
0x9: {  	[smem:$0x3FA7] =	sst s1  }
0xa: {  	[smem:$0x3FA8] =	sst s2  }
0xb: {  	[smem:$0x3FA9] =	sst s3  }
0xc: {  	[smem:$0x3FAA] =	sst s4  }
0xd: {  	[smem:$0x3FAB] =	sst s5  }
0xe: {  	[smem:$0x3FAC] =	sst s6  }
0xf: {  	[smem:$0x3FAD] =	sst s7  }
0x10: {  	[smem:$0x3FAE] =	sst s8  }
0x11: {  	[smem:$0x3FAF] =	sst s9;
	s0 =	simm.s32 @!p0 $0x0  }
0x12: {  	s1 =	sld [smem:$0x3F95];
	s0 =	simm.s32 @p0 $0x1  }
0x13: {  	[smem:$0x3FB0] =	sst s0;
	s0 =	simm.s32 @!p1 $0x0  }
0x14: {  	s2 =	sld [smem:$0x3F94];
	s0 =	simm.s32 @p1 $0x1  }
0x15: {  	[smem:$0x3FB1] =	sst s0;
	s0 =	simm.s32 @!p2 $0x0  }
0x16: {  	s3 =	sld [smem:$0x3FDB];
	s0 =	simm.s32 @p2 $0x1  }
0x17: {  	s4 =	simm.s32 $0x1BF5;
	[smem:$0x3FB3] =	sst s0  }
0x18: {  	s0 =	sld [smem:$0x3F96];
	_ =	swait.ge [sflag:s4], $0x0  }
0x19: {  	s7 =	sld [smem:$0x3F97]  }
0x1a: {  	s8 =	sadd.s32 $0xFFFFE003, lr  }
0x1b: {  	s9 =	sadd.s32 $0xFFFFFEF7, lr;
	s5 =	simm.s32 $0xFFFFFFFF;
	p2 =	slt.u32 s8, $0xFFFFF086  }
0x1c: {  	p1 =	slt.u32 s9, $0xF7A;
	s5 =	simm.s32 @!p2 $0x0  }
0x1d: {  	s5 =	simm.s32 @p1 $0x1;
	p0 =	seq.s32 s7, s2  }
0x1e: {  	s7 =	smul.u32 @!p0 $0xF7A, s2;
	p2 =	seq.s32 @!p0 s5, $0x0  }
0x1f: {  	s9 =	smul.u32 $0xF7A, s1;
	s8 =	simm.s32 @!p0 $0x1BF5;
	p2 =	por !p2, p0  }
0x20: {  	[sflag:s8] =	ssyncset.s32 @!p0 $0xFFFFF086;
	s6 =	sadd.s32 @!p0 s3, s7;
	s7 =	simm.s32 @!p0 $0x108  }
0x21: {  	s3 =	sadd.s32 s3, s9;
	s6 =	sadd.s32 @!p0 $0x88, s6;
	s7 =	simm.s32 @p2 $0x1082  }
0x22: {  	[simem:s7], [sflag:s8] =	dma.local @!p0 [hbm:s6], $0xF7A  }
0x23: {  	s9 =	sor.u32 $0xD0000000, s2;
	s6 =	simm.s32 $0x108;
	_ =	swait.ge @!p0 [sflag:s8], $0x0  }
0x24: {  	s3 =	sadd.s32 $0x88, s3;
	s6 =	simm.s32 @!p1 $0x1082;
	[sflag:s4] =	ssyncset.s32 $0xFFFFF086  }
0x25: {  	[simem:s6], [sflag:s4] =	dma.local [hbm:s3], $0xF7A  }
0x26: {  	[smem:$0x3F97] =	sst s1;
	(tag) =	ssettag s2;
	_ =	strace s9  }
0x27: {  	s1 =	sld [smem:$0x3FA7]  }
0x28: {  	s2 =	sld [smem:$0x3FA8]  }
0x29: {  	s4 =	sld [smem:$0x3FAA]  }
0x2a: {  	p0 =	seq.s32 s5, $0x0;
	s5 =	sld [smem:$0x3FAB]  }
0x2b: {  	s6 =	sld [smem:$0x3FAC]  }
0x2c: {  	s7 =	sld [smem:$0x3FAD]  }
0x2d: {  	s3 =	simm.s32 $0x108;
	s8 =	sld [smem:$0x3FAE]  }
0x2e: {  	s3 =	simm.s32 @!p0 $0x1082;
	s9 =	sld [smem:$0x3FAF]  }
0x2f: {  	lr =	sadd.s32 s0, s3;
	s0 =	sld [smem:$0x3FA6]  }
0x30: {  	s3 =	sld [smem:$0x3FA9]  }
0x31: {  	[smem:$0x3FB2] =	sst s10  }
0x32: {  	s10 =	sld [smem:$0x3FB0];
	_ =	sdelay $0x3  }
0x33: {  	p0 =	seq.s32 s10, $0x1;
	s10 =	sld [smem:$0x3FB2];
	_ =	sdelay $0x3  }
0x34: {  	[smem:$0x3FB2] =	sst s10  }
0x35: {  	s10 =	sld [smem:$0x3FB1];
	_ =	sdelay $0x3  }
0x36: {  	p1 =	seq.s32 s10, $0x1;
	s10 =	sld [smem:$0x3FB2];
	_ =	sdelay $0x3  }
0x37: {  	[smem:$0x3FB2] =	sst s10  }
0x38: {  	s10 =	sld [smem:$0x3FB3]  }
0x39: {  	_ = 	snop;
	(pc) =	sbr.ind lr, $3  }
0x3a: {  	_ = 	snop  }
0x3b: {  	_ = 	snop  }
0x3c: {  	p2 =	seq.s32 s10, $0x1;
	s10 =	sld [smem:$0x3FB2]  }
0x3d: {  	_ =	shalt  }
0x3e: {  	_ =	shalt  }
0x3f: {  	_ =	shalt  }
0x40: {  	_ =	shalt  }
0x41: {  	_ =	shalt  }
0x42: {  	_ =	shalt  }
0x43: {  	_ =	shalt  }
0x44: {  	_ =	shalt  }
0x45: {  	_ =	shalt  }
0x46: {  	_ =	shalt  }
0x47: {  	_ =	shalt  }
0x48: {  	_ =	shalt  }
0x49: {  	_ =	shalt  }
0x4a: {  	_ =	shalt  }
0x4b: {  	_ =	shalt  }
0x4c: {  	_ =	shalt  }
0x4d: {  	_ =	shalt  }
0x4e: {  	_ =	shalt  }
0x4f: {  	_ =	shalt  }
0x50: {  	_ =	shalt  }
0x51: {  	_ =	shalt  }
0x52: {  	_ =	shalt  }
0x53: {  	_ =	shalt  }
0x54: {  	_ =	shalt  }
0x55: {  	_ =	shalt  }
0x56: {  	_ =	shalt  }
0x57: {  	_ =	shalt  }
0x58: {  	_ =	shalt  }
0x59: {  	_ =	shalt  }
0x5a: {  	_ =	shalt  }
0x5b: {  	_ =	shalt  }
0x5c: {  	_ =	shalt  }
0x5d: {  	_ =	shalt  }
0x5e: {  	_ =	shalt  }
0x5f: {  	_ =	shalt  }
0x60: {  	_ =	shalt  }
0x61: {  	_ =	shalt  }
0x62: {  	_ =	shalt  }
0x63: {  	_ =	shalt  }
0x64: {  	_ =	shalt  }
0x65: {  	_ =	shalt  }
0x66: {  	_ =	shalt  }
0x67: {  	_ =	shalt  }
0x68: {  	_ =	shalt  }
0x69: {  	_ =	shalt  }
0x6a: {  	_ =	shalt  }
0x6b: {  	_ =	shalt  }
0x6c: {  	_ =	shalt  }
0x6d: {  	_ =	shalt  }
0x6e: {  	_ =	shalt  }
0x6f: {  	_ =	shalt  }
0x70: {  	_ =	shalt  }
0x71: {  	_ =	shalt  }
0x72: {  	_ =	shalt  }
0x73: {  	_ =	shalt  }
0x74: {  	_ =	shalt  }
0x75: {  	_ =	shalt  }
0x76: {  	_ =	shalt  }
0x77: {  	_ =	shalt  }
0x78: {  	_ =	shalt  }
0x79: {  	_ =	shalt  }
0x7a: {  	_ =	shalt  }
0x7b: {  	_ =	shalt  }
0x7c: {  	_ =	shalt  }
0x7d: {  	_ =	shalt  }
0x7e: {  	_ =	shalt  }
0x7f: {  	_ =	shalt  }
0x80: {  	_ =	shalt  }
0x81: {  	_ =	shalt  }
0x82: {  	_ =	shalt  }
0x83: {  	_ =	shalt  }
0x84: {  	_ =	shalt  }
0x85: {  	_ =	shalt  }
0x86: {  	_ =	shalt  }
0x87: {  	_ =	shalt  }
.Lfunc_end0:
.L_simem_size_0:
called_computation.4_lowered:
.L_overlay_start_0:
0x88: {  	s2 =	sld [smem:$0x3FD9]  }
0x89: {  	s3 =	sld [smem:$0x3FFE];
	_ =	sdelay $0x1  }
0x8a: {  	s1 =	srdreg.scid  }
0x8b: {  	s0 =	sand.u32 $0x1, s1  }
0x8c: {  	s16 =	sshll.u32 s0, $0xA;
	s2 =	sadd.s32 s3, s2  }
0x8d: {  	s2 =	sadd.s32 s2, s16  }
0x8e: {  	[smem:$0x3FBE] =	sst s2  }
0x8f: {  	_ = 	snop  }
0x90: {  	(tm) =	ssettm $0x1  }
0x91: {  	s17 =	sld [smem:$0x3FFB];
	_ =	sdelay $0x3  }
0x92: {  	_ =	strace s17  }
0x93: {  	s2 =	sld [smem:$0x3FFC];
	_ =	sdelay $0x3  }
0x94: {  	_ =	strace s2  }
0x95: {  	s2 =	sld [smem:$0x3FFD];
	_ =	sdelay $0x3  }
0x96: {  	_ =	strace s2  }
0x97: {  	_ =	strace $0x8FFFFFFF  }
0x98: {  	s18 =	sld [smem:$0x3FDB];
	_ =	sdelay $0x1  }
0x99: {  	s19 =	simm.s32 $_scs_section_size  }
0x9a: {  	s4 =	simm.s32 $_size__tile_overlayer_lowered;
	s5 =	simm.s32 $_tile_overlayer_lowered  }
0x9b: {  	s22 =	simm.s32 $0x1BFF;
	s21 =	sshll.u32 s5, $0x1;
	s2 =	sadd.s32 s19, s18  }
0x9c: {  	s6 =	simm.s32 $0x0;
	s20 =	sshll.u32 s4, $0x1;
	s4 =	sadd.s32 s21, s2  }
0x9d: {  	[timem:s6], [sflag:s22] =	dma.local [hbm:s4], s20  }
0x9e: {  	_ =	swait.ge [sflag:s22], s20  }
0x9f: {  	s3 =	ssub.s32 $0x0, s20;
	[sflag:s22] =	ssyncset.done $0x0  }
0xa0: {  	[sflag:s22] =	ssyncadd.s32 s3;
	_ =	sdelay $0x1  }
0xa1: {  	s23 =	simm.s32 $0x1B8B  }
0xa2: {  	_ =	swait.ge [sflag:s23], $0x1  }
0xa3: {  	[sflag:s23] =	ssyncset.done $0x0  }
0xa4: {  	s25 =	simm.s32 $0x1B8E;
	s24 =	sld [smem:$0x3FFE];
	[sflag:s23] =	ssyncadd.s32 $0xFFFFFFFF  }
0xa5: {  	s26 =	simm.s32 $execute0_lowered;
	[smem:$0x3FD2] =	sst s25  }
0xa6: {  	s4 =	sshll.u32 s26, $0x1;
	_ =	strace $0x80000052;
	[dreg:$0x1] =	wrdreg $0xFFFFFFFF  }
0xa7: {  	s28 =	simm.s32 $_size_execute0_lowered;
	s2 =	sadd.s32 s2, s4;
	[dreg:$0x0] =	wrdreg $0x0  }
0xa8: {  	s4 =	sshll.u32 s28, $0x1;
	[dreg:$0x2] =	wrdreg s2  }
0xa9: {  	[dreg:$0x3] =	wrdreg s4  }
0xaa: {  	[dreg:$0x4] =	wrdreg $0xC0  }
0xab: {  	_ =	task [dreg:s6], $0x5FFFF  }
0xac: {  	[dreg:$0x1] =	wrdreg $0xFFFFFFFF  }
0xad: {  	[dreg:$0x0] =	wrdreg $0x60  }
0xae: {  	[dreg:$0x2] =	wrdreg s24  }
0xaf: {  	[dreg:$0x3] =	wrdreg $0xA8000  }
0xb0: {  	[dreg:$0x4] =	wrdreg $0x9  }
0xb1: {  	_ =	task.clear_ibuf [dreg:s6], $0x5FFFF;
	_ =	strace $0x90000052  }
0xb2: {  	s29 =	simm.s32 $0x9;
	_ =	strace $0x80000054  }
0xb3: {  	_ =	swait.ge [sflag:s29], $0x1  }
0xb4: {  	[sflag:s29] =	ssyncadd.s32 $0xFFFFFFFF  }
0xb5: {  	_ =	strace $0x90000054  }
0xb6: {  	_ =	sfence  }
0xb7: {  	s30 =	sld [smem:$0x0];
	_ =	sdelay $0x2  }
0xb8: {  	s31 =	sshll.u32 s1, $0xD;
	s1 =	sshrl.u32 s1, $0x2  }
0xb9: {  	s3 =	sand.u32 $0x4000, s31;
	s1 =	sadd.s32 s1, s30  }
0xba: {  	s0 =	sor.u32 s3, s0;
	s1 =	sshll.u32 s1, $0x11  }
0xbb: {  	s0 =	sor.u32 s1, s0  }
0xbc: {  	s0 =	sadd.s32 $0x8F2B, s0  }
0xbd: {  	[sflag:s0] =	ssyncadd.remote.s32 $0x1  }
0xbe: {  	_ =	sfence.sel $0xFFFF  }
0xbf: {  	[dreg:$0x0] =	wrdreg $0xFFFFFFFF;
	(pc) =	sbr.abs _section_cstart, $3  }
0xc0: {  	[dreg:$0x1] =	wrdreg $0xFFFFFFFF  }
0xc1: {  	_ =	task.clear_ibuf [dreg:s6], $0x2FFFF;
	_ =	strace $0x9FFFFFFF  }
0xc2: {  	(tm) =	ssettm $0x7FFFFFFF  }
0xc3: {  	_ =	shalt  }
tec
execute0_lowered:
.L_overlay_start_1:
0x0: {  	(tag) =	ssettag $0x1  }
0x1: {  	s0 =	srdreg.scid;
	s13 =	rddreg [dreg:$0x0]  }
0x2: {  	s2 =	rddreg [dreg:$0x1];
	s3 =	simm.s32 $0x0;
	s14 =	simm.s32 $0xD7600  }
0x3: {  	s16 =	simm.s32 $0x2800;
	s17 =	simm.s32 $0x80;
	s18 =	simm.s32 $0x6800  }
0x4: {  	s19 =	simm.s32 $0x1;
	s20 =	simm.s32 $0x2;
	s23 =	simm.s32 $0x0  }
0x5: {  	s10 =	sand.u32 $0x1, s0;
	s0 =	stileid.u32;
	[smem:$0x7FF] =	sst s3  }
0x6: {  	s1 =	sshll.u32 s10, $0x4;
	s5 =	smul.u32 $0x4F000, s0;
	s6 =	ssub.s32 $0x2, s10  }
0x7: {  	p0 =	seq.s32 s10, $0x1;
	s15 =	smul.u32 $0x2780, s0;
	s21 =	sshll.u32 s0, $0x6  }
0x8: {  	s4 =	sor.u32 s0, s1;
	s1 =	rddreg [dreg:$0x2];
	_ =	strace $0x80000053  }
0x9: {  	s8 =	sshrl.u32 s6, $0x1;
	s14 =	simm.s32 @!p0 $0xAFE00;
	s4 =	smul.u32 $0x280, s4  }
0xa: {  	s21 =	sor.u32 $0x1C03, s21;
	s5 =	sshrl.u32 s5, $0x2;
	s12 =	ssub.s32 s6, s8  }
0xb: {  	s5 =	sadd.s32 s5, s2;
	s12 =	smax.u32 s12, $0x1;
	s7 =	sadd.s32 s4, s13  }
0xc: {  	s4 =	sadd.s32 $0x61A00, s13;
	s8 =	sadd.s32 $0x4000, s5;
	s9 =	sadd.s32 $0x8000, s5  }
0xd: {  	s10 =	sadd.s32 $0xC000, s5;
	s11 =	sadd.s32 $0x10000, s5;
	s13 =	sadd.s32 s14, s13  }
0xe: {  	s14 =	simm.s32 $0x3;
	s22 =	sshrl.u32 s5, $0x3;
	s6 =	sadd.s32 $0xDA00, s7  }
0xf: {  	v0 =	vimm.f32 $0.0e+00;
	s7 =	sadd.s32 $0x8A00, s7;
	s13 =	sadd.s32 s13, s15;
	s15 =	simm.s32 $0x1400  }
.LBB2_1:
0x10: {  	[tilespmem:s3], [sflag:$0x3] =	stream.linear.gather [hbm4b:s6+s3], $0x1400, $0x38;
	[tilespmem:$0x1E400] =	vst v63  }
0x11: {  	_ =	swait.ge [sflag:s14], $0x1400  }
0x12: {  	[sflag:s14] =	ssyncset.done $0x0  }
0x13: {  	[sflag:s14] =	ssyncadd.s32 $0xFFFFEC00  }
0x14: {  	[tilespmem:s15], [sflag:$0x3] =	stream.linear.gather [hbm4b:s7+s3], $0x1400, $0x38;
	[tilespmem:$0x1E400] =	vst v63  }
0x15: {  	_ =	swait.ge [sflag:s14], $0x1400  }
0x16: {  	[sflag:s14] =	ssyncset.done $0x0  }
0x17: {  	s24 =	simm.s32 $0x0;
	s25 =	simm.s32 $0x200;
	[sflag:s14] =	ssyncadd.s32 $0xFFFFEC00  }
.LBB2_2:
0x18: {  	p0 =	sne.s32 s25, $0xFE00;
	[tilespmem:s24+$0x2870] =	vst v0  }
0x19: {  	[tilespmem:s24+$0x2800] =	vst v0  }
0x1a: {  	[tilespmem:s24+$0x2810] =	vst v0  }
.Ltmp0:
0x1b: {  	[tilespmem:s24+$0x2820] =	vst v0;
	(pc) =	sbr.rel @p0 .LBB2_2-.Ltmp0, $4  }
0x1c: {  	[tilespmem:s24+$0x2830] =	vst v0  }
0x1d: {  	[tilespmem:s24+$0x2840] =	vst v0  }
0x1e: {  	[tilespmem:s24+$0x2850] =	vst v0  }
0x1f: {  	[tilespmem:s24+$0x2860] =	vst v0;
	s24 =	sshra.s32 s25, $0x2;
	s25 =	sadd.s32 $0x200, s25  }
0x20: {  	[tilespmem:s24+$0x2870] =	vst v0  }
0x21: {  	[tilespmem:s24+$0x2800] =	vst v0  }
0x22: {  	[tilespmem:s24+$0x2810] =	vst v0  }
0x23: {  	[tilespmem:s24+$0x2820] =	vst v0  }
0x24: {  	[tilespmem:s24+$0x2830] =	vst v0  }
0x25: {  	[tilespmem:s24+$0x2840] =	vst v0  }
0x26: {  	[tilespmem:s24+$0x2850] =	vst v0  }
0x27: {  	[tilespmem:s24+$0x2860] =	vst v0  }
0x28: {  	[spmem:s5] =	stream.linear.scatter [tilespmem:s16], [sflag:$0x3], $0x4000, $0x38;
	[tilespmem:$0x1E400] =	vst v63  }
0x29: {  	_ =	swait.ge [sflag:s14], $0x4000  }
0x2a: {  	[sflag:s14] =	ssyncset.done $0x0  }
0x2b: {  	[sflag:s14] =	ssyncadd.s32 $0xFFFFC000  }
0x2c: {  	[spmem:s8] =	stream.linear.scatter [tilespmem:s16], [sflag:$0x3], $0x4000, $0x38;
	[tilespmem:$0x1E400] =	vst v63  }
0x2d: {  	_ =	swait.ge [sflag:s14], $0x4000  }
0x2e: {  	[sflag:s14] =	ssyncset.done $0x0  }
0x2f: {  	[sflag:s14] =	ssyncadd.s32 $0xFFFFC000  }
0x30: {  	[spmem:s9] =	stream.linear.scatter [tilespmem:s16], [sflag:$0x3], $0x4000, $0x38;
	[tilespmem:$0x1E400] =	vst v63  }
0x31: {  	_ =	swait.ge [sflag:s14], $0x4000  }
0x32: {  	[sflag:s14] =	ssyncset.done $0x0  }
0x33: {  	[sflag:s14] =	ssyncadd.s32 $0xFFFFC000  }
0x34: {  	[spmem:s10] =	stream.linear.scatter [tilespmem:s16], [sflag:$0x3], $0x4000, $0x38;
	[tilespmem:$0x1E400] =	vst v63  }
0x35: {  	_ =	swait.ge [sflag:s14], $0x4000  }
0x36: {  	[sflag:s14] =	ssyncset.done $0x0  }
0x37: {  	[sflag:s14] =	ssyncadd.s32 $0xFFFFC000  }
0x38: {  	[spmem:s11] =	stream.linear.scatter [tilespmem:s16], [sflag:$0x3], $0x3C00, $0x38;
	[tilespmem:$0x1E400] =	vst v63  }
0x39: {  	_ =	swait.ge [sflag:s14], $0x3C00  }
0x3a: {  	[sflag:s14] =	ssyncset.done $0x0  }
0x3b: {  	[sflag:s14] =	ssyncadd.s32 $0xFFFFC400  }
0x3c: {  	s28 =	simm.s32 $0x0;
	[bflag:$0x0] =	sbarrier.arrive $0xFFFF  }
0x3d: {  	[tilespmem:s16], [sflag:$0x1] =	stream.indirect.gather [hbm4b:s4+s17], $0x80, s28, s17, $0xb8;
	[tilespmem:$0x1E400] =	vst v63  }
0x3e: {  	s29 =	simm.s32 $0x80  }
0x3f: {  	[tilespmem:s18], [sflag:$0x2] =	stream.indirect.gather [hbm4b:s4+s17], $0x80, s29, s17, $0xb8;
	[tilespmem:$0x1E400] =	vst v63  }
0x40: {  	_ =	swait.ge [sflag:s19], $0x4000  }
0x41: {  	[sflag:s19] =	ssyncset.done $0x0  }
0x42: {  	s30 =	simm.s32 $0x1400;
	[sflag:s19] =	ssyncadd.s32 $0xFFFFC000  }
0x43: {  	[spmem:s2] =	stream.indirect.scatter.add.f32 [tilespmem:s16], [sflag:$0x3], $0x80, s30, s17, $0xb8;
	[tilespmem:$0x1E400] =	vst v63  }
0x44: {  	_ =	swait.ge [sflag:s14], $0x4000  }
0x45: {  	[sflag:s14] =	ssyncset.done $0x0  }
0x46: {  	[sflag:s14] =	ssyncadd.s32 $0xFFFFC000  }
0x47: {  	_ =	swait.ge [sflag:s20], $0x4000  }
0x48: {  	[sflag:s20] =	ssyncset.done $0x0  }
0x49: {  	s31 =	simm.s32 $0x1480;
	[sflag:s20] =	ssyncadd.s32 $0xFFFFC000  }
0x4a: {  	[spmem:s2] =	stream.indirect.scatter.add.f32 [tilespmem:s18], [sflag:$0x3], $0x80, s31, s17, $0xb8;
	[tilespmem:$0x1E400] =	vst v63  }
0x4b: {  	_ =	swait.ge [sflag:s14], $0x4000  }
0x4c: {  	s24 =	simm.s32 $0x400;
	s25 =	simm.s32 $0x800;
	[sflag:s14] =	ssyncset.done $0x0  }
.LBB2_4:
0x4d: {  	s26 =	sshra.s32 s24, $0x2  }
0x4e: {  	[sflag:s14] =	ssyncadd.s32 $0xFFFFC000;
	s24 =	smov.u32 s25;
	s28 =	sadd.s32 $0x400, s25  }
0x4f: {  	[tilespmem:s16], [sflag:$0x1] =	stream.indirect.gather [hbm4b:s4+s17], $0x80, s26, s17, $0xb8;
	[tilespmem:$0x1E400] =	vst v63  }
0x50: {  	p0 =	sne.s32 s25, $0x4C00;
	s25 =	sadd.s32 $0x80, s26  }
0x51: {  	[tilespmem:s18], [sflag:$0x2] =	stream.indirect.gather [hbm4b:s4+s17], $0x80, s25, s17, $0xb8;
	[tilespmem:$0x1E400] =	vst v63  }
0x52: {  	_ =	swait.ge [sflag:s19], $0x4000  }
0x53: {  	[sflag:s19] =	ssyncset.done $0x0  }
0x54: {  	s25 =	sadd.s32 $0x1400, s26;
	[sflag:s19] =	ssyncadd.s32 $0xFFFFC000  }
0x55: {  	[spmem:s2] =	stream.indirect.scatter.add.f32 [tilespmem:s16], [sflag:$0x3], $0x80, s25, s17, $0xb8;
	[tilespmem:$0x1E400] =	vst v63  }
0x56: {  	_ =	swait.ge [sflag:s14], $0x4000  }
0x57: {  	[sflag:s14] =	ssyncset.done $0x0  }
0x58: {  	[sflag:s14] =	ssyncadd.s32 $0xFFFFC000  }
0x59: {  	_ =	swait.ge [sflag:s20], $0x4000  }
.Ltmp1:
0x5a: {  	[sflag:s20] =	ssyncset.done $0x0;
	(pc) =	sbr.rel @p0 .LBB2_4-.Ltmp1, $4  }
0x5b: {  	s25 =	sadd.s32 $0x1480, s26;
	[sflag:s20] =	ssyncadd.s32 $0xFFFFC000  }
0x5c: {  	[spmem:s2] =	stream.indirect.scatter.add.f32 [tilespmem:s18], [sflag:$0x3], $0x80, s25, s17, $0xb8;
	[tilespmem:$0x1E400] =	vst v63  }
0x5d: {  	_ =	swait.ge [sflag:s14], $0x4000  }
0x5e: {  	s25 =	smov.u32 s28;
	[sflag:s14] =	ssyncset.done $0x0  }
0x5f: {  	s24 =	sshra.s32 s24, $0x2;
	[sflag:s14] =	ssyncadd.s32 $0xFFFFC000  }
0x60: {  	[tilespmem:s16], [sflag:$0x1] =	stream.indirect.gather [hbm4b:s4+s17], $0x80, s24, s17, $0xb8;
	[tilespmem:$0x1E400] =	vst v63  }
0x61: {  	s25 =	sadd.s32 $0x80, s24  }
0x62: {  	[tilespmem:s18], [sflag:$0x2] =	stream.indirect.gather [hbm4b:s4+s17], $0x80, s25, s17, $0xb8;
	[tilespmem:$0x1E400] =	vst v63  }
0x63: {  	_ =	swait.ge [sflag:s19], $0x4000  }
0x64: {  	[sflag:s19] =	ssyncset.done $0x0  }
0x65: {  	s31 =	sadd.s32 $0x1400, s24;
	[sflag:s19] =	ssyncadd.s32 $0xFFFFC000  }
0x66: {  	[spmem:s2] =	stream.indirect.scatter.add.f32 [tilespmem:s16], [sflag:$0x3], $0x80, s31, s17, $0xb8;
	[tilespmem:$0x1E400] =	vst v63  }
0x67: {  	_ =	swait.ge [sflag:s14], $0x4000  }
0x68: {  	[sflag:s14] =	ssyncset.done $0x0  }
0x69: {  	[sflag:s14] =	ssyncadd.s32 $0xFFFFC000  }
0x6a: {  	_ =	swait.ge [sflag:s20], $0x4000  }
0x6b: {  	[sflag:s20] =	ssyncset.done $0x0  }
0x6c: {  	s24 =	sadd.s32 $0x1480, s24;
	[sflag:s20] =	ssyncadd.s32 $0xFFFFC000  }
0x6d: {  	[spmem:s2] =	stream.indirect.scatter.add.f32 [tilespmem:s18], [sflag:$0x3], $0x80, s24, s17, $0xb8;
	[tilespmem:$0x1E400] =	vst v63  }
0x6e: {  	_ =	swait.ge [sflag:s14], $0x4000  }
0x6f: {  	s23 =	sadd.s32 $0x1, s23;
	[sflag:s14] =	ssyncset.done $0x0  }
0x70: {  	p0 =	sne.s32 s23, s12;
	[sflag:s14] =	ssyncadd.s32 $0xFFFFC000  }
.Ltmp2:
0x71: {  	[bflag:$0x0] =	sbarrier.arrive $0xFFFF;
	(pc) =	sbr.rel @p0 .LBB2_1-.Ltmp2, $4  }
0x72: {  	[hbm:s13], [sflag:s21] =	dma.local [spmem:s22], $0x2780  }
0x73: {  	_ =	swait.ge [sflag:s14], $0x2780  }
0x74: {  	[sflag:s14] =	ssyncset.done $0x0  }
0x75: {  	[sflag:s14] =	ssyncadd.s32 $0xFFFFD880  }
0x76: {  	_ =	sfence.sel $0x180000  }
0x77: {  	[bflag:$0x0] =	sbarrier.arrive $0xFFFF  }
0x78: {  	p0 =	sne.s32 s0, $0x0;
	_ =	strace $0x90000053  }
0x79: {  	s0 =	sadd.s32 @!p0 $0x100000, s1;
	[bflag:$0x2] =	sbarrier.arrive $0xFFFF  }
0x7a: {  	[sflag:s0] =	ssyncadd.tile.s32 @!p0 $0x1;
	_ =	shalt  }
.Lfunc_end2:
_tile_overlayer_lowered:
.L_overlay_start_2:
0x7b: {  	(tag) =	ssettag $0x2  }
0x7c: {  	s0 =	rddreg [dreg:$0x0];
	s2 =	stileid.u32  }
0x7d: {  	s1 =	rddreg [dreg:$0x1];
	p0 =	sne.s32 s2, $0x0  }
0x7e: {  	s3 =	rddreg [dreg:$0x2];
	[bflag:$0x3] =	sbarrier.arrive $0xFFFF;
	s2 =	simm.s32 @!p0 $0x1C03  }
0x7f: {  	[timem:s3], [sflag:s2] =	dma.local @!p0 [hbm:s0], s1  }
0x80: {  	s0 =	simm.s32 @!p0 $0x3  }
0x81: {  	_ =	swait.ge @!p0 [sflag:s0], s1  }
0x82: {  	s1 =	ssub.s32 @!p0 $0x0, s1;
	[sflag:s0] =	ssyncset.done @!p0 $0x0  }
0x83: {  	[sflag:s0] =	ssyncadd.s32 @!p0 s1  }
0x84: {  	[bflag:$0x3] =	sbarrier.arrive $0xFFFF  }
0x85: {  	_ =	shalt  }

// kernel: kernel.30.cloned.1.call-start
scs
__scs_entry_jumppad:
0x0: {  	(pc) =	sbr.rel $0x88, $3  }
0x1: {  	(tag) =	ssettag $0x0;
	lr =	simm.s32 $0x1  }
0x2: {  	[smem:$0x3F97] =	sst lr;
	_ =	strace $0xD0000000  }
0x3: {  	_ = 	snop  }
0x4: {  	_ = 	snop  }
0x5: {  	_ = 	snop  }
0x6: {  	_ = 	snop  }
0x7: {  	_ = 	snop  }
__scs_overlays_trampoline_lowered:
0x8: {  	[smem:$0x3FA6] =	sst s0  }
0x9: {  	[smem:$0x3FA7] =	sst s1  }
0xa: {  	[smem:$0x3FA8] =	sst s2  }
0xb: {  	[smem:$0x3FA9] =	sst s3  }
0xc: {  	[smem:$0x3FAA] =	sst s4  }
0xd: {  	[smem:$0x3FAB] =	sst s5  }
0xe: {  	[smem:$0x3FAC] =	sst s6  }
0xf: {  	[smem:$0x3FAD] =	sst s7  }
0x10: {  	[smem:$0x3FAE] =	sst s8  }
0x11: {  	[smem:$0x3FAF] =	sst s9;
	s0 =	simm.s32 @!p0 $0x0  }
0x12: {  	s1 =	sld [smem:$0x3F95];
	s0 =	simm.s32 @p0 $0x1  }
0x13: {  	[smem:$0x3FB0] =	sst s0;
	s0 =	simm.s32 @!p1 $0x0  }
0x14: {  	s2 =	sld [smem:$0x3F94];
	s0 =	simm.s32 @p1 $0x1  }
0x15: {  	[smem:$0x3FB1] =	sst s0;
	s0 =	simm.s32 @!p2 $0x0  }
0x16: {  	s3 =	sld [smem:$0x3FDB];
	s0 =	simm.s32 @p2 $0x1  }
0x17: {  	s4 =	simm.s32 $0x1BF5;
	[smem:$0x3FB3] =	sst s0  }
0x18: {  	s0 =	sld [smem:$0x3F96];
	_ =	swait.ge [sflag:s4], $0x0  }
0x19: {  	s7 =	sld [smem:$0x3F97]  }
0x1a: {  	s8 =	sadd.s32 $0xFFFFE003, lr  }
0x1b: {  	s9 =	sadd.s32 $0xFFFFFEF7, lr;
	s5 =	simm.s32 $0xFFFFFFFF;
	p2 =	slt.u32 s8, $0xFFFFF086  }
0x1c: {  	p1 =	slt.u32 s9, $0xF7A;
	s5 =	simm.s32 @!p2 $0x0  }
0x1d: {  	s5 =	simm.s32 @p1 $0x1;
	p0 =	seq.s32 s7, s2  }
0x1e: {  	s7 =	smul.u32 @!p0 $0xF7A, s2;
	p2 =	seq.s32 @!p0 s5, $0x0  }
0x1f: {  	s9 =	smul.u32 $0xF7A, s1;
	s8 =	simm.s32 @!p0 $0x1BF5;
	p2 =	por !p2, p0  }
0x20: {  	[sflag:s8] =	ssyncset.s32 @!p0 $0xFFFFF086;
	s6 =	sadd.s32 @!p0 s3, s7;
	s7 =	simm.s32 @!p0 $0x108  }
0x21: {  	s3 =	sadd.s32 s3, s9;
	s6 =	sadd.s32 @!p0 $0x88, s6;
	s7 =	simm.s32 @p2 $0x1082  }
0x22: {  	[simem:s7], [sflag:s8] =	dma.local @!p0 [hbm:s6], $0xF7A  }
0x23: {  	s9 =	sor.u32 $0xD0000000, s2;
	s6 =	simm.s32 $0x108;
	_ =	swait.ge @!p0 [sflag:s8], $0x0  }
0x24: {  	s3 =	sadd.s32 $0x88, s3;
	s6 =	simm.s32 @!p1 $0x1082;
	[sflag:s4] =	ssyncset.s32 $0xFFFFF086  }
0x25: {  	[simem:s6], [sflag:s4] =	dma.local [hbm:s3], $0xF7A  }
0x26: {  	[smem:$0x3F97] =	sst s1;
	(tag) =	ssettag s2;
	_ =	strace s9  }
0x27: {  	s1 =	sld [smem:$0x3FA7]  }
0x28: {  	s2 =	sld [smem:$0x3FA8]  }
0x29: {  	s4 =	sld [smem:$0x3FAA]  }
0x2a: {  	p0 =	seq.s32 s5, $0x0;
	s5 =	sld [smem:$0x3FAB]  }
0x2b: {  	s6 =	sld [smem:$0x3FAC]  }
0x2c: {  	s7 =	sld [smem:$0x3FAD]  }
0x2d: {  	s3 =	simm.s32 $0x108;
	s8 =	sld [smem:$0x3FAE]  }
0x2e: {  	s3 =	simm.s32 @!p0 $0x1082;
	s9 =	sld [smem:$0x3FAF]  }
0x2f: {  	lr =	sadd.s32 s0, s3;
	s0 =	sld [smem:$0x3FA6]  }
0x30: {  	s3 =	sld [smem:$0x3FA9]  }
0x31: {  	[smem:$0x3FB2] =	sst s10  }
0x32: {  	s10 =	sld [smem:$0x3FB0];
	_ =	sdelay $0x3  }
0x33: {  	p0 =	seq.s32 s10, $0x1;
	s10 =	sld [smem:$0x3FB2];
	_ =	sdelay $0x3  }
0x34: {  	[smem:$0x3FB2] =	sst s10  }
0x35: {  	s10 =	sld [smem:$0x3FB1];
	_ =	sdelay $0x3  }
0x36: {  	p1 =	seq.s32 s10, $0x1;
	s10 =	sld [smem:$0x3FB2];
	_ =	sdelay $0x3  }
0x37: {  	[smem:$0x3FB2] =	sst s10  }
0x38: {  	s10 =	sld [smem:$0x3FB3]  }
0x39: {  	_ = 	snop;
	(pc) =	sbr.ind lr, $3  }
0x3a: {  	_ = 	snop  }
0x3b: {  	_ = 	snop  }
0x3c: {  	p2 =	seq.s32 s10, $0x1;
	s10 =	sld [smem:$0x3FB2]  }
0x3d: {  	_ =	shalt  }
0x3e: {  	_ =	shalt  }
0x3f: {  	_ =	shalt  }
0x40: {  	_ =	shalt  }
0x41: {  	_ =	shalt  }
0x42: {  	_ =	shalt  }
0x43: {  	_ =	shalt  }
0x44: {  	_ =	shalt  }
0x45: {  	_ =	shalt  }
0x46: {  	_ =	shalt  }
0x47: {  	_ =	shalt  }
0x48: {  	_ =	shalt  }
0x49: {  	_ =	shalt  }
0x4a: {  	_ =	shalt  }
0x4b: {  	_ =	shalt  }
0x4c: {  	_ =	shalt  }
0x4d: {  	_ =	shalt  }
0x4e: {  	_ =	shalt  }
0x4f: {  	_ =	shalt  }
0x50: {  	_ =	shalt  }
0x51: {  	_ =	shalt  }
0x52: {  	_ =	shalt  }
0x53: {  	_ =	shalt  }
0x54: {  	_ =	shalt  }
0x55: {  	_ =	shalt  }
0x56: {  	_ =	shalt  }
0x57: {  	_ =	shalt  }
0x58: {  	_ =	shalt  }
0x59: {  	_ =	shalt  }
0x5a: {  	_ =	shalt  }
0x5b: {  	_ =	shalt  }
0x5c: {  	_ =	shalt  }
0x5d: {  	_ =	shalt  }
0x5e: {  	_ =	shalt  }
0x5f: {  	_ =	shalt  }
0x60: {  	_ =	shalt  }
0x61: {  	_ =	shalt  }
0x62: {  	_ =	shalt  }
0x63: {  	_ =	shalt  }
0x64: {  	_ =	shalt  }
0x65: {  	_ =	shalt  }
0x66: {  	_ =	shalt  }
0x67: {  	_ =	shalt  }
0x68: {  	_ =	shalt  }
0x69: {  	_ =	shalt  }
0x6a: {  	_ =	shalt  }
0x6b: {  	_ =	shalt  }
0x6c: {  	_ =	shalt  }
0x6d: {  	_ =	shalt  }
0x6e: {  	_ =	shalt  }
0x6f: {  	_ =	shalt  }
0x70: {  	_ =	shalt  }
0x71: {  	_ =	shalt  }
0x72: {  	_ =	shalt  }
0x73: {  	_ =	shalt  }
0x74: {  	_ =	shalt  }
0x75: {  	_ =	shalt  }
0x76: {  	_ =	shalt  }
0x77: {  	_ =	shalt  }
0x78: {  	_ =	shalt  }
0x79: {  	_ =	shalt  }
0x7a: {  	_ =	shalt  }
0x7b: {  	_ =	shalt  }
0x7c: {  	_ =	shalt  }
0x7d: {  	_ =	shalt  }
0x7e: {  	_ =	shalt  }
0x7f: {  	_ =	shalt  }
0x80: {  	_ =	shalt  }
0x81: {  	_ =	shalt  }
0x82: {  	_ =	shalt  }
0x83: {  	_ =	shalt  }
0x84: {  	_ =	shalt  }
0x85: {  	_ =	shalt  }
0x86: {  	_ =	shalt  }
0x87: {  	_ =	shalt  }
.Lfunc_end0:
.L_simem_size_0:
called_computation.5_lowered:
.L_overlay_start_0:
0x88: {  	s2 =	sld [smem:$0x3FD9]  }
0x89: {  	s3 =	sld [smem:$0x3FFE];
	_ =	sdelay $0x1  }
0x8a: {  	s1 =	srdreg.scid  }
0x8b: {  	s0 =	sand.u32 $0x1, s1  }
0x8c: {  	s17 =	sshll.u32 s0, $0xA;
	s2 =	sadd.s32 s3, s2  }
0x8d: {  	s2 =	sadd.s32 s2, s17  }
0x8e: {  	[smem:$0x3FBE] =	sst s2  }
0x8f: {  	_ = 	snop  }
0x90: {  	s18 =	sld [smem:$0x3FD0];
	(tm) =	ssettm $0x1  }
0x91: {  	s19 =	sld [smem:$0x3FFB];
	_ =	sdelay $0x3  }
0x92: {  	_ =	strace s19  }
0x93: {  	s2 =	sld [smem:$0x3FFC];
	_ =	sdelay $0x3  }
0x94: {  	_ =	strace s2  }
0x95: {  	s2 =	sld [smem:$0x3FFD];
	_ =	sdelay $0x3  }
0x96: {  	_ =	strace s2  }
0x97: {  	_ =	strace $0x8FFFFFFF  }
0x98: {  	s20 =	sld [smem:$0x3FDB];
	_ =	sdelay $0x1  }
0x99: {  	s4 =	simm.s32 $_scs_section_size  }
0x9a: {  	s5 =	simm.s32 $_size__tile_overlayer_lowered;
	s6 =	simm.s32 $_tile_overlayer_lowered  }
0x9b: {  	s7 =	simm.s32 $0x1BFF;
	s21 =	sshll.u32 s6, $0x1;
	s4 =	sadd.s32 s4, s20  }
0x9c: {  	s22 =	simm.s32 $0x0;
	s5 =	sshll.u32 s5, $0x1;
	s6 =	sadd.s32 s21, s4  }
0x9d: {  	[timem:s22], [sflag:s7] =	dma.local [hbm:s6], s5  }
0x9e: {  	_ =	swait.ge [sflag:s7], s5  }
0x9f: {  	s5 =	ssub.s32 $0x0, s5;
	[sflag:s7] =	ssyncset.done $0x0  }
0xa0: {  	[sflag:s7] =	ssyncadd.s32 s5;
	_ =	sdelay $0x1  }
0xa1: {  	s23 =	simm.s32 $0x1B8B  }
0xa2: {  	_ =	swait.ge [sflag:s23], $0x1  }
0xa3: {  	[sflag:s23] =	ssyncset.done $0x0  }
0xa4: {  	[sflag:s23] =	ssyncadd.s32 $0xFFFFFFFF  }
0xa5: {  	s5 =	sld [smem:$0x0]  }
0xa6: {  	s6 =	sand.u32 $0xFFFFFFFE, s1  }
0xa7: {  	p0 =	sne.s32 s1, s6  }
0xa8: {  	s6 =	sshll.u32 @p0 s6, $0xE  }
0xa9: {  	s6 =	sadd.s32 @p0 $0x11B8D, s6;
	s7 =	sshll.u32 @p0 s5, $0x11  }
0xaa: {  	s6 =	sor.u32 @p0 s7, s6  }
0xab: {  	[sflag:s6] =	ssyncadd.remote.s32 @p0 $0x1;
	_ =	sdelay $0x1  }
0xac: {  	s6 =	simm.s32 @p0 $0x1B8D  }
0xad: {  	_ =	swait.eq @p0 [sflag:s6], $0x1  }
0xae: {  	[sflag:s6] =	ssyncadd.s32 @p0 $0xFFFFFFFF  }
0xaf: {  	s7 =	sshll.u32 @!p0 s1, $0xE  }
0xb0: {  	s7 =	sor.u32 @!p0 $0x4000, s7;
	s6 =	simm.s32 @!p0 $0x1B8D  }
0xb1: {  	s5 =	sshll.u32 @!p0 s5, $0x11;
	s7 =	sadd.s32 @!p0 $0x11B8D, s7;
	_ =	swait.eq @!p0 [sflag:s6], $0x1  }
0xb2: {  	s5 =	sor.u32 @!p0 s5, s7;
	[sflag:s6] =	ssyncadd.s32 @!p0 $0xFFFFFFFF  }
0xb3: {  	s25 =	simm.s32 $0x1B8E;
	s24 =	sld [smem:$0x3FFE];
	[sflag:s5] =	ssyncadd.remote.s32 @!p0 $0x1  }
0xb4: {  	s26 =	simm.s32 $execute0_lowered;
	[smem:$0x3FD2] =	sst s25  }
0xb5: {  	s6 =	sshll.u32 s26, $0x1;
	_ =	strace $0x80000055;
	[dreg:$0x1] =	wrdreg $0xFFFFFFFF  }
0xb6: {  	s28 =	simm.s32 $_size_execute0_lowered;
	s4 =	sadd.s32 s4, s6;
	[dreg:$0x0] =	wrdreg $0x0  }
0xb7: {  	s6 =	sshll.u32 s28, $0x1;
	[dreg:$0x2] =	wrdreg s4  }
0xb8: {  	[dreg:$0x3] =	wrdreg s6  }
0xb9: {  	[dreg:$0x4] =	wrdreg $0xC0  }
0xba: {  	_ =	task [dreg:s22], $0x5FFFF  }
0xbb: {  	[dreg:$0x1] =	wrdreg $0xFFFFFFFF  }
0xbc: {  	[dreg:$0x0] =	wrdreg $0x60  }
0xbd: {  	[dreg:$0x2] =	wrdreg s24  }
0xbe: {  	[dreg:$0x3] =	wrdreg s18  }
0xbf: {  	[dreg:$0x4] =	wrdreg $0xA8000  }
0xc0: {  	[dreg:$0x5] =	wrdreg $0xA  }
0xc1: {  	_ =	task.clear_ibuf [dreg:s22], $0x6FFFF;
	_ =	strace $0x90000055  }
0xc2: {  	s29 =	simm.s32 $0xA;
	_ =	strace $0x80000057  }
0xc3: {  	_ =	swait.ge [sflag:s29], $0x1  }
0xc4: {  	[sflag:s29] =	ssyncadd.s32 $0xFFFFFFFF  }
0xc5: {  	_ =	strace $0x90000057  }
0xc6: {  	_ =	sfence  }
0xc7: {  	s30 =	sld [smem:$0x0];
	_ =	sdelay $0x2  }
0xc8: {  	s31 =	sshll.u32 s1, $0xD;
	s1 =	sshrl.u32 s1, $0x2  }
0xc9: {  	s4 =	sand.u32 $0x4000, s31;
	s1 =	sadd.s32 s1, s30  }
0xca: {  	s0 =	sor.u32 s4, s0;
	s1 =	sshll.u32 s1, $0x11  }
0xcb: {  	s0 =	sor.u32 s1, s0  }
0xcc: {  	s0 =	sadd.s32 $0x8F2B, s0  }
0xcd: {  	[sflag:s0] =	ssyncadd.remote.s32 $0x1  }
0xce: {  	_ =	sfence.sel $0xFFFF  }
0xcf: {  	[dreg:$0x0] =	wrdreg $0xFFFFFFFF;
	(pc) =	sbr.abs _section_cstart, $3  }
0xd0: {  	[dreg:$0x1] =	wrdreg $0xFFFFFFFF  }
0xd1: {  	_ =	task.clear_ibuf [dreg:s22], $0x2FFFF;
	_ =	strace $0x9FFFFFFF  }
0xd2: {  	(tm) =	ssettm $0x7FFFFFFF  }
0xd3: {  	_ =	shalt  }
tec
execute0_lowered:
.L_overlay_start_1:
0x0: {  	(tag) =	ssettag $0x1  }
0x1: {  	s5 =	rddreg [dreg:$0x0]  }
0x2: {  	s0 =	srdreg.scid;
	s13 =	rddreg [dreg:$0x1]  }
0x3: {  	s2 =	rddreg [dreg:$0x2];
	s1 =	stileid.u32  }
0x4: {  	s3 =	simm.s32 $0x0;
	s16 =	simm.s32 $0x2800;
	s17 =	simm.s32 $0x80  }
0x5: {  	s18 =	simm.s32 $0x6800;
	s19 =	simm.s32 $0x1;
	s20 =	simm.s32 $0x2  }
0x6: {  	s23 =	simm.s32 $0x0;
	s11 =	sand.u32 $0x1, s0;
	s0 =	rddreg [dreg:$0x3]  }
0x7: {  	[smem:$0x7FF] =	sst s3;
	s6 =	smul.u32 $0x4F000, s1;
	s14 =	sadd.s32 $0xFEE00, s5  }
0x8: {  	s15 =	smul.u32 $0x2780, s1;
	s21 =	sshll.u32 s1, $0x6;
	s4 =	sshll.u32 s11, $0x4  }
0x9: {  	_ =	strace $0x80000056;
	s8 =	ssub.s32 $0x2, s11;
	p0 =	seq.s32 s11, $0x1  }
0xa: {  	s21 =	sor.u32 $0x1C03, s21;
	s4 =	sor.u32 s1, s4;
	s31 =	sshrl.u32 s8, $0x1  }
0xb: {  	s6 =	sshrl.u32 s6, $0x2;
	s13 =	smov.u32 @p0 s14;
	s14 =	simm.s32 $0x3  }
0xc: {  	s4 =	smul.u32 $0x280, s4;
	s12 =	ssub.s32 s8, s31;
	s6 =	sadd.s32 s6, s2  }
0xd: {  	s13 =	sadd.s32 s13, s15;
	s15 =	simm.s32 $0x1400;
	s8 =	sadd.s32 $0x4000, s6  }
0xe: {  	s9 =	sadd.s32 $0x8000, s6;
	s10 =	sadd.s32 $0xC000, s6;
	s11 =	sadd.s32 $0x10000, s6  }
0xf: {  	s12 =	smax.u32 s12, $0x1;
	s22 =	sshrl.u32 s6, $0x3;
	s7 =	sadd.s32 s4, s5  }
0x10: {  	v0 =	vimm.f32 $0.0e+00;
	s4 =	sadd.s32 $0x88C00, s5;
	s5 =	sadd.s32 $0xDA00, s7;
	s7 =	sadd.s32 $0x8A00, s7  }
.LBB2_1:
0x11: {  	[tilespmem:s3], [sflag:$0x3] =	stream.linear.gather [hbm4b:s5+s3], $0x1400, $0x38;
	[tilespmem:$0x1E400] =	vst v63  }
0x12: {  	_ =	swait.ge [sflag:s14], $0x1400  }
0x13: {  	[sflag:s14] =	ssyncset.done $0x0  }
0x14: {  	[sflag:s14] =	ssyncadd.s32 $0xFFFFEC00  }
0x15: {  	[tilespmem:s15], [sflag:$0x3] =	stream.linear.gather [hbm4b:s7+s3], $0x1400, $0x38;
	[tilespmem:$0x1E400] =	vst v63  }
0x16: {  	_ =	swait.ge [sflag:s14], $0x1400  }
0x17: {  	[sflag:s14] =	ssyncset.done $0x0  }
0x18: {  	s24 =	simm.s32 $0x0;
	s25 =	simm.s32 $0x200;
	[sflag:s14] =	ssyncadd.s32 $0xFFFFEC00  }
.LBB2_2:
0x19: {  	p0 =	sne.s32 s25, $0xFE00;
	[tilespmem:s24+$0x2870] =	vst v0  }
0x1a: {  	[tilespmem:s24+$0x2800] =	vst v0  }
0x1b: {  	[tilespmem:s24+$0x2810] =	vst v0  }
.Ltmp0:
0x1c: {  	[tilespmem:s24+$0x2820] =	vst v0;
	(pc) =	sbr.rel @p0 .LBB2_2-.Ltmp0, $4  }
0x1d: {  	[tilespmem:s24+$0x2830] =	vst v0  }
0x1e: {  	[tilespmem:s24+$0x2840] =	vst v0  }
0x1f: {  	[tilespmem:s24+$0x2850] =	vst v0  }
0x20: {  	[tilespmem:s24+$0x2860] =	vst v0;
	s24 =	sshra.s32 s25, $0x2;
	s25 =	sadd.s32 $0x200, s25  }
0x21: {  	[tilespmem:s24+$0x2870] =	vst v0  }
0x22: {  	[tilespmem:s24+$0x2800] =	vst v0  }
0x23: {  	[tilespmem:s24+$0x2810] =	vst v0  }
0x24: {  	[tilespmem:s24+$0x2820] =	vst v0  }
0x25: {  	[tilespmem:s24+$0x2830] =	vst v0  }
0x26: {  	[tilespmem:s24+$0x2840] =	vst v0  }
0x27: {  	[tilespmem:s24+$0x2850] =	vst v0  }
0x28: {  	[tilespmem:s24+$0x2860] =	vst v0  }
0x29: {  	[spmem:s6] =	stream.linear.scatter [tilespmem:s16], [sflag:$0x3], $0x4000, $0x38;
	[tilespmem:$0x1E400] =	vst v63  }
0x2a: {  	_ =	swait.ge [sflag:s14], $0x4000  }
0x2b: {  	[sflag:s14] =	ssyncset.done $0x0  }
0x2c: {  	[sflag:s14] =	ssyncadd.s32 $0xFFFFC000  }
0x2d: {  	[spmem:s8] =	stream.linear.scatter [tilespmem:s16], [sflag:$0x3], $0x4000, $0x38;
	[tilespmem:$0x1E400] =	vst v63  }
0x2e: {  	_ =	swait.ge [sflag:s14], $0x4000  }
0x2f: {  	[sflag:s14] =	ssyncset.done $0x0  }
0x30: {  	[sflag:s14] =	ssyncadd.s32 $0xFFFFC000  }
0x31: {  	[spmem:s9] =	stream.linear.scatter [tilespmem:s16], [sflag:$0x3], $0x4000, $0x38;
	[tilespmem:$0x1E400] =	vst v63  }
0x32: {  	_ =	swait.ge [sflag:s14], $0x4000  }
0x33: {  	[sflag:s14] =	ssyncset.done $0x0  }
0x34: {  	[sflag:s14] =	ssyncadd.s32 $0xFFFFC000  }
0x35: {  	[spmem:s10] =	stream.linear.scatter [tilespmem:s16], [sflag:$0x3], $0x4000, $0x38;
	[tilespmem:$0x1E400] =	vst v63  }
0x36: {  	_ =	swait.ge [sflag:s14], $0x4000  }
0x37: {  	[sflag:s14] =	ssyncset.done $0x0  }
0x38: {  	[sflag:s14] =	ssyncadd.s32 $0xFFFFC000  }
0x39: {  	[spmem:s11] =	stream.linear.scatter [tilespmem:s16], [sflag:$0x3], $0x3C00, $0x38;
	[tilespmem:$0x1E400] =	vst v63  }
0x3a: {  	_ =	swait.ge [sflag:s14], $0x3C00  }
0x3b: {  	[sflag:s14] =	ssyncset.done $0x0  }
0x3c: {  	[sflag:s14] =	ssyncadd.s32 $0xFFFFC400  }
0x3d: {  	s28 =	simm.s32 $0x0;
	[bflag:$0x0] =	sbarrier.arrive $0xFFFF  }
0x3e: {  	[tilespmem:s16], [sflag:$0x1] =	stream.indirect.gather [hbm4b:s4+s17], $0x80, s28, s17, $0xb8;
	[tilespmem:$0x1E400] =	vst v63  }
0x3f: {  	s29 =	simm.s32 $0x80  }
0x40: {  	[tilespmem:s18], [sflag:$0x2] =	stream.indirect.gather [hbm4b:s4+s17], $0x80, s29, s17, $0xb8;
	[tilespmem:$0x1E400] =	vst v63  }
0x41: {  	_ =	swait.ge [sflag:s19], $0x4000  }
0x42: {  	[sflag:s19] =	ssyncset.done $0x0  }
0x43: {  	s30 =	simm.s32 $0x1400;
	[sflag:s19] =	ssyncadd.s32 $0xFFFFC000  }
0x44: {  	[spmem:s2] =	stream.indirect.scatter.add.f32 [tilespmem:s16], [sflag:$0x3], $0x80, s30, s17, $0xb8;
	[tilespmem:$0x1E400] =	vst v63  }
0x45: {  	_ =	swait.ge [sflag:s14], $0x4000  }
0x46: {  	[sflag:s14] =	ssyncset.done $0x0  }
0x47: {  	[sflag:s14] =	ssyncadd.s32 $0xFFFFC000  }
0x48: {  	_ =	swait.ge [sflag:s20], $0x4000  }
0x49: {  	[sflag:s20] =	ssyncset.done $0x0  }
0x4a: {  	s31 =	simm.s32 $0x1480;
	[sflag:s20] =	ssyncadd.s32 $0xFFFFC000  }
0x4b: {  	[spmem:s2] =	stream.indirect.scatter.add.f32 [tilespmem:s18], [sflag:$0x3], $0x80, s31, s17, $0xb8;
	[tilespmem:$0x1E400] =	vst v63  }
0x4c: {  	_ =	swait.ge [sflag:s14], $0x4000  }
0x4d: {  	s24 =	simm.s32 $0x400;
	s25 =	simm.s32 $0x800;
	[sflag:s14] =	ssyncset.done $0x0  }
.LBB2_4:
0x4e: {  	s26 =	sshra.s32 s24, $0x2  }
0x4f: {  	[sflag:s14] =	ssyncadd.s32 $0xFFFFC000;
	s24 =	smov.u32 s25;
	s28 =	sadd.s32 $0x400, s25  }
0x50: {  	[tilespmem:s16], [sflag:$0x1] =	stream.indirect.gather [hbm4b:s4+s17], $0x80, s26, s17, $0xb8;
	[tilespmem:$0x1E400] =	vst v63  }
0x51: {  	p0 =	sne.s32 s25, $0x4C00;
	s25 =	sadd.s32 $0x80, s26  }
0x52: {  	[tilespmem:s18], [sflag:$0x2] =	stream.indirect.gather [hbm4b:s4+s17], $0x80, s25, s17, $0xb8;
	[tilespmem:$0x1E400] =	vst v63  }
0x53: {  	_ =	swait.ge [sflag:s19], $0x4000  }
0x54: {  	[sflag:s19] =	ssyncset.done $0x0  }
0x55: {  	s25 =	sadd.s32 $0x1400, s26;
	[sflag:s19] =	ssyncadd.s32 $0xFFFFC000  }
0x56: {  	[spmem:s2] =	stream.indirect.scatter.add.f32 [tilespmem:s16], [sflag:$0x3], $0x80, s25, s17, $0xb8;
	[tilespmem:$0x1E400] =	vst v63  }
0x57: {  	_ =	swait.ge [sflag:s14], $0x4000  }
0x58: {  	[sflag:s14] =	ssyncset.done $0x0  }
0x59: {  	[sflag:s14] =	ssyncadd.s32 $0xFFFFC000  }
0x5a: {  	_ =	swait.ge [sflag:s20], $0x4000  }
.Ltmp1:
0x5b: {  	[sflag:s20] =	ssyncset.done $0x0;
	(pc) =	sbr.rel @p0 .LBB2_4-.Ltmp1, $4  }
0x5c: {  	s25 =	sadd.s32 $0x1480, s26;
	[sflag:s20] =	ssyncadd.s32 $0xFFFFC000  }
0x5d: {  	[spmem:s2] =	stream.indirect.scatter.add.f32 [tilespmem:s18], [sflag:$0x3], $0x80, s25, s17, $0xb8;
	[tilespmem:$0x1E400] =	vst v63  }
0x5e: {  	_ =	swait.ge [sflag:s14], $0x4000  }
0x5f: {  	s25 =	smov.u32 s28;
	[sflag:s14] =	ssyncset.done $0x0  }
0x60: {  	s24 =	sshra.s32 s24, $0x2;
	[sflag:s14] =	ssyncadd.s32 $0xFFFFC000  }
0x61: {  	[tilespmem:s16], [sflag:$0x1] =	stream.indirect.gather [hbm4b:s4+s17], $0x80, s24, s17, $0xb8;
	[tilespmem:$0x1E400] =	vst v63  }
0x62: {  	s25 =	sadd.s32 $0x80, s24  }
0x63: {  	[tilespmem:s18], [sflag:$0x2] =	stream.indirect.gather [hbm4b:s4+s17], $0x80, s25, s17, $0xb8;
	[tilespmem:$0x1E400] =	vst v63  }
0x64: {  	_ =	swait.ge [sflag:s19], $0x4000  }
0x65: {  	[sflag:s19] =	ssyncset.done $0x0  }
0x66: {  	s31 =	sadd.s32 $0x1400, s24;
	[sflag:s19] =	ssyncadd.s32 $0xFFFFC000  }
0x67: {  	[spmem:s2] =	stream.indirect.scatter.add.f32 [tilespmem:s16], [sflag:$0x3], $0x80, s31, s17, $0xb8;
	[tilespmem:$0x1E400] =	vst v63  }
0x68: {  	_ =	swait.ge [sflag:s14], $0x4000  }
0x69: {  	[sflag:s14] =	ssyncset.done $0x0  }
0x6a: {  	[sflag:s14] =	ssyncadd.s32 $0xFFFFC000  }
0x6b: {  	_ =	swait.ge [sflag:s20], $0x4000  }
0x6c: {  	[sflag:s20] =	ssyncset.done $0x0  }
0x6d: {  	s24 =	sadd.s32 $0x1480, s24;
	[sflag:s20] =	ssyncadd.s32 $0xFFFFC000  }
0x6e: {  	[spmem:s2] =	stream.indirect.scatter.add.f32 [tilespmem:s18], [sflag:$0x3], $0x80, s24, s17, $0xb8;
	[tilespmem:$0x1E400] =	vst v63  }
0x6f: {  	_ =	swait.ge [sflag:s14], $0x4000  }
0x70: {  	s23 =	sadd.s32 $0x1, s23;
	[sflag:s14] =	ssyncset.done $0x0  }
0x71: {  	p0 =	sne.s32 s23, s12;
	[sflag:s14] =	ssyncadd.s32 $0xFFFFC000  }
.Ltmp2:
0x72: {  	[bflag:$0x0] =	sbarrier.arrive $0xFFFF;
	(pc) =	sbr.rel @p0 .LBB2_1-.Ltmp2, $4  }
0x73: {  	[hbm:s13], [sflag:s21] =	dma.local [spmem:s22], $0x2780  }
0x74: {  	_ =	swait.ge [sflag:s14], $0x2780  }
0x75: {  	[sflag:s14] =	ssyncset.done $0x0  }
0x76: {  	[sflag:s14] =	ssyncadd.s32 $0xFFFFD880  }
0x77: {  	_ =	sfence.sel $0x180000  }
0x78: {  	[bflag:$0x0] =	sbarrier.arrive $0xFFFF  }
0x79: {  	p0 =	sne.s32 s1, $0x0;
	_ =	strace $0x90000056  }
0x7a: {  	s0 =	sadd.s32 @!p0 $0x100000, s0;
	[bflag:$0x2] =	sbarrier.arrive $0xFFFF  }
0x7b: {  	[sflag:s0] =	ssyncadd.tile.s32 @!p0 $0x1;
	_ =	shalt  }
.Lfunc_end2:
_tile_overlayer_lowered:
.L_overlay_start_2:
0x7c: {  	(tag) =	ssettag $0x2  }
0x7d: {  	s0 =	rddreg [dreg:$0x0];
	s2 =	stileid.u32  }
0x7e: {  	s1 =	rddreg [dreg:$0x1];
	p0 =	sne.s32 s2, $0x0  }
0x7f: {  	s3 =	rddreg [dreg:$0x2];
	[bflag:$0x3] =	sbarrier.arrive $0xFFFF;
	s2 =	simm.s32 @!p0 $0x1C03  }
0x80: {  	[timem:s3], [sflag:s2] =	dma.local @!p0 [hbm:s0], s1  }
0x81: {  	s0 =	simm.s32 @!p0 $0x3  }
0x82: {  	_ =	swait.ge @!p0 [sflag:s0], s1  }
0x83: {  	s1 =	ssub.s32 @!p0 $0x0, s1;
	[sflag:s0] =	ssyncset.done @!p0 $0x0  }
0x84: {  	[sflag:s0] =	ssyncadd.s32 @!p0 s1  }
0x85: {  	[bflag:$0x3] =	sbarrier.arrive $0xFFFF  }
0x86: {  	_ =	shalt  }

// kernel: kernel.33.cloned.1.call-start
scs
__scs_entry_jumppad:
0x0: {  	(pc) =	sbr.rel $0x88, $3  }
0x1: {  	(tag) =	ssettag $0x0;
	lr =	simm.s32 $0x1  }
0x2: {  	[smem:$0x3F97] =	sst lr;
	_ =	strace $0xD0000000  }
0x3: {  	_ = 	snop  }
0x4: {  	_ = 	snop  }
0x5: {  	_ = 	snop  }
0x6: {  	_ = 	snop  }
0x7: {  	_ = 	snop  }
__scs_overlays_trampoline_lowered:
0x8: {  	[smem:$0x3FA6] =	sst s0  }
0x9: {  	[smem:$0x3FA7] =	sst s1  }
0xa: {  	[smem:$0x3FA8] =	sst s2  }
0xb: {  	[smem:$0x3FA9] =	sst s3  }
0xc: {  	[smem:$0x3FAA] =	sst s4  }
0xd: {  	[smem:$0x3FAB] =	sst s5  }
0xe: {  	[smem:$0x3FAC] =	sst s6  }
0xf: {  	[smem:$0x3FAD] =	sst s7  }
0x10: {  	[smem:$0x3FAE] =	sst s8  }
0x11: {  	[smem:$0x3FAF] =	sst s9;
	s0 =	simm.s32 @!p0 $0x0  }
0x12: {  	s1 =	sld [smem:$0x3F95];
	s0 =	simm.s32 @p0 $0x1  }
0x13: {  	[smem:$0x3FB0] =	sst s0;
	s0 =	simm.s32 @!p1 $0x0  }
0x14: {  	s2 =	sld [smem:$0x3F94];
	s0 =	simm.s32 @p1 $0x1  }
0x15: {  	[smem:$0x3FB1] =	sst s0;
	s0 =	simm.s32 @!p2 $0x0  }
0x16: {  	s3 =	sld [smem:$0x3FDB];
	s0 =	simm.s32 @p2 $0x1  }
0x17: {  	s4 =	simm.s32 $0x1BF5;
	[smem:$0x3FB3] =	sst s0  }
0x18: {  	s0 =	sld [smem:$0x3F96];
	_ =	swait.ge [sflag:s4], $0x0  }
0x19: {  	s7 =	sld [smem:$0x3F97]  }
0x1a: {  	s8 =	sadd.s32 $0xFFFFE003, lr  }
0x1b: {  	s9 =	sadd.s32 $0xFFFFFEF7, lr;
	s5 =	simm.s32 $0xFFFFFFFF;
	p2 =	slt.u32 s8, $0xFFFFF086  }
0x1c: {  	p1 =	slt.u32 s9, $0xF7A;
	s5 =	simm.s32 @!p2 $0x0  }
0x1d: {  	s5 =	simm.s32 @p1 $0x1;
	p0 =	seq.s32 s7, s2  }
0x1e: {  	s7 =	smul.u32 @!p0 $0xF7A, s2;
	p2 =	seq.s32 @!p0 s5, $0x0  }
0x1f: {  	s9 =	smul.u32 $0xF7A, s1;
	s8 =	simm.s32 @!p0 $0x1BF5;
	p2 =	por !p2, p0  }
0x20: {  	[sflag:s8] =	ssyncset.s32 @!p0 $0xFFFFF086;
	s6 =	sadd.s32 @!p0 s3, s7;
	s7 =	simm.s32 @!p0 $0x108  }
0x21: {  	s3 =	sadd.s32 s3, s9;
	s6 =	sadd.s32 @!p0 $0x88, s6;
	s7 =	simm.s32 @p2 $0x1082  }
0x22: {  	[simem:s7], [sflag:s8] =	dma.local @!p0 [hbm:s6], $0xF7A  }
0x23: {  	s9 =	sor.u32 $0xD0000000, s2;
	s6 =	simm.s32 $0x108;
	_ =	swait.ge @!p0 [sflag:s8], $0x0  }
0x24: {  	s3 =	sadd.s32 $0x88, s3;
	s6 =	simm.s32 @!p1 $0x1082;
	[sflag:s4] =	ssyncset.s32 $0xFFFFF086  }
0x25: {  	[simem:s6], [sflag:s4] =	dma.local [hbm:s3], $0xF7A  }
0x26: {  	[smem:$0x3F97] =	sst s1;
	(tag) =	ssettag s2;
	_ =	strace s9  }
0x27: {  	s1 =	sld [smem:$0x3FA7]  }
0x28: {  	s2 =	sld [smem:$0x3FA8]  }
0x29: {  	s4 =	sld [smem:$0x3FAA]  }
0x2a: {  	p0 =	seq.s32 s5, $0x0;
	s5 =	sld [smem:$0x3FAB]  }
0x2b: {  	s6 =	sld [smem:$0x3FAC]  }
0x2c: {  	s7 =	sld [smem:$0x3FAD]  }
0x2d: {  	s3 =	simm.s32 $0x108;
	s8 =	sld [smem:$0x3FAE]  }
0x2e: {  	s3 =	simm.s32 @!p0 $0x1082;
	s9 =	sld [smem:$0x3FAF]  }
0x2f: {  	lr =	sadd.s32 s0, s3;
	s0 =	sld [smem:$0x3FA6]  }
0x30: {  	s3 =	sld [smem:$0x3FA9]  }
0x31: {  	[smem:$0x3FB2] =	sst s10  }
0x32: {  	s10 =	sld [smem:$0x3FB0];
	_ =	sdelay $0x3  }
0x33: {  	p0 =	seq.s32 s10, $0x1;
	s10 =	sld [smem:$0x3FB2];
	_ =	sdelay $0x3  }
0x34: {  	[smem:$0x3FB2] =	sst s10  }
0x35: {  	s10 =	sld [smem:$0x3FB1];
	_ =	sdelay $0x3  }
0x36: {  	p1 =	seq.s32 s10, $0x1;
	s10 =	sld [smem:$0x3FB2];
	_ =	sdelay $0x3  }
0x37: {  	[smem:$0x3FB2] =	sst s10  }
0x38: {  	s10 =	sld [smem:$0x3FB3]  }
0x39: {  	_ = 	snop;
	(pc) =	sbr.ind lr, $3  }
0x3a: {  	_ = 	snop  }
0x3b: {  	_ = 	snop  }
0x3c: {  	p2 =	seq.s32 s10, $0x1;
	s10 =	sld [smem:$0x3FB2]  }
0x3d: {  	_ =	shalt  }
0x3e: {  	_ =	shalt  }
0x3f: {  	_ =	shalt  }
0x40: {  	_ =	shalt  }
0x41: {  	_ =	shalt  }
0x42: {  	_ =	shalt  }
0x43: {  	_ =	shalt  }
0x44: {  	_ =	shalt  }
0x45: {  	_ =	shalt  }
0x46: {  	_ =	shalt  }
0x47: {  	_ =	shalt  }
0x48: {  	_ =	shalt  }
0x49: {  	_ =	shalt  }
0x4a: {  	_ =	shalt  }
0x4b: {  	_ =	shalt  }
0x4c: {  	_ =	shalt  }
0x4d: {  	_ =	shalt  }
0x4e: {  	_ =	shalt  }
0x4f: {  	_ =	shalt  }
0x50: {  	_ =	shalt  }
0x51: {  	_ =	shalt  }
0x52: {  	_ =	shalt  }
0x53: {  	_ =	shalt  }
0x54: {  	_ =	shalt  }
0x55: {  	_ =	shalt  }
0x56: {  	_ =	shalt  }
0x57: {  	_ =	shalt  }
0x58: {  	_ =	shalt  }
0x59: {  	_ =	shalt  }
0x5a: {  	_ =	shalt  }
0x5b: {  	_ =	shalt  }
0x5c: {  	_ =	shalt  }
0x5d: {  	_ =	shalt  }
0x5e: {  	_ =	shalt  }
0x5f: {  	_ =	shalt  }
0x60: {  	_ =	shalt  }
0x61: {  	_ =	shalt  }
0x62: {  	_ =	shalt  }
0x63: {  	_ =	shalt  }
0x64: {  	_ =	shalt  }
0x65: {  	_ =	shalt  }
0x66: {  	_ =	shalt  }
0x67: {  	_ =	shalt  }
0x68: {  	_ =	shalt  }
0x69: {  	_ =	shalt  }
0x6a: {  	_ =	shalt  }
0x6b: {  	_ =	shalt  }
0x6c: {  	_ =	shalt  }
0x6d: {  	_ =	shalt  }
0x6e: {  	_ =	shalt  }
0x6f: {  	_ =	shalt  }
0x70: {  	_ =	shalt  }
0x71: {  	_ =	shalt  }
0x72: {  	_ =	shalt  }
0x73: {  	_ =	shalt  }
0x74: {  	_ =	shalt  }
0x75: {  	_ =	shalt  }
0x76: {  	_ =	shalt  }
0x77: {  	_ =	shalt  }
0x78: {  	_ =	shalt  }
0x79: {  	_ =	shalt  }
0x7a: {  	_ =	shalt  }
0x7b: {  	_ =	shalt  }
0x7c: {  	_ =	shalt  }
0x7d: {  	_ =	shalt  }
0x7e: {  	_ =	shalt  }
0x7f: {  	_ =	shalt  }
0x80: {  	_ =	shalt  }
0x81: {  	_ =	shalt  }
0x82: {  	_ =	shalt  }
0x83: {  	_ =	shalt  }
0x84: {  	_ =	shalt  }
0x85: {  	_ =	shalt  }
0x86: {  	_ =	shalt  }
0x87: {  	_ =	shalt  }
.Lfunc_end0:
.L_simem_size_0:
called_computation.6_lowered:
.L_overlay_start_0:
0x88: {  	s2 =	sld [smem:$0x3FD9]  }
0x89: {  	s3 =	sld [smem:$0x3FFE];
	_ =	sdelay $0x1  }
0x8a: {  	s1 =	srdreg.scid  }
0x8b: {  	s0 =	sand.u32 $0x1, s1  }
0x8c: {  	s17 =	sshll.u32 s0, $0xA;
	s2 =	sadd.s32 s3, s2  }
0x8d: {  	s2 =	sadd.s32 s2, s17  }
0x8e: {  	[smem:$0x3FBE] =	sst s2  }
0x8f: {  	_ = 	snop  }
0x90: {  	s2 =	sld [smem:$0x3FD0];
	(tm) =	ssettm $0x1  }
0x91: {  	s18 =	sld [smem:$0x3FFB];
	_ =	sdelay $0x3  }
0x92: {  	_ =	strace s18  }
0x93: {  	s3 =	sld [smem:$0x3FFC];
	_ =	sdelay $0x3  }
0x94: {  	_ =	strace s3  }
0x95: {  	s3 =	sld [smem:$0x3FFD];
	_ =	sdelay $0x3  }
0x96: {  	_ =	strace s3  }
0x97: {  	_ =	strace $0x8FFFFFFF  }
0x98: {  	s19 =	sld [smem:$0x3FDB];
	_ =	sdelay $0x1  }
0x99: {  	s4 =	simm.s32 $_scs_section_size  }
0x9a: {  	s5 =	simm.s32 $_size__tile_overlayer_lowered;
	s6 =	simm.s32 $_tile_overlayer_lowered  }
0x9b: {  	s22 =	simm.s32 $0x1BFF;
	s21 =	sshll.u32 s6, $0x1;
	s3 =	sadd.s32 s4, s19  }
0x9c: {  	s7 =	simm.s32 $0x0;
	s20 =	sshll.u32 s5, $0x1;
	s5 =	sadd.s32 s21, s3  }
0x9d: {  	[timem:s7], [sflag:s22] =	dma.local [hbm:s5], s20  }
0x9e: {  	_ =	swait.ge [sflag:s22], s20  }
0x9f: {  	s4 =	ssub.s32 $0x0, s20;
	[sflag:s22] =	ssyncset.done $0x0  }
0xa0: {  	[sflag:s22] =	ssyncadd.s32 s4;
	_ =	sdelay $0x1  }
0xa1: {  	s23 =	simm.s32 $0x1B8B  }
0xa2: {  	_ =	swait.ge [sflag:s23], $0x1  }
0xa3: {  	[sflag:s23] =	ssyncset.done $0x0  }
0xa4: {  	s25 =	simm.s32 $0x1B8E;
	s24 =	sld [smem:$0x3FFE];
	[sflag:s23] =	ssyncadd.s32 $0xFFFFFFFF  }
0xa5: {  	s26 =	simm.s32 $execute0_lowered;
	[smem:$0x3FD2] =	sst s25  }
0xa6: {  	s5 =	sshll.u32 s26, $0x1;
	_ =	strace $0x80000058;
	[dreg:$0x1] =	wrdreg $0xFFFFFFFF  }
0xa7: {  	s28 =	simm.s32 $_size_execute0_lowered;
	s3 =	sadd.s32 s3, s5;
	[dreg:$0x0] =	wrdreg $0x0  }
0xa8: {  	s5 =	sshll.u32 s28, $0x1;
	[dreg:$0x2] =	wrdreg s3  }
0xa9: {  	[dreg:$0x3] =	wrdreg s5  }
0xaa: {  	[dreg:$0x4] =	wrdreg $0xC0  }
0xab: {  	_ =	task [dreg:s7], $0x5FFFF  }
0xac: {  	[dreg:$0x1] =	wrdreg $0xFFFFFFFF  }
0xad: {  	[dreg:$0x0] =	wrdreg $0x60  }
0xae: {  	[dreg:$0x2] =	wrdreg s24  }
0xaf: {  	[dreg:$0x3] =	wrdreg s2  }
0xb0: {  	[dreg:$0x4] =	wrdreg $0xA8000  }
0xb1: {  	[dreg:$0x5] =	wrdreg $0x9  }
0xb2: {  	_ =	task.clear_ibuf [dreg:s7], $0x6FFFF;
	_ =	strace $0x90000058  }
0xb3: {  	s29 =	simm.s32 $0x9;
	_ =	strace $0x8000005A  }
0xb4: {  	_ =	swait.ge [sflag:s29], $0x1  }
0xb5: {  	[sflag:s29] =	ssyncadd.s32 $0xFFFFFFFF  }
0xb6: {  	_ =	strace $0x9000005A  }
0xb7: {  	_ =	sfence  }
0xb8: {  	s30 =	sld [smem:$0x0];
	_ =	sdelay $0x2  }
0xb9: {  	s31 =	sshll.u32 s1, $0xD;
	s1 =	sshrl.u32 s1, $0x2  }
0xba: {  	s3 =	sand.u32 $0x4000, s31;
	s1 =	sadd.s32 s1, s30  }
0xbb: {  	s0 =	sor.u32 s3, s0;
	s1 =	sshll.u32 s1, $0x11  }
0xbc: {  	s0 =	sor.u32 s1, s0  }
0xbd: {  	s0 =	sadd.s32 $0x8F2B, s0  }
0xbe: {  	[sflag:s0] =	ssyncadd.remote.s32 $0x1  }
0xbf: {  	_ =	sfence.sel $0xFFFF  }
0xc0: {  	[dreg:$0x0] =	wrdreg $0xFFFFFFFF;
	(pc) =	sbr.abs _section_cstart, $3  }
0xc1: {  	[dreg:$0x1] =	wrdreg $0xFFFFFFFF  }
0xc2: {  	_ =	task.clear_ibuf [dreg:s7], $0x2FFFF;
	_ =	strace $0x9FFFFFFF  }
0xc3: {  	(tm) =	ssettm $0x7FFFFFFF  }
tec
execute0_lowered:
.L_overlay_start_1:
0x0: {  	(tag) =	ssettag $0x1  }
0x1: {  	s5 =	rddreg [dreg:$0x0]  }
0x2: {  	s0 =	srdreg.scid;
	s13 =	rddreg [dreg:$0x1]  }
0x3: {  	s2 =	rddreg [dreg:$0x2];
	s1 =	stileid.u32  }
0x4: {  	s3 =	simm.s32 $0x0;
	s16 =	simm.s32 $0x2800;
	s17 =	simm.s32 $0x80  }
0x5: {  	s18 =	simm.s32 $0x6800;
	s19 =	simm.s32 $0x1;
	s20 =	simm.s32 $0x2  }
0x6: {  	s23 =	simm.s32 $0x0;
	s11 =	sand.u32 $0x1, s0;
	s0 =	rddreg [dreg:$0x3]  }
0x7: {  	[smem:$0x7FF] =	sst s3;
	s6 =	smul.u32 $0x4F000, s1;
	s14 =	sadd.s32 $0xAFE00, s5  }
0x8: {  	s15 =	smul.u32 $0x2780, s1;
	s21 =	sshll.u32 s1, $0x6;
	s4 =	sshll.u32 s11, $0x4  }
0x9: {  	_ =	strace $0x80000059;
	s8 =	ssub.s32 $0x2, s11;
	p0 =	seq.s32 s11, $0x1  }
0xa: {  	s21 =	sor.u32 $0x1C03, s21;
	s4 =	sor.u32 s1, s4;
	s31 =	sshrl.u32 s8, $0x1  }
0xb: {  	s6 =	sshrl.u32 s6, $0x2;
	s13 =	smov.u32 @p0 s14;
	s14 =	simm.s32 $0x3  }
0xc: {  	s4 =	smul.u32 $0x280, s4;
	s12 =	ssub.s32 s8, s31;
	s6 =	sadd.s32 s6, s2  }
0xd: {  	s13 =	sadd.s32 s13, s15;
	s15 =	simm.s32 $0x1400;
	s8 =	sadd.s32 $0x4000, s6  }
0xe: {  	s9 =	sadd.s32 $0x8000, s6;
	s10 =	sadd.s32 $0xC000, s6;
	s11 =	sadd.s32 $0x10000, s6  }
0xf: {  	s12 =	smax.u32 s12, $0x1;
	s22 =	sshrl.u32 s6, $0x3;
	s7 =	sadd.s32 s4, s5  }
0x10: {  	v0 =	vimm.f32 $0.0e+00;
	s4 =	sadd.s32 $0x61A00, s5;
	s5 =	sadd.s32 $0xDA00, s7;
	s7 =	sadd.s32 $0x8A00, s7  }
.LBB2_1:
0x11: {  	[tilespmem:s3], [sflag:$0x3] =	stream.linear.gather [hbm4b:s5+s3], $0x1400, $0x38;
	[tilespmem:$0x1E400] =	vst v63  }
0x12: {  	_ =	swait.ge [sflag:s14], $0x1400  }
0x13: {  	[sflag:s14] =	ssyncset.done $0x0  }
0x14: {  	[sflag:s14] =	ssyncadd.s32 $0xFFFFEC00  }
0x15: {  	[tilespmem:s15], [sflag:$0x3] =	stream.linear.gather [hbm4b:s7+s3], $0x1400, $0x38;
	[tilespmem:$0x1E400] =	vst v63  }
0x16: {  	_ =	swait.ge [sflag:s14], $0x1400  }
0x17: {  	[sflag:s14] =	ssyncset.done $0x0  }
0x18: {  	s24 =	simm.s32 $0x0;
	s25 =	simm.s32 $0x200;
	[sflag:s14] =	ssyncadd.s32 $0xFFFFEC00  }
.LBB2_2:
0x19: {  	p0 =	sne.s32 s25, $0xFE00;
	[tilespmem:s24+$0x2870] =	vst v0  }
0x1a: {  	[tilespmem:s24+$0x2800] =	vst v0  }
0x1b: {  	[tilespmem:s24+$0x2810] =	vst v0  }
.Ltmp0:
0x1c: {  	[tilespmem:s24+$0x2820] =	vst v0;
	(pc) =	sbr.rel @p0 .LBB2_2-.Ltmp0, $4  }
0x1d: {  	[tilespmem:s24+$0x2830] =	vst v0  }
0x1e: {  	[tilespmem:s24+$0x2840] =	vst v0  }
0x1f: {  	[tilespmem:s24+$0x2850] =	vst v0  }
0x20: {  	[tilespmem:s24+$0x2860] =	vst v0;
	s24 =	sshra.s32 s25, $0x2;
	s25 =	sadd.s32 $0x200, s25  }
0x21: {  	[tilespmem:s24+$0x2870] =	vst v0  }
0x22: {  	[tilespmem:s24+$0x2800] =	vst v0  }
0x23: {  	[tilespmem:s24+$0x2810] =	vst v0  }
0x24: {  	[tilespmem:s24+$0x2820] =	vst v0  }
0x25: {  	[tilespmem:s24+$0x2830] =	vst v0  }
0x26: {  	[tilespmem:s24+$0x2840] =	vst v0  }
0x27: {  	[tilespmem:s24+$0x2850] =	vst v0  }
0x28: {  	[tilespmem:s24+$0x2860] =	vst v0  }
0x29: {  	[spmem:s6] =	stream.linear.scatter [tilespmem:s16], [sflag:$0x3], $0x4000, $0x38;
	[tilespmem:$0x1E400] =	vst v63  }
0x2a: {  	_ =	swait.ge [sflag:s14], $0x4000  }
0x2b: {  	[sflag:s14] =	ssyncset.done $0x0  }
0x2c: {  	[sflag:s14] =	ssyncadd.s32 $0xFFFFC000  }
0x2d: {  	[spmem:s8] =	stream.linear.scatter [tilespmem:s16], [sflag:$0x3], $0x4000, $0x38;
	[tilespmem:$0x1E400] =	vst v63  }
0x2e: {  	_ =	swait.ge [sflag:s14], $0x4000  }
0x2f: {  	[sflag:s14] =	ssyncset.done $0x0  }
0x30: {  	[sflag:s14] =	ssyncadd.s32 $0xFFFFC000  }
0x31: {  	[spmem:s9] =	stream.linear.scatter [tilespmem:s16], [sflag:$0x3], $0x4000, $0x38;
	[tilespmem:$0x1E400] =	vst v63  }
0x32: {  	_ =	swait.ge [sflag:s14], $0x4000  }
0x33: {  	[sflag:s14] =	ssyncset.done $0x0  }
0x34: {  	[sflag:s14] =	ssyncadd.s32 $0xFFFFC000  }
0x35: {  	[spmem:s10] =	stream.linear.scatter [tilespmem:s16], [sflag:$0x3], $0x4000, $0x38;
	[tilespmem:$0x1E400] =	vst v63  }
0x36: {  	_ =	swait.ge [sflag:s14], $0x4000  }
0x37: {  	[sflag:s14] =	ssyncset.done $0x0  }
0x38: {  	[sflag:s14] =	ssyncadd.s32 $0xFFFFC000  }
0x39: {  	[spmem:s11] =	stream.linear.scatter [tilespmem:s16], [sflag:$0x3], $0x3C00, $0x38;
	[tilespmem:$0x1E400] =	vst v63  }
0x3a: {  	_ =	swait.ge [sflag:s14], $0x3C00  }
0x3b: {  	[sflag:s14] =	ssyncset.done $0x0  }
0x3c: {  	[sflag:s14] =	ssyncadd.s32 $0xFFFFC400  }
0x3d: {  	s28 =	simm.s32 $0x0;
	[bflag:$0x0] =	sbarrier.arrive $0xFFFF  }
0x3e: {  	[tilespmem:s16], [sflag:$0x1] =	stream.indirect.gather [hbm4b:s4+s17], $0x80, s28, s17, $0xb8;
	[tilespmem:$0x1E400] =	vst v63  }
0x3f: {  	s29 =	simm.s32 $0x80  }
0x40: {  	[tilespmem:s18], [sflag:$0x2] =	stream.indirect.gather [hbm4b:s4+s17], $0x80, s29, s17, $0xb8;
	[tilespmem:$0x1E400] =	vst v63  }
0x41: {  	_ =	swait.ge [sflag:s19], $0x4000  }
0x42: {  	[sflag:s19] =	ssyncset.done $0x0  }
0x43: {  	s30 =	simm.s32 $0x1400;
	[sflag:s19] =	ssyncadd.s32 $0xFFFFC000  }
0x44: {  	[spmem:s2] =	stream.indirect.scatter.add.f32 [tilespmem:s16], [sflag:$0x3], $0x80, s30, s17, $0xb8;
	[tilespmem:$0x1E400] =	vst v63  }
0x45: {  	_ =	swait.ge [sflag:s14], $0x4000  }
0x46: {  	[sflag:s14] =	ssyncset.done $0x0  }
0x47: {  	[sflag:s14] =	ssyncadd.s32 $0xFFFFC000  }
0x48: {  	_ =	swait.ge [sflag:s20], $0x4000  }
0x49: {  	[sflag:s20] =	ssyncset.done $0x0  }
0x4a: {  	s31 =	simm.s32 $0x1480;
	[sflag:s20] =	ssyncadd.s32 $0xFFFFC000  }
0x4b: {  	[spmem:s2] =	stream.indirect.scatter.add.f32 [tilespmem:s18], [sflag:$0x3], $0x80, s31, s17, $0xb8;
	[tilespmem:$0x1E400] =	vst v63  }
0x4c: {  	_ =	swait.ge [sflag:s14], $0x4000  }
0x4d: {  	s24 =	simm.s32 $0x400;
	s25 =	simm.s32 $0x800;
	[sflag:s14] =	ssyncset.done $0x0  }
.LBB2_4:
0x4e: {  	s26 =	sshra.s32 s24, $0x2  }
0x4f: {  	[sflag:s14] =	ssyncadd.s32 $0xFFFFC000;
	s24 =	smov.u32 s25;
	s28 =	sadd.s32 $0x400, s25  }
0x50: {  	[tilespmem:s16], [sflag:$0x1] =	stream.indirect.gather [hbm4b:s4+s17], $0x80, s26, s17, $0xb8;
	[tilespmem:$0x1E400] =	vst v63  }
0x51: {  	p0 =	sne.s32 s25, $0x4C00;
	s25 =	sadd.s32 $0x80, s26  }
0x52: {  	[tilespmem:s18], [sflag:$0x2] =	stream.indirect.gather [hbm4b:s4+s17], $0x80, s25, s17, $0xb8;
	[tilespmem:$0x1E400] =	vst v63  }
0x53: {  	_ =	swait.ge [sflag:s19], $0x4000  }
0x54: {  	[sflag:s19] =	ssyncset.done $0x0  }
0x55: {  	s25 =	sadd.s32 $0x1400, s26;
	[sflag:s19] =	ssyncadd.s32 $0xFFFFC000  }
0x56: {  	[spmem:s2] =	stream.indirect.scatter.add.f32 [tilespmem:s16], [sflag:$0x3], $0x80, s25, s17, $0xb8;
	[tilespmem:$0x1E400] =	vst v63  }
0x57: {  	_ =	swait.ge [sflag:s14], $0x4000  }
0x58: {  	[sflag:s14] =	ssyncset.done $0x0  }
0x59: {  	[sflag:s14] =	ssyncadd.s32 $0xFFFFC000  }
0x5a: {  	_ =	swait.ge [sflag:s20], $0x4000  }
.Ltmp1:
0x5b: {  	[sflag:s20] =	ssyncset.done $0x0;
	(pc) =	sbr.rel @p0 .LBB2_4-.Ltmp1, $4  }
0x5c: {  	s25 =	sadd.s32 $0x1480, s26;
	[sflag:s20] =	ssyncadd.s32 $0xFFFFC000  }
0x5d: {  	[spmem:s2] =	stream.indirect.scatter.add.f32 [tilespmem:s18], [sflag:$0x3], $0x80, s25, s17, $0xb8;
	[tilespmem:$0x1E400] =	vst v63  }
0x5e: {  	_ =	swait.ge [sflag:s14], $0x4000  }
0x5f: {  	s25 =	smov.u32 s28;
	[sflag:s14] =	ssyncset.done $0x0  }
0x60: {  	s24 =	sshra.s32 s24, $0x2;
	[sflag:s14] =	ssyncadd.s32 $0xFFFFC000  }
0x61: {  	[tilespmem:s16], [sflag:$0x1] =	stream.indirect.gather [hbm4b:s4+s17], $0x80, s24, s17, $0xb8;
	[tilespmem:$0x1E400] =	vst v63  }
0x62: {  	s25 =	sadd.s32 $0x80, s24  }
0x63: {  	[tilespmem:s18], [sflag:$0x2] =	stream.indirect.gather [hbm4b:s4+s17], $0x80, s25, s17, $0xb8;
	[tilespmem:$0x1E400] =	vst v63  }
0x64: {  	_ =	swait.ge [sflag:s19], $0x4000  }
0x65: {  	[sflag:s19] =	ssyncset.done $0x0  }
0x66: {  	s31 =	sadd.s32 $0x1400, s24;
	[sflag:s19] =	ssyncadd.s32 $0xFFFFC000  }
0x67: {  	[spmem:s2] =	stream.indirect.scatter.add.f32 [tilespmem:s16], [sflag:$0x3], $0x80, s31, s17, $0xb8;
	[tilespmem:$0x1E400] =	vst v63  }
0x68: {  	_ =	swait.ge [sflag:s14], $0x4000  }
0x69: {  	[sflag:s14] =	ssyncset.done $0x0  }
0x6a: {  	[sflag:s14] =	ssyncadd.s32 $0xFFFFC000  }
0x6b: {  	_ =	swait.ge [sflag:s20], $0x4000  }
0x6c: {  	[sflag:s20] =	ssyncset.done $0x0  }
0x6d: {  	s24 =	sadd.s32 $0x1480, s24;
	[sflag:s20] =	ssyncadd.s32 $0xFFFFC000  }
0x6e: {  	[spmem:s2] =	stream.indirect.scatter.add.f32 [tilespmem:s18], [sflag:$0x3], $0x80, s24, s17, $0xb8;
	[tilespmem:$0x1E400] =	vst v63  }
0x6f: {  	_ =	swait.ge [sflag:s14], $0x4000  }
0x70: {  	s23 =	sadd.s32 $0x1, s23;
	[sflag:s14] =	ssyncset.done $0x0  }
0x71: {  	p0 =	sne.s32 s23, s12;
	[sflag:s14] =	ssyncadd.s32 $0xFFFFC000  }
.Ltmp2:
0x72: {  	[bflag:$0x0] =	sbarrier.arrive $0xFFFF;
	(pc) =	sbr.rel @p0 .LBB2_1-.Ltmp2, $4  }
0x73: {  	[hbm:s13], [sflag:s21] =	dma.local [spmem:s22], $0x2780  }
0x74: {  	_ =	swait.ge [sflag:s14], $0x2780  }
0x75: {  	[sflag:s14] =	ssyncset.done $0x0  }
0x76: {  	[sflag:s14] =	ssyncadd.s32 $0xFFFFD880  }
0x77: {  	_ =	sfence.sel $0x180000  }
0x78: {  	[bflag:$0x0] =	sbarrier.arrive $0xFFFF  }
0x79: {  	p0 =	sne.s32 s1, $0x0;
	_ =	strace $0x90000059  }
0x7a: {  	s0 =	sadd.s32 @!p0 $0x100000, s0;
	[bflag:$0x2] =	sbarrier.arrive $0xFFFF  }
0x7b: {  	[sflag:s0] =	ssyncadd.tile.s32 @!p0 $0x1;
	_ =	shalt  }
.Lfunc_end2:
_tile_overlayer_lowered:
.L_overlay_start_2:
0x7c: {  	(tag) =	ssettag $0x2  }
0x7d: {  	s0 =	rddreg [dreg:$0x0];
	s2 =	stileid.u32  }
0x7e: {  	s1 =	rddreg [dreg:$0x1];
	p0 =	sne.s32 s2, $0x0  }
0x7f: {  	s3 =	rddreg [dreg:$0x2];
	[bflag:$0x3] =	sbarrier.arrive $0xFFFF;
	s2 =	simm.s32 @!p0 $0x1C03  }
0x80: {  	[timem:s3], [sflag:s2] =	dma.local @!p0 [hbm:s0], s1  }
0x81: {  	s0 =	simm.s32 @!p0 $0x3  }
0x82: {  	_ =	swait.ge @!p0 [sflag:s0], s1  }
0x83: {  	s1 =	ssub.s32 @!p0 $0x0, s1;
	[sflag:s0] =	ssyncset.done @!p0 $0x0  }
0x84: {  	[sflag:s0] =	ssyncadd.s32 @!p0 s1  }
0x85: {  	[bflag:$0x3] =	sbarrier.arrive $0xFFFF  }
0x86: {  	_ =	shalt  }

// kernel: kernel.36.cloned.1.call-start
scs
__scs_entry_jumppad:
0x0: {  	(pc) =	sbr.rel $0x88, $3  }
0x1: {  	(tag) =	ssettag $0x0;
	lr =	simm.s32 $0x1  }
0x2: {  	[smem:$0x3F97] =	sst lr;
	_ =	strace $0xD0000000  }
0x3: {  	_ = 	snop  }
0x4: {  	_ = 	snop  }
0x5: {  	_ = 	snop  }
0x6: {  	_ = 	snop  }
0x7: {  	_ = 	snop  }
__scs_overlays_trampoline_lowered:
0x8: {  	[smem:$0x3FA6] =	sst s0  }
0x9: {  	[smem:$0x3FA7] =	sst s1  }
0xa: {  	[smem:$0x3FA8] =	sst s2  }
0xb: {  	[smem:$0x3FA9] =	sst s3  }
0xc: {  	[smem:$0x3FAA] =	sst s4  }
0xd: {  	[smem:$0x3FAB] =	sst s5  }
0xe: {  	[smem:$0x3FAC] =	sst s6  }
0xf: {  	[smem:$0x3FAD] =	sst s7  }
0x10: {  	[smem:$0x3FAE] =	sst s8  }
0x11: {  	[smem:$0x3FAF] =	sst s9;
	s0 =	simm.s32 @!p0 $0x0  }
0x12: {  	s1 =	sld [smem:$0x3F95];
	s0 =	simm.s32 @p0 $0x1  }
0x13: {  	[smem:$0x3FB0] =	sst s0;
	s0 =	simm.s32 @!p1 $0x0  }
0x14: {  	s2 =	sld [smem:$0x3F94];
	s0 =	simm.s32 @p1 $0x1  }
0x15: {  	[smem:$0x3FB1] =	sst s0;
	s0 =	simm.s32 @!p2 $0x0  }
0x16: {  	s3 =	sld [smem:$0x3FDB];
	s0 =	simm.s32 @p2 $0x1  }
0x17: {  	s4 =	simm.s32 $0x1BF5;
	[smem:$0x3FB3] =	sst s0  }
0x18: {  	s0 =	sld [smem:$0x3F96];
	_ =	swait.ge [sflag:s4], $0x0  }
0x19: {  	s7 =	sld [smem:$0x3F97]  }
0x1a: {  	s8 =	sadd.s32 $0xFFFFE003, lr  }
0x1b: {  	s9 =	sadd.s32 $0xFFFFFEF7, lr;
	s5 =	simm.s32 $0xFFFFFFFF;
	p2 =	slt.u32 s8, $0xFFFFF086  }
0x1c: {  	p1 =	slt.u32 s9, $0xF7A;
	s5 =	simm.s32 @!p2 $0x0  }
0x1d: {  	s5 =	simm.s32 @p1 $0x1;
	p0 =	seq.s32 s7, s2  }
0x1e: {  	s7 =	smul.u32 @!p0 $0xF7A, s2;
	p2 =	seq.s32 @!p0 s5, $0x0  }
0x1f: {  	s9 =	smul.u32 $0xF7A, s1;
	s8 =	simm.s32 @!p0 $0x1BF5;
	p2 =	por !p2, p0  }
0x20: {  	[sflag:s8] =	ssyncset.s32 @!p0 $0xFFFFF086;
	s6 =	sadd.s32 @!p0 s3, s7;
	s7 =	simm.s32 @!p0 $0x108  }
0x21: {  	s3 =	sadd.s32 s3, s9;
	s6 =	sadd.s32 @!p0 $0x88, s6;
	s7 =	simm.s32 @p2 $0x1082  }
0x22: {  	[simem:s7], [sflag:s8] =	dma.local @!p0 [hbm:s6], $0xF7A  }
0x23: {  	s9 =	sor.u32 $0xD0000000, s2;
	s6 =	simm.s32 $0x108;
	_ =	swait.ge @!p0 [sflag:s8], $0x0  }
0x24: {  	s3 =	sadd.s32 $0x88, s3;
	s6 =	simm.s32 @!p1 $0x1082;
	[sflag:s4] =	ssyncset.s32 $0xFFFFF086  }
0x25: {  	[simem:s6], [sflag:s4] =	dma.local [hbm:s3], $0xF7A  }
0x26: {  	[smem:$0x3F97] =	sst s1;
	(tag) =	ssettag s2;
	_ =	strace s9  }
0x27: {  	s1 =	sld [smem:$0x3FA7]  }
0x28: {  	s2 =	sld [smem:$0x3FA8]  }
0x29: {  	s4 =	sld [smem:$0x3FAA]  }
0x2a: {  	p0 =	seq.s32 s5, $0x0;
	s5 =	sld [smem:$0x3FAB]  }
0x2b: {  	s6 =	sld [smem:$0x3FAC]  }
0x2c: {  	s7 =	sld [smem:$0x3FAD]  }
0x2d: {  	s3 =	simm.s32 $0x108;
	s8 =	sld [smem:$0x3FAE]  }
0x2e: {  	s3 =	simm.s32 @!p0 $0x1082;
	s9 =	sld [smem:$0x3FAF]  }
0x2f: {  	lr =	sadd.s32 s0, s3;
	s0 =	sld [smem:$0x3FA6]  }
0x30: {  	s3 =	sld [smem:$0x3FA9]  }
0x31: {  	[smem:$0x3FB2] =	sst s10  }
0x32: {  	s10 =	sld [smem:$0x3FB0];
	_ =	sdelay $0x3  }
0x33: {  	p0 =	seq.s32 s10, $0x1;
	s10 =	sld [smem:$0x3FB2];
	_ =	sdelay $0x3  }
0x34: {  	[smem:$0x3FB2] =	sst s10  }
0x35: {  	s10 =	sld [smem:$0x3FB1];
	_ =	sdelay $0x3  }
0x36: {  	p1 =	seq.s32 s10, $0x1;
	s10 =	sld [smem:$0x3FB2];
	_ =	sdelay $0x3  }
0x37: {  	[smem:$0x3FB2] =	sst s10  }
0x38: {  	s10 =	sld [smem:$0x3FB3]  }
0x39: {  	_ = 	snop;
	(pc) =	sbr.ind lr, $3  }
0x3a: {  	_ = 	snop  }
0x3b: {  	_ = 	snop  }
0x3c: {  	p2 =	seq.s32 s10, $0x1;
	s10 =	sld [smem:$0x3FB2]  }
0x3d: {  	_ =	shalt  }
0x3e: {  	_ =	shalt  }
0x3f: {  	_ =	shalt  }
0x40: {  	_ =	shalt  }
0x41: {  	_ =	shalt  }
0x42: {  	_ =	shalt  }
0x43: {  	_ =	shalt  }
0x44: {  	_ =	shalt  }
0x45: {  	_ =	shalt  }
0x46: {  	_ =	shalt  }
0x47: {  	_ =	shalt  }
0x48: {  	_ =	shalt  }
0x49: {  	_ =	shalt  }
0x4a: {  	_ =	shalt  }
0x4b: {  	_ =	shalt  }
0x4c: {  	_ =	shalt  }
0x4d: {  	_ =	shalt  }
0x4e: {  	_ =	shalt  }
0x4f: {  	_ =	shalt  }
0x50: {  	_ =	shalt  }
0x51: {  	_ =	shalt  }
0x52: {  	_ =	shalt  }
0x53: {  	_ =	shalt  }
0x54: {  	_ =	shalt  }
0x55: {  	_ =	shalt  }
0x56: {  	_ =	shalt  }
0x57: {  	_ =	shalt  }
0x58: {  	_ =	shalt  }
0x59: {  	_ =	shalt  }
0x5a: {  	_ =	shalt  }
0x5b: {  	_ =	shalt  }
0x5c: {  	_ =	shalt  }
0x5d: {  	_ =	shalt  }
0x5e: {  	_ =	shalt  }
0x5f: {  	_ =	shalt  }
0x60: {  	_ =	shalt  }
0x61: {  	_ =	shalt  }
0x62: {  	_ =	shalt  }
0x63: {  	_ =	shalt  }
0x64: {  	_ =	shalt  }
0x65: {  	_ =	shalt  }
0x66: {  	_ =	shalt  }
0x67: {  	_ =	shalt  }
0x68: {  	_ =	shalt  }
0x69: {  	_ =	shalt  }
0x6a: {  	_ =	shalt  }
0x6b: {  	_ =	shalt  }
0x6c: {  	_ =	shalt  }
0x6d: {  	_ =	shalt  }
0x6e: {  	_ =	shalt  }
0x6f: {  	_ =	shalt  }
0x70: {  	_ =	shalt  }
0x71: {  	_ =	shalt  }
0x72: {  	_ =	shalt  }
0x73: {  	_ =	shalt  }
0x74: {  	_ =	shalt  }
0x75: {  	_ =	shalt  }
0x76: {  	_ =	shalt  }
0x77: {  	_ =	shalt  }
0x78: {  	_ =	shalt  }
0x79: {  	_ =	shalt  }
0x7a: {  	_ =	shalt  }
0x7b: {  	_ =	shalt  }
0x7c: {  	_ =	shalt  }
0x7d: {  	_ =	shalt  }
0x7e: {  	_ =	shalt  }
0x7f: {  	_ =	shalt  }
0x80: {  	_ =	shalt  }
0x81: {  	_ =	shalt  }
0x82: {  	_ =	shalt  }
0x83: {  	_ =	shalt  }
0x84: {  	_ =	shalt  }
0x85: {  	_ =	shalt  }
0x86: {  	_ =	shalt  }
0x87: {  	_ =	shalt  }
.Lfunc_end0:
.L_simem_size_0:
called_computation.7_lowered:
.L_overlay_start_0:
0x88: {  	s2 =	sld [smem:$0x3FD9]  }
0x89: {  	s3 =	sld [smem:$0x3FFE];
	_ =	sdelay $0x1  }
0x8a: {  	s1 =	srdreg.scid  }
0x8b: {  	s0 =	sand.u32 $0x1, s1  }
0x8c: {  	s17 =	sshll.u32 s0, $0xA;
	s2 =	sadd.s32 s3, s2  }
0x8d: {  	s2 =	sadd.s32 s2, s17  }
0x8e: {  	[smem:$0x3FBE] =	sst s2  }
0x8f: {  	_ = 	snop  }
0x90: {  	(tm) =	ssettm $0x1  }
0x91: {  	s18 =	sld [smem:$0x3FFB];
	_ =	sdelay $0x3  }
0x92: {  	_ =	strace s18  }
0x93: {  	s2 =	sld [smem:$0x3FFC];
	_ =	sdelay $0x3  }
0x94: {  	_ =	strace s2  }
0x95: {  	s2 =	sld [smem:$0x3FFD];
	_ =	sdelay $0x3  }
0x96: {  	_ =	strace s2  }
0x97: {  	_ =	strace $0x8FFFFFFF  }
0x98: {  	s19 =	sld [smem:$0x3FDB];
	_ =	sdelay $0x1  }
0x99: {  	s20 =	simm.s32 $_scs_section_size  }
0x9a: {  	s4 =	simm.s32 $_size__tile_overlayer_lowered;
	s5 =	simm.s32 $_tile_overlayer_lowered  }
0x9b: {  	s6 =	simm.s32 $0x1BFF;
	s21 =	sshll.u32 s5, $0x1;
	s3 =	sadd.s32 s20, s19  }
0x9c: {  	s22 =	simm.s32 $0x0;
	s4 =	sshll.u32 s4, $0x1;
	s5 =	sadd.s32 s21, s3  }
0x9d: {  	[timem:s22], [sflag:s6] =	dma.local [hbm:s5], s4  }
0x9e: {  	_ =	swait.ge [sflag:s6], s4  }
0x9f: {  	s4 =	ssub.s32 $0x0, s4;
	[sflag:s6] =	ssyncset.done $0x0  }
0xa0: {  	[sflag:s6] =	ssyncadd.s32 s4;
	_ =	sdelay $0x1  }
0xa1: {  	s23 =	simm.s32 $0x1B8B  }
0xa2: {  	_ =	swait.ge [sflag:s23], $0x1  }
0xa3: {  	[sflag:s23] =	ssyncset.done $0x0  }
0xa4: {  	[sflag:s23] =	ssyncadd.s32 $0xFFFFFFFF  }
0xa5: {  	s4 =	sld [smem:$0x0]  }
0xa6: {  	s5 =	sand.u32 $0xFFFFFFFE, s1  }
0xa7: {  	p0 =	sne.s32 s1, s5  }
0xa8: {  	s5 =	sshll.u32 @p0 s5, $0xE  }
0xa9: {  	s5 =	sadd.s32 @p0 $0x11B8D, s5;
	s6 =	sshll.u32 @p0 s4, $0x11  }
0xaa: {  	s5 =	sor.u32 @p0 s6, s5  }
0xab: {  	[sflag:s5] =	ssyncadd.remote.s32 @p0 $0x1;
	_ =	sdelay $0x1  }
0xac: {  	s5 =	simm.s32 @p0 $0x1B8D  }
0xad: {  	_ =	swait.eq @p0 [sflag:s5], $0x1  }
0xae: {  	[sflag:s5] =	ssyncadd.s32 @p0 $0xFFFFFFFF  }
0xaf: {  	s6 =	sshll.u32 @!p0 s1, $0xE  }
0xb0: {  	s6 =	sor.u32 @!p0 $0x4000, s6;
	s5 =	simm.s32 @!p0 $0x1B8D  }
0xb1: {  	s4 =	sshll.u32 @!p0 s4, $0x11;
	s6 =	sadd.s32 @!p0 $0x11B8D, s6;
	_ =	swait.eq @!p0 [sflag:s5], $0x1  }
0xb2: {  	s4 =	sor.u32 @!p0 s4, s6;
	[sflag:s5] =	ssyncadd.s32 @!p0 $0xFFFFFFFF  }
0xb3: {  	s25 =	simm.s32 $0x1B8E;
	s24 =	sld [smem:$0x3FFE];
	[sflag:s4] =	ssyncadd.remote.s32 @!p0 $0x1  }
0xb4: {  	s26 =	simm.s32 $execute0_lowered;
	[smem:$0x3FD2] =	sst s25  }
0xb5: {  	s5 =	sshll.u32 s26, $0x1;
	_ =	strace $0x8000005B;
	[dreg:$0x1] =	wrdreg $0xFFFFFFFF  }
0xb6: {  	s28 =	simm.s32 $_size_execute0_lowered;
	s3 =	sadd.s32 s3, s5;
	[dreg:$0x0] =	wrdreg $0x0  }
0xb7: {  	s5 =	sshll.u32 s28, $0x1;
	[dreg:$0x2] =	wrdreg s3  }
0xb8: {  	[dreg:$0x3] =	wrdreg s5  }
0xb9: {  	[dreg:$0x4] =	wrdreg $0xC0  }
0xba: {  	_ =	task [dreg:s22], $0x5FFFF  }
0xbb: {  	[dreg:$0x1] =	wrdreg $0xFFFFFFFF  }
0xbc: {  	[dreg:$0x0] =	wrdreg $0x60  }
0xbd: {  	[dreg:$0x2] =	wrdreg s24  }
0xbe: {  	[dreg:$0x3] =	wrdreg $0xA8000  }
0xbf: {  	[dreg:$0x4] =	wrdreg $0xA  }
0xc0: {  	_ =	task.clear_ibuf [dreg:s22], $0x5FFFF;
	_ =	strace $0x9000005B  }
0xc1: {  	s29 =	simm.s32 $0xA;
	_ =	strace $0x8000005D  }
0xc2: {  	_ =	swait.ge [sflag:s29], $0x1  }
0xc3: {  	[sflag:s29] =	ssyncadd.s32 $0xFFFFFFFF  }
0xc4: {  	_ =	strace $0x9000005D  }
0xc5: {  	_ =	sfence  }
0xc6: {  	s30 =	sld [smem:$0x0];
	_ =	sdelay $0x2  }
0xc7: {  	s31 =	sshll.u32 s1, $0xD;
	s1 =	sshrl.u32 s1, $0x2  }
0xc8: {  	s4 =	sand.u32 $0x4000, s31;
	s1 =	sadd.s32 s1, s30  }
0xc9: {  	s0 =	sor.u32 s4, s0;
	s1 =	sshll.u32 s1, $0x11  }
0xca: {  	s0 =	sor.u32 s1, s0  }
0xcb: {  	s0 =	sadd.s32 $0x8F2B, s0  }
0xcc: {  	[sflag:s0] =	ssyncadd.remote.s32 $0x1  }
0xcd: {  	_ =	sfence.sel $0xFFFF  }
0xce: {  	[dreg:$0x0] =	wrdreg $0xFFFFFFFF;
	(pc) =	sbr.abs _section_cstart, $3  }
0xcf: {  	[dreg:$0x1] =	wrdreg $0xFFFFFFFF  }
0xd0: {  	_ =	task.clear_ibuf [dreg:s22], $0x2FFFF;
	_ =	strace $0x9FFFFFFF  }
0xd1: {  	(tm) =	ssettm $0x7FFFFFFF  }
tec
execute0_lowered:
.L_overlay_start_1:
0x0: {  	(tag) =	ssettag $0x1  }
0x1: {  	s0 =	srdreg.scid;
	s13 =	rddreg [dreg:$0x0]  }
0x2: {  	s2 =	rddreg [dreg:$0x1];
	s3 =	simm.s32 $0x0;
	s14 =	simm.s32 $0xFEE00  }
0x3: {  	s16 =	simm.s32 $0x2800;
	s17 =	simm.s32 $0x80;
	s18 =	simm.s32 $0x6800  }
0x4: {  	s19 =	simm.s32 $0x1;
	s20 =	simm.s32 $0x2;
	s23 =	simm.s32 $0x0  }
0x5: {  	s10 =	sand.u32 $0x1, s0;
	s0 =	stileid.u32;
	[smem:$0x7FF] =	sst s3  }
0x6: {  	s1 =	sshll.u32 s10, $0x4;
	s5 =	smul.u32 $0x4F000, s0;
	s6 =	ssub.s32 $0x2, s10  }
0x7: {  	p0 =	seq.s32 s10, $0x1;
	s15 =	smul.u32 $0x2780, s0;
	s21 =	sshll.u32 s0, $0x6  }
0x8: {  	s4 =	sor.u32 s0, s1;
	s1 =	rddreg [dreg:$0x2];
	_ =	strace $0x8000005C  }
0x9: {  	s8 =	sshrl.u32 s6, $0x1;
	s14 =	simm.s32 @!p0 $0xD7600;
	s4 =	smul.u32 $0x280, s4  }
0xa: {  	s21 =	sor.u32 $0x1C03, s21;
	s5 =	sshrl.u32 s5, $0x2;
	s12 =	ssub.s32 s6, s8  }
0xb: {  	s5 =	sadd.s32 s5, s2;
	s12 =	smax.u32 s12, $0x1;
	s7 =	sadd.s32 s4, s13  }
0xc: {  	s4 =	sadd.s32 $0x88C00, s13;
	s8 =	sadd.s32 $0x4000, s5;
	s9 =	sadd.s32 $0x8000, s5  }
0xd: {  	s10 =	sadd.s32 $0xC000, s5;
	s11 =	sadd.s32 $0x10000, s5;
	s13 =	sadd.s32 s14, s13  }
0xe: {  	s14 =	simm.s32 $0x3;
	s22 =	sshrl.u32 s5, $0x3;
	s6 =	sadd.s32 $0xDA00, s7  }
0xf: {  	v0 =	vimm.f32 $0.0e+00;
	s7 =	sadd.s32 $0x8A00, s7;
	s13 =	sadd.s32 s13, s15;
	s15 =	simm.s32 $0x1400  }
.LBB2_1:
0x10: {  	[tilespmem:s3], [sflag:$0x3] =	stream.linear.gather [hbm4b:s6+s3], $0x1400, $0x38;
	[tilespmem:$0x1E400] =	vst v63  }
0x11: {  	_ =	swait.ge [sflag:s14], $0x1400  }
0x12: {  	[sflag:s14] =	ssyncset.done $0x0  }
0x13: {  	[sflag:s14] =	ssyncadd.s32 $0xFFFFEC00  }
0x14: {  	[tilespmem:s15], [sflag:$0x3] =	stream.linear.gather [hbm4b:s7+s3], $0x1400, $0x38;
	[tilespmem:$0x1E400] =	vst v63  }
0x15: {  	_ =	swait.ge [sflag:s14], $0x1400  }
0x16: {  	[sflag:s14] =	ssyncset.done $0x0  }
0x17: {  	s24 =	simm.s32 $0x0;
	s25 =	simm.s32 $0x200;
	[sflag:s14] =	ssyncadd.s32 $0xFFFFEC00  }
.LBB2_2:
0x18: {  	p0 =	sne.s32 s25, $0xFE00;
	[tilespmem:s24+$0x2870] =	vst v0  }
0x19: {  	[tilespmem:s24+$0x2800] =	vst v0  }
0x1a: {  	[tilespmem:s24+$0x2810] =	vst v0  }
.Ltmp0:
0x1b: {  	[tilespmem:s24+$0x2820] =	vst v0;
	(pc) =	sbr.rel @p0 .LBB2_2-.Ltmp0, $4  }
0x1c: {  	[tilespmem:s24+$0x2830] =	vst v0  }
0x1d: {  	[tilespmem:s24+$0x2840] =	vst v0  }
0x1e: {  	[tilespmem:s24+$0x2850] =	vst v0  }
0x1f: {  	[tilespmem:s24+$0x2860] =	vst v0;
	s24 =	sshra.s32 s25, $0x2;
	s25 =	sadd.s32 $0x200, s25  }
0x20: {  	[tilespmem:s24+$0x2870] =	vst v0  }
0x21: {  	[tilespmem:s24+$0x2800] =	vst v0  }
0x22: {  	[tilespmem:s24+$0x2810] =	vst v0  }
0x23: {  	[tilespmem:s24+$0x2820] =	vst v0  }
0x24: {  	[tilespmem:s24+$0x2830] =	vst v0  }
0x25: {  	[tilespmem:s24+$0x2840] =	vst v0  }
0x26: {  	[tilespmem:s24+$0x2850] =	vst v0  }
0x27: {  	[tilespmem:s24+$0x2860] =	vst v0  }
0x28: {  	[spmem:s5] =	stream.linear.scatter [tilespmem:s16], [sflag:$0x3], $0x4000, $0x38;
	[tilespmem:$0x1E400] =	vst v63  }
0x29: {  	_ =	swait.ge [sflag:s14], $0x4000  }
0x2a: {  	[sflag:s14] =	ssyncset.done $0x0  }
0x2b: {  	[sflag:s14] =	ssyncadd.s32 $0xFFFFC000  }
0x2c: {  	[spmem:s8] =	stream.linear.scatter [tilespmem:s16], [sflag:$0x3], $0x4000, $0x38;
	[tilespmem:$0x1E400] =	vst v63  }
0x2d: {  	_ =	swait.ge [sflag:s14], $0x4000  }
0x2e: {  	[sflag:s14] =	ssyncset.done $0x0  }
0x2f: {  	[sflag:s14] =	ssyncadd.s32 $0xFFFFC000  }
0x30: {  	[spmem:s9] =	stream.linear.scatter [tilespmem:s16], [sflag:$0x3], $0x4000, $0x38;
	[tilespmem:$0x1E400] =	vst v63  }
0x31: {  	_ =	swait.ge [sflag:s14], $0x4000  }
0x32: {  	[sflag:s14] =	ssyncset.done $0x0  }
0x33: {  	[sflag:s14] =	ssyncadd.s32 $0xFFFFC000  }
0x34: {  	[spmem:s10] =	stream.linear.scatter [tilespmem:s16], [sflag:$0x3], $0x4000, $0x38;
	[tilespmem:$0x1E400] =	vst v63  }
0x35: {  	_ =	swait.ge [sflag:s14], $0x4000  }
0x36: {  	[sflag:s14] =	ssyncset.done $0x0  }
0x37: {  	[sflag:s14] =	ssyncadd.s32 $0xFFFFC000  }
0x38: {  	[spmem:s11] =	stream.linear.scatter [tilespmem:s16], [sflag:$0x3], $0x3C00, $0x38;
	[tilespmem:$0x1E400] =	vst v63  }
0x39: {  	_ =	swait.ge [sflag:s14], $0x3C00  }
0x3a: {  	[sflag:s14] =	ssyncset.done $0x0  }
0x3b: {  	[sflag:s14] =	ssyncadd.s32 $0xFFFFC400  }
0x3c: {  	s28 =	simm.s32 $0x0;
	[bflag:$0x0] =	sbarrier.arrive $0xFFFF  }
0x3d: {  	[tilespmem:s16], [sflag:$0x1] =	stream.indirect.gather [hbm4b:s4+s17], $0x80, s28, s17, $0xb8;
	[tilespmem:$0x1E400] =	vst v63  }
0x3e: {  	s29 =	simm.s32 $0x80  }
0x3f: {  	[tilespmem:s18], [sflag:$0x2] =	stream.indirect.gather [hbm4b:s4+s17], $0x80, s29, s17, $0xb8;
	[tilespmem:$0x1E400] =	vst v63  }
0x40: {  	_ =	swait.ge [sflag:s19], $0x4000  }
0x41: {  	[sflag:s19] =	ssyncset.done $0x0  }
0x42: {  	s30 =	simm.s32 $0x1400;
	[sflag:s19] =	ssyncadd.s32 $0xFFFFC000  }
0x43: {  	[spmem:s2] =	stream.indirect.scatter.add.f32 [tilespmem:s16], [sflag:$0x3], $0x80, s30, s17, $0xb8;
	[tilespmem:$0x1E400] =	vst v63  }
0x44: {  	_ =	swait.ge [sflag:s14], $0x4000  }
0x45: {  	[sflag:s14] =	ssyncset.done $0x0  }
0x46: {  	[sflag:s14] =	ssyncadd.s32 $0xFFFFC000  }
0x47: {  	_ =	swait.ge [sflag:s20], $0x4000  }
0x48: {  	[sflag:s20] =	ssyncset.done $0x0  }
0x49: {  	s31 =	simm.s32 $0x1480;
	[sflag:s20] =	ssyncadd.s32 $0xFFFFC000  }
0x4a: {  	[spmem:s2] =	stream.indirect.scatter.add.f32 [tilespmem:s18], [sflag:$0x3], $0x80, s31, s17, $0xb8;
	[tilespmem:$0x1E400] =	vst v63  }
0x4b: {  	_ =	swait.ge [sflag:s14], $0x4000  }
0x4c: {  	s24 =	simm.s32 $0x400;
	s25 =	simm.s32 $0x800;
	[sflag:s14] =	ssyncset.done $0x0  }
.LBB2_4:
0x4d: {  	s26 =	sshra.s32 s24, $0x2  }
0x4e: {  	[sflag:s14] =	ssyncadd.s32 $0xFFFFC000;
	s24 =	smov.u32 s25;
	s28 =	sadd.s32 $0x400, s25  }
0x4f: {  	[tilespmem:s16], [sflag:$0x1] =	stream.indirect.gather [hbm4b:s4+s17], $0x80, s26, s17, $0xb8;
	[tilespmem:$0x1E400] =	vst v63  }
0x50: {  	p0 =	sne.s32 s25, $0x4C00;
	s25 =	sadd.s32 $0x80, s26  }
0x51: {  	[tilespmem:s18], [sflag:$0x2] =	stream.indirect.gather [hbm4b:s4+s17], $0x80, s25, s17, $0xb8;
	[tilespmem:$0x1E400] =	vst v63  }
0x52: {  	_ =	swait.ge [sflag:s19], $0x4000  }
0x53: {  	[sflag:s19] =	ssyncset.done $0x0  }
0x54: {  	s25 =	sadd.s32 $0x1400, s26;
	[sflag:s19] =	ssyncadd.s32 $0xFFFFC000  }
0x55: {  	[spmem:s2] =	stream.indirect.scatter.add.f32 [tilespmem:s16], [sflag:$0x3], $0x80, s25, s17, $0xb8;
	[tilespmem:$0x1E400] =	vst v63  }
0x56: {  	_ =	swait.ge [sflag:s14], $0x4000  }
0x57: {  	[sflag:s14] =	ssyncset.done $0x0  }
0x58: {  	[sflag:s14] =	ssyncadd.s32 $0xFFFFC000  }
0x59: {  	_ =	swait.ge [sflag:s20], $0x4000  }
.Ltmp1:
0x5a: {  	[sflag:s20] =	ssyncset.done $0x0;
	(pc) =	sbr.rel @p0 .LBB2_4-.Ltmp1, $4  }
0x5b: {  	s25 =	sadd.s32 $0x1480, s26;
	[sflag:s20] =	ssyncadd.s32 $0xFFFFC000  }
0x5c: {  	[spmem:s2] =	stream.indirect.scatter.add.f32 [tilespmem:s18], [sflag:$0x3], $0x80, s25, s17, $0xb8;
	[tilespmem:$0x1E400] =	vst v63  }
0x5d: {  	_ =	swait.ge [sflag:s14], $0x4000  }
0x5e: {  	s25 =	smov.u32 s28;
	[sflag:s14] =	ssyncset.done $0x0  }
0x5f: {  	s24 =	sshra.s32 s24, $0x2;
	[sflag:s14] =	ssyncadd.s32 $0xFFFFC000  }
0x60: {  	[tilespmem:s16], [sflag:$0x1] =	stream.indirect.gather [hbm4b:s4+s17], $0x80, s24, s17, $0xb8;
	[tilespmem:$0x1E400] =	vst v63  }
0x61: {  	s25 =	sadd.s32 $0x80, s24  }
0x62: {  	[tilespmem:s18], [sflag:$0x2] =	stream.indirect.gather [hbm4b:s4+s17], $0x80, s25, s17, $0xb8;
	[tilespmem:$0x1E400] =	vst v63  }
0x63: {  	_ =	swait.ge [sflag:s19], $0x4000  }
0x64: {  	[sflag:s19] =	ssyncset.done $0x0  }
0x65: {  	s31 =	sadd.s32 $0x1400, s24;
	[sflag:s19] =	ssyncadd.s32 $0xFFFFC000  }
0x66: {  	[spmem:s2] =	stream.indirect.scatter.add.f32 [tilespmem:s16], [sflag:$0x3], $0x80, s31, s17, $0xb8;
	[tilespmem:$0x1E400] =	vst v63  }
0x67: {  	_ =	swait.ge [sflag:s14], $0x4000  }
0x68: {  	[sflag:s14] =	ssyncset.done $0x0  }
0x69: {  	[sflag:s14] =	ssyncadd.s32 $0xFFFFC000  }
0x6a: {  	_ =	swait.ge [sflag:s20], $0x4000  }
0x6b: {  	[sflag:s20] =	ssyncset.done $0x0  }
0x6c: {  	s24 =	sadd.s32 $0x1480, s24;
	[sflag:s20] =	ssyncadd.s32 $0xFFFFC000  }
0x6d: {  	[spmem:s2] =	stream.indirect.scatter.add.f32 [tilespmem:s18], [sflag:$0x3], $0x80, s24, s17, $0xb8;
	[tilespmem:$0x1E400] =	vst v63  }
0x6e: {  	_ =	swait.ge [sflag:s14], $0x4000  }
0x6f: {  	s23 =	sadd.s32 $0x1, s23;
	[sflag:s14] =	ssyncset.done $0x0  }
0x70: {  	p0 =	sne.s32 s23, s12;
	[sflag:s14] =	ssyncadd.s32 $0xFFFFC000  }
.Ltmp2:
0x71: {  	[bflag:$0x0] =	sbarrier.arrive $0xFFFF;
	(pc) =	sbr.rel @p0 .LBB2_1-.Ltmp2, $4  }
0x72: {  	[hbm:s13], [sflag:s21] =	dma.local [spmem:s22], $0x2780  }
0x73: {  	_ =	swait.ge [sflag:s14], $0x2780  }
0x74: {  	[sflag:s14] =	ssyncset.done $0x0  }
0x75: {  	[sflag:s14] =	ssyncadd.s32 $0xFFFFD880  }
0x76: {  	_ =	sfence.sel $0x180000  }
0x77: {  	[bflag:$0x0] =	sbarrier.arrive $0xFFFF  }
0x78: {  	p0 =	sne.s32 s0, $0x0;
	_ =	strace $0x9000005C  }
0x79: {  	s0 =	sadd.s32 @!p0 $0x100000, s1;
	[bflag:$0x2] =	sbarrier.arrive $0xFFFF  }
0x7a: {  	[sflag:s0] =	ssyncadd.tile.s32 @!p0 $0x1;
	_ =	shalt  }
.Lfunc_end2:
_tile_overlayer_lowered:
.L_overlay_start_2:
0x7b: {  	(tag) =	ssettag $0x2  }
0x7c: {  	s0 =	rddreg [dreg:$0x0];
	s2 =	stileid.u32  }
0x7d: {  	s1 =	rddreg [dreg:$0x1];
	p0 =	sne.s32 s2, $0x0  }
0x7e: {  	s3 =	rddreg [dreg:$0x2];
	[bflag:$0x3] =	sbarrier.arrive $0xFFFF;
	s2 =	simm.s32 @!p0 $0x1C03  }
0x7f: {  	[timem:s3], [sflag:s2] =	dma.local @!p0 [hbm:s0], s1  }
0x80: {  	s0 =	simm.s32 @!p0 $0x3  }
0x81: {  	_ =	swait.ge @!p0 [sflag:s0], s1  }
0x82: {  	s1 =	ssub.s32 @!p0 $0x0, s1;
	[sflag:s0] =	ssyncset.done @!p0 $0x0  }
0x83: {  	[sflag:s0] =	ssyncadd.s32 @!p0 s1  }
0x84: {  	[bflag:$0x3] =	sbarrier.arrive $0xFFFF  }
0x85: {  	_ =	shalt  }

</sc_bundles>
